<compile_context>
chip_gen: v7x
topology: tpu7x:2x2x1
jax: 0.10.2.dev20260603
libtpu: 0.0.44.dev20260713+nightly
codegen_flags: <defaults>
</compile_context>

<pallas_src>
import functools

import jax
import jax.numpy as jnp
from jax import lax
from jax.experimental import pallas as pl
from jax.experimental.pallas import tpu as pltpu
from jax.experimental.pallas import tpu_sc as plsc

SCALE = 2
NLANES = 16
NCORES = 2
NSUBCORES = 16
NWORKERS = NCORES * NSUBCORES
ROW_UNROLL = 8


def _sc_upsample(n, h, w):
    oh, ow = SCALE * h, SCALE * w
    cpw = n // NWORKERS
    npairs = cpw // 2
    assert cpw % 2 == 0 and npairs >= 2 and h % ROW_UNROLL == 0
    mesh = plsc.VectorSubcoreMesh(core_axis_name="c", subcore_axis_name="s")

    @functools.partial(
        pl.kernel,
        mesh=mesh,
        out_type=jax.ShapeDtypeStruct((n, oh, ow), jnp.float32),
        scratch_types=[
            pltpu.VMEM((h, w), jnp.float32),
            pltpu.VMEM((h, w), jnp.float32),
            pltpu.VMEM((oh, ow), jnp.float32),
            pltpu.VMEM((oh, ow), jnp.float32),
            pltpu.SemaphoreType.DMA,
            pltpu.SemaphoreType.DMA,
            pltpu.SemaphoreType.DMA,
            pltpu.SemaphoreType.DMA,
        ],
        compiler_params=pltpu.CompilerParams(needs_layout_passes=False),
    )
    def k(x_hbm, out_hbm, xb0, xb1, ob0, ob1, si0, si1, so0, so1):
        wid = lax.axis_index("s") * NCORES + lax.axis_index("c")
        base = wid * cpw
        zeros16 = jnp.zeros((NLANES,), jnp.float32)

        pltpu.async_copy(x_hbm.at[base], xb0, si0)
        pltpu.async_copy(x_hbm.at[base + 1], xb1, si1)

        def zero_buf(ob):
            def zero_blk(r, _):
                for g in range(ow // NLANES):
                    ob[r, pl.ds(g * NLANES, NLANES)] = zeros16
                return 0

            lax.fori_loop(0, oh, zero_blk, 0)

        zero_buf(ob0)

        lane = lax.iota(jnp.int32, NLANES)
        col_idx = [2 * lane + (2 * NLANES * g + 1) for g in range(w // NLANES)]

        def scatter_channel(xb, ob):
            def do_rows(r, _):
                for u in range(ROW_UNROLL):
                    hh = r * ROW_UNROLL + u
                    row_idx = jnp.full((NLANES,), 2 * hh + 1, jnp.int32)
                    for g in range(w // NLANES):
                        vals = xb[hh, pl.ds(g * NLANES, NLANES)]
                        plsc.store_scatter(ob, [row_idx, col_idx[g]], vals)
                return 0

            lax.fori_loop(0, h // ROW_UNROLL, do_rows, 0)

        def in_start(ch, xb, sem):
            pltpu.async_copy(x_hbm.at[ch], xb, sem)

        def in_wait(xb, sem):
            pltpu.make_async_copy(x_hbm.at[base], xb, sem).wait()

        def out_start(ob, ch, sem):
            pltpu.async_copy(ob, out_hbm.at[ch], sem)

        def out_wait(ob, sem):
            pltpu.make_async_copy(ob, out_hbm.at[base], sem).wait()

        in_wait(xb0, si0)
        scatter_channel(xb0, ob0)
        out_start(ob0, base, so0)
        in_start(base + 2, xb0, si0)
        zero_buf(ob1)
        in_wait(xb1, si1)
        scatter_channel(xb1, ob1)
        out_start(ob1, base + 1, so1)
        in_start(base + 3, xb1, si1)

        def pair_body(p, _):
            ch0 = base + 2 * p
            in_wait(xb0, si0)
            out_wait(ob0, so0)
            scatter_channel(xb0, ob0)
            out_start(ob0, ch0, so0)
            in_start(ch0 + 2, xb0, si0)
            in_wait(xb1, si1)
            out_wait(ob1, so1)
            scatter_channel(xb1, ob1)
            out_start(ob1, ch0 + 1, so1)
            in_start(ch0 + 3, xb1, si1)
            return 0

        lax.fori_loop(1, npairs - 1, pair_body, 0)

        ch0 = base + cpw - 2
        in_wait(xb0, si0)
        out_wait(ob0, so0)
        scatter_channel(xb0, ob0)
        out_start(ob0, ch0, so0)
        in_wait(xb1, si1)
        out_wait(ob1, so1)
        scatter_channel(xb1, ob1)
        out_start(ob1, ch0 + 1, so1)
        out_wait(ob0, so0)
        out_wait(ob1, so1)

    return k


def kernel(x):
    B, I, C, H, W = x.shape
    n = B * I * C
    xf = x.reshape(n, H, W)
    out = _sc_upsample(n, H, W)(xf)
    return out.reshape(B, I, C, SCALE * H, SCALE * W)

# --- scband reference (transcript-rebuilt; emitter-appended) ---
"""Pipeline reference for scband-zero-upsample-23373212025373 (READ-ONLY COPY).

The authoritative reference and input builder live on the scoring server;
editing this copy changes nothing except your own understanding.
"""

import jax, jax.numpy as jnp
import numpy as np

SCALE = 2

def setup_inputs(seed: int = 0) -> dict:
    key = jax.random.key(seed)
    x = jax.random.normal(key, (2, 7, 64, 96, 96), dtype=jnp.float32)
    return {"x": x}

def reference(x):
    s = SCALE
    B, I, C, H, W = x.shape
    output_h, output_w = H * s, W * s
    indices_h = jnp.arange(0, output_h, s) + s // 2
    indices_w = jnp.arange(0, output_w, s) + s // 2
    out = jnp.zeros((B, I, C, output_h, output_w), dtype=x.dtype)
    # advanced indexing with broadcasted grid, scatter-overwrite
    out = out.at[:, :, :, indices_h[:, None], indices_w[None, :]].set(x)
    return out

if __name__ == "__main__":
    import jax
    _d = setup_inputs()
    print(jax.jit(kernel)(*tuple(_d.values())))

</pallas_src>

<mosaic_0001>
#map = affine_map<(d0, d1) -> (0, 0, 0)>
module attributes {stable_mosaic.version = 14 : i64} {
  func.func @k(%arg0: i32, %arg1: i32, %arg2: memref<896x96x96xf32, #tpu.memory_space<hbm>>, %arg3: memref<896x192x192xf32, #tpu.memory_space<hbm>>, %arg4: memref<96x96xf32, #tpu.memory_space<vmem>>, %arg5: memref<96x96xf32, #tpu.memory_space<vmem>>, %arg6: memref<192x192xf32, #tpu.memory_space<vmem>>, %arg7: memref<192x192xf32, #tpu.memory_space<vmem>>, %arg8: memref<!tpu.dma_semaphore, #tpu.memory_space<semaphore_mem>>, %arg9: memref<!tpu.dma_semaphore, #tpu.memory_space<semaphore_mem>>, %arg10: memref<!tpu.dma_semaphore, #tpu.memory_space<semaphore_mem>>, %arg11: memref<!tpu.dma_semaphore, #tpu.memory_space<semaphore_mem>>) attributes {dimension_semantics = [#tpu.dimension_semantics<core_parallel>, #tpu.dimension_semantics<subcore_parallel>], iteration_bounds = array<i64: 2, 16>, scalar_prefetch = 0 : i64, scratch_operands = 8 : i64, tpu.core_type = #tpu.core_type<sc_vector_subcore>, window_params = [{transform_indices = #map}, {transform_indices = #map}]} {
    %mul3A = arith.constant 2 : i32
    %mul3A_0 = arith.muli %arg1, %mul3A : i32
    %add3A = arith.addi %mul3A_0, %arg0 : i32
    %mul3A_1 = arith.constant 28 : i32
    %mul3A_2 = arith.muli %add3A, %mul3A_1 : i32
    %broadcast_in_dim3A = arith.constant 0.000000e+00 : f32
    %broadcast_in_dim3A_3 = vector.broadcast %broadcast_in_dim3A : f32 to vector<16xf32>
    %dma_start3A = arith.constant 0 : i32
    %dma_start3A_4 = arith.constant 0 : i32
    %dma_start3A_5 = tpu.memref_slice %arg2[%mul3A_2, %dma_start3A, %dma_start3A_4] : memref<896x96x96xf32, #tpu.memory_space<hbm>> -> memref<1x96x96xf32, #tpu.memory_space<hbm>>
    %dma_start3A_6 = tpu.memref_squeeze %dma_start3A_5 : memref<1x96x96xf32, #tpu.memory_space<hbm>> -> memref<96x96xf32, #tpu.memory_space<hbm>>
    %dma_start3A_7 = arith.constant 0 : i32
    %dma_start3A_8 = arith.constant 0 : i32
    %dma_start3A_9 = tpu.memref_slice %arg2[%mul3A_2, %dma_start3A_7, %dma_start3A_8] : memref<896x96x96xf32, #tpu.memory_space<hbm>> -> memref<1x96x96xf32, #tpu.memory_space<hbm>>
    %dma_start3A_10 = tpu.memref_squeeze %dma_start3A_9 : memref<1x96x96xf32, #tpu.memory_space<hbm>> -> memref<96x96xf32, #tpu.memory_space<hbm>>
    tpu.enqueue_dma source(%dma_start3A_10 : memref<96x96xf32, #tpu.memory_space<hbm>>) target(%arg4 : memref<96x96xf32, #tpu.memory_space<vmem>>) target_semaphore(%arg8 : memref<!tpu.dma_semaphore, #tpu.memory_space<semaphore_mem>>)
    %add3A_11 = arith.constant 1 : i32
    %add3A_12 = arith.addi %mul3A_2, %add3A_11 : i32
    %dma_start3A_13 = arith.constant 0 : i32
    %dma_start3A_14 = arith.constant 0 : i32
    %dma_start3A_15 = tpu.memref_slice %arg2[%add3A_12, %dma_start3A_13, %dma_start3A_14] : memref<896x96x96xf32, #tpu.memory_space<hbm>> -> memref<1x96x96xf32, #tpu.memory_space<hbm>>
    %dma_start3A_16 = tpu.memref_squeeze %dma_start3A_15 : memref<1x96x96xf32, #tpu.memory_space<hbm>> -> memref<96x96xf32, #tpu.memory_space<hbm>>
    %dma_start3A_17 = arith.constant 0 : i32
    %dma_start3A_18 = arith.constant 0 : i32
    %dma_start3A_19 = tpu.memref_slice %arg2[%add3A_12, %dma_start3A_17, %dma_start3A_18] : memref<896x96x96xf32, #tpu.memory_space<hbm>> -> memref<1x96x96xf32, #tpu.memory_space<hbm>>
    %dma_start3A_20 = tpu.memref_squeeze %dma_start3A_19 : memref<1x96x96xf32, #tpu.memory_space<hbm>> -> memref<96x96xf32, #tpu.memory_space<hbm>>
    tpu.enqueue_dma source(%dma_start3A_20 : memref<96x96xf32, #tpu.memory_space<hbm>>) target(%arg5 : memref<96x96xf32, #tpu.memory_space<vmem>>) target_semaphore(%arg9 : memref<!tpu.dma_semaphore, #tpu.memory_space<semaphore_mem>>)
    %scan3A = arith.constant 0 : i32
    %scan3A_21 = arith.constant 0 : i32
    %scan3A_22 = arith.constant 192 : i32
    %scan3A_23 = arith.addi %scan3A_21, %scan3A_22 : i32
    %scan3A_24 = arith.constant 1 : i32
    %scan3A_25 = scf.for %scan3A_227 = %scan3A_21 to %scan3A_23 step %scan3A_24 iter_args(%scan3A_228 = %scan3A) -> (i32)  : i32 {
      %swap3A = arith.index_cast %scan3A_227 : i32 to index
      %swap3A_229 = arith.constant 0 : index
      %swap3A_230 = tpu.vector_load %arg6[%swap3A, %swap3A_229] {strides = array<i32>} : memref<192x192xf32, #tpu.memory_space<vmem>>, vector<16xf32>,
      tpu.vector_store %arg6[%swap3A, %swap3A_229], %broadcast_in_dim3A_3 {strides = array<i32>} : memref<192x192xf32, #tpu.memory_space<vmem>>, vector<16xf32>,
      %swap3A_231 = arith.index_cast %scan3A_227 : i32 to index
      %swap3A_232 = arith.constant 16 : index
      %swap3A_233 = tpu.vector_load %arg6[%swap3A_231, %swap3A_232] {strides = array<i32>} : memref<192x192xf32, #tpu.memory_space<vmem>>, vector<16xf32>,
      tpu.vector_store %arg6[%swap3A_231, %swap3A_232], %broadcast_in_dim3A_3 {strides = array<i32>} : memref<192x192xf32, #tpu.memory_space<vmem>>, vector<16xf32>,
      %swap3A_234 = arith.index_cast %scan3A_227 : i32 to index
      %swap3A_235 = arith.constant 32 : index
      %swap3A_236 = tpu.vector_load %arg6[%swap3A_234, %swap3A_235] {strides = array<i32>} : memref<192x192xf32, #tpu.memory_space<vmem>>, vector<16xf32>,
      tpu.vector_store %arg6[%swap3A_234, %swap3A_235], %broadcast_in_dim3A_3 {strides = array<i32>} : memref<192x192xf32, #tpu.memory_space<vmem>>, vector<16xf32>,
      %swap3A_237 = arith.index_cast %scan3A_227 : i32 to index
      %swap3A_238 = arith.constant 48 : index
      %swap3A_239 = tpu.vector_load %arg6[%swap3A_237, %swap3A_238] {strides = array<i32>} : memref<192x192xf32, #tpu.memory_space<vmem>>, vector<16xf32>,
      tpu.vector_store %arg6[%swap3A_237, %swap3A_238], %broadcast_in_dim3A_3 {strides = array<i32>} : memref<192x192xf32, #tpu.memory_space<vmem>>, vector<16xf32>,
      %swap3A_240 = arith.index_cast %scan3A_227 : i32 to index
      %swap3A_241 = arith.constant 64 : index
      %swap3A_242 = tpu.vector_load %arg6[%swap3A_240, %swap3A_241] {strides = array<i32>} : memref<192x192xf32, #tpu.memory_space<vmem>>, vector<16xf32>,
      tpu.vector_store %arg6[%swap3A_240, %swap3A_241], %broadcast_in_dim3A_3 {strides = array<i32>} : memref<192x192xf32, #tpu.memory_space<vmem>>, vector<16xf32>,
      %swap3A_243 = arith.index_cast %scan3A_227 : i32 to index
      %swap3A_244 = arith.constant 80 : index
      %swap3A_245 = tpu.vector_load %arg6[%swap3A_243, %swap3A_244] {strides = array<i32>} : memref<192x192xf32, #tpu.memory_space<vmem>>, vector<16xf32>,
      tpu.vector_store %arg6[%swap3A_243, %swap3A_244], %broadcast_in_dim3A_3 {strides = array<i32>} : memref<192x192xf32, #tpu.memory_space<vmem>>, vector<16xf32>,
      %swap3A_246 = arith.index_cast %scan3A_227 : i32 to index
      %swap3A_247 = arith.constant 96 : index
      %swap3A_248 = tpu.vector_load %arg6[%swap3A_246, %swap3A_247] {strides = array<i32>} : memref<192x192xf32, #tpu.memory_space<vmem>>, vector<16xf32>,
      tpu.vector_store %arg6[%swap3A_246, %swap3A_247], %broadcast_in_dim3A_3 {strides = array<i32>} : memref<192x192xf32, #tpu.memory_space<vmem>>, vector<16xf32>,
      %swap3A_249 = arith.index_cast %scan3A_227 : i32 to index
      %swap3A_250 = arith.constant 112 : index
      %swap3A_251 = tpu.vector_load %arg6[%swap3A_249, %swap3A_250] {strides = array<i32>} : memref<192x192xf32, #tpu.memory_space<vmem>>, vector<16xf32>,
      tpu.vector_store %arg6[%swap3A_249, %swap3A_250], %broadcast_in_dim3A_3 {strides = array<i32>} : memref<192x192xf32, #tpu.memory_space<vmem>>, vector<16xf32>,
      %swap3A_252 = arith.index_cast %scan3A_227 : i32 to index
      %swap3A_253 = arith.constant 128 : index
      %swap3A_254 = tpu.vector_load %arg6[%swap3A_252, %swap3A_253] {strides = array<i32>} : memref<192x192xf32, #tpu.memory_space<vmem>>, vector<16xf32>,
      tpu.vector_store %arg6[%swap3A_252, %swap3A_253], %broadcast_in_dim3A_3 {strides = array<i32>} : memref<192x192xf32, #tpu.memory_space<vmem>>, vector<16xf32>,
      %swap3A_255 = arith.index_cast %scan3A_227 : i32 to index
      %swap3A_256 = arith.constant 144 : index
      %swap3A_257 = tpu.vector_load %arg6[%swap3A_255, %swap3A_256] {strides = array<i32>} : memref<192x192xf32, #tpu.memory_space<vmem>>, vector<16xf32>,
      tpu.vector_store %arg6[%swap3A_255, %swap3A_256], %broadcast_in_dim3A_3 {strides = array<i32>} : memref<192x192xf32, #tpu.memory_space<vmem>>, vector<16xf32>,
      %swap3A_258 = arith.index_cast %scan3A_227 : i32 to index
      %swap3A_259 = arith.constant 160 : index
      %swap3A_260 = tpu.vector_load %arg6[%swap3A_258, %swap3A_259] {strides = array<i32>} : memref<192x192xf32, #tpu.memory_space<vmem>>, vector<16xf32>,
      tpu.vector_store %arg6[%swap3A_258, %swap3A_259], %broadcast_in_dim3A_3 {strides = array<i32>} : memref<192x192xf32, #tpu.memory_space<vmem>>, vector<16xf32>,
      %swap3A_261 = arith.index_cast %scan3A_227 : i32 to index
      %swap3A_262 = arith.constant 176 : index
      %swap3A_263 = tpu.vector_load %arg6[%swap3A_261, %swap3A_262] {strides = array<i32>} : memref<192x192xf32, #tpu.memory_space<vmem>>, vector<16xf32>,
      tpu.vector_store %arg6[%swap3A_261, %swap3A_262], %broadcast_in_dim3A_3 {strides = array<i32>} : memref<192x192xf32, #tpu.memory_space<vmem>>, vector<16xf32>,
      %scan3A_264 = arith.constant 0 : i32
      scf.yield %scan3A_264 : i32
    }
    %scan3A_26 = arith.constant 192 : i32
    %iota3A = tpu.iota {dimensions = array<i32: 0>} : vector<16xi32>
    %mul3A_27 = arith.constant 2 : i32
    %mul3A_28 = vector.broadcast %mul3A_27 : i32 to vector<16xi32>
    %mul3A_29 = arith.muli %mul3A_28, %iota3A : vector<16xi32>
    %add3A_30 = arith.constant 1 : i32
    %add3A_31 = vector.broadcast %add3A_30 : i32 to vector<16xi32>
    %add3A_32 = arith.addi %mul3A_29, %add3A_31 : vector<16xi32>
    %mul3A_33 = arith.constant 2 : i32
    %mul3A_34 = vector.broadcast %mul3A_33 : i32 to vector<16xi32>
    %mul3A_35 = arith.muli %mul3A_34, %iota3A : vector<16xi32>
    %add3A_36 = arith.constant 33 : i32
    %add3A_37 = vector.broadcast %add3A_36 : i32 to vector<16xi32>
    %add3A_38 = arith.addi %mul3A_35, %add3A_37 : vector<16xi32>
    %mul3A_39 = arith.constant 2 : i32
    %mul3A_40 = vector.broadcast %mul3A_39 : i32 to vector<16xi32>
    %mul3A_41 = arith.muli %mul3A_40, %iota3A : vector<16xi32>
    %add3A_42 = arith.constant 65 : i32
    %add3A_43 = vector.broadcast %add3A_42 : i32 to vector<16xi32>
    %add3A_44 = arith.addi %mul3A_41, %add3A_43 : vector<16xi32>
    %mul3A_45 = arith.constant 2 : i32
    %mul3A_46 = vector.broadcast %mul3A_45 : i32 to vector<16xi32>
    %mul3A_47 = arith.muli %mul3A_46, %iota3A : vector<16xi32>
    %add3A_48 = arith.constant 97 : i32
    %add3A_49 = vector.broadcast %add3A_48 : i32 to vector<16xi32>
    %add3A_50 = arith.addi %mul3A_47, %add3A_49 : vector<16xi32>
    %mul3A_51 = arith.constant 2 : i32
    %mul3A_52 = vector.broadcast %mul3A_51 : i32 to vector<16xi32>
    %mul3A_53 = arith.muli %mul3A_52, %iota3A : vector<16xi32>
    %add3A_54 = arith.constant 129 : i32
    %add3A_55 = vector.broadcast %add3A_54 : i32 to vector<16xi32>
    %add3A_56 = arith.addi %mul3A_53, %add3A_55 : vector<16xi32>
    %mul3A_57 = arith.constant 2 : i32
    %mul3A_58 = vector.broadcast %mul3A_57 : i32 to vector<16xi32>
    %mul3A_59 = arith.muli %mul3A_58, %iota3A : vector<16xi32>
    %add3A_60 = arith.constant 161 : i32
    %add3A_61 = vector.broadcast %add3A_60 : i32 to vector<16xi32>
    %add3A_62 = arith.addi %mul3A_59, %add3A_61 : vector<16xi32>
    %dma_wait3A = arith.constant 0 : i32
    %dma_wait3A_63 = arith.constant 0 : i32
    %dma_wait3A_64 = tpu.memref_slice %arg2[%mul3A_2, %dma_wait3A, %dma_wait3A_63] : memref<896x96x96xf32, #tpu.memory_space<hbm>> -> memref<1x96x96xf32, #tpu.memory_space<hbm>>
    %dma_wait3A_65 = tpu.memref_squeeze %dma_wait3A_64 : memref<1x96x96xf32, #tpu.memory_space<hbm>> -> memref<96x96xf32, #tpu.memory_space<hbm>>
    %dma_wait3A_66 = arith.constant 0 : i32
    %dma_wait3A_67 = arith.constant 0 : i32
    %dma_wait3A_68 = tpu.memref_slice %arg2[%mul3A_2, %dma_wait3A_66, %dma_wait3A_67] : memref<896x96x96xf32, #tpu.memory_space<hbm>> -> memref<1x96x96xf32, #tpu.memory_space<hbm>>
    %dma_wait3A_69 = tpu.memref_squeeze %dma_wait3A_68 : memref<1x96x96xf32, #tpu.memory_space<hbm>> -> memref<96x96xf32, #tpu.memory_space<hbm>>
    tpu.wait_dma2 semaphore(%arg8 : memref<!tpu.dma_semaphore, #tpu.memory_space<semaphore_mem>>) src(%dma_wait3A_69 : memref<96x96xf32, #tpu.memory_space<hbm>>) dst(%arg4 : memref<96x96xf32, #tpu.memory_space<vmem>>)
    %scan3A_70 = arith.constant 0 : i32
    %scan3A_71 = arith.constant 0 : i32
    %scan3A_72 = arith.constant 12 : i32
    %scan3A_73 = arith.addi %scan3A_71, %scan3A_72 : i32
    %scan3A_74 = arith.constant 1 : i32
    %scan3A_75 = scf.for %scan3A_227 = %scan3A_71 to %scan3A_73 step %scan3A_74 iter_args(%scan3A_228 = %scan3A_70) -> (i32)  : i32 {
      %mul3A_229 = arith.constant 8 : i32
      %mul3A_230 = arith.muli %scan3A_227, %mul3A_229 : i32
      %add3A_231 = arith.constant 0 : i32
      %add3A_232 = arith.addi %mul3A_230, %add3A_231 : i32
      %mul3A_233 = arith.constant 2 : i32
      %mul3A_234 = arith.muli %mul3A_233, %add3A_232 : i32
      %add3A_235 = arith.constant 1 : i32
      %add3A_236 = arith.addi %mul3A_234, %add3A_235 : i32
      %broadcast_in_dim3A_237 = vector.broadcast %add3A_236 : i32 to vector<16xi32>
      %get3A = arith.index_cast %add3A_232 : i32 to index
      %get3A_238 = arith.constant 0 : index
      %get3A_239 = tpu.vector_load %arg4[%get3A, %get3A_238] {strides = array<i32>} : memref<96x96xf32, #tpu.memory_space<vmem>>, vector<16xf32>,
      tpu.vector_store_idx %arg6[%broadcast_in_dim3A_237, %add3A_32], %get3A_239 : memref<192x192xf32, #tpu.memory_space<vmem>>[vector<16xi32>, vector<16xi32>], vector<16xf32>,
      %get3A_240 = arith.index_cast %add3A_232 : i32 to index
      %get3A_241 = arith.constant 16 : index
      %get3A_242 = tpu.vector_load %arg4[%get3A_240, %get3A_241] {strides = array<i32>} : memref<96x96xf32, #tpu.memory_space<vmem>>, vector<16xf32>,
      tpu.vector_store_idx %arg6[%broadcast_in_dim3A_237, %add3A_38], %get3A_242 : memref<192x192xf32, #tpu.memory_space<vmem>>[vector<16xi32>, vector<16xi32>], vector<16xf32>,
      %get3A_243 = arith.index_cast %add3A_232 : i32 to index
      %get3A_244 = arith.constant 32 : index
      %get3A_245 = tpu.vector_load %arg4[%get3A_243, %get3A_244] {strides = array<i32>} : memref<96x96xf32, #tpu.memory_space<vmem>>, vector<16xf32>,
      tpu.vector_store_idx %arg6[%broadcast_in_dim3A_237, %add3A_44], %get3A_245 : memref<192x192xf32, #tpu.memory_space<vmem>>[vector<16xi32>, vector<16xi32>], vector<16xf32>,
      %get3A_246 = arith.index_cast %add3A_232 : i32 to index
      %get3A_247 = arith.constant 48 : index
      %get3A_248 = tpu.vector_load %arg4[%get3A_246, %get3A_247] {strides = array<i32>} : memref<96x96xf32, #tpu.memory_space<vmem>>, vector<16xf32>,
      tpu.vector_store_idx %arg6[%broadcast_in_dim3A_237, %add3A_50], %get3A_248 : memref<192x192xf32, #tpu.memory_space<vmem>>[vector<16xi32>, vector<16xi32>], vector<16xf32>,
      %get3A_249 = arith.index_cast %add3A_232 : i32 to index
      %get3A_250 = arith.constant 64 : index
      %get3A_251 = tpu.vector_load %arg4[%get3A_249, %get3A_250] {strides = array<i32>} : memref<96x96xf32, #tpu.memory_space<vmem>>, vector<16xf32>,
      tpu.vector_store_idx %arg6[%broadcast_in_dim3A_237, %add3A_56], %get3A_251 : memref<192x192xf32, #tpu.memory_space<vmem>>[vector<16xi32>, vector<16xi32>], vector<16xf32>,
      %get3A_252 = arith.index_cast %add3A_232 : i32 to index
      %get3A_253 = arith.constant 80 : index
      %get3A_254 = tpu.vector_load %arg4[%get3A_252, %get3A_253] {strides = array<i32>} : memref<96x96xf32, #tpu.memory_space<vmem>>, vector<16xf32>,
      tpu.vector_store_idx %arg6[%broadcast_in_dim3A_237, %add3A_62], %get3A_254 : memref<192x192xf32, #tpu.memory_space<vmem>>[vector<16xi32>, vector<16xi32>], vector<16xf32>,
      %mul3A_255 = arith.constant 8 : i32
      %mul3A_256 = arith.muli %scan3A_227, %mul3A_255 : i32
      %add3A_257 = arith.constant 1 : i32
      %add3A_258 = arith.addi %mul3A_256, %add3A_257 : i32
      %mul3A_259 = arith.constant 2 : i32
      %mul3A_260 = arith.muli %mul3A_259, %add3A_258 : i32
      %add3A_261 = arith.constant 1 : i32
      %add3A_262 = arith.addi %mul3A_260, %add3A_261 : i32
      %broadcast_in_dim3A_263 = vector.broadcast %add3A_262 : i32 to vector<16xi32>
      %get3A_264 = arith.index_cast %add3A_258 : i32 to index
      %get3A_265 = arith.constant 0 : index
      %get3A_266 = tpu.vector_load %arg4[%get3A_264, %get3A_265] {strides = array<i32>} : memref<96x96xf32, #tpu.memory_space<vmem>>, vector<16xf32>,
      tpu.vector_store_idx %arg6[%broadcast_in_dim3A_263, %add3A_32], %get3A_266 : memref<192x192xf32, #tpu.memory_space<vmem>>[vector<16xi32>, vector<16xi32>], vector<16xf32>,
      %get3A_267 = arith.index_cast %add3A_258 : i32 to index
      %get3A_268 = arith.constant 16 : index
      %get3A_269 = tpu.vector_load %arg4[%get3A_267, %get3A_268] {strides = array<i32>} : memref<96x96xf32, #tpu.memory_space<vmem>>, vector<16xf32>,
      tpu.vector_store_idx %arg6[%broadcast_in_dim3A_263, %add3A_38], %get3A_269 : memref<192x192xf32, #tpu.memory_space<vmem>>[vector<16xi32>, vector<16xi32>], vector<16xf32>,
      %get3A_270 = arith.index_cast %add3A_258 : i32 to index
      %get3A_271 = arith.constant 32 : index
      %get3A_272 = tpu.vector_load %arg4[%get3A_270, %get3A_271] {strides = array<i32>} : memref<96x96xf32, #tpu.memory_space<vmem>>, vector<16xf32>,
      tpu.vector_store_idx %arg6[%broadcast_in_dim3A_263, %add3A_44], %get3A_272 : memref<192x192xf32, #tpu.memory_space<vmem>>[vector<16xi32>, vector<16xi32>], vector<16xf32>,
      %get3A_273 = arith.index_cast %add3A_258 : i32 to index
      %get3A_274 = arith.constant 48 : index
      %get3A_275 = tpu.vector_load %arg4[%get3A_273, %get3A_274] {strides = array<i32>} : memref<96x96xf32, #tpu.memory_space<vmem>>, vector<16xf32>,
      tpu.vector_store_idx %arg6[%broadcast_in_dim3A_263, %add3A_50], %get3A_275 : memref<192x192xf32, #tpu.memory_space<vmem>>[vector<16xi32>, vector<16xi32>], vector<16xf32>,
      %get3A_276 = arith.index_cast %add3A_258 : i32 to index
      %get3A_277 = arith.constant 64 : index
      %get3A_278 = tpu.vector_load %arg4[%get3A_276, %get3A_277] {strides = array<i32>} : memref<96x96xf32, #tpu.memory_space<vmem>>, vector<16xf32>,
      tpu.vector_store_idx %arg6[%broadcast_in_dim3A_263, %add3A_56], %get3A_278 : memref<192x192xf32, #tpu.memory_space<vmem>>[vector<16xi32>, vector<16xi32>], vector<16xf32>,
      %get3A_279 = arith.index_cast %add3A_258 : i32 to index
      %get3A_280 = arith.constant 80 : index
      %get3A_281 = tpu.vector_load %arg4[%get3A_279, %get3A_280] {strides = array<i32>} : memref<96x96xf32, #tpu.memory_space<vmem>>, vector<16xf32>,
      tpu.vector_store_idx %arg6[%broadcast_in_dim3A_263, %add3A_62], %get3A_281 : memref<192x192xf32, #tpu.memory_space<vmem>>[vector<16xi32>, vector<16xi32>], vector<16xf32>,
      %mul3A_282 = arith.constant 8 : i32
      %mul3A_283 = arith.muli %scan3A_227, %mul3A_282 : i32
      %add3A_284 = arith.constant 2 : i32
      %add3A_285 = arith.addi %mul3A_283, %add3A_284 : i32
      %mul3A_286 = arith.constant 2 : i32
      %mul3A_287 = arith.muli %mul3A_286, %add3A_285 : i32
      %add3A_288 = arith.constant 1 : i32
      %add3A_289 = arith.addi %mul3A_287, %add3A_288 : i32
      %broadcast_in_dim3A_290 = vector.broadcast %add3A_289 : i32 to vector<16xi32>
      %get3A_291 = arith.index_cast %add3A_285 : i32 to index
      %get3A_292 = arith.constant 0 : index
      %get3A_293 = tpu.vector_load %arg4[%get3A_291, %get3A_292] {strides = array<i32>} : memref<96x96xf32, #tpu.memory_space<vmem>>, vector<16xf32>,
      tpu.vector_store_idx %arg6[%broadcast_in_dim3A_290, %add3A_32], %get3A_293 : memref<192x192xf32, #tpu.memory_space<vmem>>[vector<16xi32>, vector<16xi32>], vector<16xf32>,
      %get3A_294 = arith.index_cast %add3A_285 : i32 to index
      %get3A_295 = arith.constant 16 : index
      %get3A_296 = tpu.vector_load %arg4[%get3A_294, %get3A_295] {strides = array<i32>} : memref<96x96xf32, #tpu.memory_space<vmem>>, vector<16xf32>,
      tpu.vector_store_idx %arg6[%broadcast_in_dim3A_290, %add3A_38], %get3A_296 : memref<192x192xf32, #tpu.memory_space<vmem>>[vector<16xi32>, vector<16xi32>], vector<16xf32>,
      %get3A_297 = arith.index_cast %add3A_285 : i32 to index
      %get3A_298 = arith.constant 32 : index
      %get3A_299 = tpu.vector_load %arg4[%get3A_297, %get3A_298] {strides = array<i32>} : memref<96x96xf32, #tpu.memory_space<vmem>>, vector<16xf32>,
      tpu.vector_store_idx %arg6[%broadcast_in_dim3A_290, %add3A_44], %get3A_299 : memref<192x192xf32, #tpu.memory_space<vmem>>[vector<16xi32>, vector<16xi32>], vector<16xf32>,
      %get3A_300 = arith.index_cast %add3A_285 : i32 to index
      %get3A_301 = arith.constant 48 : index
      %get3A_302 = tpu.vector_load %arg4[%get3A_300, %get3A_301] {strides = array<i32>} : memref<96x96xf32, #tpu.memory_space<vmem>>, vector<16xf32>,
      tpu.vector_store_idx %arg6[%broadcast_in_dim3A_290, %add3A_50], %get3A_302 : memref<192x192xf32, #tpu.memory_space<vmem>>[vector<16xi32>, vector<16xi32>], vector<16xf32>,
      %get3A_303 = arith.index_cast %add3A_285 : i32 to index
      %get3A_304 = arith.constant 64 : index
      %get3A_305 = tpu.vector_load %arg4[%get3A_303, %get3A_304] {strides = array<i32>} : memref<96x96xf32, #tpu.memory_space<vmem>>, vector<16xf32>,
      tpu.vector_store_idx %arg6[%broadcast_in_dim3A_290, %add3A_56], %get3A_305 : memref<192x192xf32, #tpu.memory_space<vmem>>[vector<16xi32>, vector<16xi32>], vector<16xf32>,
      %get3A_306 = arith.index_cast %add3A_285 : i32 to index
      %get3A_307 = arith.constant 80 : index
      %get3A_308 = tpu.vector_load %arg4[%get3A_306, %get3A_307] {strides = array<i32>} : memref<96x96xf32, #tpu.memory_space<vmem>>, vector<16xf32>,
      tpu.vector_store_idx %arg6[%broadcast_in_dim3A_290, %add3A_62], %get3A_308 : memref<192x192xf32, #tpu.memory_space<vmem>>[vector<16xi32>, vector<16xi32>], vector<16xf32>,
      %mul3A_309 = arith.constant 8 : i32
      %mul3A_310 = arith.muli %scan3A_227, %mul3A_309 : i32
      %add3A_311 = arith.constant 3 : i32
      %add3A_312 = arith.addi %mul3A_310, %add3A_311 : i32
      %mul3A_313 = arith.constant 2 : i32
      %mul3A_314 = arith.muli %mul3A_313, %add3A_312 : i32
      %add3A_315 = arith.constant 1 : i32
      %add3A_316 = arith.addi %mul3A_314, %add3A_315 : i32
      %broadcast_in_dim3A_317 = vector.broadcast %add3A_316 : i32 to vector<16xi32>
      %get3A_318 = arith.index_cast %add3A_312 : i32 to index
      %get3A_319 = arith.constant 0 : index
      %get3A_320 = tpu.vector_load %arg4[%get3A_318, %get3A_319] {strides = array<i32>} : memref<96x96xf32, #tpu.memory_space<vmem>>, vector<16xf32>,
      tpu.vector_store_idx %arg6[%broadcast_in_dim3A_317, %add3A_32], %get3A_320 : memref<192x192xf32, #tpu.memory_space<vmem>>[vector<16xi32>, vector<16xi32>], vector<16xf32>,
      %get3A_321 = arith.index_cast %add3A_312 : i32 to index
      %get3A_322 = arith.constant 16 : index
      %get3A_323 = tpu.vector_load %arg4[%get3A_321, %get3A_322] {strides = array<i32>} : memref<96x96xf32, #tpu.memory_space<vmem>>, vector<16xf32>,
      tpu.vector_store_idx %arg6[%broadcast_in_dim3A_317, %add3A_38], %get3A_323 : memref<192x192xf32, #tpu.memory_space<vmem>>[vector<16xi32>, vector<16xi32>], vector<16xf32>,
      %get3A_324 = arith.index_cast %add3A_312 : i32 to index
      %get3A_325 = arith.constant 32 : index
      %get3A_326 = tpu.vector_load %arg4[%get3A_324, %get3A_325] {strides = array<i32>} : memref<96x96xf32, #tpu.memory_space<vmem>>, vector<16xf32>,
      tpu.vector_store_idx %arg6[%broadcast_in_dim3A_317, %add3A_44], %get3A_326 : memref<192x192xf32, #tpu.memory_space<vmem>>[vector<16xi32>, vector<16xi32>], vector<16xf32>,
      %get3A_327 = arith.index_cast %add3A_312 : i32 to index
      %get3A_328 = arith.constant 48 : index
      %get3A_329 = tpu.vector_load %arg4[%get3A_327, %get3A_328] {strides = array<i32>} : memref<96x96xf32, #tpu.memory_space<vmem>>, vector<16xf32>,
      tpu.vector_store_idx %arg6[%broadcast_in_dim3A_317, %add3A_50], %get3A_329 : memref<192x192xf32, #tpu.memory_space<vmem>>[vector<16xi32>, vector<16xi32>], vector<16xf32>,
      %get3A_330 = arith.index_cast %add3A_312 : i32 to index
      %get3A_331 = arith.constant 64 : index
      %get3A_332 = tpu.vector_load %arg4[%get3A_330, %get3A_331] {strides = array<i32>} : memref<96x96xf32, #tpu.memory_space<vmem>>, vector<16xf32>,
      tpu.vector_store_idx %arg6[%broadcast_in_dim3A_317, %add3A_56], %get3A_332 : memref<192x192xf32, #tpu.memory_space<vmem>>[vector<16xi32>, vector<16xi32>], vector<16xf32>,
      %get3A_333 = arith.index_cast %add3A_312 : i32 to index
      %get3A_334 = arith.constant 80 : index
      %get3A_335 = tpu.vector_load %arg4[%get3A_333, %get3A_334] {strides = array<i32>} : memref<96x96xf32, #tpu.memory_space<vmem>>, vector<16xf32>,
      tpu.vector_store_idx %arg6[%broadcast_in_dim3A_317, %add3A_62], %get3A_335 : memref<192x192xf32, #tpu.memory_space<vmem>>[vector<16xi32>, vector<16xi32>], vector<16xf32>,
      %mul3A_336 = arith.constant 8 : i32
      %mul3A_337 = arith.muli %scan3A_227, %mul3A_336 : i32
      %add3A_338 = arith.constant 4 : i32
      %add3A_339 = arith.addi %mul3A_337, %add3A_338 : i32
      %mul3A_340 = arith.constant 2 : i32
      %mul3A_341 = arith.muli %mul3A_340, %add3A_339 : i32
      %add3A_342 = arith.constant 1 : i32
      %add3A_343 = arith.addi %mul3A_341, %add3A_342 : i32
      %broadcast_in_dim3A_344 = vector.broadcast %add3A_343 : i32 to vector<16xi32>
      %get3A_345 = arith.index_cast %add3A_339 : i32 to index
      %get3A_346 = arith.constant 0 : index
      %get3A_347 = tpu.vector_load %arg4[%get3A_345, %get3A_346] {strides = array<i32>} : memref<96x96xf32, #tpu.memory_space<vmem>>, vector<16xf32>,
      tpu.vector_store_idx %arg6[%broadcast_in_dim3A_344, %add3A_32], %get3A_347 : memref<192x192xf32, #tpu.memory_space<vmem>>[vector<16xi32>, vector<16xi32>], vector<16xf32>,
      %get3A_348 = arith.index_cast %add3A_339 : i32 to index
      %get3A_349 = arith.constant 16 : index
      %get3A_350 = tpu.vector_load %arg4[%get3A_348, %get3A_349] {strides = array<i32>} : memref<96x96xf32, #tpu.memory_space<vmem>>, vector<16xf32>,
      tpu.vector_store_idx %arg6[%broadcast_in_dim3A_344, %add3A_38], %get3A_350 : memref<192x192xf32, #tpu.memory_space<vmem>>[vector<16xi32>, vector<16xi32>], vector<16xf32>,
      %get3A_351 = arith.index_cast %add3A_339 : i32 to index
      %get3A_352 = arith.constant 32 : index
      %get3A_353 = tpu.vector_load %arg4[%get3A_351, %get3A_352] {strides = array<i32>} : memref<96x96xf32, #tpu.memory_space<vmem>>, vector<16xf32>,
      tpu.vector_store_idx %arg6[%broadcast_in_dim3A_344, %add3A_44], %get3A_353 : memref<192x192xf32, #tpu.memory_space<vmem>>[vector<16xi32>, vector<16xi32>], vector<16xf32>,
      %get3A_354 = arith.index_cast %add3A_339 : i32 to index
      %get3A_355 = arith.constant 48 : index
      %get3A_356 = tpu.vector_load %arg4[%get3A_354, %get3A_355] {strides = array<i32>} : memref<96x96xf32, #tpu.memory_space<vmem>>, vector<16xf32>,
      tpu.vector_store_idx %arg6[%broadcast_in_dim3A_344, %add3A_50], %get3A_356 : memref<192x192xf32, #tpu.memory_space<vmem>>[vector<16xi32>, vector<16xi32>], vector<16xf32>,
      %get3A_357 = arith.index_cast %add3A_339 : i32 to index
      %get3A_358 = arith.constant 64 : index
      %get3A_359 = tpu.vector_load %arg4[%get3A_357, %get3A_358] {strides = array<i32>} : memref<96x96xf32, #tpu.memory_space<vmem>>, vector<16xf32>,
      tpu.vector_store_idx %arg6[%broadcast_in_dim3A_344, %add3A_56], %get3A_359 : memref<192x192xf32, #tpu.memory_space<vmem>>[vector<16xi32>, vector<16xi32>], vector<16xf32>,
      %get3A_360 = arith.index_cast %add3A_339 : i32 to index
      %get3A_361 = arith.constant 80 : index
      %get3A_362 = tpu.vector_load %arg4[%get3A_360, %get3A_361] {strides = array<i32>} : memref<96x96xf32, #tpu.memory_space<vmem>>, vector<16xf32>,
      tpu.vector_store_idx %arg6[%broadcast_in_dim3A_344, %add3A_62], %get3A_362 : memref<192x192xf32, #tpu.memory_space<vmem>>[vector<16xi32>, vector<16xi32>], vector<16xf32>,
      %mul3A_363 = arith.constant 8 : i32
      %mul3A_364 = arith.muli %scan3A_227, %mul3A_363 : i32
      %add3A_365 = arith.constant 5 : i32
      %add3A_366 = arith.addi %mul3A_364, %add3A_365 : i32
      %mul3A_367 = arith.constant 2 : i32
      %mul3A_368 = arith.muli %mul3A_367, %add3A_366 : i32
      %add3A_369 = arith.constant 1 : i32
      %add3A_370 = arith.addi %mul3A_368, %add3A_369 : i32
      %broadcast_in_dim3A_371 = vector.broadcast %add3A_370 : i32 to vector<16xi32>
      %get3A_372 = arith.index_cast %add3A_366 : i32 to index
      %get3A_373 = arith.constant 0 : index
      %get3A_374 = tpu.vector_load %arg4[%get3A_372, %get3A_373] {strides = array<i32>} : memref<96x96xf32, #tpu.memory_space<vmem>>, vector<16xf32>,
      tpu.vector_store_idx %arg6[%broadcast_in_dim3A_371, %add3A_32], %get3A_374 : memref<192x192xf32, #tpu.memory_space<vmem>>[vector<16xi32>, vector<16xi32>], vector<16xf32>,
      %get3A_375 = arith.index_cast %add3A_366 : i32 to index
      %get3A_376 = arith.constant 16 : index
      %get3A_377 = tpu.vector_load %arg4[%get3A_375, %get3A_376] {strides = array<i32>} : memref<96x96xf32, #tpu.memory_space<vmem>>, vector<16xf32>,
      tpu.vector_store_idx %arg6[%broadcast_in_dim3A_371, %add3A_38], %get3A_377 : memref<192x192xf32, #tpu.memory_space<vmem>>[vector<16xi32>, vector<16xi32>], vector<16xf32>,
      %get3A_378 = arith.index_cast %add3A_366 : i32 to index
      %get3A_379 = arith.constant 32 : index
      %get3A_380 = tpu.vector_load %arg4[%get3A_378, %get3A_379] {strides = array<i32>} : memref<96x96xf32, #tpu.memory_space<vmem>>, vector<16xf32>,
      tpu.vector_store_idx %arg6[%broadcast_in_dim3A_371, %add3A_44], %get3A_380 : memref<192x192xf32, #tpu.memory_space<vmem>>[vector<16xi32>, vector<16xi32>], vector<16xf32>,
      %get3A_381 = arith.index_cast %add3A_366 : i32 to index
      %get3A_382 = arith.constant 48 : index
      %get3A_383 = tpu.vector_load %arg4[%get3A_381, %get3A_382] {strides = array<i32>} : memref<96x96xf32, #tpu.memory_space<vmem>>, vector<16xf32>,
      tpu.vector_store_idx %arg6[%broadcast_in_dim3A_371, %add3A_50], %get3A_383 : memref<192x192xf32, #tpu.memory_space<vmem>>[vector<16xi32>, vector<16xi32>], vector<16xf32>,
      %get3A_384 = arith.index_cast %add3A_366 : i32 to index
      %get3A_385 = arith.constant 64 : index
      %get3A_386 = tpu.vector_load %arg4[%get3A_384, %get3A_385] {strides = array<i32>} : memref<96x96xf32, #tpu.memory_space<vmem>>, vector<16xf32>,
      tpu.vector_store_idx %arg6[%broadcast_in_dim3A_371, %add3A_56], %get3A_386 : memref<192x192xf32, #tpu.memory_space<vmem>>[vector<16xi32>, vector<16xi32>], vector<16xf32>,
      %get3A_387 = arith.index_cast %add3A_366 : i32 to index
      %get3A_388 = arith.constant 80 : index
      %get3A_389 = tpu.vector_load %arg4[%get3A_387, %get3A_388] {strides = array<i32>} : memref<96x96xf32, #tpu.memory_space<vmem>>, vector<16xf32>,
      tpu.vector_store_idx %arg6[%broadcast_in_dim3A_371, %add3A_62], %get3A_389 : memref<192x192xf32, #tpu.memory_space<vmem>>[vector<16xi32>, vector<16xi32>], vector<16xf32>,
      %mul3A_390 = arith.constant 8 : i32
      %mul3A_391 = arith.muli %scan3A_227, %mul3A_390 : i32
      %add3A_392 = arith.constant 6 : i32
      %add3A_393 = arith.addi %mul3A_391, %add3A_392 : i32
      %mul3A_394 = arith.constant 2 : i32
      %mul3A_395 = arith.muli %mul3A_394, %add3A_393 : i32
      %add3A_396 = arith.constant 1 : i32
      %add3A_397 = arith.addi %mul3A_395, %add3A_396 : i32
      %broadcast_in_dim3A_398 = vector.broadcast %add3A_397 : i32 to vector<16xi32>
      %get3A_399 = arith.index_cast %add3A_393 : i32 to index
      %get3A_400 = arith.constant 0 : index
      %get3A_401 = tpu.vector_load %arg4[%get3A_399, %get3A_400] {strides = array<i32>} : memref<96x96xf32, #tpu.memory_space<vmem>>, vector<16xf32>,
      tpu.vector_store_idx %arg6[%broadcast_in_dim3A_398, %add3A_32], %get3A_401 : memref<192x192xf32, #tpu.memory_space<vmem>>[vector<16xi32>, vector<16xi32>], vector<16xf32>,
      %get3A_402 = arith.index_cast %add3A_393 : i32 to index
      %get3A_403 = arith.constant 16 : index
      %get3A_404 = tpu.vector_load %arg4[%get3A_402, %get3A_403] {strides = array<i32>} : memref<96x96xf32, #tpu.memory_space<vmem>>, vector<16xf32>,
      tpu.vector_store_idx %arg6[%broadcast_in_dim3A_398, %add3A_38], %get3A_404 : memref<192x192xf32, #tpu.memory_space<vmem>>[vector<16xi32>, vector<16xi32>], vector<16xf32>,
      %get3A_405 = arith.index_cast %add3A_393 : i32 to index
      %get3A_406 = arith.constant 32 : index
      %get3A_407 = tpu.vector_load %arg4[%get3A_405, %get3A_406] {strides = array<i32>} : memref<96x96xf32, #tpu.memory_space<vmem>>, vector<16xf32>,
      tpu.vector_store_idx %arg6[%broadcast_in_dim3A_398, %add3A_44], %get3A_407 : memref<192x192xf32, #tpu.memory_space<vmem>>[vector<16xi32>, vector<16xi32>], vector<16xf32>,
      %get3A_408 = arith.index_cast %add3A_393 : i32 to index
      %get3A_409 = arith.constant 48 : index
      %get3A_410 = tpu.vector_load %arg4[%get3A_408, %get3A_409] {strides = array<i32>} : memref<96x96xf32, #tpu.memory_space<vmem>>, vector<16xf32>,
      tpu.vector_store_idx %arg6[%broadcast_in_dim3A_398, %add3A_50], %get3A_410 : memref<192x192xf32, #tpu.memory_space<vmem>>[vector<16xi32>, vector<16xi32>], vector<16xf32>,
      %get3A_411 = arith.index_cast %add3A_393 : i32 to index
      %get3A_412 = arith.constant 64 : index
      %get3A_413 = tpu.vector_load %arg4[%get3A_411, %get3A_412] {strides = array<i32>} : memref<96x96xf32, #tpu.memory_space<vmem>>, vector<16xf32>,
      tpu.vector_store_idx %arg6[%broadcast_in_dim3A_398, %add3A_56], %get3A_413 : memref<192x192xf32, #tpu.memory_space<vmem>>[vector<16xi32>, vector<16xi32>], vector<16xf32>,
      %get3A_414 = arith.index_cast %add3A_393 : i32 to index
      %get3A_415 = arith.constant 80 : index
      %get3A_416 = tpu.vector_load %arg4[%get3A_414, %get3A_415] {strides = array<i32>} : memref<96x96xf32, #tpu.memory_space<vmem>>, vector<16xf32>,
      tpu.vector_store_idx %arg6[%broadcast_in_dim3A_398, %add3A_62], %get3A_416 : memref<192x192xf32, #tpu.memory_space<vmem>>[vector<16xi32>, vector<16xi32>], vector<16xf32>,
      %mul3A_417 = arith.constant 8 : i32
      %mul3A_418 = arith.muli %scan3A_227, %mul3A_417 : i32
      %add3A_419 = arith.constant 7 : i32
      %add3A_420 = arith.addi %mul3A_418, %add3A_419 : i32
      %mul3A_421 = arith.constant 2 : i32
      %mul3A_422 = arith.muli %mul3A_421, %add3A_420 : i32
      %add3A_423 = arith.constant 1 : i32
      %add3A_424 = arith.addi %mul3A_422, %add3A_423 : i32
      %broadcast_in_dim3A_425 = vector.broadcast %add3A_424 : i32 to vector<16xi32>
      %get3A_426 = arith.index_cast %add3A_420 : i32 to index
      %get3A_427 = arith.constant 0 : index
      %get3A_428 = tpu.vector_load %arg4[%get3A_426, %get3A_427] {strides = array<i32>} : memref<96x96xf32, #tpu.memory_space<vmem>>, vector<16xf32>,
      tpu.vector_store_idx %arg6[%broadcast_in_dim3A_425, %add3A_32], %get3A_428 : memref<192x192xf32, #tpu.memory_space<vmem>>[vector<16xi32>, vector<16xi32>], vector<16xf32>,
      %get3A_429 = arith.index_cast %add3A_420 : i32 to index
      %get3A_430 = arith.constant 16 : index
      %get3A_431 = tpu.vector_load %arg4[%get3A_429, %get3A_430] {strides = array<i32>} : memref<96x96xf32, #tpu.memory_space<vmem>>, vector<16xf32>,
      tpu.vector_store_idx %arg6[%broadcast_in_dim3A_425, %add3A_38], %get3A_431 : memref<192x192xf32, #tpu.memory_space<vmem>>[vector<16xi32>, vector<16xi32>], vector<16xf32>,
      %get3A_432 = arith.index_cast %add3A_420 : i32 to index
      %get3A_433 = arith.constant 32 : index
      %get3A_434 = tpu.vector_load %arg4[%get3A_432, %get3A_433] {strides = array<i32>} : memref<96x96xf32, #tpu.memory_space<vmem>>, vector<16xf32>,
      tpu.vector_store_idx %arg6[%broadcast_in_dim3A_425, %add3A_44], %get3A_434 : memref<192x192xf32, #tpu.memory_space<vmem>>[vector<16xi32>, vector<16xi32>], vector<16xf32>,
      %get3A_435 = arith.index_cast %add3A_420 : i32 to index
      %get3A_436 = arith.constant 48 : index
      %get3A_437 = tpu.vector_load %arg4[%get3A_435, %get3A_436] {strides = array<i32>} : memref<96x96xf32, #tpu.memory_space<vmem>>, vector<16xf32>,
      tpu.vector_store_idx %arg6[%broadcast_in_dim3A_425, %add3A_50], %get3A_437 : memref<192x192xf32, #tpu.memory_space<vmem>>[vector<16xi32>, vector<16xi32>], vector<16xf32>,
      %get3A_438 = arith.index_cast %add3A_420 : i32 to index
      %get3A_439 = arith.constant 64 : index
      %get3A_440 = tpu.vector_load %arg4[%get3A_438, %get3A_439] {strides = array<i32>} : memref<96x96xf32, #tpu.memory_space<vmem>>, vector<16xf32>,
      tpu.vector_store_idx %arg6[%broadcast_in_dim3A_425, %add3A_56], %get3A_440 : memref<192x192xf32, #tpu.memory_space<vmem>>[vector<16xi32>, vector<16xi32>], vector<16xf32>,
      %get3A_441 = arith.index_cast %add3A_420 : i32 to index
      %get3A_442 = arith.constant 80 : index
      %get3A_443 = tpu.vector_load %arg4[%get3A_441, %get3A_442] {strides = array<i32>} : memref<96x96xf32, #tpu.memory_space<vmem>>, vector<16xf32>,
      tpu.vector_store_idx %arg6[%broadcast_in_dim3A_425, %add3A_62], %get3A_443 : memref<192x192xf32, #tpu.memory_space<vmem>>[vector<16xi32>, vector<16xi32>], vector<16xf32>,
      %scan3A_444 = arith.constant 0 : i32
      scf.yield %scan3A_444 : i32
    }
    %scan3A_76 = arith.constant 12 : i32
    %dma_start3A_77 = arith.constant 0 : i32
    %dma_start3A_78 = arith.constant 0 : i32
    %dma_start3A_79 = tpu.memref_slice %arg3[%mul3A_2, %dma_start3A_77, %dma_start3A_78] : memref<896x192x192xf32, #tpu.memory_space<hbm>> -> memref<1x192x192xf32, #tpu.memory_space<hbm>>
    %dma_start3A_80 = tpu.memref_squeeze %dma_start3A_79 : memref<1x192x192xf32, #tpu.memory_space<hbm>> -> memref<192x192xf32, #tpu.memory_space<hbm>>
    %dma_start3A_81 = arith.constant 0 : i32
    %dma_start3A_82 = arith.constant 0 : i32
    %dma_start3A_83 = tpu.memref_slice %arg3[%mul3A_2, %dma_start3A_81, %dma_start3A_82] : memref<896x192x192xf32, #tpu.memory_space<hbm>> -> memref<1x192x192xf32, #tpu.memory_space<hbm>>
    %dma_start3A_84 = tpu.memref_squeeze %dma_start3A_83 : memref<1x192x192xf32, #tpu.memory_space<hbm>> -> memref<192x192xf32, #tpu.memory_space<hbm>>
    tpu.enqueue_dma source(%arg6 : memref<192x192xf32, #tpu.memory_space<vmem>>) target(%dma_start3A_84 : memref<192x192xf32, #tpu.memory_space<hbm>>) target_semaphore(%arg10 : memref<!tpu.dma_semaphore, #tpu.memory_space<semaphore_mem>>)
    %add3A_85 = arith.constant 2 : i32
    %add3A_86 = arith.addi %mul3A_2, %add3A_85 : i32
    %dma_start3A_87 = arith.constant 0 : i32
    %dma_start3A_88 = arith.constant 0 : i32
    %dma_start3A_89 = tpu.memref_slice %arg2[%add3A_86, %dma_start3A_87, %dma_start3A_88] : memref<896x96x96xf32, #tpu.memory_space<hbm>> -> memref<1x96x96xf32, #tpu.memory_space<hbm>>
    %dma_start3A_90 = tpu.memref_squeeze %dma_start3A_89 : memref<1x96x96xf32, #tpu.memory_space<hbm>> -> memref<96x96xf32, #tpu.memory_space<hbm>>
    %dma_start3A_91 = arith.constant 0 : i32
    %dma_start3A_92 = arith.constant 0 : i32
    %dma_start3A_93 = tpu.memref_slice %arg2[%add3A_86, %dma_start3A_91, %dma_start3A_92] : memref<896x96x96xf32, #tpu.memory_space<hbm>> -> memref<1x96x96xf32, #tpu.memory_space<hbm>>
    %dma_start3A_94 = tpu.memref_squeeze %dma_start3A_93 : memref<1x96x96xf32, #tpu.memory_space<hbm>> -> memref<96x96xf32, #tpu.memory_space<hbm>>
    tpu.enqueue_dma source(%dma_start3A_94 : memref<96x96xf32, #tpu.memory_space<hbm>>) target(%arg4 : memref<96x96xf32, #tpu.memory_space<vmem>>) target_semaphore(%arg8 : memref<!tpu.dma_semaphore, #tpu.memory_space<semaphore_mem>>)
    %scan3A_95 = arith.constant 0 : i32
    %scan3A_96 = arith.constant 0 : i32
    %scan3A_97 = arith.constant 192 : i32
    %scan3A_98 = arith.addi %scan3A_96, %scan3A_97 : i32
    %scan3A_99 = arith.constant 1 : i32
    %scan3A_100 = scf.for %scan3A_227 = %scan3A_96 to %scan3A_98 step %scan3A_99 iter_args(%scan3A_228 = %scan3A_95) -> (i32)  : i32 {
      %swap3A = arith.index_cast %scan3A_227 : i32 to index
      %swap3A_229 = arith.constant 0 : index
      %swap3A_230 = tpu.vector_load %arg7[%swap3A, %swap3A_229] {strides = array<i32>} : memref<192x192xf32, #tpu.memory_space<vmem>>, vector<16xf32>,
      tpu.vector_store %arg7[%swap3A, %swap3A_229], %broadcast_in_dim3A_3 {strides = array<i32>} : memref<192x192xf32, #tpu.memory_space<vmem>>, vector<16xf32>,
      %swap3A_231 = arith.index_cast %scan3A_227 : i32 to index
      %swap3A_232 = arith.constant 16 : index
      %swap3A_233 = tpu.vector_load %arg7[%swap3A_231, %swap3A_232] {strides = array<i32>} : memref<192x192xf32, #tpu.memory_space<vmem>>, vector<16xf32>,
      tpu.vector_store %arg7[%swap3A_231, %swap3A_232], %broadcast_in_dim3A_3 {strides = array<i32>} : memref<192x192xf32, #tpu.memory_space<vmem>>, vector<16xf32>,
      %swap3A_234 = arith.index_cast %scan3A_227 : i32 to index
      %swap3A_235 = arith.constant 32 : index
      %swap3A_236 = tpu.vector_load %arg7[%swap3A_234, %swap3A_235] {strides = array<i32>} : memref<192x192xf32, #tpu.memory_space<vmem>>, vector<16xf32>,
      tpu.vector_store %arg7[%swap3A_234, %swap3A_235], %broadcast_in_dim3A_3 {strides = array<i32>} : memref<192x192xf32, #tpu.memory_space<vmem>>, vector<16xf32>,
      %swap3A_237 = arith.index_cast %scan3A_227 : i32 to index
      %swap3A_238 = arith.constant 48 : index
      %swap3A_239 = tpu.vector_load %arg7[%swap3A_237, %swap3A_238] {strides = array<i32>} : memref<192x192xf32, #tpu.memory_space<vmem>>, vector<16xf32>,
      tpu.vector_store %arg7[%swap3A_237, %swap3A_238], %broadcast_in_dim3A_3 {strides = array<i32>} : memref<192x192xf32, #tpu.memory_space<vmem>>, vector<16xf32>,
      %swap3A_240 = arith.index_cast %scan3A_227 : i32 to index
      %swap3A_241 = arith.constant 64 : index
      %swap3A_242 = tpu.vector_load %arg7[%swap3A_240, %swap3A_241] {strides = array<i32>} : memref<192x192xf32, #tpu.memory_space<vmem>>, vector<16xf32>,
      tpu.vector_store %arg7[%swap3A_240, %swap3A_241], %broadcast_in_dim3A_3 {strides = array<i32>} : memref<192x192xf32, #tpu.memory_space<vmem>>, vector<16xf32>,
      %swap3A_243 = arith.index_cast %scan3A_227 : i32 to index
      %swap3A_244 = arith.constant 80 : index
      %swap3A_245 = tpu.vector_load %arg7[%swap3A_243, %swap3A_244] {strides = array<i32>} : memref<192x192xf32, #tpu.memory_space<vmem>>, vector<16xf32>,
      tpu.vector_store %arg7[%swap3A_243, %swap3A_244], %broadcast_in_dim3A_3 {strides = array<i32>} : memref<192x192xf32, #tpu.memory_space<vmem>>, vector<16xf32>,
      %swap3A_246 = arith.index_cast %scan3A_227 : i32 to index
      %swap3A_247 = arith.constant 96 : index
      %swap3A_248 = tpu.vector_load %arg7[%swap3A_246, %swap3A_247] {strides = array<i32>} : memref<192x192xf32, #tpu.memory_space<vmem>>, vector<16xf32>,
      tpu.vector_store %arg7[%swap3A_246, %swap3A_247], %broadcast_in_dim3A_3 {strides = array<i32>} : memref<192x192xf32, #tpu.memory_space<vmem>>, vector<16xf32>,
      %swap3A_249 = arith.index_cast %scan3A_227 : i32 to index
      %swap3A_250 = arith.constant 112 : index
      %swap3A_251 = tpu.vector_load %arg7[%swap3A_249, %swap3A_250] {strides = array<i32>} : memref<192x192xf32, #tpu.memory_space<vmem>>, vector<16xf32>,
      tpu.vector_store %arg7[%swap3A_249, %swap3A_250], %broadcast_in_dim3A_3 {strides = array<i32>} : memref<192x192xf32, #tpu.memory_space<vmem>>, vector<16xf32>,
      %swap3A_252 = arith.index_cast %scan3A_227 : i32 to index
      %swap3A_253 = arith.constant 128 : index
      %swap3A_254 = tpu.vector_load %arg7[%swap3A_252, %swap3A_253] {strides = array<i32>} : memref<192x192xf32, #tpu.memory_space<vmem>>, vector<16xf32>,
      tpu.vector_store %arg7[%swap3A_252, %swap3A_253], %broadcast_in_dim3A_3 {strides = array<i32>} : memref<192x192xf32, #tpu.memory_space<vmem>>, vector<16xf32>,
      %swap3A_255 = arith.index_cast %scan3A_227 : i32 to index
      %swap3A_256 = arith.constant 144 : index
      %swap3A_257 = tpu.vector_load %arg7[%swap3A_255, %swap3A_256] {strides = array<i32>} : memref<192x192xf32, #tpu.memory_space<vmem>>, vector<16xf32>,
      tpu.vector_store %arg7[%swap3A_255, %swap3A_256], %broadcast_in_dim3A_3 {strides = array<i32>} : memref<192x192xf32, #tpu.memory_space<vmem>>, vector<16xf32>,
      %swap3A_258 = arith.index_cast %scan3A_227 : i32 to index
      %swap3A_259 = arith.constant 160 : index
      %swap3A_260 = tpu.vector_load %arg7[%swap3A_258, %swap3A_259] {strides = array<i32>} : memref<192x192xf32, #tpu.memory_space<vmem>>, vector<16xf32>,
      tpu.vector_store %arg7[%swap3A_258, %swap3A_259], %broadcast_in_dim3A_3 {strides = array<i32>} : memref<192x192xf32, #tpu.memory_space<vmem>>, vector<16xf32>,
      %swap3A_261 = arith.index_cast %scan3A_227 : i32 to index
      %swap3A_262 = arith.constant 176 : index
      %swap3A_263 = tpu.vector_load %arg7[%swap3A_261, %swap3A_262] {strides = array<i32>} : memref<192x192xf32, #tpu.memory_space<vmem>>, vector<16xf32>,
      tpu.vector_store %arg7[%swap3A_261, %swap3A_262], %broadcast_in_dim3A_3 {strides = array<i32>} : memref<192x192xf32, #tpu.memory_space<vmem>>, vector<16xf32>,
      %scan3A_264 = arith.constant 0 : i32
      scf.yield %scan3A_264 : i32
    }
    %scan3A_101 = arith.constant 192 : i32
    %dma_wait3A_102 = arith.constant 0 : i32
    %dma_wait3A_103 = arith.constant 0 : i32
    %dma_wait3A_104 = tpu.memref_slice %arg2[%mul3A_2, %dma_wait3A_102, %dma_wait3A_103] : memref<896x96x96xf32, #tpu.memory_space<hbm>> -> memref<1x96x96xf32, #tpu.memory_space<hbm>>
    %dma_wait3A_105 = tpu.memref_squeeze %dma_wait3A_104 : memref<1x96x96xf32, #tpu.memory_space<hbm>> -> memref<96x96xf32, #tpu.memory_space<hbm>>
    %dma_wait3A_106 = arith.constant 0 : i32
    %dma_wait3A_107 = arith.constant 0 : i32
    %dma_wait3A_108 = tpu.memref_slice %arg2[%mul3A_2, %dma_wait3A_106, %dma_wait3A_107] : memref<896x96x96xf32, #tpu.memory_space<hbm>> -> memref<1x96x96xf32, #tpu.memory_space<hbm>>
    %dma_wait3A_109 = tpu.memref_squeeze %dma_wait3A_108 : memref<1x96x96xf32, #tpu.memory_space<hbm>> -> memref<96x96xf32, #tpu.memory_space<hbm>>
    tpu.wait_dma2 semaphore(%arg9 : memref<!tpu.dma_semaphore, #tpu.memory_space<semaphore_mem>>) src(%dma_wait3A_109 : memref<96x96xf32, #tpu.memory_space<hbm>>) dst(%arg5 : memref<96x96xf32, #tpu.memory_space<vmem>>)
    %scan3A_110 = arith.constant 0 : i32
    %scan3A_111 = arith.constant 0 : i32
    %scan3A_112 = arith.constant 12 : i32
    %scan3A_113 = arith.addi %scan3A_111, %scan3A_112 : i32
    %scan3A_114 = arith.constant 1 : i32
    %scan3A_115 = scf.for %scan3A_227 = %scan3A_111 to %scan3A_113 step %scan3A_114 iter_args(%scan3A_228 = %scan3A_110) -> (i32)  : i32 {
      %mul3A_229 = arith.constant 8 : i32
      %mul3A_230 = arith.muli %scan3A_227, %mul3A_229 : i32
      %add3A_231 = arith.constant 0 : i32
      %add3A_232 = arith.addi %mul3A_230, %add3A_231 : i32
      %mul3A_233 = arith.constant 2 : i32
      %mul3A_234 = arith.muli %mul3A_233, %add3A_232 : i32
      %add3A_235 = arith.constant 1 : i32
      %add3A_236 = arith.addi %mul3A_234, %add3A_235 : i32
      %broadcast_in_dim3A_237 = vector.broadcast %add3A_236 : i32 to vector<16xi32>
      %get3A = arith.index_cast %add3A_232 : i32 to index
      %get3A_238 = arith.constant 0 : index
      %get3A_239 = tpu.vector_load %arg5[%get3A, %get3A_238] {strides = array<i32>} : memref<96x96xf32, #tpu.memory_space<vmem>>, vector<16xf32>,
      tpu.vector_store_idx %arg7[%broadcast_in_dim3A_237, %add3A_32], %get3A_239 : memref<192x192xf32, #tpu.memory_space<vmem>>[vector<16xi32>, vector<16xi32>], vector<16xf32>,
      %get3A_240 = arith.index_cast %add3A_232 : i32 to index
      %get3A_241 = arith.constant 16 : index
      %get3A_242 = tpu.vector_load %arg5[%get3A_240, %get3A_241] {strides = array<i32>} : memref<96x96xf32, #tpu.memory_space<vmem>>, vector<16xf32>,
      tpu.vector_store_idx %arg7[%broadcast_in_dim3A_237, %add3A_38], %get3A_242 : memref<192x192xf32, #tpu.memory_space<vmem>>[vector<16xi32>, vector<16xi32>], vector<16xf32>,
      %get3A_243 = arith.index_cast %add3A_232 : i32 to index
      %get3A_244 = arith.constant 32 : index
      %get3A_245 = tpu.vector_load %arg5[%get3A_243, %get3A_244] {strides = array<i32>} : memref<96x96xf32, #tpu.memory_space<vmem>>, vector<16xf32>,
      tpu.vector_store_idx %arg7[%broadcast_in_dim3A_237, %add3A_44], %get3A_245 : memref<192x192xf32, #tpu.memory_space<vmem>>[vector<16xi32>, vector<16xi32>], vector<16xf32>,
      %get3A_246 = arith.index_cast %add3A_232 : i32 to index
      %get3A_247 = arith.constant 48 : index
      %get3A_248 = tpu.vector_load %arg5[%get3A_246, %get3A_247] {strides = array<i32>} : memref<96x96xf32, #tpu.memory_space<vmem>>, vector<16xf32>,
      tpu.vector_store_idx %arg7[%broadcast_in_dim3A_237, %add3A_50], %get3A_248 : memref<192x192xf32, #tpu.memory_space<vmem>>[vector<16xi32>, vector<16xi32>], vector<16xf32>,
      %get3A_249 = arith.index_cast %add3A_232 : i32 to index
      %get3A_250 = arith.constant 64 : index
      %get3A_251 = tpu.vector_load %arg5[%get3A_249, %get3A_250] {strides = array<i32>} : memref<96x96xf32, #tpu.memory_space<vmem>>, vector<16xf32>,
      tpu.vector_store_idx %arg7[%broadcast_in_dim3A_237, %add3A_56], %get3A_251 : memref<192x192xf32, #tpu.memory_space<vmem>>[vector<16xi32>, vector<16xi32>], vector<16xf32>,
      %get3A_252 = arith.index_cast %add3A_232 : i32 to index
      %get3A_253 = arith.constant 80 : index
      %get3A_254 = tpu.vector_load %arg5[%get3A_252, %get3A_253] {strides = array<i32>} : memref<96x96xf32, #tpu.memory_space<vmem>>, vector<16xf32>,
      tpu.vector_store_idx %arg7[%broadcast_in_dim3A_237, %add3A_62], %get3A_254 : memref<192x192xf32, #tpu.memory_space<vmem>>[vector<16xi32>, vector<16xi32>], vector<16xf32>,
      %mul3A_255 = arith.constant 8 : i32
      %mul3A_256 = arith.muli %scan3A_227, %mul3A_255 : i32
      %add3A_257 = arith.constant 1 : i32
      %add3A_258 = arith.addi %mul3A_256, %add3A_257 : i32
      %mul3A_259 = arith.constant 2 : i32
      %mul3A_260 = arith.muli %mul3A_259, %add3A_258 : i32
      %add3A_261 = arith.constant 1 : i32
      %add3A_262 = arith.addi %mul3A_260, %add3A_261 : i32
      %broadcast_in_dim3A_263 = vector.broadcast %add3A_262 : i32 to vector<16xi32>
      %get3A_264 = arith.index_cast %add3A_258 : i32 to index
      %get3A_265 = arith.constant 0 : index
      %get3A_266 = tpu.vector_load %arg5[%get3A_264, %get3A_265] {strides = array<i32>} : memref<96x96xf32, #tpu.memory_space<vmem>>, vector<16xf32>,
      tpu.vector_store_idx %arg7[%broadcast_in_dim3A_263, %add3A_32], %get3A_266 : memref<192x192xf32, #tpu.memory_space<vmem>>[vector<16xi32>, vector<16xi32>], vector<16xf32>,
      %get3A_267 = arith.index_cast %add3A_258 : i32 to index
      %get3A_268 = arith.constant 16 : index
      %get3A_269 = tpu.vector_load %arg5[%get3A_267, %get3A_268] {strides = array<i32>} : memref<96x96xf32, #tpu.memory_space<vmem>>, vector<16xf32>,
      tpu.vector_store_idx %arg7[%broadcast_in_dim3A_263, %add3A_38], %get3A_269 : memref<192x192xf32, #tpu.memory_space<vmem>>[vector<16xi32>, vector<16xi32>], vector<16xf32>,
      %get3A_270 = arith.index_cast %add3A_258 : i32 to index
      %get3A_271 = arith.constant 32 : index
      %get3A_272 = tpu.vector_load %arg5[%get3A_270, %get3A_271] {strides = array<i32>} : memref<96x96xf32, #tpu.memory_space<vmem>>, vector<16xf32>,
      tpu.vector_store_idx %arg7[%broadcast_in_dim3A_263, %add3A_44], %get3A_272 : memref<192x192xf32, #tpu.memory_space<vmem>>[vector<16xi32>, vector<16xi32>], vector<16xf32>,
      %get3A_273 = arith.index_cast %add3A_258 : i32 to index
      %get3A_274 = arith.constant 48 : index
      %get3A_275 = tpu.vector_load %arg5[%get3A_273, %get3A_274] {strides = array<i32>} : memref<96x96xf32, #tpu.memory_space<vmem>>, vector<16xf32>,
      tpu.vector_store_idx %arg7[%broadcast_in_dim3A_263, %add3A_50], %get3A_275 : memref<192x192xf32, #tpu.memory_space<vmem>>[vector<16xi32>, vector<16xi32>], vector<16xf32>,
      %get3A_276 = arith.index_cast %add3A_258 : i32 to index
      %get3A_277 = arith.constant 64 : index
      %get3A_278 = tpu.vector_load %arg5[%get3A_276, %get3A_277] {strides = array<i32>} : memref<96x96xf32, #tpu.memory_space<vmem>>, vector<16xf32>,
      tpu.vector_store_idx %arg7[%broadcast_in_dim3A_263, %add3A_56], %get3A_278 : memref<192x192xf32, #tpu.memory_space<vmem>>[vector<16xi32>, vector<16xi32>], vector<16xf32>,
      %get3A_279 = arith.index_cast %add3A_258 : i32 to index
      %get3A_280 = arith.constant 80 : index
      %get3A_281 = tpu.vector_load %arg5[%get3A_279, %get3A_280] {strides = array<i32>} : memref<96x96xf32, #tpu.memory_space<vmem>>, vector<16xf32>,
      tpu.vector_store_idx %arg7[%broadcast_in_dim3A_263, %add3A_62], %get3A_281 : memref<192x192xf32, #tpu.memory_space<vmem>>[vector<16xi32>, vector<16xi32>], vector<16xf32>,
      %mul3A_282 = arith.constant 8 : i32
      %mul3A_283 = arith.muli %scan3A_227, %mul3A_282 : i32
      %add3A_284 = arith.constant 2 : i32
      %add3A_285 = arith.addi %mul3A_283, %add3A_284 : i32
      %mul3A_286 = arith.constant 2 : i32
      %mul3A_287 = arith.muli %mul3A_286, %add3A_285 : i32
      %add3A_288 = arith.constant 1 : i32
      %add3A_289 = arith.addi %mul3A_287, %add3A_288 : i32
      %broadcast_in_dim3A_290 = vector.broadcast %add3A_289 : i32 to vector<16xi32>
      %get3A_291 = arith.index_cast %add3A_285 : i32 to index
      %get3A_292 = arith.constant 0 : index
      %get3A_293 = tpu.vector_load %arg5[%get3A_291, %get3A_292] {strides = array<i32>} : memref<96x96xf32, #tpu.memory_space<vmem>>, vector<16xf32>,
      tpu.vector_store_idx %arg7[%broadcast_in_dim3A_290, %add3A_32], %get3A_293 : memref<192x192xf32, #tpu.memory_space<vmem>>[vector<16xi32>, vector<16xi32>], vector<16xf32>,
      %get3A_294 = arith.index_cast %add3A_285 : i32 to index
      %get3A_295 = arith.constant 16 : index
      %get3A_296 = tpu.vector_load %arg5[%get3A_294, %get3A_295] {strides = array<i32>} : memref<96x96xf32, #tpu.memory_space<vmem>>, vector<16xf32>,
      tpu.vector_store_idx %arg7[%broadcast_in_dim3A_290, %add3A_38], %get3A_296 : memref<192x192xf32, #tpu.memory_space<vmem>>[vector<16xi32>, vector<16xi32>], vector<16xf32>,
      %get3A_297 = arith.index_cast %add3A_285 : i32 to index
      %get3A_298 = arith.constant 32 : index
      %get3A_299 = tpu.vector_load %arg5[%get3A_297, %get3A_298] {strides = array<i32>} : memref<96x96xf32, #tpu.memory_space<vmem>>, vector<16xf32>,
      tpu.vector_store_idx %arg7[%broadcast_in_dim3A_290, %add3A_44], %get3A_299 : memref<192x192xf32, #tpu.memory_space<vmem>>[vector<16xi32>, vector<16xi32>], vector<16xf32>,
      %get3A_300 = arith.index_cast %add3A_285 : i32 to index
      %get3A_301 = arith.constant 48 : index
      %get3A_302 = tpu.vector_load %arg5[%get3A_300, %get3A_301] {strides = array<i32>} : memref<96x96xf32, #tpu.memory_space<vmem>>, vector<16xf32>,
      tpu.vector_store_idx %arg7[%broadcast_in_dim3A_290, %add3A_50], %get3A_302 : memref<192x192xf32, #tpu.memory_space<vmem>>[vector<16xi32>, vector<16xi32>], vector<16xf32>,
      %get3A_303 = arith.index_cast %add3A_285 : i32 to index
      %get3A_304 = arith.constant 64 : index
      %get3A_305 = tpu.vector_load %arg5[%get3A_303, %get3A_304] {strides = array<i32>} : memref<96x96xf32, #tpu.memory_space<vmem>>, vector<16xf32>,
      tpu.vector_store_idx %arg7[%broadcast_in_dim3A_290, %add3A_56], %get3A_305 : memref<192x192xf32, #tpu.memory_space<vmem>>[vector<16xi32>, vector<16xi32>], vector<16xf32>,
      %get3A_306 = arith.index_cast %add3A_285 : i32 to index
      %get3A_307 = arith.constant 80 : index
      %get3A_308 = tpu.vector_load %arg5[%get3A_306, %get3A_307] {strides = array<i32>} : memref<96x96xf32, #tpu.memory_space<vmem>>, vector<16xf32>,
      tpu.vector_store_idx %arg7[%broadcast_in_dim3A_290, %add3A_62], %get3A_308 : memref<192x192xf32, #tpu.memory_space<vmem>>[vector<16xi32>, vector<16xi32>], vector<16xf32>,
      %mul3A_309 = arith.constant 8 : i32
      %mul3A_310 = arith.muli %scan3A_227, %mul3A_309 : i32
      %add3A_311 = arith.constant 3 : i32
      %add3A_312 = arith.addi %mul3A_310, %add3A_311 : i32
      %mul3A_313 = arith.constant 2 : i32
      %mul3A_314 = arith.muli %mul3A_313, %add3A_312 : i32
      %add3A_315 = arith.constant 1 : i32
      %add3A_316 = arith.addi %mul3A_314, %add3A_315 : i32
      %broadcast_in_dim3A_317 = vector.broadcast %add3A_316 : i32 to vector<16xi32>
      %get3A_318 = arith.index_cast %add3A_312 : i32 to index
      %get3A_319 = arith.constant 0 : index
      %get3A_320 = tpu.vector_load %arg5[%get3A_318, %get3A_319] {strides = array<i32>} : memref<96x96xf32, #tpu.memory_space<vmem>>, vector<16xf32>,
      tpu.vector_store_idx %arg7[%broadcast_in_dim3A_317, %add3A_32], %get3A_320 : memref<192x192xf32, #tpu.memory_space<vmem>>[vector<16xi32>, vector<16xi32>], vector<16xf32>,
      %get3A_321 = arith.index_cast %add3A_312 : i32 to index
      %get3A_322 = arith.constant 16 : index
      %get3A_323 = tpu.vector_load %arg5[%get3A_321, %get3A_322] {strides = array<i32>} : memref<96x96xf32, #tpu.memory_space<vmem>>, vector<16xf32>,
      tpu.vector_store_idx %arg7[%broadcast_in_dim3A_317, %add3A_38], %get3A_323 : memref<192x192xf32, #tpu.memory_space<vmem>>[vector<16xi32>, vector<16xi32>], vector<16xf32>,
      %get3A_324 = arith.index_cast %add3A_312 : i32 to index
      %get3A_325 = arith.constant 32 : index
      %get3A_326 = tpu.vector_load %arg5[%get3A_324, %get3A_325] {strides = array<i32>} : memref<96x96xf32, #tpu.memory_space<vmem>>, vector<16xf32>,
      tpu.vector_store_idx %arg7[%broadcast_in_dim3A_317, %add3A_44], %get3A_326 : memref<192x192xf32, #tpu.memory_space<vmem>>[vector<16xi32>, vector<16xi32>], vector<16xf32>,
      %get3A_327 = arith.index_cast %add3A_312 : i32 to index
      %get3A_328 = arith.constant 48 : index
      %get3A_329 = tpu.vector_load %arg5[%get3A_327, %get3A_328] {strides = array<i32>} : memref<96x96xf32, #tpu.memory_space<vmem>>, vector<16xf32>,
      tpu.vector_store_idx %arg7[%broadcast_in_dim3A_317, %add3A_50], %get3A_329 : memref<192x192xf32, #tpu.memory_space<vmem>>[vector<16xi32>, vector<16xi32>], vector<16xf32>,
      %get3A_330 = arith.index_cast %add3A_312 : i32 to index
      %get3A_331 = arith.constant 64 : index
      %get3A_332 = tpu.vector_load %arg5[%get3A_330, %get3A_331] {strides = array<i32>} : memref<96x96xf32, #tpu.memory_space<vmem>>, vector<16xf32>,
      tpu.vector_store_idx %arg7[%broadcast_in_dim3A_317, %add3A_56], %get3A_332 : memref<192x192xf32, #tpu.memory_space<vmem>>[vector<16xi32>, vector<16xi32>], vector<16xf32>,
      %get3A_333 = arith.index_cast %add3A_312 : i32 to index
      %get3A_334 = arith.constant 80 : index
      %get3A_335 = tpu.vector_load %arg5[%get3A_333, %get3A_334] {strides = array<i32>} : memref<96x96xf32, #tpu.memory_space<vmem>>, vector<16xf32>,
      tpu.vector_store_idx %arg7[%broadcast_in_dim3A_317, %add3A_62], %get3A_335 : memref<192x192xf32, #tpu.memory_space<vmem>>[vector<16xi32>, vector<16xi32>], vector<16xf32>,
      %mul3A_336 = arith.constant 8 : i32
      %mul3A_337 = arith.muli %scan3A_227, %mul3A_336 : i32
      %add3A_338 = arith.constant 4 : i32
      %add3A_339 = arith.addi %mul3A_337, %add3A_338 : i32
      %mul3A_340 = arith.constant 2 : i32
      %mul3A_341 = arith.muli %mul3A_340, %add3A_339 : i32
      %add3A_342 = arith.constant 1 : i32
      %add3A_343 = arith.addi %mul3A_341, %add3A_342 : i32
      %broadcast_in_dim3A_344 = vector.broadcast %add3A_343 : i32 to vector<16xi32>
      %get3A_345 = arith.index_cast %add3A_339 : i32 to index
      %get3A_346 = arith.constant 0 : index
      %get3A_347 = tpu.vector_load %arg5[%get3A_345, %get3A_346] {strides = array<i32>} : memref<96x96xf32, #tpu.memory_space<vmem>>, vector<16xf32>,
      tpu.vector_store_idx %arg7[%broadcast_in_dim3A_344, %add3A_32], %get3A_347 : memref<192x192xf32, #tpu.memory_space<vmem>>[vector<16xi32>, vector<16xi32>], vector<16xf32>,
      %get3A_348 = arith.index_cast %add3A_339 : i32 to index
      %get3A_349 = arith.constant 16 : index
      %get3A_350 = tpu.vector_load %arg5[%get3A_348, %get3A_349] {strides = array<i32>} : memref<96x96xf32, #tpu.memory_space<vmem>>, vector<16xf32>,
      tpu.vector_store_idx %arg7[%broadcast_in_dim3A_344, %add3A_38], %get3A_350 : memref<192x192xf32, #tpu.memory_space<vmem>>[vector<16xi32>, vector<16xi32>], vector<16xf32>,
      %get3A_351 = arith.index_cast %add3A_339 : i32 to index
      %get3A_352 = arith.constant 32 : index
      %get3A_353 = tpu.vector_load %arg5[%get3A_351, %get3A_352] {strides = array<i32>} : memref<96x96xf32, #tpu.memory_space<vmem>>, vector<16xf32>,
      tpu.vector_store_idx %arg7[%broadcast_in_dim3A_344, %add3A_44], %get3A_353 : memref<192x192xf32, #tpu.memory_space<vmem>>[vector<16xi32>, vector<16xi32>], vector<16xf32>,
      %get3A_354 = arith.index_cast %add3A_339 : i32 to index
      %get3A_355 = arith.constant 48 : index
      %get3A_356 = tpu.vector_load %arg5[%get3A_354, %get3A_355] {strides = array<i32>} : memref<96x96xf32, #tpu.memory_space<vmem>>, vector<16xf32>,
      tpu.vector_store_idx %arg7[%broadcast_in_dim3A_344, %add3A_50], %get3A_356 : memref<192x192xf32, #tpu.memory_space<vmem>>[vector<16xi32>, vector<16xi32>], vector<16xf32>,
      %get3A_357 = arith.index_cast %add3A_339 : i32 to index
      %get3A_358 = arith.constant 64 : index
      %get3A_359 = tpu.vector_load %arg5[%get3A_357, %get3A_358] {strides = array<i32>} : memref<96x96xf32, #tpu.memory_space<vmem>>, vector<16xf32>,
      tpu.vector_store_idx %arg7[%broadcast_in_dim3A_344, %add3A_56], %get3A_359 : memref<192x192xf32, #tpu.memory_space<vmem>>[vector<16xi32>, vector<16xi32>], vector<16xf32>,
      %get3A_360 = arith.index_cast %add3A_339 : i32 to index
      %get3A_361 = arith.constant 80 : index
      %get3A_362 = tpu.vector_load %arg5[%get3A_360, %get3A_361] {strides = array<i32>} : memref<96x96xf32, #tpu.memory_space<vmem>>, vector<16xf32>,
      tpu.vector_store_idx %arg7[%broadcast_in_dim3A_344, %add3A_62], %get3A_362 : memref<192x192xf32, #tpu.memory_space<vmem>>[vector<16xi32>, vector<16xi32>], vector<16xf32>,
      %mul3A_363 = arith.constant 8 : i32
      %mul3A_364 = arith.muli %scan3A_227, %mul3A_363 : i32
      %add3A_365 = arith.constant 5 : i32
      %add3A_366 = arith.addi %mul3A_364, %add3A_365 : i32
      %mul3A_367 = arith.constant 2 : i32
      %mul3A_368 = arith.muli %mul3A_367, %add3A_366 : i32
      %add3A_369 = arith.constant 1 : i32
      %add3A_370 = arith.addi %mul3A_368, %add3A_369 : i32
      %broadcast_in_dim3A_371 = vector.broadcast %add3A_370 : i32 to vector<16xi32>
      %get3A_372 = arith.index_cast %add3A_366 : i32 to index
      %get3A_373 = arith.constant 0 : index
      %get3A_374 = tpu.vector_load %arg5[%get3A_372, %get3A_373] {strides = array<i32>} : memref<96x96xf32, #tpu.memory_space<vmem>>, vector<16xf32>,
      tpu.vector_store_idx %arg7[%broadcast_in_dim3A_371, %add3A_32], %get3A_374 : memref<192x192xf32, #tpu.memory_space<vmem>>[vector<16xi32>, vector<16xi32>], vector<16xf32>,
      %get3A_375 = arith.index_cast %add3A_366 : i32 to index
      %get3A_376 = arith.constant 16 : index
      %get3A_377 = tpu.vector_load %arg5[%get3A_375, %get3A_376] {strides = array<i32>} : memref<96x96xf32, #tpu.memory_space<vmem>>, vector<16xf32>,
      tpu.vector_store_idx %arg7[%broadcast_in_dim3A_371, %add3A_38], %get3A_377 : memref<192x192xf32, #tpu.memory_space<vmem>>[vector<16xi32>, vector<16xi32>], vector<16xf32>,
      %get3A_378 = arith.index_cast %add3A_366 : i32 to index
      %get3A_379 = arith.constant 32 : index
      %get3A_380 = tpu.vector_load %arg5[%get3A_378, %get3A_379] {strides = array<i32>} : memref<96x96xf32, #tpu.memory_space<vmem>>, vector<16xf32>,
      tpu.vector_store_idx %arg7[%broadcast_in_dim3A_371, %add3A_44], %get3A_380 : memref<192x192xf32, #tpu.memory_space<vmem>>[vector<16xi32>, vector<16xi32>], vector<16xf32>,
      %get3A_381 = arith.index_cast %add3A_366 : i32 to index
      %get3A_382 = arith.constant 48 : index
      %get3A_383 = tpu.vector_load %arg5[%get3A_381, %get3A_382] {strides = array<i32>} : memref<96x96xf32, #tpu.memory_space<vmem>>, vector<16xf32>,
      tpu.vector_store_idx %arg7[%broadcast_in_dim3A_371, %add3A_50], %get3A_383 : memref<192x192xf32, #tpu.memory_space<vmem>>[vector<16xi32>, vector<16xi32>], vector<16xf32>,
      %get3A_384 = arith.index_cast %add3A_366 : i32 to index
      %get3A_385 = arith.constant 64 : index
      %get3A_386 = tpu.vector_load %arg5[%get3A_384, %get3A_385] {strides = array<i32>} : memref<96x96xf32, #tpu.memory_space<vmem>>, vector<16xf32>,
      tpu.vector_store_idx %arg7[%broadcast_in_dim3A_371, %add3A_56], %get3A_386 : memref<192x192xf32, #tpu.memory_space<vmem>>[vector<16xi32>, vector<16xi32>], vector<16xf32>,
      %get3A_387 = arith.index_cast %add3A_366 : i32 to index
      %get3A_388 = arith.constant 80 : index
      %get3A_389 = tpu.vector_load %arg5[%get3A_387, %get3A_388] {strides = array<i32>} : memref<96x96xf32, #tpu.memory_space<vmem>>, vector<16xf32>,
      tpu.vector_store_idx %arg7[%broadcast_in_dim3A_371, %add3A_62], %get3A_389 : memref<192x192xf32, #tpu.memory_space<vmem>>[vector<16xi32>, vector<16xi32>], vector<16xf32>,
      %mul3A_390 = arith.constant 8 : i32
      %mul3A_391 = arith.muli %scan3A_227, %mul3A_390 : i32
      %add3A_392 = arith.constant 6 : i32
      %add3A_393 = arith.addi %mul3A_391, %add3A_392 : i32
      %mul3A_394 = arith.constant 2 : i32
      %mul3A_395 = arith.muli %mul3A_394, %add3A_393 : i32
      %add3A_396 = arith.constant 1 : i32
      %add3A_397 = arith.addi %mul3A_395, %add3A_396 : i32
      %broadcast_in_dim3A_398 = vector.broadcast %add3A_397 : i32 to vector<16xi32>
      %get3A_399 = arith.index_cast %add3A_393 : i32 to index
      %get3A_400 = arith.constant 0 : index
      %get3A_401 = tpu.vector_load %arg5[%get3A_399, %get3A_400] {strides = array<i32>} : memref<96x96xf32, #tpu.memory_space<vmem>>, vector<16xf32>,
      tpu.vector_store_idx %arg7[%broadcast_in_dim3A_398, %add3A_32], %get3A_401 : memref<192x192xf32, #tpu.memory_space<vmem>>[vector<16xi32>, vector<16xi32>], vector<16xf32>,
      %get3A_402 = arith.index_cast %add3A_393 : i32 to index
      %get3A_403 = arith.constant 16 : index
      %get3A_404 = tpu.vector_load %arg5[%get3A_402, %get3A_403] {strides = array<i32>} : memref<96x96xf32, #tpu.memory_space<vmem>>, vector<16xf32>,
      tpu.vector_store_idx %arg7[%broadcast_in_dim3A_398, %add3A_38], %get3A_404 : memref<192x192xf32, #tpu.memory_space<vmem>>[vector<16xi32>, vector<16xi32>], vector<16xf32>,
      %get3A_405 = arith.index_cast %add3A_393 : i32 to index
      %get3A_406 = arith.constant 32 : index
      %get3A_407 = tpu.vector_load %arg5[%get3A_405, %get3A_406] {strides = array<i32>} : memref<96x96xf32, #tpu.memory_space<vmem>>, vector<16xf32>,
      tpu.vector_store_idx %arg7[%broadcast_in_dim3A_398, %add3A_44], %get3A_407 : memref<192x192xf32, #tpu.memory_space<vmem>>[vector<16xi32>, vector<16xi32>], vector<16xf32>,
      %get3A_408 = arith.index_cast %add3A_393 : i32 to index
      %get3A_409 = arith.constant 48 : index
      %get3A_410 = tpu.vector_load %arg5[%get3A_408, %get3A_409] {strides = array<i32>} : memref<96x96xf32, #tpu.memory_space<vmem>>, vector<16xf32>,
      tpu.vector_store_idx %arg7[%broadcast_in_dim3A_398, %add3A_50], %get3A_410 : memref<192x192xf32, #tpu.memory_space<vmem>>[vector<16xi32>, vector<16xi32>], vector<16xf32>,
      %get3A_411 = arith.index_cast %add3A_393 : i32 to index
      %get3A_412 = arith.constant 64 : index
      %get3A_413 = tpu.vector_load %arg5[%get3A_411, %get3A_412] {strides = array<i32>} : memref<96x96xf32, #tpu.memory_space<vmem>>, vector<16xf32>,
      tpu.vector_store_idx %arg7[%broadcast_in_dim3A_398, %add3A_56], %get3A_413 : memref<192x192xf32, #tpu.memory_space<vmem>>[vector<16xi32>, vector<16xi32>], vector<16xf32>,
      %get3A_414 = arith.index_cast %add3A_393 : i32 to index
      %get3A_415 = arith.constant 80 : index
      %get3A_416 = tpu.vector_load %arg5[%get3A_414, %get3A_415] {strides = array<i32>} : memref<96x96xf32, #tpu.memory_space<vmem>>, vector<16xf32>,
      tpu.vector_store_idx %arg7[%broadcast_in_dim3A_398, %add3A_62], %get3A_416 : memref<192x192xf32, #tpu.memory_space<vmem>>[vector<16xi32>, vector<16xi32>], vector<16xf32>,
      %mul3A_417 = arith.constant 8 : i32
      %mul3A_418 = arith.muli %scan3A_227, %mul3A_417 : i32
      %add3A_419 = arith.constant 7 : i32
      %add3A_420 = arith.addi %mul3A_418, %add3A_419 : i32
      %mul3A_421 = arith.constant 2 : i32
      %mul3A_422 = arith.muli %mul3A_421, %add3A_420 : i32
      %add3A_423 = arith.constant 1 : i32
      %add3A_424 = arith.addi %mul3A_422, %add3A_423 : i32
      %broadcast_in_dim3A_425 = vector.broadcast %add3A_424 : i32 to vector<16xi32>
      %get3A_426 = arith.index_cast %add3A_420 : i32 to index
      %get3A_427 = arith.constant 0 : index
      %get3A_428 = tpu.vector_load %arg5[%get3A_426, %get3A_427] {strides = array<i32>} : memref<96x96xf32, #tpu.memory_space<vmem>>, vector<16xf32>,
      tpu.vector_store_idx %arg7[%broadcast_in_dim3A_425, %add3A_32], %get3A_428 : memref<192x192xf32, #tpu.memory_space<vmem>>[vector<16xi32>, vector<16xi32>], vector<16xf32>,
      %get3A_429 = arith.index_cast %add3A_420 : i32 to index
      %get3A_430 = arith.constant 16 : index
      %get3A_431 = tpu.vector_load %arg5[%get3A_429, %get3A_430] {strides = array<i32>} : memref<96x96xf32, #tpu.memory_space<vmem>>, vector<16xf32>,
      tpu.vector_store_idx %arg7[%broadcast_in_dim3A_425, %add3A_38], %get3A_431 : memref<192x192xf32, #tpu.memory_space<vmem>>[vector<16xi32>, vector<16xi32>], vector<16xf32>,
      %get3A_432 = arith.index_cast %add3A_420 : i32 to index
      %get3A_433 = arith.constant 32 : index
      %get3A_434 = tpu.vector_load %arg5[%get3A_432, %get3A_433] {strides = array<i32>} : memref<96x96xf32, #tpu.memory_space<vmem>>, vector<16xf32>,
      tpu.vector_store_idx %arg7[%broadcast_in_dim3A_425, %add3A_44], %get3A_434 : memref<192x192xf32, #tpu.memory_space<vmem>>[vector<16xi32>, vector<16xi32>], vector<16xf32>,
      %get3A_435 = arith.index_cast %add3A_420 : i32 to index
      %get3A_436 = arith.constant 48 : index
      %get3A_437 = tpu.vector_load %arg5[%get3A_435, %get3A_436] {strides = array<i32>} : memref<96x96xf32, #tpu.memory_space<vmem>>, vector<16xf32>,
      tpu.vector_store_idx %arg7[%broadcast_in_dim3A_425, %add3A_50], %get3A_437 : memref<192x192xf32, #tpu.memory_space<vmem>>[vector<16xi32>, vector<16xi32>], vector<16xf32>,
      %get3A_438 = arith.index_cast %add3A_420 : i32 to index
      %get3A_439 = arith.constant 64 : index
      %get3A_440 = tpu.vector_load %arg5[%get3A_438, %get3A_439] {strides = array<i32>} : memref<96x96xf32, #tpu.memory_space<vmem>>, vector<16xf32>,
      tpu.vector_store_idx %arg7[%broadcast_in_dim3A_425, %add3A_56], %get3A_440 : memref<192x192xf32, #tpu.memory_space<vmem>>[vector<16xi32>, vector<16xi32>], vector<16xf32>,
      %get3A_441 = arith.index_cast %add3A_420 : i32 to index
      %get3A_442 = arith.constant 80 : index
      %get3A_443 = tpu.vector_load %arg5[%get3A_441, %get3A_442] {strides = array<i32>} : memref<96x96xf32, #tpu.memory_space<vmem>>, vector<16xf32>,
      tpu.vector_store_idx %arg7[%broadcast_in_dim3A_425, %add3A_62], %get3A_443 : memref<192x192xf32, #tpu.memory_space<vmem>>[vector<16xi32>, vector<16xi32>], vector<16xf32>,
      %scan3A_444 = arith.constant 0 : i32
      scf.yield %scan3A_444 : i32
    }
    %scan3A_116 = arith.constant 12 : i32
    %add3A_117 = arith.constant 1 : i32
    %add3A_118 = arith.addi %mul3A_2, %add3A_117 : i32
    %dma_start3A_119 = arith.constant 0 : i32
    %dma_start3A_120 = arith.constant 0 : i32
    %dma_start3A_121 = tpu.memref_slice %arg3[%add3A_118, %dma_start3A_119, %dma_start3A_120] : memref<896x192x192xf32, #tpu.memory_space<hbm>> -> memref<1x192x192xf32, #tpu.memory_space<hbm>>
    %dma_start3A_122 = tpu.memref_squeeze %dma_start3A_121 : memref<1x192x192xf32, #tpu.memory_space<hbm>> -> memref<192x192xf32, #tpu.memory_space<hbm>>
    %dma_start3A_123 = arith.constant 0 : i32
    %dma_start3A_124 = arith.constant 0 : i32
    %dma_start3A_125 = tpu.memref_slice %arg3[%add3A_118, %dma_start3A_123, %dma_start3A_124] : memref<896x192x192xf32, #tpu.memory_space<hbm>> -> memref<1x192x192xf32, #tpu.memory_space<hbm>>
    %dma_start3A_126 = tpu.memref_squeeze %dma_start3A_125 : memref<1x192x192xf32, #tpu.memory_space<hbm>> -> memref<192x192xf32, #tpu.memory_space<hbm>>
    tpu.enqueue_dma source(%arg7 : memref<192x192xf32, #tpu.memory_space<vmem>>) target(%dma_start3A_126 : memref<192x192xf32, #tpu.memory_space<hbm>>) target_semaphore(%arg11 : memref<!tpu.dma_semaphore, #tpu.memory_space<semaphore_mem>>)
    %add3A_127 = arith.constant 3 : i32
    %add3A_128 = arith.addi %mul3A_2, %add3A_127 : i32
    %dma_start3A_129 = arith.constant 0 : i32
    %dma_start3A_130 = arith.constant 0 : i32
    %dma_start3A_131 = tpu.memref_slice %arg2[%add3A_128, %dma_start3A_129, %dma_start3A_130] : memref<896x96x96xf32, #tpu.memory_space<hbm>> -> memref<1x96x96xf32, #tpu.memory_space<hbm>>
    %dma_start3A_132 = tpu.memref_squeeze %dma_start3A_131 : memref<1x96x96xf32, #tpu.memory_space<hbm>> -> memref<96x96xf32, #tpu.memory_space<hbm>>
    %dma_start3A_133 = arith.constant 0 : i32
    %dma_start3A_134 = arith.constant 0 : i32
    %dma_start3A_135 = tpu.memref_slice %arg2[%add3A_128, %dma_start3A_133, %dma_start3A_134] : memref<896x96x96xf32, #tpu.memory_space<hbm>> -> memref<1x96x96xf32, #tpu.memory_space<hbm>>
    %dma_start3A_136 = tpu.memref_squeeze %dma_start3A_135 : memref<1x96x96xf32, #tpu.memory_space<hbm>> -> memref<96x96xf32, #tpu.memory_space<hbm>>
    tpu.enqueue_dma source(%dma_start3A_136 : memref<96x96xf32, #tpu.memory_space<hbm>>) target(%arg5 : memref<96x96xf32, #tpu.memory_space<vmem>>) target_semaphore(%arg9 : memref<!tpu.dma_semaphore, #tpu.memory_space<semaphore_mem>>)
    %scan3A_137 = arith.constant 0 : i32
    %scan3A_138 = arith.constant 1 : i32
    %scan3A_139 = arith.constant 12 : i32
    %scan3A_140 = arith.addi %scan3A_138, %scan3A_139 : i32
    %scan3A_141 = arith.constant 1 : i32
    %scan3A_142 = scf.for %scan3A_227 = %scan3A_138 to %scan3A_140 step %scan3A_141 iter_args(%scan3A_228 = %scan3A_137) -> (i32)  : i32 {
      %mul3A_229 = arith.constant 2 : i32
      %mul3A_230 = arith.muli %mul3A_229, %scan3A_227 : i32
      %add3A_231 = arith.addi %mul3A_2, %mul3A_230 : i32
      %dma_wait3A_232 = arith.constant 0 : i32
      %dma_wait3A_233 = arith.constant 0 : i32
      %dma_wait3A_234 = tpu.memref_slice %arg2[%mul3A_2, %dma_wait3A_232, %dma_wait3A_233] : memref<896x96x96xf32, #tpu.memory_space<hbm>> -> memref<1x96x96xf32, #tpu.memory_space<hbm>>
      %dma_wait3A_235 = tpu.memref_squeeze %dma_wait3A_234 : memref<1x96x96xf32, #tpu.memory_space<hbm>> -> memref<96x96xf32, #tpu.memory_space<hbm>>
      %dma_wait3A_236 = arith.constant 0 : i32
      %dma_wait3A_237 = arith.constant 0 : i32
      %dma_wait3A_238 = tpu.memref_slice %arg2[%mul3A_2, %dma_wait3A_236, %dma_wait3A_237] : memref<896x96x96xf32, #tpu.memory_space<hbm>> -> memref<1x96x96xf32, #tpu.memory_space<hbm>>
      %dma_wait3A_239 = tpu.memref_squeeze %dma_wait3A_238 : memref<1x96x96xf32, #tpu.memory_space<hbm>> -> memref<96x96xf32, #tpu.memory_space<hbm>>
      tpu.wait_dma2 semaphore(%arg8 : memref<!tpu.dma_semaphore, #tpu.memory_space<semaphore_mem>>) src(%dma_wait3A_239 : memref<96x96xf32, #tpu.memory_space<hbm>>) dst(%arg4 : memref<96x96xf32, #tpu.memory_space<vmem>>)
      %dma_wait3A_240 = arith.constant 0 : i32
      %dma_wait3A_241 = arith.constant 0 : i32
      %dma_wait3A_242 = tpu.memref_slice %arg3[%mul3A_2, %dma_wait3A_240, %dma_wait3A_241] : memref<896x192x192xf32, #tpu.memory_space<hbm>> -> memref<1x192x192xf32, #tpu.memory_space<hbm>>
      %dma_wait3A_243 = tpu.memref_squeeze %dma_wait3A_242 : memref<1x192x192xf32, #tpu.memory_space<hbm>> -> memref<192x192xf32, #tpu.memory_space<hbm>>
      %dma_wait3A_244 = arith.constant 0 : i32
      %dma_wait3A_245 = arith.constant 0 : i32
      %dma_wait3A_246 = tpu.memref_slice %arg3[%mul3A_2, %dma_wait3A_244, %dma_wait3A_245] : memref<896x192x192xf32, #tpu.memory_space<hbm>> -> memref<1x192x192xf32, #tpu.memory_space<hbm>>
      %dma_wait3A_247 = tpu.memref_squeeze %dma_wait3A_246 : memref<1x192x192xf32, #tpu.memory_space<hbm>> -> memref<192x192xf32, #tpu.memory_space<hbm>>
      tpu.wait_dma2 semaphore(%arg10 : memref<!tpu.dma_semaphore, #tpu.memory_space<semaphore_mem>>) src(%arg6 : memref<192x192xf32, #tpu.memory_space<vmem>>) dst(%dma_wait3A_247 : memref<192x192xf32, #tpu.memory_space<hbm>>)
      %scan3A_248 = arith.constant 0 : i32
      %scan3A_249 = arith.constant 0 : i32
      %scan3A_250 = arith.constant 12 : i32
      %scan3A_251 = arith.addi %scan3A_249, %scan3A_250 : i32
      %scan3A_252 = arith.constant 1 : i32
      %scan3A_253 = scf.for %scan3A_317 = %scan3A_249 to %scan3A_251 step %scan3A_252 iter_args(%scan3A_318 = %scan3A_248) -> (i32)  : i32 {
        %mul3A_319 = arith.constant 8 : i32
        %mul3A_320 = arith.muli %scan3A_317, %mul3A_319 : i32
        %add3A_321 = arith.constant 0 : i32
        %add3A_322 = arith.addi %mul3A_320, %add3A_321 : i32
        %mul3A_323 = arith.constant 2 : i32
        %mul3A_324 = arith.muli %mul3A_323, %add3A_322 : i32
        %add3A_325 = arith.constant 1 : i32
        %add3A_326 = arith.addi %mul3A_324, %add3A_325 : i32
        %broadcast_in_dim3A_327 = vector.broadcast %add3A_326 : i32 to vector<16xi32>
        %get3A = arith.index_cast %add3A_322 : i32 to index
        %get3A_328 = arith.constant 0 : index
        %get3A_329 = tpu.vector_load %arg4[%get3A, %get3A_328] {strides = array<i32>} : memref<96x96xf32, #tpu.memory_space<vmem>>, vector<16xf32>,
        tpu.vector_store_idx %arg6[%broadcast_in_dim3A_327, %add3A_32], %get3A_329 : memref<192x192xf32, #tpu.memory_space<vmem>>[vector<16xi32>, vector<16xi32>], vector<16xf32>,
        %get3A_330 = arith.index_cast %add3A_322 : i32 to index
        %get3A_331 = arith.constant 16 : index
        %get3A_332 = tpu.vector_load %arg4[%get3A_330, %get3A_331] {strides = array<i32>} : memref<96x96xf32, #tpu.memory_space<vmem>>, vector<16xf32>,
        tpu.vector_store_idx %arg6[%broadcast_in_dim3A_327, %add3A_38], %get3A_332 : memref<192x192xf32, #tpu.memory_space<vmem>>[vector<16xi32>, vector<16xi32>], vector<16xf32>,
        %get3A_333 = arith.index_cast %add3A_322 : i32 to index
        %get3A_334 = arith.constant 32 : index
        %get3A_335 = tpu.vector_load %arg4[%get3A_333, %get3A_334] {strides = array<i32>} : memref<96x96xf32, #tpu.memory_space<vmem>>, vector<16xf32>,
        tpu.vector_store_idx %arg6[%broadcast_in_dim3A_327, %add3A_44], %get3A_335 : memref<192x192xf32, #tpu.memory_space<vmem>>[vector<16xi32>, vector<16xi32>], vector<16xf32>,
        %get3A_336 = arith.index_cast %add3A_322 : i32 to index
        %get3A_337 = arith.constant 48 : index
        %get3A_338 = tpu.vector_load %arg4[%get3A_336, %get3A_337] {strides = array<i32>} : memref<96x96xf32, #tpu.memory_space<vmem>>, vector<16xf32>,
        tpu.vector_store_idx %arg6[%broadcast_in_dim3A_327, %add3A_50], %get3A_338 : memref<192x192xf32, #tpu.memory_space<vmem>>[vector<16xi32>, vector<16xi32>], vector<16xf32>,
        %get3A_339 = arith.index_cast %add3A_322 : i32 to index
        %get3A_340 = arith.constant 64 : index
        %get3A_341 = tpu.vector_load %arg4[%get3A_339, %get3A_340] {strides = array<i32>} : memref<96x96xf32, #tpu.memory_space<vmem>>, vector<16xf32>,
        tpu.vector_store_idx %arg6[%broadcast_in_dim3A_327, %add3A_56], %get3A_341 : memref<192x192xf32, #tpu.memory_space<vmem>>[vector<16xi32>, vector<16xi32>], vector<16xf32>,
        %get3A_342 = arith.index_cast %add3A_322 : i32 to index
        %get3A_343 = arith.constant 80 : index
        %get3A_344 = tpu.vector_load %arg4[%get3A_342, %get3A_343] {strides = array<i32>} : memref<96x96xf32, #tpu.memory_space<vmem>>, vector<16xf32>,
        tpu.vector_store_idx %arg6[%broadcast_in_dim3A_327, %add3A_62], %get3A_344 : memref<192x192xf32, #tpu.memory_space<vmem>>[vector<16xi32>, vector<16xi32>], vector<16xf32>,
        %mul3A_345 = arith.constant 8 : i32
        %mul3A_346 = arith.muli %scan3A_317, %mul3A_345 : i32
        %add3A_347 = arith.constant 1 : i32
        %add3A_348 = arith.addi %mul3A_346, %add3A_347 : i32
        %mul3A_349 = arith.constant 2 : i32
        %mul3A_350 = arith.muli %mul3A_349, %add3A_348 : i32
        %add3A_351 = arith.constant 1 : i32
        %add3A_352 = arith.addi %mul3A_350, %add3A_351 : i32
        %broadcast_in_dim3A_353 = vector.broadcast %add3A_352 : i32 to vector<16xi32>
        %get3A_354 = arith.index_cast %add3A_348 : i32 to index
        %get3A_355 = arith.constant 0 : index
        %get3A_356 = tpu.vector_load %arg4[%get3A_354, %get3A_355] {strides = array<i32>} : memref<96x96xf32, #tpu.memory_space<vmem>>, vector<16xf32>,
        tpu.vector_store_idx %arg6[%broadcast_in_dim3A_353, %add3A_32], %get3A_356 : memref<192x192xf32, #tpu.memory_space<vmem>>[vector<16xi32>, vector<16xi32>], vector<16xf32>,
        %get3A_357 = arith.index_cast %add3A_348 : i32 to index
        %get3A_358 = arith.constant 16 : index
        %get3A_359 = tpu.vector_load %arg4[%get3A_357, %get3A_358] {strides = array<i32>} : memref<96x96xf32, #tpu.memory_space<vmem>>, vector<16xf32>,
        tpu.vector_store_idx %arg6[%broadcast_in_dim3A_353, %add3A_38], %get3A_359 : memref<192x192xf32, #tpu.memory_space<vmem>>[vector<16xi32>, vector<16xi32>], vector<16xf32>,
        %get3A_360 = arith.index_cast %add3A_348 : i32 to index
        %get3A_361 = arith.constant 32 : index
        %get3A_362 = tpu.vector_load %arg4[%get3A_360, %get3A_361] {strides = array<i32>} : memref<96x96xf32, #tpu.memory_space<vmem>>, vector<16xf32>,
        tpu.vector_store_idx %arg6[%broadcast_in_dim3A_353, %add3A_44], %get3A_362 : memref<192x192xf32, #tpu.memory_space<vmem>>[vector<16xi32>, vector<16xi32>], vector<16xf32>,
        %get3A_363 = arith.index_cast %add3A_348 : i32 to index
        %get3A_364 = arith.constant 48 : index
        %get3A_365 = tpu.vector_load %arg4[%get3A_363, %get3A_364] {strides = array<i32>} : memref<96x96xf32, #tpu.memory_space<vmem>>, vector<16xf32>,
        tpu.vector_store_idx %arg6[%broadcast_in_dim3A_353, %add3A_50], %get3A_365 : memref<192x192xf32, #tpu.memory_space<vmem>>[vector<16xi32>, vector<16xi32>], vector<16xf32>,
        %get3A_366 = arith.index_cast %add3A_348 : i32 to index
        %get3A_367 = arith.constant 64 : index
        %get3A_368 = tpu.vector_load %arg4[%get3A_366, %get3A_367] {strides = array<i32>} : memref<96x96xf32, #tpu.memory_space<vmem>>, vector<16xf32>,
        tpu.vector_store_idx %arg6[%broadcast_in_dim3A_353, %add3A_56], %get3A_368 : memref<192x192xf32, #tpu.memory_space<vmem>>[vector<16xi32>, vector<16xi32>], vector<16xf32>,
        %get3A_369 = arith.index_cast %add3A_348 : i32 to index
        %get3A_370 = arith.constant 80 : index
        %get3A_371 = tpu.vector_load %arg4[%get3A_369, %get3A_370] {strides = array<i32>} : memref<96x96xf32, #tpu.memory_space<vmem>>, vector<16xf32>,
        tpu.vector_store_idx %arg6[%broadcast_in_dim3A_353, %add3A_62], %get3A_371 : memref<192x192xf32, #tpu.memory_space<vmem>>[vector<16xi32>, vector<16xi32>], vector<16xf32>,
        %mul3A_372 = arith.constant 8 : i32
        %mul3A_373 = arith.muli %scan3A_317, %mul3A_372 : i32
        %add3A_374 = arith.constant 2 : i32
        %add3A_375 = arith.addi %mul3A_373, %add3A_374 : i32
        %mul3A_376 = arith.constant 2 : i32
        %mul3A_377 = arith.muli %mul3A_376, %add3A_375 : i32
        %add3A_378 = arith.constant 1 : i32
        %add3A_379 = arith.addi %mul3A_377, %add3A_378 : i32
        %broadcast_in_dim3A_380 = vector.broadcast %add3A_379 : i32 to vector<16xi32>
        %get3A_381 = arith.index_cast %add3A_375 : i32 to index
        %get3A_382 = arith.constant 0 : index
        %get3A_383 = tpu.vector_load %arg4[%get3A_381, %get3A_382] {strides = array<i32>} : memref<96x96xf32, #tpu.memory_space<vmem>>, vector<16xf32>,
        tpu.vector_store_idx %arg6[%broadcast_in_dim3A_380, %add3A_32], %get3A_383 : memref<192x192xf32, #tpu.memory_space<vmem>>[vector<16xi32>, vector<16xi32>], vector<16xf32>,
        %get3A_384 = arith.index_cast %add3A_375 : i32 to index
        %get3A_385 = arith.constant 16 : index
        %get3A_386 = tpu.vector_load %arg4[%get3A_384, %get3A_385] {strides = array<i32>} : memref<96x96xf32, #tpu.memory_space<vmem>>, vector<16xf32>,
        tpu.vector_store_idx %arg6[%broadcast_in_dim3A_380, %add3A_38], %get3A_386 : memref<192x192xf32, #tpu.memory_space<vmem>>[vector<16xi32>, vector<16xi32>], vector<16xf32>,
        %get3A_387 = arith.index_cast %add3A_375 : i32 to index
        %get3A_388 = arith.constant 32 : index
        %get3A_389 = tpu.vector_load %arg4[%get3A_387, %get3A_388] {strides = array<i32>} : memref<96x96xf32, #tpu.memory_space<vmem>>, vector<16xf32>,
        tpu.vector_store_idx %arg6[%broadcast_in_dim3A_380, %add3A_44], %get3A_389 : memref<192x192xf32, #tpu.memory_space<vmem>>[vector<16xi32>, vector<16xi32>], vector<16xf32>,
        %get3A_390 = arith.index_cast %add3A_375 : i32 to index
        %get3A_391 = arith.constant 48 : index
        %get3A_392 = tpu.vector_load %arg4[%get3A_390, %get3A_391] {strides = array<i32>} : memref<96x96xf32, #tpu.memory_space<vmem>>, vector<16xf32>,
        tpu.vector_store_idx %arg6[%broadcast_in_dim3A_380, %add3A_50], %get3A_392 : memref<192x192xf32, #tpu.memory_space<vmem>>[vector<16xi32>, vector<16xi32>], vector<16xf32>,
        %get3A_393 = arith.index_cast %add3A_375 : i32 to index
        %get3A_394 = arith.constant 64 : index
        %get3A_395 = tpu.vector_load %arg4[%get3A_393, %get3A_394] {strides = array<i32>} : memref<96x96xf32, #tpu.memory_space<vmem>>, vector<16xf32>,
        tpu.vector_store_idx %arg6[%broadcast_in_dim3A_380, %add3A_56], %get3A_395 : memref<192x192xf32, #tpu.memory_space<vmem>>[vector<16xi32>, vector<16xi32>], vector<16xf32>,
        %get3A_396 = arith.index_cast %add3A_375 : i32 to index
        %get3A_397 = arith.constant 80 : index
        %get3A_398 = tpu.vector_load %arg4[%get3A_396, %get3A_397] {strides = array<i32>} : memref<96x96xf32, #tpu.memory_space<vmem>>, vector<16xf32>,
        tpu.vector_store_idx %arg6[%broadcast_in_dim3A_380, %add3A_62], %get3A_398 : memref<192x192xf32, #tpu.memory_space<vmem>>[vector<16xi32>, vector<16xi32>], vector<16xf32>,
        %mul3A_399 = arith.constant 8 : i32
        %mul3A_400 = arith.muli %scan3A_317, %mul3A_399 : i32
        %add3A_401 = arith.constant 3 : i32
        %add3A_402 = arith.addi %mul3A_400, %add3A_401 : i32
        %mul3A_403 = arith.constant 2 : i32
        %mul3A_404 = arith.muli %mul3A_403, %add3A_402 : i32
        %add3A_405 = arith.constant 1 : i32
        %add3A_406 = arith.addi %mul3A_404, %add3A_405 : i32
        %broadcast_in_dim3A_407 = vector.broadcast %add3A_406 : i32 to vector<16xi32>
        %get3A_408 = arith.index_cast %add3A_402 : i32 to index
        %get3A_409 = arith.constant 0 : index
        %get3A_410 = tpu.vector_load %arg4[%get3A_408, %get3A_409] {strides = array<i32>} : memref<96x96xf32, #tpu.memory_space<vmem>>, vector<16xf32>,
        tpu.vector_store_idx %arg6[%broadcast_in_dim3A_407, %add3A_32], %get3A_410 : memref<192x192xf32, #tpu.memory_space<vmem>>[vector<16xi32>, vector<16xi32>], vector<16xf32>,
        %get3A_411 = arith.index_cast %add3A_402 : i32 to index
        %get3A_412 = arith.constant 16 : index
        %get3A_413 = tpu.vector_load %arg4[%get3A_411, %get3A_412] {strides = array<i32>} : memref<96x96xf32, #tpu.memory_space<vmem>>, vector<16xf32>,
        tpu.vector_store_idx %arg6[%broadcast_in_dim3A_407, %add3A_38], %get3A_413 : memref<192x192xf32, #tpu.memory_space<vmem>>[vector<16xi32>, vector<16xi32>], vector<16xf32>,
        %get3A_414 = arith.index_cast %add3A_402 : i32 to index
        %get3A_415 = arith.constant 32 : index
        %get3A_416 = tpu.vector_load %arg4[%get3A_414, %get3A_415] {strides = array<i32>} : memref<96x96xf32, #tpu.memory_space<vmem>>, vector<16xf32>,
        tpu.vector_store_idx %arg6[%broadcast_in_dim3A_407, %add3A_44], %get3A_416 : memref<192x192xf32, #tpu.memory_space<vmem>>[vector<16xi32>, vector<16xi32>], vector<16xf32>,
        %get3A_417 = arith.index_cast %add3A_402 : i32 to index
        %get3A_418 = arith.constant 48 : index
        %get3A_419 = tpu.vector_load %arg4[%get3A_417, %get3A_418] {strides = array<i32>} : memref<96x96xf32, #tpu.memory_space<vmem>>, vector<16xf32>,
        tpu.vector_store_idx %arg6[%broadcast_in_dim3A_407, %add3A_50], %get3A_419 : memref<192x192xf32, #tpu.memory_space<vmem>>[vector<16xi32>, vector<16xi32>], vector<16xf32>,
        %get3A_420 = arith.index_cast %add3A_402 : i32 to index
        %get3A_421 = arith.constant 64 : index
        %get3A_422 = tpu.vector_load %arg4[%get3A_420, %get3A_421] {strides = array<i32>} : memref<96x96xf32, #tpu.memory_space<vmem>>, vector<16xf32>,
        tpu.vector_store_idx %arg6[%broadcast_in_dim3A_407, %add3A_56], %get3A_422 : memref<192x192xf32, #tpu.memory_space<vmem>>[vector<16xi32>, vector<16xi32>], vector<16xf32>,
        %get3A_423 = arith.index_cast %add3A_402 : i32 to index
        %get3A_424 = arith.constant 80 : index
        %get3A_425 = tpu.vector_load %arg4[%get3A_423, %get3A_424] {strides = array<i32>} : memref<96x96xf32, #tpu.memory_space<vmem>>, vector<16xf32>,
        tpu.vector_store_idx %arg6[%broadcast_in_dim3A_407, %add3A_62], %get3A_425 : memref<192x192xf32, #tpu.memory_space<vmem>>[vector<16xi32>, vector<16xi32>], vector<16xf32>,
        %mul3A_426 = arith.constant 8 : i32
        %mul3A_427 = arith.muli %scan3A_317, %mul3A_426 : i32
        %add3A_428 = arith.constant 4 : i32
        %add3A_429 = arith.addi %mul3A_427, %add3A_428 : i32
        %mul3A_430 = arith.constant 2 : i32
        %mul3A_431 = arith.muli %mul3A_430, %add3A_429 : i32
        %add3A_432 = arith.constant 1 : i32
        %add3A_433 = arith.addi %mul3A_431, %add3A_432 : i32
        %broadcast_in_dim3A_434 = vector.broadcast %add3A_433 : i32 to vector<16xi32>
        %get3A_435 = arith.index_cast %add3A_429 : i32 to index
        %get3A_436 = arith.constant 0 : index
        %get3A_437 = tpu.vector_load %arg4[%get3A_435, %get3A_436] {strides = array<i32>} : memref<96x96xf32, #tpu.memory_space<vmem>>, vector<16xf32>,
        tpu.vector_store_idx %arg6[%broadcast_in_dim3A_434, %add3A_32], %get3A_437 : memref<192x192xf32, #tpu.memory_space<vmem>>[vector<16xi32>, vector<16xi32>], vector<16xf32>,
        %get3A_438 = arith.index_cast %add3A_429 : i32 to index
        %get3A_439 = arith.constant 16 : index
        %get3A_440 = tpu.vector_load %arg4[%get3A_438, %get3A_439] {strides = array<i32>} : memref<96x96xf32, #tpu.memory_space<vmem>>, vector<16xf32>,
        tpu.vector_store_idx %arg6[%broadcast_in_dim3A_434, %add3A_38], %get3A_440 : memref<192x192xf32, #tpu.memory_space<vmem>>[vector<16xi32>, vector<16xi32>], vector<16xf32>,
        %get3A_441 = arith.index_cast %add3A_429 : i32 to index
        %get3A_442 = arith.constant 32 : index
        %get3A_443 = tpu.vector_load %arg4[%get3A_441, %get3A_442] {strides = array<i32>} : memref<96x96xf32, #tpu.memory_space<vmem>>, vector<16xf32>,
        tpu.vector_store_idx %arg6[%broadcast_in_dim3A_434, %add3A_44], %get3A_443 : memref<192x192xf32, #tpu.memory_space<vmem>>[vector<16xi32>, vector<16xi32>], vector<16xf32>,
        %get3A_444 = arith.index_cast %add3A_429 : i32 to index
        %get3A_445 = arith.constant 48 : index
        %get3A_446 = tpu.vector_load %arg4[%get3A_444, %get3A_445] {strides = array<i32>} : memref<96x96xf32, #tpu.memory_space<vmem>>, vector<16xf32>,
        tpu.vector_store_idx %arg6[%broadcast_in_dim3A_434, %add3A_50], %get3A_446 : memref<192x192xf32, #tpu.memory_space<vmem>>[vector<16xi32>, vector<16xi32>], vector<16xf32>,
        %get3A_447 = arith.index_cast %add3A_429 : i32 to index
        %get3A_448 = arith.constant 64 : index
        %get3A_449 = tpu.vector_load %arg4[%get3A_447, %get3A_448] {strides = array<i32>} : memref<96x96xf32, #tpu.memory_space<vmem>>, vector<16xf32>,
        tpu.vector_store_idx %arg6[%broadcast_in_dim3A_434, %add3A_56], %get3A_449 : memref<192x192xf32, #tpu.memory_space<vmem>>[vector<16xi32>, vector<16xi32>], vector<16xf32>,
        %get3A_450 = arith.index_cast %add3A_429 : i32 to index
        %get3A_451 = arith.constant 80 : index
        %get3A_452 = tpu.vector_load %arg4[%get3A_450, %get3A_451] {strides = array<i32>} : memref<96x96xf32, #tpu.memory_space<vmem>>, vector<16xf32>,
        tpu.vector_store_idx %arg6[%broadcast_in_dim3A_434, %add3A_62], %get3A_452 : memref<192x192xf32, #tpu.memory_space<vmem>>[vector<16xi32>, vector<16xi32>], vector<16xf32>,
        %mul3A_453 = arith.constant 8 : i32
        %mul3A_454 = arith.muli %scan3A_317, %mul3A_453 : i32
        %add3A_455 = arith.constant 5 : i32
        %add3A_456 = arith.addi %mul3A_454, %add3A_455 : i32
        %mul3A_457 = arith.constant 2 : i32
        %mul3A_458 = arith.muli %mul3A_457, %add3A_456 : i32
        %add3A_459 = arith.constant 1 : i32
        %add3A_460 = arith.addi %mul3A_458, %add3A_459 : i32
        %broadcast_in_dim3A_461 = vector.broadcast %add3A_460 : i32 to vector<16xi32>
        %get3A_462 = arith.index_cast %add3A_456 : i32 to index
        %get3A_463 = arith.constant 0 : index
        %get3A_464 = tpu.vector_load %arg4[%get3A_462, %get3A_463] {strides = array<i32>} : memref<96x96xf32, #tpu.memory_space<vmem>>, vector<16xf32>,
        tpu.vector_store_idx %arg6[%broadcast_in_dim3A_461, %add3A_32], %get3A_464 : memref<192x192xf32, #tpu.memory_space<vmem>>[vector<16xi32>, vector<16xi32>], vector<16xf32>,
        %get3A_465 = arith.index_cast %add3A_456 : i32 to index
        %get3A_466 = arith.constant 16 : index
        %get3A_467 = tpu.vector_load %arg4[%get3A_465, %get3A_466] {strides = array<i32>} : memref<96x96xf32, #tpu.memory_space<vmem>>, vector<16xf32>,
        tpu.vector_store_idx %arg6[%broadcast_in_dim3A_461, %add3A_38], %get3A_467 : memref<192x192xf32, #tpu.memory_space<vmem>>[vector<16xi32>, vector<16xi32>], vector<16xf32>,
        %get3A_468 = arith.index_cast %add3A_456 : i32 to index
        %get3A_469 = arith.constant 32 : index
        %get3A_470 = tpu.vector_load %arg4[%get3A_468, %get3A_469] {strides = array<i32>} : memref<96x96xf32, #tpu.memory_space<vmem>>, vector<16xf32>,
        tpu.vector_store_idx %arg6[%broadcast_in_dim3A_461, %add3A_44], %get3A_470 : memref<192x192xf32, #tpu.memory_space<vmem>>[vector<16xi32>, vector<16xi32>], vector<16xf32>,
        %get3A_471 = arith.index_cast %add3A_456 : i32 to index
        %get3A_472 = arith.constant 48 : index
        %get3A_473 = tpu.vector_load %arg4[%get3A_471, %get3A_472] {strides = array<i32>} : memref<96x96xf32, #tpu.memory_space<vmem>>, vector<16xf32>,
        tpu.vector_store_idx %arg6[%broadcast_in_dim3A_461, %add3A_50], %get3A_473 : memref<192x192xf32, #tpu.memory_space<vmem>>[vector<16xi32>, vector<16xi32>], vector<16xf32>,
        %get3A_474 = arith.index_cast %add3A_456 : i32 to index
        %get3A_475 = arith.constant 64 : index
        %get3A_476 = tpu.vector_load %arg4[%get3A_474, %get3A_475] {strides = array<i32>} : memref<96x96xf32, #tpu.memory_space<vmem>>, vector<16xf32>,
        tpu.vector_store_idx %arg6[%broadcast_in_dim3A_461, %add3A_56], %get3A_476 : memref<192x192xf32, #tpu.memory_space<vmem>>[vector<16xi32>, vector<16xi32>], vector<16xf32>,
        %get3A_477 = arith.index_cast %add3A_456 : i32 to index
        %get3A_478 = arith.constant 80 : index
        %get3A_479 = tpu.vector_load %arg4[%get3A_477, %get3A_478] {strides = array<i32>} : memref<96x96xf32, #tpu.memory_space<vmem>>, vector<16xf32>,
        tpu.vector_store_idx %arg6[%broadcast_in_dim3A_461, %add3A_62], %get3A_479 : memref<192x192xf32, #tpu.memory_space<vmem>>[vector<16xi32>, vector<16xi32>], vector<16xf32>,
        %mul3A_480 = arith.constant 8 : i32
        %mul3A_481 = arith.muli %scan3A_317, %mul3A_480 : i32
        %add3A_482 = arith.constant 6 : i32
        %add3A_483 = arith.addi %mul3A_481, %add3A_482 : i32
        %mul3A_484 = arith.constant 2 : i32
        %mul3A_485 = arith.muli %mul3A_484, %add3A_483 : i32
        %add3A_486 = arith.constant 1 : i32
        %add3A_487 = arith.addi %mul3A_485, %add3A_486 : i32
        %broadcast_in_dim3A_488 = vector.broadcast %add3A_487 : i32 to vector<16xi32>
        %get3A_489 = arith.index_cast %add3A_483 : i32 to index
        %get3A_490 = arith.constant 0 : index
        %get3A_491 = tpu.vector_load %arg4[%get3A_489, %get3A_490] {strides = array<i32>} : memref<96x96xf32, #tpu.memory_space<vmem>>, vector<16xf32>,
        tpu.vector_store_idx %arg6[%broadcast_in_dim3A_488, %add3A_32], %get3A_491 : memref<192x192xf32, #tpu.memory_space<vmem>>[vector<16xi32>, vector<16xi32>], vector<16xf32>,
        %get3A_492 = arith.index_cast %add3A_483 : i32 to index
        %get3A_493 = arith.constant 16 : index
        %get3A_494 = tpu.vector_load %arg4[%get3A_492, %get3A_493] {strides = array<i32>} : memref<96x96xf32, #tpu.memory_space<vmem>>, vector<16xf32>,
        tpu.vector_store_idx %arg6[%broadcast_in_dim3A_488, %add3A_38], %get3A_494 : memref<192x192xf32, #tpu.memory_space<vmem>>[vector<16xi32>, vector<16xi32>], vector<16xf32>,
        %get3A_495 = arith.index_cast %add3A_483 : i32 to index
        %get3A_496 = arith.constant 32 : index
        %get3A_497 = tpu.vector_load %arg4[%get3A_495, %get3A_496] {strides = array<i32>} : memref<96x96xf32, #tpu.memory_space<vmem>>, vector<16xf32>,
        tpu.vector_store_idx %arg6[%broadcast_in_dim3A_488, %add3A_44], %get3A_497 : memref<192x192xf32, #tpu.memory_space<vmem>>[vector<16xi32>, vector<16xi32>], vector<16xf32>,
        %get3A_498 = arith.index_cast %add3A_483 : i32 to index
        %get3A_499 = arith.constant 48 : index
        %get3A_500 = tpu.vector_load %arg4[%get3A_498, %get3A_499] {strides = array<i32>} : memref<96x96xf32, #tpu.memory_space<vmem>>, vector<16xf32>,
        tpu.vector_store_idx %arg6[%broadcast_in_dim3A_488, %add3A_50], %get3A_500 : memref<192x192xf32, #tpu.memory_space<vmem>>[vector<16xi32>, vector<16xi32>], vector<16xf32>,
        %get3A_501 = arith.index_cast %add3A_483 : i32 to index
        %get3A_502 = arith.constant 64 : index
        %get3A_503 = tpu.vector_load %arg4[%get3A_501, %get3A_502] {strides = array<i32>} : memref<96x96xf32, #tpu.memory_space<vmem>>, vector<16xf32>,
        tpu.vector_store_idx %arg6[%broadcast_in_dim3A_488, %add3A_56], %get3A_503 : memref<192x192xf32, #tpu.memory_space<vmem>>[vector<16xi32>, vector<16xi32>], vector<16xf32>,
        %get3A_504 = arith.index_cast %add3A_483 : i32 to index
        %get3A_505 = arith.constant 80 : index
        %get3A_506 = tpu.vector_load %arg4[%get3A_504, %get3A_505] {strides = array<i32>} : memref<96x96xf32, #tpu.memory_space<vmem>>, vector<16xf32>,
        tpu.vector_store_idx %arg6[%broadcast_in_dim3A_488, %add3A_62], %get3A_506 : memref<192x192xf32, #tpu.memory_space<vmem>>[vector<16xi32>, vector<16xi32>], vector<16xf32>,
        %mul3A_507 = arith.constant 8 : i32
        %mul3A_508 = arith.muli %scan3A_317, %mul3A_507 : i32
        %add3A_509 = arith.constant 7 : i32
        %add3A_510 = arith.addi %mul3A_508, %add3A_509 : i32
        %mul3A_511 = arith.constant 2 : i32
        %mul3A_512 = arith.muli %mul3A_511, %add3A_510 : i32
        %add3A_513 = arith.constant 1 : i32
        %add3A_514 = arith.addi %mul3A_512, %add3A_513 : i32
        %broadcast_in_dim3A_515 = vector.broadcast %add3A_514 : i32 to vector<16xi32>
        %get3A_516 = arith.index_cast %add3A_510 : i32 to index
        %get3A_517 = arith.constant 0 : index
        %get3A_518 = tpu.vector_load %arg4[%get3A_516, %get3A_517] {strides = array<i32>} : memref<96x96xf32, #tpu.memory_space<vmem>>, vector<16xf32>,
        tpu.vector_store_idx %arg6[%broadcast_in_dim3A_515, %add3A_32], %get3A_518 : memref<192x192xf32, #tpu.memory_space<vmem>>[vector<16xi32>, vector<16xi32>], vector<16xf32>,
        %get3A_519 = arith.index_cast %add3A_510 : i32 to index
        %get3A_520 = arith.constant 16 : index
        %get3A_521 = tpu.vector_load %arg4[%get3A_519, %get3A_520] {strides = array<i32>} : memref<96x96xf32, #tpu.memory_space<vmem>>, vector<16xf32>,
        tpu.vector_store_idx %arg6[%broadcast_in_dim3A_515, %add3A_38], %get3A_521 : memref<192x192xf32, #tpu.memory_space<vmem>>[vector<16xi32>, vector<16xi32>], vector<16xf32>,
        %get3A_522 = arith.index_cast %add3A_510 : i32 to index
        %get3A_523 = arith.constant 32 : index
        %get3A_524 = tpu.vector_load %arg4[%get3A_522, %get3A_523] {strides = array<i32>} : memref<96x96xf32, #tpu.memory_space<vmem>>, vector<16xf32>,
        tpu.vector_store_idx %arg6[%broadcast_in_dim3A_515, %add3A_44], %get3A_524 : memref<192x192xf32, #tpu.memory_space<vmem>>[vector<16xi32>, vector<16xi32>], vector<16xf32>,
        %get3A_525 = arith.index_cast %add3A_510 : i32 to index
        %get3A_526 = arith.constant 48 : index
        %get3A_527 = tpu.vector_load %arg4[%get3A_525, %get3A_526] {strides = array<i32>} : memref<96x96xf32, #tpu.memory_space<vmem>>, vector<16xf32>,
        tpu.vector_store_idx %arg6[%broadcast_in_dim3A_515, %add3A_50], %get3A_527 : memref<192x192xf32, #tpu.memory_space<vmem>>[vector<16xi32>, vector<16xi32>], vector<16xf32>,
        %get3A_528 = arith.index_cast %add3A_510 : i32 to index
        %get3A_529 = arith.constant 64 : index
        %get3A_530 = tpu.vector_load %arg4[%get3A_528, %get3A_529] {strides = array<i32>} : memref<96x96xf32, #tpu.memory_space<vmem>>, vector<16xf32>,
        tpu.vector_store_idx %arg6[%broadcast_in_dim3A_515, %add3A_56], %get3A_530 : memref<192x192xf32, #tpu.memory_space<vmem>>[vector<16xi32>, vector<16xi32>], vector<16xf32>,
        %get3A_531 = arith.index_cast %add3A_510 : i32 to index
        %get3A_532 = arith.constant 80 : index
        %get3A_533 = tpu.vector_load %arg4[%get3A_531, %get3A_532] {strides = array<i32>} : memref<96x96xf32, #tpu.memory_space<vmem>>, vector<16xf32>,
        tpu.vector_store_idx %arg6[%broadcast_in_dim3A_515, %add3A_62], %get3A_533 : memref<192x192xf32, #tpu.memory_space<vmem>>[vector<16xi32>, vector<16xi32>], vector<16xf32>,
        %scan3A_534 = arith.constant 0 : i32
        scf.yield %scan3A_534 : i32
      }
      %scan3A_254 = arith.constant 12 : i32
      %dma_start3A_255 = arith.constant 0 : i32
      %dma_start3A_256 = arith.constant 0 : i32
      %dma_start3A_257 = tpu.memref_slice %arg3[%add3A_231, %dma_start3A_255, %dma_start3A_256] : memref<896x192x192xf32, #tpu.memory_space<hbm>> -> memref<1x192x192xf32, #tpu.memory_space<hbm>>
      %dma_start3A_258 = tpu.memref_squeeze %dma_start3A_257 : memref<1x192x192xf32, #tpu.memory_space<hbm>> -> memref<192x192xf32, #tpu.memory_space<hbm>>
      %dma_start3A_259 = arith.constant 0 : i32
      %dma_start3A_260 = arith.constant 0 : i32
      %dma_start3A_261 = tpu.memref_slice %arg3[%add3A_231, %dma_start3A_259, %dma_start3A_260] : memref<896x192x192xf32, #tpu.memory_space<hbm>> -> memref<1x192x192xf32, #tpu.memory_space<hbm>>
      %dma_start3A_262 = tpu.memref_squeeze %dma_start3A_261 : memref<1x192x192xf32, #tpu.memory_space<hbm>> -> memref<192x192xf32, #tpu.memory_space<hbm>>
      tpu.enqueue_dma source(%arg6 : memref<192x192xf32, #tpu.memory_space<vmem>>) target(%dma_start3A_262 : memref<192x192xf32, #tpu.memory_space<hbm>>) target_semaphore(%arg10 : memref<!tpu.dma_semaphore, #tpu.memory_space<semaphore_mem>>)
      %add3A_263 = arith.constant 2 : i32
      %add3A_264 = arith.addi %add3A_231, %add3A_263 : i32
      %dma_start3A_265 = arith.constant 0 : i32
      %dma_start3A_266 = arith.constant 0 : i32
      %dma_start3A_267 = tpu.memref_slice %arg2[%add3A_264, %dma_start3A_265, %dma_start3A_266] : memref<896x96x96xf32, #tpu.memory_space<hbm>> -> memref<1x96x96xf32, #tpu.memory_space<hbm>>
      %dma_start3A_268 = tpu.memref_squeeze %dma_start3A_267 : memref<1x96x96xf32, #tpu.memory_space<hbm>> -> memref<96x96xf32, #tpu.memory_space<hbm>>
      %dma_start3A_269 = arith.constant 0 : i32
      %dma_start3A_270 = arith.constant 0 : i32
      %dma_start3A_271 = tpu.memref_slice %arg2[%add3A_264, %dma_start3A_269, %dma_start3A_270] : memref<896x96x96xf32, #tpu.memory_space<hbm>> -> memref<1x96x96xf32, #tpu.memory_space<hbm>>
      %dma_start3A_272 = tpu.memref_squeeze %dma_start3A_271 : memref<1x96x96xf32, #tpu.memory_space<hbm>> -> memref<96x96xf32, #tpu.memory_space<hbm>>
      tpu.enqueue_dma source(%dma_start3A_272 : memref<96x96xf32, #tpu.memory_space<hbm>>) target(%arg4 : memref<96x96xf32, #tpu.memory_space<vmem>>) target_semaphore(%arg8 : memref<!tpu.dma_semaphore, #tpu.memory_space<semaphore_mem>>)
      %dma_wait3A_273 = arith.constant 0 : i32
      %dma_wait3A_274 = arith.constant 0 : i32
      %dma_wait3A_275 = tpu.memref_slice %arg2[%mul3A_2, %dma_wait3A_273, %dma_wait3A_274] : memref<896x96x96xf32, #tpu.memory_space<hbm>> -> memref<1x96x96xf32, #tpu.memory_space<hbm>>
      %dma_wait3A_276 = tpu.memref_squeeze %dma_wait3A_275 : memref<1x96x96xf32, #tpu.memory_space<hbm>> -> memref<96x96xf32, #tpu.memory_space<hbm>>
      %dma_wait3A_277 = arith.constant 0 : i32
      %dma_wait3A_278 = arith.constant 0 : i32
      %dma_wait3A_279 = tpu.memref_slice %arg2[%mul3A_2, %dma_wait3A_277, %dma_wait3A_278] : memref<896x96x96xf32, #tpu.memory_space<hbm>> -> memref<1x96x96xf32, #tpu.memory_space<hbm>>
      %dma_wait3A_280 = tpu.memref_squeeze %dma_wait3A_279 : memref<1x96x96xf32, #tpu.memory_space<hbm>> -> memref<96x96xf32, #tpu.memory_space<hbm>>
      tpu.wait_dma2 semaphore(%arg9 : memref<!tpu.dma_semaphore, #tpu.memory_space<semaphore_mem>>) src(%dma_wait3A_280 : memref<96x96xf32, #tpu.memory_space<hbm>>) dst(%arg5 : memref<96x96xf32, #tpu.memory_space<vmem>>)
      %dma_wait3A_281 = arith.constant 0 : i32
      %dma_wait3A_282 = arith.constant 0 : i32
      %dma_wait3A_283 = tpu.memref_slice %arg3[%mul3A_2, %dma_wait3A_281, %dma_wait3A_282] : memref<896x192x192xf32, #tpu.memory_space<hbm>> -> memref<1x192x192xf32, #tpu.memory_space<hbm>>
      %dma_wait3A_284 = tpu.memref_squeeze %dma_wait3A_283 : memref<1x192x192xf32, #tpu.memory_space<hbm>> -> memref<192x192xf32, #tpu.memory_space<hbm>>
      %dma_wait3A_285 = arith.constant 0 : i32
      %dma_wait3A_286 = arith.constant 0 : i32
      %dma_wait3A_287 = tpu.memref_slice %arg3[%mul3A_2, %dma_wait3A_285, %dma_wait3A_286] : memref<896x192x192xf32, #tpu.memory_space<hbm>> -> memref<1x192x192xf32, #tpu.memory_space<hbm>>
      %dma_wait3A_288 = tpu.memref_squeeze %dma_wait3A_287 : memref<1x192x192xf32, #tpu.memory_space<hbm>> -> memref<192x192xf32, #tpu.memory_space<hbm>>
      tpu.wait_dma2 semaphore(%arg11 : memref<!tpu.dma_semaphore, #tpu.memory_space<semaphore_mem>>) src(%arg7 : memref<192x192xf32, #tpu.memory_space<vmem>>) dst(%dma_wait3A_288 : memref<192x192xf32, #tpu.memory_space<hbm>>)
      %scan3A_289 = arith.constant 0 : i32
      %scan3A_290 = arith.constant 0 : i32
      %scan3A_291 = arith.constant 12 : i32
      %scan3A_292 = arith.addi %scan3A_290, %scan3A_291 : i32
      %scan3A_293 = arith.constant 1 : i32
      %scan3A_294 = scf.for %scan3A_317 = %scan3A_290 to %scan3A_292 step %scan3A_293 iter_args(%scan3A_318 = %scan3A_289) -> (i32)  : i32 {
        %mul3A_319 = arith.constant 8 : i32
        %mul3A_320 = arith.muli %scan3A_317, %mul3A_319 : i32
        %add3A_321 = arith.constant 0 : i32
        %add3A_322 = arith.addi %mul3A_320, %add3A_321 : i32
        %mul3A_323 = arith.constant 2 : i32
        %mul3A_324 = arith.muli %mul3A_323, %add3A_322 : i32
        %add3A_325 = arith.constant 1 : i32
        %add3A_326 = arith.addi %mul3A_324, %add3A_325 : i32
        %broadcast_in_dim3A_327 = vector.broadcast %add3A_326 : i32 to vector<16xi32>
        %get3A = arith.index_cast %add3A_322 : i32 to index
        %get3A_328 = arith.constant 0 : index
        %get3A_329 = tpu.vector_load %arg5[%get3A, %get3A_328] {strides = array<i32>} : memref<96x96xf32, #tpu.memory_space<vmem>>, vector<16xf32>,
        tpu.vector_store_idx %arg7[%broadcast_in_dim3A_327, %add3A_32], %get3A_329 : memref<192x192xf32, #tpu.memory_space<vmem>>[vector<16xi32>, vector<16xi32>], vector<16xf32>,
        %get3A_330 = arith.index_cast %add3A_322 : i32 to index
        %get3A_331 = arith.constant 16 : index
        %get3A_332 = tpu.vector_load %arg5[%get3A_330, %get3A_331] {strides = array<i32>} : memref<96x96xf32, #tpu.memory_space<vmem>>, vector<16xf32>,
        tpu.vector_store_idx %arg7[%broadcast_in_dim3A_327, %add3A_38], %get3A_332 : memref<192x192xf32, #tpu.memory_space<vmem>>[vector<16xi32>, vector<16xi32>], vector<16xf32>,
        %get3A_333 = arith.index_cast %add3A_322 : i32 to index
        %get3A_334 = arith.constant 32 : index
        %get3A_335 = tpu.vector_load %arg5[%get3A_333, %get3A_334] {strides = array<i32>} : memref<96x96xf32, #tpu.memory_space<vmem>>, vector<16xf32>,
        tpu.vector_store_idx %arg7[%broadcast_in_dim3A_327, %add3A_44], %get3A_335 : memref<192x192xf32, #tpu.memory_space<vmem>>[vector<16xi32>, vector<16xi32>], vector<16xf32>,
        %get3A_336 = arith.index_cast %add3A_322 : i32 to index
        %get3A_337 = arith.constant 48 : index
        %get3A_338 = tpu.vector_load %arg5[%get3A_336, %get3A_337] {strides = array<i32>} : memref<96x96xf32, #tpu.memory_space<vmem>>, vector<16xf32>,
        tpu.vector_store_idx %arg7[%broadcast_in_dim3A_327, %add3A_50], %get3A_338 : memref<192x192xf32, #tpu.memory_space<vmem>>[vector<16xi32>, vector<16xi32>], vector<16xf32>,
        %get3A_339 = arith.index_cast %add3A_322 : i32 to index
        %get3A_340 = arith.constant 64 : index
        %get3A_341 = tpu.vector_load %arg5[%get3A_339, %get3A_340] {strides = array<i32>} : memref<96x96xf32, #tpu.memory_space<vmem>>, vector<16xf32>,
        tpu.vector_store_idx %arg7[%broadcast_in_dim3A_327, %add3A_56], %get3A_341 : memref<192x192xf32, #tpu.memory_space<vmem>>[vector<16xi32>, vector<16xi32>], vector<16xf32>,
        %get3A_342 = arith.index_cast %add3A_322 : i32 to index
        %get3A_343 = arith.constant 80 : index
        %get3A_344 = tpu.vector_load %arg5[%get3A_342, %get3A_343] {strides = array<i32>} : memref<96x96xf32, #tpu.memory_space<vmem>>, vector<16xf32>,
        tpu.vector_store_idx %arg7[%broadcast_in_dim3A_327, %add3A_62], %get3A_344 : memref<192x192xf32, #tpu.memory_space<vmem>>[vector<16xi32>, vector<16xi32>], vector<16xf32>,
        %mul3A_345 = arith.constant 8 : i32
        %mul3A_346 = arith.muli %scan3A_317, %mul3A_345 : i32
        %add3A_347 = arith.constant 1 : i32
        %add3A_348 = arith.addi %mul3A_346, %add3A_347 : i32
        %mul3A_349 = arith.constant 2 : i32
        %mul3A_350 = arith.muli %mul3A_349, %add3A_348 : i32
        %add3A_351 = arith.constant 1 : i32
        %add3A_352 = arith.addi %mul3A_350, %add3A_351 : i32
        %broadcast_in_dim3A_353 = vector.broadcast %add3A_352 : i32 to vector<16xi32>
        %get3A_354 = arith.index_cast %add3A_348 : i32 to index
        %get3A_355 = arith.constant 0 : index
        %get3A_356 = tpu.vector_load %arg5[%get3A_354, %get3A_355] {strides = array<i32>} : memref<96x96xf32, #tpu.memory_space<vmem>>, vector<16xf32>,
        tpu.vector_store_idx %arg7[%broadcast_in_dim3A_353, %add3A_32], %get3A_356 : memref<192x192xf32, #tpu.memory_space<vmem>>[vector<16xi32>, vector<16xi32>], vector<16xf32>,
        %get3A_357 = arith.index_cast %add3A_348 : i32 to index
        %get3A_358 = arith.constant 16 : index
        %get3A_359 = tpu.vector_load %arg5[%get3A_357, %get3A_358] {strides = array<i32>} : memref<96x96xf32, #tpu.memory_space<vmem>>, vector<16xf32>,
        tpu.vector_store_idx %arg7[%broadcast_in_dim3A_353, %add3A_38], %get3A_359 : memref<192x192xf32, #tpu.memory_space<vmem>>[vector<16xi32>, vector<16xi32>], vector<16xf32>,
        %get3A_360 = arith.index_cast %add3A_348 : i32 to index
        %get3A_361 = arith.constant 32 : index
        %get3A_362 = tpu.vector_load %arg5[%get3A_360, %get3A_361] {strides = array<i32>} : memref<96x96xf32, #tpu.memory_space<vmem>>, vector<16xf32>,
        tpu.vector_store_idx %arg7[%broadcast_in_dim3A_353, %add3A_44], %get3A_362 : memref<192x192xf32, #tpu.memory_space<vmem>>[vector<16xi32>, vector<16xi32>], vector<16xf32>,
        %get3A_363 = arith.index_cast %add3A_348 : i32 to index
        %get3A_364 = arith.constant 48 : index
        %get3A_365 = tpu.vector_load %arg5[%get3A_363, %get3A_364] {strides = array<i32>} : memref<96x96xf32, #tpu.memory_space<vmem>>, vector<16xf32>,
        tpu.vector_store_idx %arg7[%broadcast_in_dim3A_353, %add3A_50], %get3A_365 : memref<192x192xf32, #tpu.memory_space<vmem>>[vector<16xi32>, vector<16xi32>], vector<16xf32>,
        %get3A_366 = arith.index_cast %add3A_348 : i32 to index
        %get3A_367 = arith.constant 64 : index
        %get3A_368 = tpu.vector_load %arg5[%get3A_366, %get3A_367] {strides = array<i32>} : memref<96x96xf32, #tpu.memory_space<vmem>>, vector<16xf32>,
        tpu.vector_store_idx %arg7[%broadcast_in_dim3A_353, %add3A_56], %get3A_368 : memref<192x192xf32, #tpu.memory_space<vmem>>[vector<16xi32>, vector<16xi32>], vector<16xf32>,
        %get3A_369 = arith.index_cast %add3A_348 : i32 to index
        %get3A_370 = arith.constant 80 : index
        %get3A_371 = tpu.vector_load %arg5[%get3A_369, %get3A_370] {strides = array<i32>} : memref<96x96xf32, #tpu.memory_space<vmem>>, vector<16xf32>,
        tpu.vector_store_idx %arg7[%broadcast_in_dim3A_353, %add3A_62], %get3A_371 : memref<192x192xf32, #tpu.memory_space<vmem>>[vector<16xi32>, vector<16xi32>], vector<16xf32>,
        %mul3A_372 = arith.constant 8 : i32
        %mul3A_373 = arith.muli %scan3A_317, %mul3A_372 : i32
        %add3A_374 = arith.constant 2 : i32
        %add3A_375 = arith.addi %mul3A_373, %add3A_374 : i32
        %mul3A_376 = arith.constant 2 : i32
        %mul3A_377 = arith.muli %mul3A_376, %add3A_375 : i32
        %add3A_378 = arith.constant 1 : i32
        %add3A_379 = arith.addi %mul3A_377, %add3A_378 : i32
        %broadcast_in_dim3A_380 = vector.broadcast %add3A_379 : i32 to vector<16xi32>
        %get3A_381 = arith.index_cast %add3A_375 : i32 to index
        %get3A_382 = arith.constant 0 : index
        %get3A_383 = tpu.vector_load %arg5[%get3A_381, %get3A_382] {strides = array<i32>} : memref<96x96xf32, #tpu.memory_space<vmem>>, vector<16xf32>,
        tpu.vector_store_idx %arg7[%broadcast_in_dim3A_380, %add3A_32], %get3A_383 : memref<192x192xf32, #tpu.memory_space<vmem>>[vector<16xi32>, vector<16xi32>], vector<16xf32>,
        %get3A_384 = arith.index_cast %add3A_375 : i32 to index
        %get3A_385 = arith.constant 16 : index
        %get3A_386 = tpu.vector_load %arg5[%get3A_384, %get3A_385] {strides = array<i32>} : memref<96x96xf32, #tpu.memory_space<vmem>>, vector<16xf32>,
        tpu.vector_store_idx %arg7[%broadcast_in_dim3A_380, %add3A_38], %get3A_386 : memref<192x192xf32, #tpu.memory_space<vmem>>[vector<16xi32>, vector<16xi32>], vector<16xf32>,
        %get3A_387 = arith.index_cast %add3A_375 : i32 to index
        %get3A_388 = arith.constant 32 : index
        %get3A_389 = tpu.vector_load %arg5[%get3A_387, %get3A_388] {strides = array<i32>} : memref<96x96xf32, #tpu.memory_space<vmem>>, vector<16xf32>,
        tpu.vector_store_idx %arg7[%broadcast_in_dim3A_380, %add3A_44], %get3A_389 : memref<192x192xf32, #tpu.memory_space<vmem>>[vector<16xi32>, vector<16xi32>], vector<16xf32>,
        %get3A_390 = arith.index_cast %add3A_375 : i32 to index
        %get3A_391 = arith.constant 48 : index
        %get3A_392 = tpu.vector_load %arg5[%get3A_390, %get3A_391] {strides = array<i32>} : memref<96x96xf32, #tpu.memory_space<vmem>>, vector<16xf32>,
        tpu.vector_store_idx %arg7[%broadcast_in_dim3A_380, %add3A_50], %get3A_392 : memref<192x192xf32, #tpu.memory_space<vmem>>[vector<16xi32>, vector<16xi32>], vector<16xf32>,
        %get3A_393 = arith.index_cast %add3A_375 : i32 to index
        %get3A_394 = arith.constant 64 : index
        %get3A_395 = tpu.vector_load %arg5[%get3A_393, %get3A_394] {strides = array<i32>} : memref<96x96xf32, #tpu.memory_space<vmem>>, vector<16xf32>,
        tpu.vector_store_idx %arg7[%broadcast_in_dim3A_380, %add3A_56], %get3A_395 : memref<192x192xf32, #tpu.memory_space<vmem>>[vector<16xi32>, vector<16xi32>], vector<16xf32>,
        %get3A_396 = arith.index_cast %add3A_375 : i32 to index
        %get3A_397 = arith.constant 80 : index
        %get3A_398 = tpu.vector_load %arg5[%get3A_396, %get3A_397] {strides = array<i32>} : memref<96x96xf32, #tpu.memory_space<vmem>>, vector<16xf32>,
        tpu.vector_store_idx %arg7[%broadcast_in_dim3A_380, %add3A_62], %get3A_398 : memref<192x192xf32, #tpu.memory_space<vmem>>[vector<16xi32>, vector<16xi32>], vector<16xf32>,
        %mul3A_399 = arith.constant 8 : i32
        %mul3A_400 = arith.muli %scan3A_317, %mul3A_399 : i32
        %add3A_401 = arith.constant 3 : i32
        %add3A_402 = arith.addi %mul3A_400, %add3A_401 : i32
        %mul3A_403 = arith.constant 2 : i32
        %mul3A_404 = arith.muli %mul3A_403, %add3A_402 : i32
        %add3A_405 = arith.constant 1 : i32
        %add3A_406 = arith.addi %mul3A_404, %add3A_405 : i32
        %broadcast_in_dim3A_407 = vector.broadcast %add3A_406 : i32 to vector<16xi32>
        %get3A_408 = arith.index_cast %add3A_402 : i32 to index
        %get3A_409 = arith.constant 0 : index
        %get3A_410 = tpu.vector_load %arg5[%get3A_408, %get3A_409] {strides = array<i32>} : memref<96x96xf32, #tpu.memory_space<vmem>>, vector<16xf32>,
        tpu.vector_store_idx %arg7[%broadcast_in_dim3A_407, %add3A_32], %get3A_410 : memref<192x192xf32, #tpu.memory_space<vmem>>[vector<16xi32>, vector<16xi32>], vector<16xf32>,
        %get3A_411 = arith.index_cast %add3A_402 : i32 to index
        %get3A_412 = arith.constant 16 : index
        %get3A_413 = tpu.vector_load %arg5[%get3A_411, %get3A_412] {strides = array<i32>} : memref<96x96xf32, #tpu.memory_space<vmem>>, vector<16xf32>,
        tpu.vector_store_idx %arg7[%broadcast_in_dim3A_407, %add3A_38], %get3A_413 : memref<192x192xf32, #tpu.memory_space<vmem>>[vector<16xi32>, vector<16xi32>], vector<16xf32>,
        %get3A_414 = arith.index_cast %add3A_402 : i32 to index
        %get3A_415 = arith.constant 32 : index
        %get3A_416 = tpu.vector_load %arg5[%get3A_414, %get3A_415] {strides = array<i32>} : memref<96x96xf32, #tpu.memory_space<vmem>>, vector<16xf32>,
        tpu.vector_store_idx %arg7[%broadcast_in_dim3A_407, %add3A_44], %get3A_416 : memref<192x192xf32, #tpu.memory_space<vmem>>[vector<16xi32>, vector<16xi32>], vector<16xf32>,
        %get3A_417 = arith.index_cast %add3A_402 : i32 to index
        %get3A_418 = arith.constant 48 : index
        %get3A_419 = tpu.vector_load %arg5[%get3A_417, %get3A_418] {strides = array<i32>} : memref<96x96xf32, #tpu.memory_space<vmem>>, vector<16xf32>,
        tpu.vector_store_idx %arg7[%broadcast_in_dim3A_407, %add3A_50], %get3A_419 : memref<192x192xf32, #tpu.memory_space<vmem>>[vector<16xi32>, vector<16xi32>], vector<16xf32>,
        %get3A_420 = arith.index_cast %add3A_402 : i32 to index
        %get3A_421 = arith.constant 64 : index
        %get3A_422 = tpu.vector_load %arg5[%get3A_420, %get3A_421] {strides = array<i32>} : memref<96x96xf32, #tpu.memory_space<vmem>>, vector<16xf32>,
        tpu.vector_store_idx %arg7[%broadcast_in_dim3A_407, %add3A_56], %get3A_422 : memref<192x192xf32, #tpu.memory_space<vmem>>[vector<16xi32>, vector<16xi32>], vector<16xf32>,
        %get3A_423 = arith.index_cast %add3A_402 : i32 to index
        %get3A_424 = arith.constant 80 : index
        %get3A_425 = tpu.vector_load %arg5[%get3A_423, %get3A_424] {strides = array<i32>} : memref<96x96xf32, #tpu.memory_space<vmem>>, vector<16xf32>,
        tpu.vector_store_idx %arg7[%broadcast_in_dim3A_407, %add3A_62], %get3A_425 : memref<192x192xf32, #tpu.memory_space<vmem>>[vector<16xi32>, vector<16xi32>], vector<16xf32>,
        %mul3A_426 = arith.constant 8 : i32
        %mul3A_427 = arith.muli %scan3A_317, %mul3A_426 : i32
        %add3A_428 = arith.constant 4 : i32
        %add3A_429 = arith.addi %mul3A_427, %add3A_428 : i32
        %mul3A_430 = arith.constant 2 : i32
        %mul3A_431 = arith.muli %mul3A_430, %add3A_429 : i32
        %add3A_432 = arith.constant 1 : i32
        %add3A_433 = arith.addi %mul3A_431, %add3A_432 : i32
        %broadcast_in_dim3A_434 = vector.broadcast %add3A_433 : i32 to vector<16xi32>
        %get3A_435 = arith.index_cast %add3A_429 : i32 to index
        %get3A_436 = arith.constant 0 : index
        %get3A_437 = tpu.vector_load %arg5[%get3A_435, %get3A_436] {strides = array<i32>} : memref<96x96xf32, #tpu.memory_space<vmem>>, vector<16xf32>,
        tpu.vector_store_idx %arg7[%broadcast_in_dim3A_434, %add3A_32], %get3A_437 : memref<192x192xf32, #tpu.memory_space<vmem>>[vector<16xi32>, vector<16xi32>], vector<16xf32>,
        %get3A_438 = arith.index_cast %add3A_429 : i32 to index
        %get3A_439 = arith.constant 16 : index
        %get3A_440 = tpu.vector_load %arg5[%get3A_438, %get3A_439] {strides = array<i32>} : memref<96x96xf32, #tpu.memory_space<vmem>>, vector<16xf32>,
        tpu.vector_store_idx %arg7[%broadcast_in_dim3A_434, %add3A_38], %get3A_440 : memref<192x192xf32, #tpu.memory_space<vmem>>[vector<16xi32>, vector<16xi32>], vector<16xf32>,
        %get3A_441 = arith.index_cast %add3A_429 : i32 to index
        %get3A_442 = arith.constant 32 : index
        %get3A_443 = tpu.vector_load %arg5[%get3A_441, %get3A_442] {strides = array<i32>} : memref<96x96xf32, #tpu.memory_space<vmem>>, vector<16xf32>,
        tpu.vector_store_idx %arg7[%broadcast_in_dim3A_434, %add3A_44], %get3A_443 : memref<192x192xf32, #tpu.memory_space<vmem>>[vector<16xi32>, vector<16xi32>], vector<16xf32>,
        %get3A_444 = arith.index_cast %add3A_429 : i32 to index
        %get3A_445 = arith.constant 48 : index
        %get3A_446 = tpu.vector_load %arg5[%get3A_444, %get3A_445] {strides = array<i32>} : memref<96x96xf32, #tpu.memory_space<vmem>>, vector<16xf32>,
        tpu.vector_store_idx %arg7[%broadcast_in_dim3A_434, %add3A_50], %get3A_446 : memref<192x192xf32, #tpu.memory_space<vmem>>[vector<16xi32>, vector<16xi32>], vector<16xf32>,
        %get3A_447 = arith.index_cast %add3A_429 : i32 to index
        %get3A_448 = arith.constant 64 : index
        %get3A_449 = tpu.vector_load %arg5[%get3A_447, %get3A_448] {strides = array<i32>} : memref<96x96xf32, #tpu.memory_space<vmem>>, vector<16xf32>,
        tpu.vector_store_idx %arg7[%broadcast_in_dim3A_434, %add3A_56], %get3A_449 : memref<192x192xf32, #tpu.memory_space<vmem>>[vector<16xi32>, vector<16xi32>], vector<16xf32>,
        %get3A_450 = arith.index_cast %add3A_429 : i32 to index
        %get3A_451 = arith.constant 80 : index
        %get3A_452 = tpu.vector_load %arg5[%get3A_450, %get3A_451] {strides = array<i32>} : memref<96x96xf32, #tpu.memory_space<vmem>>, vector<16xf32>,
        tpu.vector_store_idx %arg7[%broadcast_in_dim3A_434, %add3A_62], %get3A_452 : memref<192x192xf32, #tpu.memory_space<vmem>>[vector<16xi32>, vector<16xi32>], vector<16xf32>,
        %mul3A_453 = arith.constant 8 : i32
        %mul3A_454 = arith.muli %scan3A_317, %mul3A_453 : i32
        %add3A_455 = arith.constant 5 : i32
        %add3A_456 = arith.addi %mul3A_454, %add3A_455 : i32
        %mul3A_457 = arith.constant 2 : i32
        %mul3A_458 = arith.muli %mul3A_457, %add3A_456 : i32
        %add3A_459 = arith.constant 1 : i32
        %add3A_460 = arith.addi %mul3A_458, %add3A_459 : i32
        %broadcast_in_dim3A_461 = vector.broadcast %add3A_460 : i32 to vector<16xi32>
        %get3A_462 = arith.index_cast %add3A_456 : i32 to index
        %get3A_463 = arith.constant 0 : index
        %get3A_464 = tpu.vector_load %arg5[%get3A_462, %get3A_463] {strides = array<i32>} : memref<96x96xf32, #tpu.memory_space<vmem>>, vector<16xf32>,
        tpu.vector_store_idx %arg7[%broadcast_in_dim3A_461, %add3A_32], %get3A_464 : memref<192x192xf32, #tpu.memory_space<vmem>>[vector<16xi32>, vector<16xi32>], vector<16xf32>,
        %get3A_465 = arith.index_cast %add3A_456 : i32 to index
        %get3A_466 = arith.constant 16 : index
        %get3A_467 = tpu.vector_load %arg5[%get3A_465, %get3A_466] {strides = array<i32>} : memref<96x96xf32, #tpu.memory_space<vmem>>, vector<16xf32>,
        tpu.vector_store_idx %arg7[%broadcast_in_dim3A_461, %add3A_38], %get3A_467 : memref<192x192xf32, #tpu.memory_space<vmem>>[vector<16xi32>, vector<16xi32>], vector<16xf32>,
        %get3A_468 = arith.index_cast %add3A_456 : i32 to index
        %get3A_469 = arith.constant 32 : index
        %get3A_470 = tpu.vector_load %arg5[%get3A_468, %get3A_469] {strides = array<i32>} : memref<96x96xf32, #tpu.memory_space<vmem>>, vector<16xf32>,
        tpu.vector_store_idx %arg7[%broadcast_in_dim3A_461, %add3A_44], %get3A_470 : memref<192x192xf32, #tpu.memory_space<vmem>>[vector<16xi32>, vector<16xi32>], vector<16xf32>,
        %get3A_471 = arith.index_cast %add3A_456 : i32 to index
        %get3A_472 = arith.constant 48 : index
        %get3A_473 = tpu.vector_load %arg5[%get3A_471, %get3A_472] {strides = array<i32>} : memref<96x96xf32, #tpu.memory_space<vmem>>, vector<16xf32>,
        tpu.vector_store_idx %arg7[%broadcast_in_dim3A_461, %add3A_50], %get3A_473 : memref<192x192xf32, #tpu.memory_space<vmem>>[vector<16xi32>, vector<16xi32>], vector<16xf32>,
        %get3A_474 = arith.index_cast %add3A_456 : i32 to index
        %get3A_475 = arith.constant 64 : index
        %get3A_476 = tpu.vector_load %arg5[%get3A_474, %get3A_475] {strides = array<i32>} : memref<96x96xf32, #tpu.memory_space<vmem>>, vector<16xf32>,
        tpu.vector_store_idx %arg7[%broadcast_in_dim3A_461, %add3A_56], %get3A_476 : memref<192x192xf32, #tpu.memory_space<vmem>>[vector<16xi32>, vector<16xi32>], vector<16xf32>,
        %get3A_477 = arith.index_cast %add3A_456 : i32 to index
        %get3A_478 = arith.constant 80 : index
        %get3A_479 = tpu.vector_load %arg5[%get3A_477, %get3A_478] {strides = array<i32>} : memref<96x96xf32, #tpu.memory_space<vmem>>, vector<16xf32>,
        tpu.vector_store_idx %arg7[%broadcast_in_dim3A_461, %add3A_62], %get3A_479 : memref<192x192xf32, #tpu.memory_space<vmem>>[vector<16xi32>, vector<16xi32>], vector<16xf32>,
        %mul3A_480 = arith.constant 8 : i32
        %mul3A_481 = arith.muli %scan3A_317, %mul3A_480 : i32
        %add3A_482 = arith.constant 6 : i32
        %add3A_483 = arith.addi %mul3A_481, %add3A_482 : i32
        %mul3A_484 = arith.constant 2 : i32
        %mul3A_485 = arith.muli %mul3A_484, %add3A_483 : i32
        %add3A_486 = arith.constant 1 : i32
        %add3A_487 = arith.addi %mul3A_485, %add3A_486 : i32
        %broadcast_in_dim3A_488 = vector.broadcast %add3A_487 : i32 to vector<16xi32>
        %get3A_489 = arith.index_cast %add3A_483 : i32 to index
        %get3A_490 = arith.constant 0 : index
        %get3A_491 = tpu.vector_load %arg5[%get3A_489, %get3A_490] {strides = array<i32>} : memref<96x96xf32, #tpu.memory_space<vmem>>, vector<16xf32>,
        tpu.vector_store_idx %arg7[%broadcast_in_dim3A_488, %add3A_32], %get3A_491 : memref<192x192xf32, #tpu.memory_space<vmem>>[vector<16xi32>, vector<16xi32>], vector<16xf32>,
        %get3A_492 = arith.index_cast %add3A_483 : i32 to index
        %get3A_493 = arith.constant 16 : index
        %get3A_494 = tpu.vector_load %arg5[%get3A_492, %get3A_493] {strides = array<i32>} : memref<96x96xf32, #tpu.memory_space<vmem>>, vector<16xf32>,
        tpu.vector_store_idx %arg7[%broadcast_in_dim3A_488, %add3A_38], %get3A_494 : memref<192x192xf32, #tpu.memory_space<vmem>>[vector<16xi32>, vector<16xi32>], vector<16xf32>,
        %get3A_495 = arith.index_cast %add3A_483 : i32 to index
        %get3A_496 = arith.constant 32 : index
        %get3A_497 = tpu.vector_load %arg5[%get3A_495, %get3A_496] {strides = array<i32>} : memref<96x96xf32, #tpu.memory_space<vmem>>, vector<16xf32>,
        tpu.vector_store_idx %arg7[%broadcast_in_dim3A_488, %add3A_44], %get3A_497 : memref<192x192xf32, #tpu.memory_space<vmem>>[vector<16xi32>, vector<16xi32>], vector<16xf32>,
        %get3A_498 = arith.index_cast %add3A_483 : i32 to index
        %get3A_499 = arith.constant 48 : index
        %get3A_500 = tpu.vector_load %arg5[%get3A_498, %get3A_499] {strides = array<i32>} : memref<96x96xf32, #tpu.memory_space<vmem>>, vector<16xf32>,
        tpu.vector_store_idx %arg7[%broadcast_in_dim3A_488, %add3A_50], %get3A_500 : memref<192x192xf32, #tpu.memory_space<vmem>>[vector<16xi32>, vector<16xi32>], vector<16xf32>,
        %get3A_501 = arith.index_cast %add3A_483 : i32 to index
        %get3A_502 = arith.constant 64 : index
        %get3A_503 = tpu.vector_load %arg5[%get3A_501, %get3A_502] {strides = array<i32>} : memref<96x96xf32, #tpu.memory_space<vmem>>, vector<16xf32>,
        tpu.vector_store_idx %arg7[%broadcast_in_dim3A_488, %add3A_56], %get3A_503 : memref<192x192xf32, #tpu.memory_space<vmem>>[vector<16xi32>, vector<16xi32>], vector<16xf32>,
        %get3A_504 = arith.index_cast %add3A_483 : i32 to index
        %get3A_505 = arith.constant 80 : index
        %get3A_506 = tpu.vector_load %arg5[%get3A_504, %get3A_505] {strides = array<i32>} : memref<96x96xf32, #tpu.memory_space<vmem>>, vector<16xf32>,
        tpu.vector_store_idx %arg7[%broadcast_in_dim3A_488, %add3A_62], %get3A_506 : memref<192x192xf32, #tpu.memory_space<vmem>>[vector<16xi32>, vector<16xi32>], vector<16xf32>,
        %mul3A_507 = arith.constant 8 : i32
        %mul3A_508 = arith.muli %scan3A_317, %mul3A_507 : i32
        %add3A_509 = arith.constant 7 : i32
        %add3A_510 = arith.addi %mul3A_508, %add3A_509 : i32
        %mul3A_511 = arith.constant 2 : i32
        %mul3A_512 = arith.muli %mul3A_511, %add3A_510 : i32
        %add3A_513 = arith.constant 1 : i32
        %add3A_514 = arith.addi %mul3A_512, %add3A_513 : i32
        %broadcast_in_dim3A_515 = vector.broadcast %add3A_514 : i32 to vector<16xi32>
        %get3A_516 = arith.index_cast %add3A_510 : i32 to index
        %get3A_517 = arith.constant 0 : index
        %get3A_518 = tpu.vector_load %arg5[%get3A_516, %get3A_517] {strides = array<i32>} : memref<96x96xf32, #tpu.memory_space<vmem>>, vector<16xf32>,
        tpu.vector_store_idx %arg7[%broadcast_in_dim3A_515, %add3A_32], %get3A_518 : memref<192x192xf32, #tpu.memory_space<vmem>>[vector<16xi32>, vector<16xi32>], vector<16xf32>,
        %get3A_519 = arith.index_cast %add3A_510 : i32 to index
        %get3A_520 = arith.constant 16 : index
        %get3A_521 = tpu.vector_load %arg5[%get3A_519, %get3A_520] {strides = array<i32>} : memref<96x96xf32, #tpu.memory_space<vmem>>, vector<16xf32>,
        tpu.vector_store_idx %arg7[%broadcast_in_dim3A_515, %add3A_38], %get3A_521 : memref<192x192xf32, #tpu.memory_space<vmem>>[vector<16xi32>, vector<16xi32>], vector<16xf32>,
        %get3A_522 = arith.index_cast %add3A_510 : i32 to index
        %get3A_523 = arith.constant 32 : index
        %get3A_524 = tpu.vector_load %arg5[%get3A_522, %get3A_523] {strides = array<i32>} : memref<96x96xf32, #tpu.memory_space<vmem>>, vector<16xf32>,
        tpu.vector_store_idx %arg7[%broadcast_in_dim3A_515, %add3A_44], %get3A_524 : memref<192x192xf32, #tpu.memory_space<vmem>>[vector<16xi32>, vector<16xi32>], vector<16xf32>,
        %get3A_525 = arith.index_cast %add3A_510 : i32 to index
        %get3A_526 = arith.constant 48 : index
        %get3A_527 = tpu.vector_load %arg5[%get3A_525, %get3A_526] {strides = array<i32>} : memref<96x96xf32, #tpu.memory_space<vmem>>, vector<16xf32>,
        tpu.vector_store_idx %arg7[%broadcast_in_dim3A_515, %add3A_50], %get3A_527 : memref<192x192xf32, #tpu.memory_space<vmem>>[vector<16xi32>, vector<16xi32>], vector<16xf32>,
        %get3A_528 = arith.index_cast %add3A_510 : i32 to index
        %get3A_529 = arith.constant 64 : index
        %get3A_530 = tpu.vector_load %arg5[%get3A_528, %get3A_529] {strides = array<i32>} : memref<96x96xf32, #tpu.memory_space<vmem>>, vector<16xf32>,
        tpu.vector_store_idx %arg7[%broadcast_in_dim3A_515, %add3A_56], %get3A_530 : memref<192x192xf32, #tpu.memory_space<vmem>>[vector<16xi32>, vector<16xi32>], vector<16xf32>,
        %get3A_531 = arith.index_cast %add3A_510 : i32 to index
        %get3A_532 = arith.constant 80 : index
        %get3A_533 = tpu.vector_load %arg5[%get3A_531, %get3A_532] {strides = array<i32>} : memref<96x96xf32, #tpu.memory_space<vmem>>, vector<16xf32>,
        tpu.vector_store_idx %arg7[%broadcast_in_dim3A_515, %add3A_62], %get3A_533 : memref<192x192xf32, #tpu.memory_space<vmem>>[vector<16xi32>, vector<16xi32>], vector<16xf32>,
        %scan3A_534 = arith.constant 0 : i32
        scf.yield %scan3A_534 : i32
      }
      %scan3A_295 = arith.constant 12 : i32
      %add3A_296 = arith.constant 1 : i32
      %add3A_297 = arith.addi %add3A_231, %add3A_296 : i32
      %dma_start3A_298 = arith.constant 0 : i32
      %dma_start3A_299 = arith.constant 0 : i32
      %dma_start3A_300 = tpu.memref_slice %arg3[%add3A_297, %dma_start3A_298, %dma_start3A_299] : memref<896x192x192xf32, #tpu.memory_space<hbm>> -> memref<1x192x192xf32, #tpu.memory_space<hbm>>
      %dma_start3A_301 = tpu.memref_squeeze %dma_start3A_300 : memref<1x192x192xf32, #tpu.memory_space<hbm>> -> memref<192x192xf32, #tpu.memory_space<hbm>>
      %dma_start3A_302 = arith.constant 0 : i32
      %dma_start3A_303 = arith.constant 0 : i32
      %dma_start3A_304 = tpu.memref_slice %arg3[%add3A_297, %dma_start3A_302, %dma_start3A_303] : memref<896x192x192xf32, #tpu.memory_space<hbm>> -> memref<1x192x192xf32, #tpu.memory_space<hbm>>
      %dma_start3A_305 = tpu.memref_squeeze %dma_start3A_304 : memref<1x192x192xf32, #tpu.memory_space<hbm>> -> memref<192x192xf32, #tpu.memory_space<hbm>>
      tpu.enqueue_dma source(%arg7 : memref<192x192xf32, #tpu.memory_space<vmem>>) target(%dma_start3A_305 : memref<192x192xf32, #tpu.memory_space<hbm>>) target_semaphore(%arg11 : memref<!tpu.dma_semaphore, #tpu.memory_space<semaphore_mem>>)
      %add3A_306 = arith.constant 3 : i32
      %add3A_307 = arith.addi %add3A_231, %add3A_306 : i32
      %dma_start3A_308 = arith.constant 0 : i32
      %dma_start3A_309 = arith.constant 0 : i32
      %dma_start3A_310 = tpu.memref_slice %arg2[%add3A_307, %dma_start3A_308, %dma_start3A_309] : memref<896x96x96xf32, #tpu.memory_space<hbm>> -> memref<1x96x96xf32, #tpu.memory_space<hbm>>
      %dma_start3A_311 = tpu.memref_squeeze %dma_start3A_310 : memref<1x96x96xf32, #tpu.memory_space<hbm>> -> memref<96x96xf32, #tpu.memory_space<hbm>>
      %dma_start3A_312 = arith.constant 0 : i32
      %dma_start3A_313 = arith.constant 0 : i32
      %dma_start3A_314 = tpu.memref_slice %arg2[%add3A_307, %dma_start3A_312, %dma_start3A_313] : memref<896x96x96xf32, #tpu.memory_space<hbm>> -> memref<1x96x96xf32, #tpu.memory_space<hbm>>
      %dma_start3A_315 = tpu.memref_squeeze %dma_start3A_314 : memref<1x96x96xf32, #tpu.memory_space<hbm>> -> memref<96x96xf32, #tpu.memory_space<hbm>>
      tpu.enqueue_dma source(%dma_start3A_315 : memref<96x96xf32, #tpu.memory_space<hbm>>) target(%arg5 : memref<96x96xf32, #tpu.memory_space<vmem>>) target_semaphore(%arg9 : memref<!tpu.dma_semaphore, #tpu.memory_space<semaphore_mem>>)
      %scan3A_316 = arith.constant 0 : i32
      scf.yield %scan3A_316 : i32
    }
    %scan3A_143 = arith.constant 12 : i32
    %add3A_144 = arith.constant 28 : i32
    %add3A_145 = arith.addi %mul3A_2, %add3A_144 : i32
    %sub3A = arith.constant 2 : i32
    %sub3A_146 = arith.subi %add3A_145, %sub3A : i32
    %dma_wait3A_147 = arith.constant 0 : i32
    %dma_wait3A_148 = arith.constant 0 : i32
    %dma_wait3A_149 = tpu.memref_slice %arg2[%mul3A_2, %dma_wait3A_147, %dma_wait3A_148] : memref<896x96x96xf32, #tpu.memory_space<hbm>> -> memref<1x96x96xf32, #tpu.memory_space<hbm>>
    %dma_wait3A_150 = tpu.memref_squeeze %dma_wait3A_149 : memref<1x96x96xf32, #tpu.memory_space<hbm>> -> memref<96x96xf32, #tpu.memory_space<hbm>>
    %dma_wait3A_151 = arith.constant 0 : i32
    %dma_wait3A_152 = arith.constant 0 : i32
    %dma_wait3A_153 = tpu.memref_slice %arg2[%mul3A_2, %dma_wait3A_151, %dma_wait3A_152] : memref<896x96x96xf32, #tpu.memory_space<hbm>> -> memref<1x96x96xf32, #tpu.memory_space<hbm>>
    %dma_wait3A_154 = tpu.memref_squeeze %dma_wait3A_153 : memref<1x96x96xf32, #tpu.memory_space<hbm>> -> memref<96x96xf32, #tpu.memory_space<hbm>>
    tpu.wait_dma2 semaphore(%arg8 : memref<!tpu.dma_semaphore, #tpu.memory_space<semaphore_mem>>) src(%dma_wait3A_154 : memref<96x96xf32, #tpu.memory_space<hbm>>) dst(%arg4 : memref<96x96xf32, #tpu.memory_space<vmem>>)
    %dma_wait3A_155 = arith.constant 0 : i32
    %dma_wait3A_156 = arith.constant 0 : i32
    %dma_wait3A_157 = tpu.memref_slice %arg3[%mul3A_2, %dma_wait3A_155, %dma_wait3A_156] : memref<896x192x192xf32, #tpu.memory_space<hbm>> -> memref<1x192x192xf32, #tpu.memory_space<hbm>>
    %dma_wait3A_158 = tpu.memref_squeeze %dma_wait3A_157 : memref<1x192x192xf32, #tpu.memory_space<hbm>> -> memref<192x192xf32, #tpu.memory_space<hbm>>
    %dma_wait3A_159 = arith.constant 0 : i32
    %dma_wait3A_160 = arith.constant 0 : i32
    %dma_wait3A_161 = tpu.memref_slice %arg3[%mul3A_2, %dma_wait3A_159, %dma_wait3A_160] : memref<896x192x192xf32, #tpu.memory_space<hbm>> -> memref<1x192x192xf32, #tpu.memory_space<hbm>>
    %dma_wait3A_162 = tpu.memref_squeeze %dma_wait3A_161 : memref<1x192x192xf32, #tpu.memory_space<hbm>> -> memref<192x192xf32, #tpu.memory_space<hbm>>
    tpu.wait_dma2 semaphore(%arg10 : memref<!tpu.dma_semaphore, #tpu.memory_space<semaphore_mem>>) src(%arg6 : memref<192x192xf32, #tpu.memory_space<vmem>>) dst(%dma_wait3A_162 : memref<192x192xf32, #tpu.memory_space<hbm>>)
    %scan3A_163 = arith.constant 0 : i32
    %scan3A_164 = arith.constant 0 : i32
    %scan3A_165 = arith.constant 12 : i32
    %scan3A_166 = arith.addi %scan3A_164, %scan3A_165 : i32
    %scan3A_167 = arith.constant 1 : i32
    %scan3A_168 = scf.for %scan3A_227 = %scan3A_164 to %scan3A_166 step %scan3A_167 iter_args(%scan3A_228 = %scan3A_163) -> (i32)  : i32 {
      %mul3A_229 = arith.constant 8 : i32
      %mul3A_230 = arith.muli %scan3A_227, %mul3A_229 : i32
      %add3A_231 = arith.constant 0 : i32
      %add3A_232 = arith.addi %mul3A_230, %add3A_231 : i32
      %mul3A_233 = arith.constant 2 : i32
      %mul3A_234 = arith.muli %mul3A_233, %add3A_232 : i32
      %add3A_235 = arith.constant 1 : i32
      %add3A_236 = arith.addi %mul3A_234, %add3A_235 : i32
      %broadcast_in_dim3A_237 = vector.broadcast %add3A_236 : i32 to vector<16xi32>
      %get3A = arith.index_cast %add3A_232 : i32 to index
      %get3A_238 = arith.constant 0 : index
      %get3A_239 = tpu.vector_load %arg4[%get3A, %get3A_238] {strides = array<i32>} : memref<96x96xf32, #tpu.memory_space<vmem>>, vector<16xf32>,
      tpu.vector_store_idx %arg6[%broadcast_in_dim3A_237, %add3A_32], %get3A_239 : memref<192x192xf32, #tpu.memory_space<vmem>>[vector<16xi32>, vector<16xi32>], vector<16xf32>,
      %get3A_240 = arith.index_cast %add3A_232 : i32 to index
      %get3A_241 = arith.constant 16 : index
      %get3A_242 = tpu.vector_load %arg4[%get3A_240, %get3A_241] {strides = array<i32>} : memref<96x96xf32, #tpu.memory_space<vmem>>, vector<16xf32>,
      tpu.vector_store_idx %arg6[%broadcast_in_dim3A_237, %add3A_38], %get3A_242 : memref<192x192xf32, #tpu.memory_space<vmem>>[vector<16xi32>, vector<16xi32>], vector<16xf32>,
      %get3A_243 = arith.index_cast %add3A_232 : i32 to index
      %get3A_244 = arith.constant 32 : index
      %get3A_245 = tpu.vector_load %arg4[%get3A_243, %get3A_244] {strides = array<i32>} : memref<96x96xf32, #tpu.memory_space<vmem>>, vector<16xf32>,
      tpu.vector_store_idx %arg6[%broadcast_in_dim3A_237, %add3A_44], %get3A_245 : memref<192x192xf32, #tpu.memory_space<vmem>>[vector<16xi32>, vector<16xi32>], vector<16xf32>,
      %get3A_246 = arith.index_cast %add3A_232 : i32 to index
      %get3A_247 = arith.constant 48 : index
      %get3A_248 = tpu.vector_load %arg4[%get3A_246, %get3A_247] {strides = array<i32>} : memref<96x96xf32, #tpu.memory_space<vmem>>, vector<16xf32>,
      tpu.vector_store_idx %arg6[%broadcast_in_dim3A_237, %add3A_50], %get3A_248 : memref<192x192xf32, #tpu.memory_space<vmem>>[vector<16xi32>, vector<16xi32>], vector<16xf32>,
      %get3A_249 = arith.index_cast %add3A_232 : i32 to index
      %get3A_250 = arith.constant 64 : index
      %get3A_251 = tpu.vector_load %arg4[%get3A_249, %get3A_250] {strides = array<i32>} : memref<96x96xf32, #tpu.memory_space<vmem>>, vector<16xf32>,
      tpu.vector_store_idx %arg6[%broadcast_in_dim3A_237, %add3A_56], %get3A_251 : memref<192x192xf32, #tpu.memory_space<vmem>>[vector<16xi32>, vector<16xi32>], vector<16xf32>,
      %get3A_252 = arith.index_cast %add3A_232 : i32 to index
      %get3A_253 = arith.constant 80 : index
      %get3A_254 = tpu.vector_load %arg4[%get3A_252, %get3A_253] {strides = array<i32>} : memref<96x96xf32, #tpu.memory_space<vmem>>, vector<16xf32>,
      tpu.vector_store_idx %arg6[%broadcast_in_dim3A_237, %add3A_62], %get3A_254 : memref<192x192xf32, #tpu.memory_space<vmem>>[vector<16xi32>, vector<16xi32>], vector<16xf32>,
      %mul3A_255 = arith.constant 8 : i32
      %mul3A_256 = arith.muli %scan3A_227, %mul3A_255 : i32
      %add3A_257 = arith.constant 1 : i32
      %add3A_258 = arith.addi %mul3A_256, %add3A_257 : i32
      %mul3A_259 = arith.constant 2 : i32
      %mul3A_260 = arith.muli %mul3A_259, %add3A_258 : i32
      %add3A_261 = arith.constant 1 : i32
      %add3A_262 = arith.addi %mul3A_260, %add3A_261 : i32
      %broadcast_in_dim3A_263 = vector.broadcast %add3A_262 : i32 to vector<16xi32>
      %get3A_264 = arith.index_cast %add3A_258 : i32 to index
      %get3A_265 = arith.constant 0 : index
      %get3A_266 = tpu.vector_load %arg4[%get3A_264, %get3A_265] {strides = array<i32>} : memref<96x96xf32, #tpu.memory_space<vmem>>, vector<16xf32>,
      tpu.vector_store_idx %arg6[%broadcast_in_dim3A_263, %add3A_32], %get3A_266 : memref<192x192xf32, #tpu.memory_space<vmem>>[vector<16xi32>, vector<16xi32>], vector<16xf32>,
      %get3A_267 = arith.index_cast %add3A_258 : i32 to index
      %get3A_268 = arith.constant 16 : index
      %get3A_269 = tpu.vector_load %arg4[%get3A_267, %get3A_268] {strides = array<i32>} : memref<96x96xf32, #tpu.memory_space<vmem>>, vector<16xf32>,
      tpu.vector_store_idx %arg6[%broadcast_in_dim3A_263, %add3A_38], %get3A_269 : memref<192x192xf32, #tpu.memory_space<vmem>>[vector<16xi32>, vector<16xi32>], vector<16xf32>,
      %get3A_270 = arith.index_cast %add3A_258 : i32 to index
      %get3A_271 = arith.constant 32 : index
      %get3A_272 = tpu.vector_load %arg4[%get3A_270, %get3A_271] {strides = array<i32>} : memref<96x96xf32, #tpu.memory_space<vmem>>, vector<16xf32>,
      tpu.vector_store_idx %arg6[%broadcast_in_dim3A_263, %add3A_44], %get3A_272 : memref<192x192xf32, #tpu.memory_space<vmem>>[vector<16xi32>, vector<16xi32>], vector<16xf32>,
      %get3A_273 = arith.index_cast %add3A_258 : i32 to index
      %get3A_274 = arith.constant 48 : index
      %get3A_275 = tpu.vector_load %arg4[%get3A_273, %get3A_274] {strides = array<i32>} : memref<96x96xf32, #tpu.memory_space<vmem>>, vector<16xf32>,
      tpu.vector_store_idx %arg6[%broadcast_in_dim3A_263, %add3A_50], %get3A_275 : memref<192x192xf32, #tpu.memory_space<vmem>>[vector<16xi32>, vector<16xi32>], vector<16xf32>,
      %get3A_276 = arith.index_cast %add3A_258 : i32 to index
      %get3A_277 = arith.constant 64 : index
      %get3A_278 = tpu.vector_load %arg4[%get3A_276, %get3A_277] {strides = array<i32>} : memref<96x96xf32, #tpu.memory_space<vmem>>, vector<16xf32>,
      tpu.vector_store_idx %arg6[%broadcast_in_dim3A_263, %add3A_56], %get3A_278 : memref<192x192xf32, #tpu.memory_space<vmem>>[vector<16xi32>, vector<16xi32>], vector<16xf32>,
      %get3A_279 = arith.index_cast %add3A_258 : i32 to index
      %get3A_280 = arith.constant 80 : index
      %get3A_281 = tpu.vector_load %arg4[%get3A_279, %get3A_280] {strides = array<i32>} : memref<96x96xf32, #tpu.memory_space<vmem>>, vector<16xf32>,
      tpu.vector_store_idx %arg6[%broadcast_in_dim3A_263, %add3A_62], %get3A_281 : memref<192x192xf32, #tpu.memory_space<vmem>>[vector<16xi32>, vector<16xi32>], vector<16xf32>,
      %mul3A_282 = arith.constant 8 : i32
      %mul3A_283 = arith.muli %scan3A_227, %mul3A_282 : i32
      %add3A_284 = arith.constant 2 : i32
      %add3A_285 = arith.addi %mul3A_283, %add3A_284 : i32
      %mul3A_286 = arith.constant 2 : i32
      %mul3A_287 = arith.muli %mul3A_286, %add3A_285 : i32
      %add3A_288 = arith.constant 1 : i32
      %add3A_289 = arith.addi %mul3A_287, %add3A_288 : i32
      %broadcast_in_dim3A_290 = vector.broadcast %add3A_289 : i32 to vector<16xi32>
      %get3A_291 = arith.index_cast %add3A_285 : i32 to index
      %get3A_292 = arith.constant 0 : index
      %get3A_293 = tpu.vector_load %arg4[%get3A_291, %get3A_292] {strides = array<i32>} : memref<96x96xf32, #tpu.memory_space<vmem>>, vector<16xf32>,
      tpu.vector_store_idx %arg6[%broadcast_in_dim3A_290, %add3A_32], %get3A_293 : memref<192x192xf32, #tpu.memory_space<vmem>>[vector<16xi32>, vector<16xi32>], vector<16xf32>,
      %get3A_294 = arith.index_cast %add3A_285 : i32 to index
      %get3A_295 = arith.constant 16 : index
      %get3A_296 = tpu.vector_load %arg4[%get3A_294, %get3A_295] {strides = array<i32>} : memref<96x96xf32, #tpu.memory_space<vmem>>, vector<16xf32>,
      tpu.vector_store_idx %arg6[%broadcast_in_dim3A_290, %add3A_38], %get3A_296 : memref<192x192xf32, #tpu.memory_space<vmem>>[vector<16xi32>, vector<16xi32>], vector<16xf32>,
      %get3A_297 = arith.index_cast %add3A_285 : i32 to index
      %get3A_298 = arith.constant 32 : index
      %get3A_299 = tpu.vector_load %arg4[%get3A_297, %get3A_298] {strides = array<i32>} : memref<96x96xf32, #tpu.memory_space<vmem>>, vector<16xf32>,
      tpu.vector_store_idx %arg6[%broadcast_in_dim3A_290, %add3A_44], %get3A_299 : memref<192x192xf32, #tpu.memory_space<vmem>>[vector<16xi32>, vector<16xi32>], vector<16xf32>,
      %get3A_300 = arith.index_cast %add3A_285 : i32 to index
      %get3A_301 = arith.constant 48 : index
      %get3A_302 = tpu.vector_load %arg4[%get3A_300, %get3A_301] {strides = array<i32>} : memref<96x96xf32, #tpu.memory_space<vmem>>, vector<16xf32>,
      tpu.vector_store_idx %arg6[%broadcast_in_dim3A_290, %add3A_50], %get3A_302 : memref<192x192xf32, #tpu.memory_space<vmem>>[vector<16xi32>, vector<16xi32>], vector<16xf32>,
      %get3A_303 = arith.index_cast %add3A_285 : i32 to index
      %get3A_304 = arith.constant 64 : index
      %get3A_305 = tpu.vector_load %arg4[%get3A_303, %get3A_304] {strides = array<i32>} : memref<96x96xf32, #tpu.memory_space<vmem>>, vector<16xf32>,
      tpu.vector_store_idx %arg6[%broadcast_in_dim3A_290, %add3A_56], %get3A_305 : memref<192x192xf32, #tpu.memory_space<vmem>>[vector<16xi32>, vector<16xi32>], vector<16xf32>,
      %get3A_306 = arith.index_cast %add3A_285 : i32 to index
      %get3A_307 = arith.constant 80 : index
      %get3A_308 = tpu.vector_load %arg4[%get3A_306, %get3A_307] {strides = array<i32>} : memref<96x96xf32, #tpu.memory_space<vmem>>, vector<16xf32>,
      tpu.vector_store_idx %arg6[%broadcast_in_dim3A_290, %add3A_62], %get3A_308 : memref<192x192xf32, #tpu.memory_space<vmem>>[vector<16xi32>, vector<16xi32>], vector<16xf32>,
      %mul3A_309 = arith.constant 8 : i32
      %mul3A_310 = arith.muli %scan3A_227, %mul3A_309 : i32
      %add3A_311 = arith.constant 3 : i32
      %add3A_312 = arith.addi %mul3A_310, %add3A_311 : i32
      %mul3A_313 = arith.constant 2 : i32
      %mul3A_314 = arith.muli %mul3A_313, %add3A_312 : i32
      %add3A_315 = arith.constant 1 : i32
      %add3A_316 = arith.addi %mul3A_314, %add3A_315 : i32
      %broadcast_in_dim3A_317 = vector.broadcast %add3A_316 : i32 to vector<16xi32>
      %get3A_318 = arith.index_cast %add3A_312 : i32 to index
      %get3A_319 = arith.constant 0 : index
      %get3A_320 = tpu.vector_load %arg4[%get3A_318, %get3A_319] {strides = array<i32>} : memref<96x96xf32, #tpu.memory_space<vmem>>, vector<16xf32>,
      tpu.vector_store_idx %arg6[%broadcast_in_dim3A_317, %add3A_32], %get3A_320 : memref<192x192xf32, #tpu.memory_space<vmem>>[vector<16xi32>, vector<16xi32>], vector<16xf32>,
      %get3A_321 = arith.index_cast %add3A_312 : i32 to index
      %get3A_322 = arith.constant 16 : index
      %get3A_323 = tpu.vector_load %arg4[%get3A_321, %get3A_322] {strides = array<i32>} : memref<96x96xf32, #tpu.memory_space<vmem>>, vector<16xf32>,
      tpu.vector_store_idx %arg6[%broadcast_in_dim3A_317, %add3A_38], %get3A_323 : memref<192x192xf32, #tpu.memory_space<vmem>>[vector<16xi32>, vector<16xi32>], vector<16xf32>,
      %get3A_324 = arith.index_cast %add3A_312 : i32 to index
      %get3A_325 = arith.constant 32 : index
      %get3A_326 = tpu.vector_load %arg4[%get3A_324, %get3A_325] {strides = array<i32>} : memref<96x96xf32, #tpu.memory_space<vmem>>, vector<16xf32>,
      tpu.vector_store_idx %arg6[%broadcast_in_dim3A_317, %add3A_44], %get3A_326 : memref<192x192xf32, #tpu.memory_space<vmem>>[vector<16xi32>, vector<16xi32>], vector<16xf32>,
      %get3A_327 = arith.index_cast %add3A_312 : i32 to index
      %get3A_328 = arith.constant 48 : index
      %get3A_329 = tpu.vector_load %arg4[%get3A_327, %get3A_328] {strides = array<i32>} : memref<96x96xf32, #tpu.memory_space<vmem>>, vector<16xf32>,
      tpu.vector_store_idx %arg6[%broadcast_in_dim3A_317, %add3A_50], %get3A_329 : memref<192x192xf32, #tpu.memory_space<vmem>>[vector<16xi32>, vector<16xi32>], vector<16xf32>,
      %get3A_330 = arith.index_cast %add3A_312 : i32 to index
      %get3A_331 = arith.constant 64 : index
      %get3A_332 = tpu.vector_load %arg4[%get3A_330, %get3A_331] {strides = array<i32>} : memref<96x96xf32, #tpu.memory_space<vmem>>, vector<16xf32>,
      tpu.vector_store_idx %arg6[%broadcast_in_dim3A_317, %add3A_56], %get3A_332 : memref<192x192xf32, #tpu.memory_space<vmem>>[vector<16xi32>, vector<16xi32>], vector<16xf32>,
      %get3A_333 = arith.index_cast %add3A_312 : i32 to index
      %get3A_334 = arith.constant 80 : index
      %get3A_335 = tpu.vector_load %arg4[%get3A_333, %get3A_334] {strides = array<i32>} : memref<96x96xf32, #tpu.memory_space<vmem>>, vector<16xf32>,
      tpu.vector_store_idx %arg6[%broadcast_in_dim3A_317, %add3A_62], %get3A_335 : memref<192x192xf32, #tpu.memory_space<vmem>>[vector<16xi32>, vector<16xi32>], vector<16xf32>,
      %mul3A_336 = arith.constant 8 : i32
      %mul3A_337 = arith.muli %scan3A_227, %mul3A_336 : i32
      %add3A_338 = arith.constant 4 : i32
      %add3A_339 = arith.addi %mul3A_337, %add3A_338 : i32
      %mul3A_340 = arith.constant 2 : i32
      %mul3A_341 = arith.muli %mul3A_340, %add3A_339 : i32
      %add3A_342 = arith.constant 1 : i32
      %add3A_343 = arith.addi %mul3A_341, %add3A_342 : i32
      %broadcast_in_dim3A_344 = vector.broadcast %add3A_343 : i32 to vector<16xi32>
      %get3A_345 = arith.index_cast %add3A_339 : i32 to index
      %get3A_346 = arith.constant 0 : index
      %get3A_347 = tpu.vector_load %arg4[%get3A_345, %get3A_346] {strides = array<i32>} : memref<96x96xf32, #tpu.memory_space<vmem>>, vector<16xf32>,
      tpu.vector_store_idx %arg6[%broadcast_in_dim3A_344, %add3A_32], %get3A_347 : memref<192x192xf32, #tpu.memory_space<vmem>>[vector<16xi32>, vector<16xi32>], vector<16xf32>,
      %get3A_348 = arith.index_cast %add3A_339 : i32 to index
      %get3A_349 = arith.constant 16 : index
      %get3A_350 = tpu.vector_load %arg4[%get3A_348, %get3A_349] {strides = array<i32>} : memref<96x96xf32, #tpu.memory_space<vmem>>, vector<16xf32>,
      tpu.vector_store_idx %arg6[%broadcast_in_dim3A_344, %add3A_38], %get3A_350 : memref<192x192xf32, #tpu.memory_space<vmem>>[vector<16xi32>, vector<16xi32>], vector<16xf32>,
      %get3A_351 = arith.index_cast %add3A_339 : i32 to index
      %get3A_352 = arith.constant 32 : index
      %get3A_353 = tpu.vector_load %arg4[%get3A_351, %get3A_352] {strides = array<i32>} : memref<96x96xf32, #tpu.memory_space<vmem>>, vector<16xf32>,
      tpu.vector_store_idx %arg6[%broadcast_in_dim3A_344, %add3A_44], %get3A_353 : memref<192x192xf32, #tpu.memory_space<vmem>>[vector<16xi32>, vector<16xi32>], vector<16xf32>,
      %get3A_354 = arith.index_cast %add3A_339 : i32 to index
      %get3A_355 = arith.constant 48 : index
      %get3A_356 = tpu.vector_load %arg4[%get3A_354, %get3A_355] {strides = array<i32>} : memref<96x96xf32, #tpu.memory_space<vmem>>, vector<16xf32>,
      tpu.vector_store_idx %arg6[%broadcast_in_dim3A_344, %add3A_50], %get3A_356 : memref<192x192xf32, #tpu.memory_space<vmem>>[vector<16xi32>, vector<16xi32>], vector<16xf32>,
      %get3A_357 = arith.index_cast %add3A_339 : i32 to index
      %get3A_358 = arith.constant 64 : index
      %get3A_359 = tpu.vector_load %arg4[%get3A_357, %get3A_358] {strides = array<i32>} : memref<96x96xf32, #tpu.memory_space<vmem>>, vector<16xf32>,
      tpu.vector_store_idx %arg6[%broadcast_in_dim3A_344, %add3A_56], %get3A_359 : memref<192x192xf32, #tpu.memory_space<vmem>>[vector<16xi32>, vector<16xi32>], vector<16xf32>,
      %get3A_360 = arith.index_cast %add3A_339 : i32 to index
      %get3A_361 = arith.constant 80 : index
      %get3A_362 = tpu.vector_load %arg4[%get3A_360, %get3A_361] {strides = array<i32>} : memref<96x96xf32, #tpu.memory_space<vmem>>, vector<16xf32>,
      tpu.vector_store_idx %arg6[%broadcast_in_dim3A_344, %add3A_62], %get3A_362 : memref<192x192xf32, #tpu.memory_space<vmem>>[vector<16xi32>, vector<16xi32>], vector<16xf32>,
      %mul3A_363 = arith.constant 8 : i32
      %mul3A_364 = arith.muli %scan3A_227, %mul3A_363 : i32
      %add3A_365 = arith.constant 5 : i32
      %add3A_366 = arith.addi %mul3A_364, %add3A_365 : i32
      %mul3A_367 = arith.constant 2 : i32
      %mul3A_368 = arith.muli %mul3A_367, %add3A_366 : i32
      %add3A_369 = arith.constant 1 : i32
      %add3A_370 = arith.addi %mul3A_368, %add3A_369 : i32
      %broadcast_in_dim3A_371 = vector.broadcast %add3A_370 : i32 to vector<16xi32>
      %get3A_372 = arith.index_cast %add3A_366 : i32 to index
      %get3A_373 = arith.constant 0 : index
      %get3A_374 = tpu.vector_load %arg4[%get3A_372, %get3A_373] {strides = array<i32>} : memref<96x96xf32, #tpu.memory_space<vmem>>, vector<16xf32>,
      tpu.vector_store_idx %arg6[%broadcast_in_dim3A_371, %add3A_32], %get3A_374 : memref<192x192xf32, #tpu.memory_space<vmem>>[vector<16xi32>, vector<16xi32>], vector<16xf32>,
      %get3A_375 = arith.index_cast %add3A_366 : i32 to index
      %get3A_376 = arith.constant 16 : index
      %get3A_377 = tpu.vector_load %arg4[%get3A_375, %get3A_376] {strides = array<i32>} : memref<96x96xf32, #tpu.memory_space<vmem>>, vector<16xf32>,
      tpu.vector_store_idx %arg6[%broadcast_in_dim3A_371, %add3A_38], %get3A_377 : memref<192x192xf32, #tpu.memory_space<vmem>>[vector<16xi32>, vector<16xi32>], vector<16xf32>,
      %get3A_378 = arith.index_cast %add3A_366 : i32 to index
      %get3A_379 = arith.constant 32 : index
      %get3A_380 = tpu.vector_load %arg4[%get3A_378, %get3A_379] {strides = array<i32>} : memref<96x96xf32, #tpu.memory_space<vmem>>, vector<16xf32>,
      tpu.vector_store_idx %arg6[%broadcast_in_dim3A_371, %add3A_44], %get3A_380 : memref<192x192xf32, #tpu.memory_space<vmem>>[vector<16xi32>, vector<16xi32>], vector<16xf32>,
      %get3A_381 = arith.index_cast %add3A_366 : i32 to index
      %get3A_382 = arith.constant 48 : index
      %get3A_383 = tpu.vector_load %arg4[%get3A_381, %get3A_382] {strides = array<i32>} : memref<96x96xf32, #tpu.memory_space<vmem>>, vector<16xf32>,
      tpu.vector_store_idx %arg6[%broadcast_in_dim3A_371, %add3A_50], %get3A_383 : memref<192x192xf32, #tpu.memory_space<vmem>>[vector<16xi32>, vector<16xi32>], vector<16xf32>,
      %get3A_384 = arith.index_cast %add3A_366 : i32 to index
      %get3A_385 = arith.constant 64 : index
      %get3A_386 = tpu.vector_load %arg4[%get3A_384, %get3A_385] {strides = array<i32>} : memref<96x96xf32, #tpu.memory_space<vmem>>, vector<16xf32>,
      tpu.vector_store_idx %arg6[%broadcast_in_dim3A_371, %add3A_56], %get3A_386 : memref<192x192xf32, #tpu.memory_space<vmem>>[vector<16xi32>, vector<16xi32>], vector<16xf32>,
      %get3A_387 = arith.index_cast %add3A_366 : i32 to index
      %get3A_388 = arith.constant 80 : index
      %get3A_389 = tpu.vector_load %arg4[%get3A_387, %get3A_388] {strides = array<i32>} : memref<96x96xf32, #tpu.memory_space<vmem>>, vector<16xf32>,
      tpu.vector_store_idx %arg6[%broadcast_in_dim3A_371, %add3A_62], %get3A_389 : memref<192x192xf32, #tpu.memory_space<vmem>>[vector<16xi32>, vector<16xi32>], vector<16xf32>,
      %mul3A_390 = arith.constant 8 : i32
      %mul3A_391 = arith.muli %scan3A_227, %mul3A_390 : i32
      %add3A_392 = arith.constant 6 : i32
      %add3A_393 = arith.addi %mul3A_391, %add3A_392 : i32
      %mul3A_394 = arith.constant 2 : i32
      %mul3A_395 = arith.muli %mul3A_394, %add3A_393 : i32
      %add3A_396 = arith.constant 1 : i32
      %add3A_397 = arith.addi %mul3A_395, %add3A_396 : i32
      %broadcast_in_dim3A_398 = vector.broadcast %add3A_397 : i32 to vector<16xi32>
      %get3A_399 = arith.index_cast %add3A_393 : i32 to index
      %get3A_400 = arith.constant 0 : index
      %get3A_401 = tpu.vector_load %arg4[%get3A_399, %get3A_400] {strides = array<i32>} : memref<96x96xf32, #tpu.memory_space<vmem>>, vector<16xf32>,
      tpu.vector_store_idx %arg6[%broadcast_in_dim3A_398, %add3A_32], %get3A_401 : memref<192x192xf32, #tpu.memory_space<vmem>>[vector<16xi32>, vector<16xi32>], vector<16xf32>,
      %get3A_402 = arith.index_cast %add3A_393 : i32 to index
      %get3A_403 = arith.constant 16 : index
      %get3A_404 = tpu.vector_load %arg4[%get3A_402, %get3A_403] {strides = array<i32>} : memref<96x96xf32, #tpu.memory_space<vmem>>, vector<16xf32>,
      tpu.vector_store_idx %arg6[%broadcast_in_dim3A_398, %add3A_38], %get3A_404 : memref<192x192xf32, #tpu.memory_space<vmem>>[vector<16xi32>, vector<16xi32>], vector<16xf32>,
      %get3A_405 = arith.index_cast %add3A_393 : i32 to index
      %get3A_406 = arith.constant 32 : index
      %get3A_407 = tpu.vector_load %arg4[%get3A_405, %get3A_406] {strides = array<i32>} : memref<96x96xf32, #tpu.memory_space<vmem>>, vector<16xf32>,
      tpu.vector_store_idx %arg6[%broadcast_in_dim3A_398, %add3A_44], %get3A_407 : memref<192x192xf32, #tpu.memory_space<vmem>>[vector<16xi32>, vector<16xi32>], vector<16xf32>,
      %get3A_408 = arith.index_cast %add3A_393 : i32 to index
      %get3A_409 = arith.constant 48 : index
      %get3A_410 = tpu.vector_load %arg4[%get3A_408, %get3A_409] {strides = array<i32>} : memref<96x96xf32, #tpu.memory_space<vmem>>, vector<16xf32>,
      tpu.vector_store_idx %arg6[%broadcast_in_dim3A_398, %add3A_50], %get3A_410 : memref<192x192xf32, #tpu.memory_space<vmem>>[vector<16xi32>, vector<16xi32>], vector<16xf32>,
      %get3A_411 = arith.index_cast %add3A_393 : i32 to index
      %get3A_412 = arith.constant 64 : index
      %get3A_413 = tpu.vector_load %arg4[%get3A_411, %get3A_412] {strides = array<i32>} : memref<96x96xf32, #tpu.memory_space<vmem>>, vector<16xf32>,
      tpu.vector_store_idx %arg6[%broadcast_in_dim3A_398, %add3A_56], %get3A_413 : memref<192x192xf32, #tpu.memory_space<vmem>>[vector<16xi32>, vector<16xi32>], vector<16xf32>,
      %get3A_414 = arith.index_cast %add3A_393 : i32 to index
      %get3A_415 = arith.constant 80 : index
      %get3A_416 = tpu.vector_load %arg4[%get3A_414, %get3A_415] {strides = array<i32>} : memref<96x96xf32, #tpu.memory_space<vmem>>, vector<16xf32>,
      tpu.vector_store_idx %arg6[%broadcast_in_dim3A_398, %add3A_62], %get3A_416 : memref<192x192xf32, #tpu.memory_space<vmem>>[vector<16xi32>, vector<16xi32>], vector<16xf32>,
      %mul3A_417 = arith.constant 8 : i32
      %mul3A_418 = arith.muli %scan3A_227, %mul3A_417 : i32
      %add3A_419 = arith.constant 7 : i32
      %add3A_420 = arith.addi %mul3A_418, %add3A_419 : i32
      %mul3A_421 = arith.constant 2 : i32
      %mul3A_422 = arith.muli %mul3A_421, %add3A_420 : i32
      %add3A_423 = arith.constant 1 : i32
      %add3A_424 = arith.addi %mul3A_422, %add3A_423 : i32
      %broadcast_in_dim3A_425 = vector.broadcast %add3A_424 : i32 to vector<16xi32>
      %get3A_426 = arith.index_cast %add3A_420 : i32 to index
      %get3A_427 = arith.constant 0 : index
      %get3A_428 = tpu.vector_load %arg4[%get3A_426, %get3A_427] {strides = array<i32>} : memref<96x96xf32, #tpu.memory_space<vmem>>, vector<16xf32>,
      tpu.vector_store_idx %arg6[%broadcast_in_dim3A_425, %add3A_32], %get3A_428 : memref<192x192xf32, #tpu.memory_space<vmem>>[vector<16xi32>, vector<16xi32>], vector<16xf32>,
      %get3A_429 = arith.index_cast %add3A_420 : i32 to index
      %get3A_430 = arith.constant 16 : index
      %get3A_431 = tpu.vector_load %arg4[%get3A_429, %get3A_430] {strides = array<i32>} : memref<96x96xf32, #tpu.memory_space<vmem>>, vector<16xf32>,
      tpu.vector_store_idx %arg6[%broadcast_in_dim3A_425, %add3A_38], %get3A_431 : memref<192x192xf32, #tpu.memory_space<vmem>>[vector<16xi32>, vector<16xi32>], vector<16xf32>,
      %get3A_432 = arith.index_cast %add3A_420 : i32 to index
      %get3A_433 = arith.constant 32 : index
      %get3A_434 = tpu.vector_load %arg4[%get3A_432, %get3A_433] {strides = array<i32>} : memref<96x96xf32, #tpu.memory_space<vmem>>, vector<16xf32>,
      tpu.vector_store_idx %arg6[%broadcast_in_dim3A_425, %add3A_44], %get3A_434 : memref<192x192xf32, #tpu.memory_space<vmem>>[vector<16xi32>, vector<16xi32>], vector<16xf32>,
      %get3A_435 = arith.index_cast %add3A_420 : i32 to index
      %get3A_436 = arith.constant 48 : index
      %get3A_437 = tpu.vector_load %arg4[%get3A_435, %get3A_436] {strides = array<i32>} : memref<96x96xf32, #tpu.memory_space<vmem>>, vector<16xf32>,
      tpu.vector_store_idx %arg6[%broadcast_in_dim3A_425, %add3A_50], %get3A_437 : memref<192x192xf32, #tpu.memory_space<vmem>>[vector<16xi32>, vector<16xi32>], vector<16xf32>,
      %get3A_438 = arith.index_cast %add3A_420 : i32 to index
      %get3A_439 = arith.constant 64 : index
      %get3A_440 = tpu.vector_load %arg4[%get3A_438, %get3A_439] {strides = array<i32>} : memref<96x96xf32, #tpu.memory_space<vmem>>, vector<16xf32>,
      tpu.vector_store_idx %arg6[%broadcast_in_dim3A_425, %add3A_56], %get3A_440 : memref<192x192xf32, #tpu.memory_space<vmem>>[vector<16xi32>, vector<16xi32>], vector<16xf32>,
      %get3A_441 = arith.index_cast %add3A_420 : i32 to index
      %get3A_442 = arith.constant 80 : index
      %get3A_443 = tpu.vector_load %arg4[%get3A_441, %get3A_442] {strides = array<i32>} : memref<96x96xf32, #tpu.memory_space<vmem>>, vector<16xf32>,
      tpu.vector_store_idx %arg6[%broadcast_in_dim3A_425, %add3A_62], %get3A_443 : memref<192x192xf32, #tpu.memory_space<vmem>>[vector<16xi32>, vector<16xi32>], vector<16xf32>,
      %scan3A_444 = arith.constant 0 : i32
      scf.yield %scan3A_444 : i32
    }
    %scan3A_169 = arith.constant 12 : i32
    %dma_start3A_170 = arith.constant 0 : i32
    %dma_start3A_171 = arith.constant 0 : i32
    %dma_start3A_172 = tpu.memref_slice %arg3[%sub3A_146, %dma_start3A_170, %dma_start3A_171] : memref<896x192x192xf32, #tpu.memory_space<hbm>> -> memref<1x192x192xf32, #tpu.memory_space<hbm>>
    %dma_start3A_173 = tpu.memref_squeeze %dma_start3A_172 : memref<1x192x192xf32, #tpu.memory_space<hbm>> -> memref<192x192xf32, #tpu.memory_space<hbm>>
    %dma_start3A_174 = arith.constant 0 : i32
    %dma_start3A_175 = arith.constant 0 : i32
    %dma_start3A_176 = tpu.memref_slice %arg3[%sub3A_146, %dma_start3A_174, %dma_start3A_175] : memref<896x192x192xf32, #tpu.memory_space<hbm>> -> memref<1x192x192xf32, #tpu.memory_space<hbm>>
    %dma_start3A_177 = tpu.memref_squeeze %dma_start3A_176 : memref<1x192x192xf32, #tpu.memory_space<hbm>> -> memref<192x192xf32, #tpu.memory_space<hbm>>
    tpu.enqueue_dma source(%arg6 : memref<192x192xf32, #tpu.memory_space<vmem>>) target(%dma_start3A_177 : memref<192x192xf32, #tpu.memory_space<hbm>>) target_semaphore(%arg10 : memref<!tpu.dma_semaphore, #tpu.memory_space<semaphore_mem>>)
    %dma_wait3A_178 = arith.constant 0 : i32
    %dma_wait3A_179 = arith.constant 0 : i32
    %dma_wait3A_180 = tpu.memref_slice %arg2[%mul3A_2, %dma_wait3A_178, %dma_wait3A_179] : memref<896x96x96xf32, #tpu.memory_space<hbm>> -> memref<1x96x96xf32, #tpu.memory_space<hbm>>
    %dma_wait3A_181 = tpu.memref_squeeze %dma_wait3A_180 : memref<1x96x96xf32, #tpu.memory_space<hbm>> -> memref<96x96xf32, #tpu.memory_space<hbm>>
    %dma_wait3A_182 = arith.constant 0 : i32
    %dma_wait3A_183 = arith.constant 0 : i32
    %dma_wait3A_184 = tpu.memref_slice %arg2[%mul3A_2, %dma_wait3A_182, %dma_wait3A_183] : memref<896x96x96xf32, #tpu.memory_space<hbm>> -> memref<1x96x96xf32, #tpu.memory_space<hbm>>
    %dma_wait3A_185 = tpu.memref_squeeze %dma_wait3A_184 : memref<1x96x96xf32, #tpu.memory_space<hbm>> -> memref<96x96xf32, #tpu.memory_space<hbm>>
    tpu.wait_dma2 semaphore(%arg9 : memref<!tpu.dma_semaphore, #tpu.memory_space<semaphore_mem>>) src(%dma_wait3A_185 : memref<96x96xf32, #tpu.memory_space<hbm>>) dst(%arg5 : memref<96x96xf32, #tpu.memory_space<vmem>>)
    %dma_wait3A_186 = arith.constant 0 : i32
    %dma_wait3A_187 = arith.constant 0 : i32
    %dma_wait3A_188 = tpu.memref_slice %arg3[%mul3A_2, %dma_wait3A_186, %dma_wait3A_187] : memref<896x192x192xf32, #tpu.memory_space<hbm>> -> memref<1x192x192xf32, #tpu.memory_space<hbm>>
    %dma_wait3A_189 = tpu.memref_squeeze %dma_wait3A_188 : memref<1x192x192xf32, #tpu.memory_space<hbm>> -> memref<192x192xf32, #tpu.memory_space<hbm>>
    %dma_wait3A_190 = arith.constant 0 : i32
    %dma_wait3A_191 = arith.constant 0 : i32
    %dma_wait3A_192 = tpu.memref_slice %arg3[%mul3A_2, %dma_wait3A_190, %dma_wait3A_191] : memref<896x192x192xf32, #tpu.memory_space<hbm>> -> memref<1x192x192xf32, #tpu.memory_space<hbm>>
    %dma_wait3A_193 = tpu.memref_squeeze %dma_wait3A_192 : memref<1x192x192xf32, #tpu.memory_space<hbm>> -> memref<192x192xf32, #tpu.memory_space<hbm>>
    tpu.wait_dma2 semaphore(%arg11 : memref<!tpu.dma_semaphore, #tpu.memory_space<semaphore_mem>>) src(%arg7 : memref<192x192xf32, #tpu.memory_space<vmem>>) dst(%dma_wait3A_193 : memref<192x192xf32, #tpu.memory_space<hbm>>)
    %scan3A_194 = arith.constant 0 : i32
    %scan3A_195 = arith.constant 0 : i32
    %scan3A_196 = arith.constant 12 : i32
    %scan3A_197 = arith.addi %scan3A_195, %scan3A_196 : i32
    %scan3A_198 = arith.constant 1 : i32
    %scan3A_199 = scf.for %scan3A_227 = %scan3A_195 to %scan3A_197 step %scan3A_198 iter_args(%scan3A_228 = %scan3A_194) -> (i32)  : i32 {
      %mul3A_229 = arith.constant 8 : i32
      %mul3A_230 = arith.muli %scan3A_227, %mul3A_229 : i32
      %add3A_231 = arith.constant 0 : i32
      %add3A_232 = arith.addi %mul3A_230, %add3A_231 : i32
      %mul3A_233 = arith.constant 2 : i32
      %mul3A_234 = arith.muli %mul3A_233, %add3A_232 : i32
      %add3A_235 = arith.constant 1 : i32
      %add3A_236 = arith.addi %mul3A_234, %add3A_235 : i32
      %broadcast_in_dim3A_237 = vector.broadcast %add3A_236 : i32 to vector<16xi32>
      %get3A = arith.index_cast %add3A_232 : i32 to index
      %get3A_238 = arith.constant 0 : index
      %get3A_239 = tpu.vector_load %arg5[%get3A, %get3A_238] {strides = array<i32>} : memref<96x96xf32, #tpu.memory_space<vmem>>, vector<16xf32>,
      tpu.vector_store_idx %arg7[%broadcast_in_dim3A_237, %add3A_32], %get3A_239 : memref<192x192xf32, #tpu.memory_space<vmem>>[vector<16xi32>, vector<16xi32>], vector<16xf32>,
      %get3A_240 = arith.index_cast %add3A_232 : i32 to index
      %get3A_241 = arith.constant 16 : index
      %get3A_242 = tpu.vector_load %arg5[%get3A_240, %get3A_241] {strides = array<i32>} : memref<96x96xf32, #tpu.memory_space<vmem>>, vector<16xf32>,
      tpu.vector_store_idx %arg7[%broadcast_in_dim3A_237, %add3A_38], %get3A_242 : memref<192x192xf32, #tpu.memory_space<vmem>>[vector<16xi32>, vector<16xi32>], vector<16xf32>,
      %get3A_243 = arith.index_cast %add3A_232 : i32 to index
      %get3A_244 = arith.constant 32 : index
      %get3A_245 = tpu.vector_load %arg5[%get3A_243, %get3A_244] {strides = array<i32>} : memref<96x96xf32, #tpu.memory_space<vmem>>, vector<16xf32>,
      tpu.vector_store_idx %arg7[%broadcast_in_dim3A_237, %add3A_44], %get3A_245 : memref<192x192xf32, #tpu.memory_space<vmem>>[vector<16xi32>, vector<16xi32>], vector<16xf32>,
      %get3A_246 = arith.index_cast %add3A_232 : i32 to index
      %get3A_247 = arith.constant 48 : index
      %get3A_248 = tpu.vector_load %arg5[%get3A_246, %get3A_247] {strides = array<i32>} : memref<96x96xf32, #tpu.memory_space<vmem>>, vector<16xf32>,
      tpu.vector_store_idx %arg7[%broadcast_in_dim3A_237, %add3A_50], %get3A_248 : memref<192x192xf32, #tpu.memory_space<vmem>>[vector<16xi32>, vector<16xi32>], vector<16xf32>,
      %get3A_249 = arith.index_cast %add3A_232 : i32 to index
      %get3A_250 = arith.constant 64 : index
      %get3A_251 = tpu.vector_load %arg5[%get3A_249, %get3A_250] {strides = array<i32>} : memref<96x96xf32, #tpu.memory_space<vmem>>, vector<16xf32>,
      tpu.vector_store_idx %arg7[%broadcast_in_dim3A_237, %add3A_56], %get3A_251 : memref<192x192xf32, #tpu.memory_space<vmem>>[vector<16xi32>, vector<16xi32>], vector<16xf32>,
      %get3A_252 = arith.index_cast %add3A_232 : i32 to index
      %get3A_253 = arith.constant 80 : index
      %get3A_254 = tpu.vector_load %arg5[%get3A_252, %get3A_253] {strides = array<i32>} : memref<96x96xf32, #tpu.memory_space<vmem>>, vector<16xf32>,
      tpu.vector_store_idx %arg7[%broadcast_in_dim3A_237, %add3A_62], %get3A_254 : memref<192x192xf32, #tpu.memory_space<vmem>>[vector<16xi32>, vector<16xi32>], vector<16xf32>,
      %mul3A_255 = arith.constant 8 : i32
      %mul3A_256 = arith.muli %scan3A_227, %mul3A_255 : i32
      %add3A_257 = arith.constant 1 : i32
      %add3A_258 = arith.addi %mul3A_256, %add3A_257 : i32
      %mul3A_259 = arith.constant 2 : i32
      %mul3A_260 = arith.muli %mul3A_259, %add3A_258 : i32
      %add3A_261 = arith.constant 1 : i32
      %add3A_262 = arith.addi %mul3A_260, %add3A_261 : i32
      %broadcast_in_dim3A_263 = vector.broadcast %add3A_262 : i32 to vector<16xi32>
      %get3A_264 = arith.index_cast %add3A_258 : i32 to index
      %get3A_265 = arith.constant 0 : index
      %get3A_266 = tpu.vector_load %arg5[%get3A_264, %get3A_265] {strides = array<i32>} : memref<96x96xf32, #tpu.memory_space<vmem>>, vector<16xf32>,
      tpu.vector_store_idx %arg7[%broadcast_in_dim3A_263, %add3A_32], %get3A_266 : memref<192x192xf32, #tpu.memory_space<vmem>>[vector<16xi32>, vector<16xi32>], vector<16xf32>,
      %get3A_267 = arith.index_cast %add3A_258 : i32 to index
      %get3A_268 = arith.constant 16 : index
      %get3A_269 = tpu.vector_load %arg5[%get3A_267, %get3A_268] {strides = array<i32>} : memref<96x96xf32, #tpu.memory_space<vmem>>, vector<16xf32>,
      tpu.vector_store_idx %arg7[%broadcast_in_dim3A_263, %add3A_38], %get3A_269 : memref<192x192xf32, #tpu.memory_space<vmem>>[vector<16xi32>, vector<16xi32>], vector<16xf32>,
      %get3A_270 = arith.index_cast %add3A_258 : i32 to index
      %get3A_271 = arith.constant 32 : index
      %get3A_272 = tpu.vector_load %arg5[%get3A_270, %get3A_271] {strides = array<i32>} : memref<96x96xf32, #tpu.memory_space<vmem>>, vector<16xf32>,
      tpu.vector_store_idx %arg7[%broadcast_in_dim3A_263, %add3A_44], %get3A_272 : memref<192x192xf32, #tpu.memory_space<vmem>>[vector<16xi32>, vector<16xi32>], vector<16xf32>,
      %get3A_273 = arith.index_cast %add3A_258 : i32 to index
      %get3A_274 = arith.constant 48 : index
      %get3A_275 = tpu.vector_load %arg5[%get3A_273, %get3A_274] {strides = array<i32>} : memref<96x96xf32, #tpu.memory_space<vmem>>, vector<16xf32>,
      tpu.vector_store_idx %arg7[%broadcast_in_dim3A_263, %add3A_50], %get3A_275 : memref<192x192xf32, #tpu.memory_space<vmem>>[vector<16xi32>, vector<16xi32>], vector<16xf32>,
      %get3A_276 = arith.index_cast %add3A_258 : i32 to index
      %get3A_277 = arith.constant 64 : index
      %get3A_278 = tpu.vector_load %arg5[%get3A_276, %get3A_277] {strides = array<i32>} : memref<96x96xf32, #tpu.memory_space<vmem>>, vector<16xf32>,
      tpu.vector_store_idx %arg7[%broadcast_in_dim3A_263, %add3A_56], %get3A_278 : memref<192x192xf32, #tpu.memory_space<vmem>>[vector<16xi32>, vector<16xi32>], vector<16xf32>,
      %get3A_279 = arith.index_cast %add3A_258 : i32 to index
      %get3A_280 = arith.constant 80 : index
      %get3A_281 = tpu.vector_load %arg5[%get3A_279, %get3A_280] {strides = array<i32>} : memref<96x96xf32, #tpu.memory_space<vmem>>, vector<16xf32>,
      tpu.vector_store_idx %arg7[%broadcast_in_dim3A_263, %add3A_62], %get3A_281 : memref<192x192xf32, #tpu.memory_space<vmem>>[vector<16xi32>, vector<16xi32>], vector<16xf32>,
      %mul3A_282 = arith.constant 8 : i32
      %mul3A_283 = arith.muli %scan3A_227, %mul3A_282 : i32
      %add3A_284 = arith.constant 2 : i32
      %add3A_285 = arith.addi %mul3A_283, %add3A_284 : i32
      %mul3A_286 = arith.constant 2 : i32
      %mul3A_287 = arith.muli %mul3A_286, %add3A_285 : i32
      %add3A_288 = arith.constant 1 : i32
      %add3A_289 = arith.addi %mul3A_287, %add3A_288 : i32
      %broadcast_in_dim3A_290 = vector.broadcast %add3A_289 : i32 to vector<16xi32>
      %get3A_291 = arith.index_cast %add3A_285 : i32 to index
      %get3A_292 = arith.constant 0 : index
      %get3A_293 = tpu.vector_load %arg5[%get3A_291, %get3A_292] {strides = array<i32>} : memref<96x96xf32, #tpu.memory_space<vmem>>, vector<16xf32>,
      tpu.vector_store_idx %arg7[%broadcast_in_dim3A_290, %add3A_32], %get3A_293 : memref<192x192xf32, #tpu.memory_space<vmem>>[vector<16xi32>, vector<16xi32>], vector<16xf32>,
      %get3A_294 = arith.index_cast %add3A_285 : i32 to index
      %get3A_295 = arith.constant 16 : index
      %get3A_296 = tpu.vector_load %arg5[%get3A_294, %get3A_295] {strides = array<i32>} : memref<96x96xf32, #tpu.memory_space<vmem>>, vector<16xf32>,
      tpu.vector_store_idx %arg7[%broadcast_in_dim3A_290, %add3A_38], %get3A_296 : memref<192x192xf32, #tpu.memory_space<vmem>>[vector<16xi32>, vector<16xi32>], vector<16xf32>,
      %get3A_297 = arith.index_cast %add3A_285 : i32 to index
      %get3A_298 = arith.constant 32 : index
      %get3A_299 = tpu.vector_load %arg5[%get3A_297, %get3A_298] {strides = array<i32>} : memref<96x96xf32, #tpu.memory_space<vmem>>, vector<16xf32>,
      tpu.vector_store_idx %arg7[%broadcast_in_dim3A_290, %add3A_44], %get3A_299 : memref<192x192xf32, #tpu.memory_space<vmem>>[vector<16xi32>, vector<16xi32>], vector<16xf32>,
      %get3A_300 = arith.index_cast %add3A_285 : i32 to index
      %get3A_301 = arith.constant 48 : index
      %get3A_302 = tpu.vector_load %arg5[%get3A_300, %get3A_301] {strides = array<i32>} : memref<96x96xf32, #tpu.memory_space<vmem>>, vector<16xf32>,
      tpu.vector_store_idx %arg7[%broadcast_in_dim3A_290, %add3A_50], %get3A_302 : memref<192x192xf32, #tpu.memory_space<vmem>>[vector<16xi32>, vector<16xi32>], vector<16xf32>,
      %get3A_303 = arith.index_cast %add3A_285 : i32 to index
      %get3A_304 = arith.constant 64 : index
      %get3A_305 = tpu.vector_load %arg5[%get3A_303, %get3A_304] {strides = array<i32>} : memref<96x96xf32, #tpu.memory_space<vmem>>, vector<16xf32>,
      tpu.vector_store_idx %arg7[%broadcast_in_dim3A_290, %add3A_56], %get3A_305 : memref<192x192xf32, #tpu.memory_space<vmem>>[vector<16xi32>, vector<16xi32>], vector<16xf32>,
      %get3A_306 = arith.index_cast %add3A_285 : i32 to index
      %get3A_307 = arith.constant 80 : index
      %get3A_308 = tpu.vector_load %arg5[%get3A_306, %get3A_307] {strides = array<i32>} : memref<96x96xf32, #tpu.memory_space<vmem>>, vector<16xf32>,
      tpu.vector_store_idx %arg7[%broadcast_in_dim3A_290, %add3A_62], %get3A_308 : memref<192x192xf32, #tpu.memory_space<vmem>>[vector<16xi32>, vector<16xi32>], vector<16xf32>,
      %mul3A_309 = arith.constant 8 : i32
      %mul3A_310 = arith.muli %scan3A_227, %mul3A_309 : i32
      %add3A_311 = arith.constant 3 : i32
      %add3A_312 = arith.addi %mul3A_310, %add3A_311 : i32
      %mul3A_313 = arith.constant 2 : i32
      %mul3A_314 = arith.muli %mul3A_313, %add3A_312 : i32
      %add3A_315 = arith.constant 1 : i32
      %add3A_316 = arith.addi %mul3A_314, %add3A_315 : i32
      %broadcast_in_dim3A_317 = vector.broadcast %add3A_316 : i32 to vector<16xi32>
      %get3A_318 = arith.index_cast %add3A_312 : i32 to index
      %get3A_319 = arith.constant 0 : index
      %get3A_320 = tpu.vector_load %arg5[%get3A_318, %get3A_319] {strides = array<i32>} : memref<96x96xf32, #tpu.memory_space<vmem>>, vector<16xf32>,
      tpu.vector_store_idx %arg7[%broadcast_in_dim3A_317, %add3A_32], %get3A_320 : memref<192x192xf32, #tpu.memory_space<vmem>>[vector<16xi32>, vector<16xi32>], vector<16xf32>,
      %get3A_321 = arith.index_cast %add3A_312 : i32 to index
      %get3A_322 = arith.constant 16 : index
      %get3A_323 = tpu.vector_load %arg5[%get3A_321, %get3A_322] {strides = array<i32>} : memref<96x96xf32, #tpu.memory_space<vmem>>, vector<16xf32>,
      tpu.vector_store_idx %arg7[%broadcast_in_dim3A_317, %add3A_38], %get3A_323 : memref<192x192xf32, #tpu.memory_space<vmem>>[vector<16xi32>, vector<16xi32>], vector<16xf32>,
      %get3A_324 = arith.index_cast %add3A_312 : i32 to index
      %get3A_325 = arith.constant 32 : index
      %get3A_326 = tpu.vector_load %arg5[%get3A_324, %get3A_325] {strides = array<i32>} : memref<96x96xf32, #tpu.memory_space<vmem>>, vector<16xf32>,
      tpu.vector_store_idx %arg7[%broadcast_in_dim3A_317, %add3A_44], %get3A_326 : memref<192x192xf32, #tpu.memory_space<vmem>>[vector<16xi32>, vector<16xi32>], vector<16xf32>,
      %get3A_327 = arith.index_cast %add3A_312 : i32 to index
      %get3A_328 = arith.constant 48 : index
      %get3A_329 = tpu.vector_load %arg5[%get3A_327, %get3A_328] {strides = array<i32>} : memref<96x96xf32, #tpu.memory_space<vmem>>, vector<16xf32>,
      tpu.vector_store_idx %arg7[%broadcast_in_dim3A_317, %add3A_50], %get3A_329 : memref<192x192xf32, #tpu.memory_space<vmem>>[vector<16xi32>, vector<16xi32>], vector<16xf32>,
      %get3A_330 = arith.index_cast %add3A_312 : i32 to index
      %get3A_331 = arith.constant 64 : index
      %get3A_332 = tpu.vector_load %arg5[%get3A_330, %get3A_331] {strides = array<i32>} : memref<96x96xf32, #tpu.memory_space<vmem>>, vector<16xf32>,
      tpu.vector_store_idx %arg7[%broadcast_in_dim3A_317, %add3A_56], %get3A_332 : memref<192x192xf32, #tpu.memory_space<vmem>>[vector<16xi32>, vector<16xi32>], vector<16xf32>,
      %get3A_333 = arith.index_cast %add3A_312 : i32 to index
      %get3A_334 = arith.constant 80 : index
      %get3A_335 = tpu.vector_load %arg5[%get3A_333, %get3A_334] {strides = array<i32>} : memref<96x96xf32, #tpu.memory_space<vmem>>, vector<16xf32>,
      tpu.vector_store_idx %arg7[%broadcast_in_dim3A_317, %add3A_62], %get3A_335 : memref<192x192xf32, #tpu.memory_space<vmem>>[vector<16xi32>, vector<16xi32>], vector<16xf32>,
      %mul3A_336 = arith.constant 8 : i32
      %mul3A_337 = arith.muli %scan3A_227, %mul3A_336 : i32
      %add3A_338 = arith.constant 4 : i32
      %add3A_339 = arith.addi %mul3A_337, %add3A_338 : i32
      %mul3A_340 = arith.constant 2 : i32
      %mul3A_341 = arith.muli %mul3A_340, %add3A_339 : i32
      %add3A_342 = arith.constant 1 : i32
      %add3A_343 = arith.addi %mul3A_341, %add3A_342 : i32
      %broadcast_in_dim3A_344 = vector.broadcast %add3A_343 : i32 to vector<16xi32>
      %get3A_345 = arith.index_cast %add3A_339 : i32 to index
      %get3A_346 = arith.constant 0 : index
      %get3A_347 = tpu.vector_load %arg5[%get3A_345, %get3A_346] {strides = array<i32>} : memref<96x96xf32, #tpu.memory_space<vmem>>, vector<16xf32>,
      tpu.vector_store_idx %arg7[%broadcast_in_dim3A_344, %add3A_32], %get3A_347 : memref<192x192xf32, #tpu.memory_space<vmem>>[vector<16xi32>, vector<16xi32>], vector<16xf32>,
      %get3A_348 = arith.index_cast %add3A_339 : i32 to index
      %get3A_349 = arith.constant 16 : index
      %get3A_350 = tpu.vector_load %arg5[%get3A_348, %get3A_349] {strides = array<i32>} : memref<96x96xf32, #tpu.memory_space<vmem>>, vector<16xf32>,
      tpu.vector_store_idx %arg7[%broadcast_in_dim3A_344, %add3A_38], %get3A_350 : memref<192x192xf32, #tpu.memory_space<vmem>>[vector<16xi32>, vector<16xi32>], vector<16xf32>,
      %get3A_351 = arith.index_cast %add3A_339 : i32 to index
      %get3A_352 = arith.constant 32 : index
      %get3A_353 = tpu.vector_load %arg5[%get3A_351, %get3A_352] {strides = array<i32>} : memref<96x96xf32, #tpu.memory_space<vmem>>, vector<16xf32>,
      tpu.vector_store_idx %arg7[%broadcast_in_dim3A_344, %add3A_44], %get3A_353 : memref<192x192xf32, #tpu.memory_space<vmem>>[vector<16xi32>, vector<16xi32>], vector<16xf32>,
      %get3A_354 = arith.index_cast %add3A_339 : i32 to index
      %get3A_355 = arith.constant 48 : index
      %get3A_356 = tpu.vector_load %arg5[%get3A_354, %get3A_355] {strides = array<i32>} : memref<96x96xf32, #tpu.memory_space<vmem>>, vector<16xf32>,
      tpu.vector_store_idx %arg7[%broadcast_in_dim3A_344, %add3A_50], %get3A_356 : memref<192x192xf32, #tpu.memory_space<vmem>>[vector<16xi32>, vector<16xi32>], vector<16xf32>,
      %get3A_357 = arith.index_cast %add3A_339 : i32 to index
      %get3A_358 = arith.constant 64 : index
      %get3A_359 = tpu.vector_load %arg5[%get3A_357, %get3A_358] {strides = array<i32>} : memref<96x96xf32, #tpu.memory_space<vmem>>, vector<16xf32>,
      tpu.vector_store_idx %arg7[%broadcast_in_dim3A_344, %add3A_56], %get3A_359 : memref<192x192xf32, #tpu.memory_space<vmem>>[vector<16xi32>, vector<16xi32>], vector<16xf32>,
      %get3A_360 = arith.index_cast %add3A_339 : i32 to index
      %get3A_361 = arith.constant 80 : index
      %get3A_362 = tpu.vector_load %arg5[%get3A_360, %get3A_361] {strides = array<i32>} : memref<96x96xf32, #tpu.memory_space<vmem>>, vector<16xf32>,
      tpu.vector_store_idx %arg7[%broadcast_in_dim3A_344, %add3A_62], %get3A_362 : memref<192x192xf32, #tpu.memory_space<vmem>>[vector<16xi32>, vector<16xi32>], vector<16xf32>,
      %mul3A_363 = arith.constant 8 : i32
      %mul3A_364 = arith.muli %scan3A_227, %mul3A_363 : i32
      %add3A_365 = arith.constant 5 : i32
      %add3A_366 = arith.addi %mul3A_364, %add3A_365 : i32
      %mul3A_367 = arith.constant 2 : i32
      %mul3A_368 = arith.muli %mul3A_367, %add3A_366 : i32
      %add3A_369 = arith.constant 1 : i32
      %add3A_370 = arith.addi %mul3A_368, %add3A_369 : i32
      %broadcast_in_dim3A_371 = vector.broadcast %add3A_370 : i32 to vector<16xi32>
      %get3A_372 = arith.index_cast %add3A_366 : i32 to index
      %get3A_373 = arith.constant 0 : index
      %get3A_374 = tpu.vector_load %arg5[%get3A_372, %get3A_373] {strides = array<i32>} : memref<96x96xf32, #tpu.memory_space<vmem>>, vector<16xf32>,
      tpu.vector_store_idx %arg7[%broadcast_in_dim3A_371, %add3A_32], %get3A_374 : memref<192x192xf32, #tpu.memory_space<vmem>>[vector<16xi32>, vector<16xi32>], vector<16xf32>,
      %get3A_375 = arith.index_cast %add3A_366 : i32 to index
      %get3A_376 = arith.constant 16 : index
      %get3A_377 = tpu.vector_load %arg5[%get3A_375, %get3A_376] {strides = array<i32>} : memref<96x96xf32, #tpu.memory_space<vmem>>, vector<16xf32>,
      tpu.vector_store_idx %arg7[%broadcast_in_dim3A_371, %add3A_38], %get3A_377 : memref<192x192xf32, #tpu.memory_space<vmem>>[vector<16xi32>, vector<16xi32>], vector<16xf32>,
      %get3A_378 = arith.index_cast %add3A_366 : i32 to index
      %get3A_379 = arith.constant 32 : index
      %get3A_380 = tpu.vector_load %arg5[%get3A_378, %get3A_379] {strides = array<i32>} : memref<96x96xf32, #tpu.memory_space<vmem>>, vector<16xf32>,
      tpu.vector_store_idx %arg7[%broadcast_in_dim3A_371, %add3A_44], %get3A_380 : memref<192x192xf32, #tpu.memory_space<vmem>>[vector<16xi32>, vector<16xi32>], vector<16xf32>,
      %get3A_381 = arith.index_cast %add3A_366 : i32 to index
      %get3A_382 = arith.constant 48 : index
      %get3A_383 = tpu.vector_load %arg5[%get3A_381, %get3A_382] {strides = array<i32>} : memref<96x96xf32, #tpu.memory_space<vmem>>, vector<16xf32>,
      tpu.vector_store_idx %arg7[%broadcast_in_dim3A_371, %add3A_50], %get3A_383 : memref<192x192xf32, #tpu.memory_space<vmem>>[vector<16xi32>, vector<16xi32>], vector<16xf32>,
      %get3A_384 = arith.index_cast %add3A_366 : i32 to index
      %get3A_385 = arith.constant 64 : index
      %get3A_386 = tpu.vector_load %arg5[%get3A_384, %get3A_385] {strides = array<i32>} : memref<96x96xf32, #tpu.memory_space<vmem>>, vector<16xf32>,
      tpu.vector_store_idx %arg7[%broadcast_in_dim3A_371, %add3A_56], %get3A_386 : memref<192x192xf32, #tpu.memory_space<vmem>>[vector<16xi32>, vector<16xi32>], vector<16xf32>,
      %get3A_387 = arith.index_cast %add3A_366 : i32 to index
      %get3A_388 = arith.constant 80 : index
      %get3A_389 = tpu.vector_load %arg5[%get3A_387, %get3A_388] {strides = array<i32>} : memref<96x96xf32, #tpu.memory_space<vmem>>, vector<16xf32>,
      tpu.vector_store_idx %arg7[%broadcast_in_dim3A_371, %add3A_62], %get3A_389 : memref<192x192xf32, #tpu.memory_space<vmem>>[vector<16xi32>, vector<16xi32>], vector<16xf32>,
      %mul3A_390 = arith.constant 8 : i32
      %mul3A_391 = arith.muli %scan3A_227, %mul3A_390 : i32
      %add3A_392 = arith.constant 6 : i32
      %add3A_393 = arith.addi %mul3A_391, %add3A_392 : i32
      %mul3A_394 = arith.constant 2 : i32
      %mul3A_395 = arith.muli %mul3A_394, %add3A_393 : i32
      %add3A_396 = arith.constant 1 : i32
      %add3A_397 = arith.addi %mul3A_395, %add3A_396 : i32
      %broadcast_in_dim3A_398 = vector.broadcast %add3A_397 : i32 to vector<16xi32>
      %get3A_399 = arith.index_cast %add3A_393 : i32 to index
      %get3A_400 = arith.constant 0 : index
      %get3A_401 = tpu.vector_load %arg5[%get3A_399, %get3A_400] {strides = array<i32>} : memref<96x96xf32, #tpu.memory_space<vmem>>, vector<16xf32>,
      tpu.vector_store_idx %arg7[%broadcast_in_dim3A_398, %add3A_32], %get3A_401 : memref<192x192xf32, #tpu.memory_space<vmem>>[vector<16xi32>, vector<16xi32>], vector<16xf32>,
      %get3A_402 = arith.index_cast %add3A_393 : i32 to index
      %get3A_403 = arith.constant 16 : index
      %get3A_404 = tpu.vector_load %arg5[%get3A_402, %get3A_403] {strides = array<i32>} : memref<96x96xf32, #tpu.memory_space<vmem>>, vector<16xf32>,
      tpu.vector_store_idx %arg7[%broadcast_in_dim3A_398, %add3A_38], %get3A_404 : memref<192x192xf32, #tpu.memory_space<vmem>>[vector<16xi32>, vector<16xi32>], vector<16xf32>,
      %get3A_405 = arith.index_cast %add3A_393 : i32 to index
      %get3A_406 = arith.constant 32 : index
      %get3A_407 = tpu.vector_load %arg5[%get3A_405, %get3A_406] {strides = array<i32>} : memref<96x96xf32, #tpu.memory_space<vmem>>, vector<16xf32>,
      tpu.vector_store_idx %arg7[%broadcast_in_dim3A_398, %add3A_44], %get3A_407 : memref<192x192xf32, #tpu.memory_space<vmem>>[vector<16xi32>, vector<16xi32>], vector<16xf32>,
      %get3A_408 = arith.index_cast %add3A_393 : i32 to index
      %get3A_409 = arith.constant 48 : index
      %get3A_410 = tpu.vector_load %arg5[%get3A_408, %get3A_409] {strides = array<i32>} : memref<96x96xf32, #tpu.memory_space<vmem>>, vector<16xf32>,
      tpu.vector_store_idx %arg7[%broadcast_in_dim3A_398, %add3A_50], %get3A_410 : memref<192x192xf32, #tpu.memory_space<vmem>>[vector<16xi32>, vector<16xi32>], vector<16xf32>,
      %get3A_411 = arith.index_cast %add3A_393 : i32 to index
      %get3A_412 = arith.constant 64 : index
      %get3A_413 = tpu.vector_load %arg5[%get3A_411, %get3A_412] {strides = array<i32>} : memref<96x96xf32, #tpu.memory_space<vmem>>, vector<16xf32>,
      tpu.vector_store_idx %arg7[%broadcast_in_dim3A_398, %add3A_56], %get3A_413 : memref<192x192xf32, #tpu.memory_space<vmem>>[vector<16xi32>, vector<16xi32>], vector<16xf32>,
      %get3A_414 = arith.index_cast %add3A_393 : i32 to index
      %get3A_415 = arith.constant 80 : index
      %get3A_416 = tpu.vector_load %arg5[%get3A_414, %get3A_415] {strides = array<i32>} : memref<96x96xf32, #tpu.memory_space<vmem>>, vector<16xf32>,
      tpu.vector_store_idx %arg7[%broadcast_in_dim3A_398, %add3A_62], %get3A_416 : memref<192x192xf32, #tpu.memory_space<vmem>>[vector<16xi32>, vector<16xi32>], vector<16xf32>,
      %mul3A_417 = arith.constant 8 : i32
      %mul3A_418 = arith.muli %scan3A_227, %mul3A_417 : i32
      %add3A_419 = arith.constant 7 : i32
      %add3A_420 = arith.addi %mul3A_418, %add3A_419 : i32
      %mul3A_421 = arith.constant 2 : i32
      %mul3A_422 = arith.muli %mul3A_421, %add3A_420 : i32
      %add3A_423 = arith.constant 1 : i32
      %add3A_424 = arith.addi %mul3A_422, %add3A_423 : i32
      %broadcast_in_dim3A_425 = vector.broadcast %add3A_424 : i32 to vector<16xi32>
      %get3A_426 = arith.index_cast %add3A_420 : i32 to index
      %get3A_427 = arith.constant 0 : index
      %get3A_428 = tpu.vector_load %arg5[%get3A_426, %get3A_427] {strides = array<i32>} : memref<96x96xf32, #tpu.memory_space<vmem>>, vector<16xf32>,
      tpu.vector_store_idx %arg7[%broadcast_in_dim3A_425, %add3A_32], %get3A_428 : memref<192x192xf32, #tpu.memory_space<vmem>>[vector<16xi32>, vector<16xi32>], vector<16xf32>,
      %get3A_429 = arith.index_cast %add3A_420 : i32 to index
      %get3A_430 = arith.constant 16 : index
      %get3A_431 = tpu.vector_load %arg5[%get3A_429, %get3A_430] {strides = array<i32>} : memref<96x96xf32, #tpu.memory_space<vmem>>, vector<16xf32>,
      tpu.vector_store_idx %arg7[%broadcast_in_dim3A_425, %add3A_38], %get3A_431 : memref<192x192xf32, #tpu.memory_space<vmem>>[vector<16xi32>, vector<16xi32>], vector<16xf32>,
      %get3A_432 = arith.index_cast %add3A_420 : i32 to index
      %get3A_433 = arith.constant 32 : index
      %get3A_434 = tpu.vector_load %arg5[%get3A_432, %get3A_433] {strides = array<i32>} : memref<96x96xf32, #tpu.memory_space<vmem>>, vector<16xf32>,
      tpu.vector_store_idx %arg7[%broadcast_in_dim3A_425, %add3A_44], %get3A_434 : memref<192x192xf32, #tpu.memory_space<vmem>>[vector<16xi32>, vector<16xi32>], vector<16xf32>,
      %get3A_435 = arith.index_cast %add3A_420 : i32 to index
      %get3A_436 = arith.constant 48 : index
      %get3A_437 = tpu.vector_load %arg5[%get3A_435, %get3A_436] {strides = array<i32>} : memref<96x96xf32, #tpu.memory_space<vmem>>, vector<16xf32>,
      tpu.vector_store_idx %arg7[%broadcast_in_dim3A_425, %add3A_50], %get3A_437 : memref<192x192xf32, #tpu.memory_space<vmem>>[vector<16xi32>, vector<16xi32>], vector<16xf32>,
      %get3A_438 = arith.index_cast %add3A_420 : i32 to index
      %get3A_439 = arith.constant 64 : index
      %get3A_440 = tpu.vector_load %arg5[%get3A_438, %get3A_439] {strides = array<i32>} : memref<96x96xf32, #tpu.memory_space<vmem>>, vector<16xf32>,
      tpu.vector_store_idx %arg7[%broadcast_in_dim3A_425, %add3A_56], %get3A_440 : memref<192x192xf32, #tpu.memory_space<vmem>>[vector<16xi32>, vector<16xi32>], vector<16xf32>,
      %get3A_441 = arith.index_cast %add3A_420 : i32 to index
      %get3A_442 = arith.constant 80 : index
      %get3A_443 = tpu.vector_load %arg5[%get3A_441, %get3A_442] {strides = array<i32>} : memref<96x96xf32, #tpu.memory_space<vmem>>, vector<16xf32>,
      tpu.vector_store_idx %arg7[%broadcast_in_dim3A_425, %add3A_62], %get3A_443 : memref<192x192xf32, #tpu.memory_space<vmem>>[vector<16xi32>, vector<16xi32>], vector<16xf32>,
      %scan3A_444 = arith.constant 0 : i32
      scf.yield %scan3A_444 : i32
    }
    %scan3A_200 = arith.constant 12 : i32
    %add3A_201 = arith.constant 1 : i32
    %add3A_202 = arith.addi %sub3A_146, %add3A_201 : i32
    %dma_start3A_203 = arith.constant 0 : i32
    %dma_start3A_204 = arith.constant 0 : i32
    %dma_start3A_205 = tpu.memref_slice %arg3[%add3A_202, %dma_start3A_203, %dma_start3A_204] : memref<896x192x192xf32, #tpu.memory_space<hbm>> -> memref<1x192x192xf32, #tpu.memory_space<hbm>>
    %dma_start3A_206 = tpu.memref_squeeze %dma_start3A_205 : memref<1x192x192xf32, #tpu.memory_space<hbm>> -> memref<192x192xf32, #tpu.memory_space<hbm>>
    %dma_start3A_207 = arith.constant 0 : i32
    %dma_start3A_208 = arith.constant 0 : i32
    %dma_start3A_209 = tpu.memref_slice %arg3[%add3A_202, %dma_start3A_207, %dma_start3A_208] : memref<896x192x192xf32, #tpu.memory_space<hbm>> -> memref<1x192x192xf32, #tpu.memory_space<hbm>>
    %dma_start3A_210 = tpu.memref_squeeze %dma_start3A_209 : memref<1x192x192xf32, #tpu.memory_space<hbm>> -> memref<192x192xf32, #tpu.memory_space<hbm>>
    tpu.enqueue_dma source(%arg7 : memref<192x192xf32, #tpu.memory_space<vmem>>) target(%dma_start3A_210 : memref<192x192xf32, #tpu.memory_space<hbm>>) target_semaphore(%arg11 : memref<!tpu.dma_semaphore, #tpu.memory_space<semaphore_mem>>)
    %dma_wait3A_211 = arith.constant 0 : i32
    %dma_wait3A_212 = arith.constant 0 : i32
    %dma_wait3A_213 = tpu.memref_slice %arg3[%mul3A_2, %dma_wait3A_211, %dma_wait3A_212] : memref<896x192x192xf32, #tpu.memory_space<hbm>> -> memref<1x192x192xf32, #tpu.memory_space<hbm>>
    %dma_wait3A_214 = tpu.memref_squeeze %dma_wait3A_213 : memref<1x192x192xf32, #tpu.memory_space<hbm>> -> memref<192x192xf32, #tpu.memory_space<hbm>>
    %dma_wait3A_215 = arith.constant 0 : i32
    %dma_wait3A_216 = arith.constant 0 : i32
    %dma_wait3A_217 = tpu.memref_slice %arg3[%mul3A_2, %dma_wait3A_215, %dma_wait3A_216] : memref<896x192x192xf32, #tpu.memory_space<hbm>> -> memref<1x192x192xf32, #tpu.memory_space<hbm>>
    %dma_wait3A_218 = tpu.memref_squeeze %dma_wait3A_217 : memref<1x192x192xf32, #tpu.memory_space<hbm>> -> memref<192x192xf32, #tpu.memory_space<hbm>>
    tpu.wait_dma2 semaphore(%arg10 : memref<!tpu.dma_semaphore, #tpu.memory_space<semaphore_mem>>) src(%arg6 : memref<192x192xf32, #tpu.memory_space<vmem>>) dst(%dma_wait3A_218 : memref<192x192xf32, #tpu.memory_space<hbm>>)
    %dma_wait3A_219 = arith.constant 0 : i32
    %dma_wait3A_220 = arith.constant 0 : i32
    %dma_wait3A_221 = tpu.memref_slice %arg3[%mul3A_2, %dma_wait3A_219, %dma_wait3A_220] : memref<896x192x192xf32, #tpu.memory_space<hbm>> -> memref<1x192x192xf32, #tpu.memory_space<hbm>>
    %dma_wait3A_222 = tpu.memref_squeeze %dma_wait3A_221 : memref<1x192x192xf32, #tpu.memory_space<hbm>> -> memref<192x192xf32, #tpu.memory_space<hbm>>
    %dma_wait3A_223 = arith.constant 0 : i32
    %dma_wait3A_224 = arith.constant 0 : i32
    %dma_wait3A_225 = tpu.memref_slice %arg3[%mul3A_2, %dma_wait3A_223, %dma_wait3A_224] : memref<896x192x192xf32, #tpu.memory_space<hbm>> -> memref<1x192x192xf32, #tpu.memory_space<hbm>>
    %dma_wait3A_226 = tpu.memref_squeeze %dma_wait3A_225 : memref<1x192x192xf32, #tpu.memory_space<hbm>> -> memref<192x192xf32, #tpu.memory_space<hbm>>
    tpu.wait_dma2 semaphore(%arg11 : memref<!tpu.dma_semaphore, #tpu.memory_space<semaphore_mem>>) src(%arg7 : memref<192x192xf32, #tpu.memory_space<vmem>>) dst(%dma_wait3A_226 : memref<192x192xf32, #tpu.memory_space<hbm>>)
    return
  }
}

</mosaic_0001>

<sc_bundles>
// kernel: kernel.3.cloned.1.call-start
scs
__scs_entry_jumppad:
0x0: {  	(pc) =	sbr.rel $0x88, $3  }
0x1: {  	(tag) =	ssettag $0x0;
	lr =	simm.s32 $0x1  }
0x2: {  	[smem:$0x3FA0] =	sst lr;
	_ =	strace $0xD0000000  }
0x3: {  	_ = 	snop  }
0x4: {  	_ = 	snop  }
0x5: {  	_ = 	snop  }
0x6: {  	_ = 	snop  }
0x7: {  	_ = 	snop  }
__scs_overlays_trampoline_lowered:
0x8: {  	[smem:$0x3FAF] =	sst s0  }
0x9: {  	[smem:$0x3FB0] =	sst s1  }
0xa: {  	[smem:$0x3FB1] =	sst s2  }
0xb: {  	[smem:$0x3FB2] =	sst s3  }
0xc: {  	[smem:$0x3FB3] =	sst s4  }
0xd: {  	[smem:$0x3FB4] =	sst s5  }
0xe: {  	[smem:$0x3FB5] =	sst s6  }
0xf: {  	[smem:$0x3FB6] =	sst s7  }
0x10: {  	[smem:$0x3FB7] =	sst s8  }
0x11: {  	[smem:$0x3FB8] =	sst s9;
	s0 =	simm.s32 @!p0 $0x0  }
0x12: {  	s1 =	sld [smem:$0x3F9E];
	s0 =	simm.s32 @p0 $0x1  }
0x13: {  	[smem:$0x3FB9] =	sst s0;
	s0 =	simm.s32 @!p1 $0x0  }
0x14: {  	s2 =	sld [smem:$0x3F9D];
	s0 =	simm.s32 @p1 $0x1  }
0x15: {  	[smem:$0x3FBA] =	sst s0;
	s0 =	simm.s32 @!p2 $0x0  }
0x16: {  	s3 =	sld [smem:$0x3FDB];
	s0 =	simm.s32 @p2 $0x1  }
0x17: {  	s4 =	simm.s32 $0x1BF5;
	[smem:$0x3FBC] =	sst s0  }
0x18: {  	s0 =	sld [smem:$0x3F9F];
	_ =	swait.ge [sflag:s4], $0x0  }
0x19: {  	s7 =	sld [smem:$0x3FA0]  }
0x1a: {  	s8 =	sadd.s32 $0xFFFFE003, lr  }
0x1b: {  	s9 =	sadd.s32 $0xFFFFFEF7, lr;
	s5 =	simm.s32 $0xFFFFFFFF;
	p2 =	slt.u32 s8, $0xFFFFF086  }
0x1c: {  	p1 =	slt.u32 s9, $0xF7A;
	s5 =	simm.s32 @!p2 $0x0  }
0x1d: {  	s5 =	simm.s32 @p1 $0x1;
	p0 =	seq.s32 s7, s2  }
0x1e: {  	s7 =	smul.u32 @!p0 $0xF7A, s2;
	p2 =	seq.s32 @!p0 s5, $0x0  }
0x1f: {  	s9 =	smul.u32 $0xF7A, s1;
	s8 =	simm.s32 @!p0 $0x1BF5;
	p2 =	por !p2, p0  }
0x20: {  	[sflag:s8] =	ssyncset.s32 @!p0 $0xFFFFF086;
	s6 =	sadd.s32 @!p0 s3, s7;
	s7 =	simm.s32 @!p0 $0x108  }
0x21: {  	s3 =	sadd.s32 s3, s9;
	s6 =	sadd.s32 @!p0 $0x88, s6;
	s7 =	simm.s32 @p2 $0x1082  }
0x22: {  	[simem:s7], [sflag:s8] =	dma.local @!p0 [hbm:s6], $0xF7A  }
0x23: {  	s9 =	sor.u32 $0xD0000000, s2;
	s6 =	simm.s32 $0x108;
	_ =	swait.ge @!p0 [sflag:s8], $0x0  }
0x24: {  	s3 =	sadd.s32 $0x88, s3;
	s6 =	simm.s32 @!p1 $0x1082;
	[sflag:s4] =	ssyncset.s32 $0xFFFFF086  }
0x25: {  	[simem:s6], [sflag:s4] =	dma.local [hbm:s3], $0xF7A  }
0x26: {  	[smem:$0x3FA0] =	sst s1;
	(tag) =	ssettag s2;
	_ =	strace s9  }
0x27: {  	s1 =	sld [smem:$0x3FB0]  }
0x28: {  	s2 =	sld [smem:$0x3FB1]  }
0x29: {  	s4 =	sld [smem:$0x3FB3]  }
0x2a: {  	p0 =	seq.s32 s5, $0x0;
	s5 =	sld [smem:$0x3FB4]  }
0x2b: {  	s6 =	sld [smem:$0x3FB5]  }
0x2c: {  	s7 =	sld [smem:$0x3FB6]  }
0x2d: {  	s3 =	simm.s32 $0x108;
	s8 =	sld [smem:$0x3FB7]  }
0x2e: {  	s3 =	simm.s32 @!p0 $0x1082;
	s9 =	sld [smem:$0x3FB8]  }
0x2f: {  	lr =	sadd.s32 s0, s3;
	s0 =	sld [smem:$0x3FAF]  }
0x30: {  	s3 =	sld [smem:$0x3FB2]  }
0x31: {  	[smem:$0x3FBB] =	sst s10  }
0x32: {  	s10 =	sld [smem:$0x3FB9];
	_ =	sdelay $0x3  }
0x33: {  	p0 =	seq.s32 s10, $0x1;
	s10 =	sld [smem:$0x3FBB];
	_ =	sdelay $0x3  }
0x34: {  	[smem:$0x3FBB] =	sst s10  }
0x35: {  	s10 =	sld [smem:$0x3FBA];
	_ =	sdelay $0x3  }
0x36: {  	p1 =	seq.s32 s10, $0x1;
	s10 =	sld [smem:$0x3FBB];
	_ =	sdelay $0x3  }
0x37: {  	[smem:$0x3FBB] =	sst s10  }
0x38: {  	s10 =	sld [smem:$0x3FBC]  }
0x39: {  	_ = 	snop;
	(pc) =	sbr.ind lr, $3  }
0x3a: {  	_ = 	snop  }
0x3b: {  	_ = 	snop  }
0x3c: {  	p2 =	seq.s32 s10, $0x1;
	s10 =	sld [smem:$0x3FBB]  }
0x3d: {  	_ =	shalt  }
0x3e: {  	_ =	shalt  }
0x3f: {  	_ =	shalt  }
0x40: {  	_ =	shalt  }
0x41: {  	_ =	shalt  }
0x42: {  	_ =	shalt  }
0x43: {  	_ =	shalt  }
0x44: {  	_ =	shalt  }
0x45: {  	_ =	shalt  }
0x46: {  	_ =	shalt  }
0x47: {  	_ =	shalt  }
0x48: {  	_ =	shalt  }
0x49: {  	_ =	shalt  }
0x4a: {  	_ =	shalt  }
0x4b: {  	_ =	shalt  }
0x4c: {  	_ =	shalt  }
0x4d: {  	_ =	shalt  }
0x4e: {  	_ =	shalt  }
0x4f: {  	_ =	shalt  }
0x50: {  	_ =	shalt  }
0x51: {  	_ =	shalt  }
0x52: {  	_ =	shalt  }
0x53: {  	_ =	shalt  }
0x54: {  	_ =	shalt  }
0x55: {  	_ =	shalt  }
0x56: {  	_ =	shalt  }
0x57: {  	_ =	shalt  }
0x58: {  	_ =	shalt  }
0x59: {  	_ =	shalt  }
0x5a: {  	_ =	shalt  }
0x5b: {  	_ =	shalt  }
0x5c: {  	_ =	shalt  }
0x5d: {  	_ =	shalt  }
0x5e: {  	_ =	shalt  }
0x5f: {  	_ =	shalt  }
0x60: {  	_ =	shalt  }
0x61: {  	_ =	shalt  }
0x62: {  	_ =	shalt  }
0x63: {  	_ =	shalt  }
0x64: {  	_ =	shalt  }
0x65: {  	_ =	shalt  }
0x66: {  	_ =	shalt  }
0x67: {  	_ =	shalt  }
0x68: {  	_ =	shalt  }
0x69: {  	_ =	shalt  }
0x6a: {  	_ =	shalt  }
0x6b: {  	_ =	shalt  }
0x6c: {  	_ =	shalt  }
0x6d: {  	_ =	shalt  }
0x6e: {  	_ =	shalt  }
0x6f: {  	_ =	shalt  }
0x70: {  	_ =	shalt  }
0x71: {  	_ =	shalt  }
0x72: {  	_ =	shalt  }
0x73: {  	_ =	shalt  }
0x74: {  	_ =	shalt  }
0x75: {  	_ =	shalt  }
0x76: {  	_ =	shalt  }
0x77: {  	_ =	shalt  }
0x78: {  	_ =	shalt  }
0x79: {  	_ =	shalt  }
0x7a: {  	_ =	shalt  }
0x7b: {  	_ =	shalt  }
0x7c: {  	_ =	shalt  }
0x7d: {  	_ =	shalt  }
0x7e: {  	_ =	shalt  }
0x7f: {  	_ =	shalt  }
0x80: {  	_ =	shalt  }
0x81: {  	_ =	shalt  }
0x82: {  	_ =	shalt  }
0x83: {  	_ =	shalt  }
0x84: {  	_ =	shalt  }
0x85: {  	_ =	shalt  }
0x86: {  	_ =	shalt  }
0x87: {  	_ =	shalt  }
.Lfunc_end0:
.L_simem_size_0:
called_computation_lowered:
.L_overlay_start_0:
0x88: {  	s2 =	sld [smem:$0x3FD9]  }
0x89: {  	s3 =	sld [smem:$0x3FFE];
	_ =	sdelay $0x1  }
0x8a: {  	s1 =	srdreg.scid  }
0x8b: {  	s0 =	sand.u32 $0x1, s1  }
0x8c: {  	s18 =	sshll.u32 s0, $0xA;
	s2 =	sadd.s32 s3, s2  }
0x8d: {  	s2 =	sadd.s32 s2, s18  }
0x8e: {  	[smem:$0x3FC7] =	sst s2  }
0x8f: {  	_ = 	snop  }
0x90: {  	s2 =	sld [smem:$0x3FC9]  }
0x91: {  	s19 =	sld [smem:$0x3FD0];
	(tm) =	ssettm $0x1  }
0x92: {  	s4 =	sld [smem:$0x3FFB];
	_ =	sdelay $0x3  }
0x93: {  	_ =	strace s4  }
0x94: {  	s4 =	sld [smem:$0x3FFC];
	_ =	sdelay $0x3  }
0x95: {  	_ =	strace s4  }
0x96: {  	s4 =	sld [smem:$0x3FFD];
	_ =	sdelay $0x3  }
0x97: {  	_ =	strace s4  }
0x98: {  	_ =	strace $0x8FFFFFFF  }
0x99: {  	s20 =	sld [smem:$0x3FDB];
	_ =	sdelay $0x1  }
0x9a: {  	s5 =	simm.s32 $_scs_section_size  }
0x9b: {  	s6 =	simm.s32 $_size__tile_overlayer_lowered;
	s7 =	simm.s32 $_tile_overlayer_lowered  }
0x9c: {  	s23 =	simm.s32 $0x1BFF;
	s22 =	sshll.u32 s7, $0x1;
	s4 =	sadd.s32 s5, s20  }
0x9d: {  	s8 =	simm.s32 $0x0;
	s21 =	sshll.u32 s6, $0x1;
	s6 =	sadd.s32 s22, s4  }
0x9e: {  	[timem:s8], [sflag:s23] =	dma.local [hbm:s6], s21  }
0x9f: {  	_ =	swait.ge [sflag:s23], s21  }
0xa0: {  	s5 =	ssub.s32 $0x0, s21;
	[sflag:s23] =	ssyncset.done $0x0  }
0xa1: {  	[sflag:s23] =	ssyncadd.s32 s5;
	_ =	sdelay $0x1  }
0xa2: {  	s24 =	simm.s32 $0x1B8B  }
0xa3: {  	_ =	swait.ge [sflag:s24], $0x1  }
0xa4: {  	[sflag:s24] =	ssyncset.done $0x0  }
0xa5: {  	s25 =	simm.s32 $0x1B8E;
	[sflag:s24] =	ssyncadd.s32 $0xFFFFFFFF  }
0xa6: {  	s26 =	simm.s32 $execute0_lowered;
	[smem:$0x3FD2] =	sst s25  }
0xa7: {  	s5 =	sshll.u32 s26, $0x1;
	_ =	strace $0x80000046;
	[dreg:$0x1] =	wrdreg $0xFFFFFFFF  }
0xa8: {  	s28 =	simm.s32 $_size_execute0_lowered;
	s4 =	sadd.s32 s4, s5;
	[dreg:$0x0] =	wrdreg $0x0  }
0xa9: {  	s5 =	sshll.u32 s28, $0x1;
	[dreg:$0x2] =	wrdreg s4  }
0xaa: {  	[dreg:$0x3] =	wrdreg s5  }
0xab: {  	[dreg:$0x4] =	wrdreg $0xC0  }
0xac: {  	_ =	task [dreg:s8], $0x5FFFF  }
0xad: {  	[dreg:$0x1] =	wrdreg $0xFFFFFFFF  }
0xae: {  	[dreg:$0x0] =	wrdreg $0x60  }
0xaf: {  	[dreg:$0x2] =	wrdreg s2  }
0xb0: {  	[dreg:$0x3] =	wrdreg s19  }
0xb1: {  	[dreg:$0x4] =	wrdreg $0x9  }
0xb2: {  	_ =	task.clear_ibuf [dreg:s8], $0x5FFFF;
	_ =	strace $0x90000046  }
0xb3: {  	s29 =	simm.s32 $0x9;
	_ =	strace $0x80000048  }
0xb4: {  	_ =	swait.ge [sflag:s29], $0x1  }
0xb5: {  	[sflag:s29] =	ssyncadd.s32 $0xFFFFFFFF  }
0xb6: {  	_ =	strace $0x90000048  }
0xb7: {  	_ =	sfence  }
0xb8: {  	s30 =	sld [smem:$0x0];
	_ =	sdelay $0x2  }
0xb9: {  	s31 =	sshll.u32 s1, $0xD;
	s1 =	sshrl.u32 s1, $0x2  }
0xba: {  	s3 =	sand.u32 $0x4000, s31;
	s1 =	sadd.s32 s1, s30  }
0xbb: {  	s0 =	sor.u32 s3, s0;
	s1 =	sshll.u32 s1, $0x11  }
0xbc: {  	s0 =	sor.u32 s1, s0  }
0xbd: {  	s0 =	sadd.s32 $0x8F2B, s0  }
0xbe: {  	[sflag:s0] =	ssyncadd.remote.s32 $0x1  }
0xbf: {  	_ =	sfence.sel $0xFFFF  }
0xc0: {  	[dreg:$0x0] =	wrdreg $0xFFFFFFFF;
	(pc) =	sbr.abs _section_cstart, $3  }
0xc1: {  	[dreg:$0x1] =	wrdreg $0xFFFFFFFF  }
0xc2: {  	_ =	task.clear_ibuf [dreg:s8], $0x2FFFF;
	_ =	strace $0x9FFFFFFF  }
0xc3: {  	(tm) =	ssettm $0x7FFFFFFF  }
tec
execute0_lowered:
.L_overlay_start_1:
0x0: {  	(tag) =	ssettag $0x1  }
0x1: {  	s1 =	srdreg.scid;
	s3 =	rddreg [dreg:$0x0]  }
0x2: {  	s0 =	stileid.u32;
	s4 =	rddreg [dreg:$0x1]  }
0x3: {  	s5 =	simm.s32 $0x0;
	s15 =	simm.s32 $0x3000;
	s16 =	simm.s32 $0x1  }
0x4: {  	s17 =	simm.s32 $0x6000;
	s6 =	sand.u32 $0x1, s1;
	s25 =	sshll.u32 s0, $0x1  }
0x5: {  	v0 =	vlaneseq.u32;
	s18 =	simm.s32 $0x2;
	s19 =	simm.s32 $0x12000;
	s7 =	sor.u32 s6, s25  }
0x6: {  	v1 =	vimm.s32 $0x0;
	vm0 =	vcmask $0x300;
	s20 =	simm.s32 $0x3;
	s21 =	simm.s32 $0x4;
	v25 =	vmul.u32 $0x2, v0;
	s2 =	smul.u32 $0x1C, s7  }
0x7: {  	s22 =	simm.s32 $0x0;
	s1 =	rddreg [dreg:$0x2];
	v0 =	vimm.f32 $0.0e+00;
	v1 =	vsel vm0, $0xB, v1;
	s8 =	smul.u32 $0xA800, s7  }
0x8: {  	[smem:$0x7FF] =	sst s5;
	s6 =	ssub.s32 $0x2, s6;
	s11 =	smul.u32 $0x2A000, s7;
	v2 =	vor.u32 $0x81, v25;
	v3 =	vor.u32 $0xA1, v25;
	v4 =	vor.u32 $0xC1, v25  }
0x9: {  	_ =	strace $0x80000047;
	s12 =	sshrl.u32 s6, $0x1;
	s13 =	smul.u32 $0x54000, s7;
	v5 =	vor.u32 $0xE1, v25;
	v6 =	vor.u32 $0x481, v25;
	v7 =	vor.u32 $0x4A1, v25  }
0xa: {  	s26 =	smul.u32 $0x150000, s7;
	v8 =	vor.u32 $0x181, v25;
	v9 =	vor.u32 $0x1A1, v25;
	v10 =	vor.u32 $0x1C1, v25;
	s14 =	ssub.s32 s6, s12;
	s9 =	sor.u32 $0x1, s2  }
0xb: {  	v11 =	vor.u32 $0x1E1, v25;
	v12 =	vor.u32 $0x581, v25;
	v13 =	vor.u32 $0x5A1, v25;
	s6 =	sadd.s32 s3, s8;
	s28 =	sshrl.u32 s13, $0x3;
	s8 =	sadd.s32 s4, s11  }
0xc: {  	v14 =	vor.u32 $0x281, v25;
	v15 =	vor.u32 $0x2A1, v25;
	v16 =	vor.u32 $0x2C1, v25;
	s12 =	sshrl.u32 s26, $0x3;
	s14 =	smax.u32 s14, $0x1;
	s10 =	smul.u32 $0x600, s9  }
0xd: {  	v17 =	vor.u32 $0x2E1, v25;
	v18 =	vor.u32 $0x681, v25;
	v19 =	vor.u32 $0x6A1, v25;
	s29 =	smul.u32 $0x1800, s9;
	s30 =	sadd.s32 s3, s28;
	s31 =	sadd.s32 s4, s12  }
0xe: {  	v20 =	vor.u32 $0x381, v25;
	v21 =	vor.u32 $0x3A1, v25;
	v22 =	vor.u32 $0x3C1, v25;
	s9 =	sadd.s32 $0xC00, s30;
	s11 =	sadd.s32 $0x1200, s30;
	s12 =	sadd.s32 $0x27000, s31  }
0xf: {  	v23 =	vor.u32 $0x3E1, v25;
	v24 =	vor.u32 $0x781, v25;
	v25 =	vor.u32 $0x7A1, v25;
	s13 =	sadd.s32 $0x28800, s31;
	s7 =	sadd.s32 s3, s10;
	s10 =	sadd.s32 s4, s29  }
.LBB2_1:
0x10: {  	[tilespmem:s5], [sflag:$0x1] =	stream.linear.gather [hbm4b:s6+s5], $0x3000, $0x38;
	[tilespmem:$0x1E000] =	vst v63  }
0x11: {  	s23 =	sand.u32 $0xF800, s5;
	s24 =	sand.u32 $0x380, s5  }
0x12: {  	s23 =	sor.u32 s24, s23  }
0x13: {  	[tilespmem:s15], [sflag:$0x2] =	stream.linear.gather [hbm4b:s7+s5], $0x3000, $0x38;
	[tilespmem:$0x1E000] =	vst v63  }
0x14: {  	[tilespmem:s23+$0x6430] =	vst v0  }
0x15: {  	[tilespmem:s23+$0x6000] =	vst v0  }
0x16: {  	[tilespmem:s23+$0x6010] =	vst v0  }
0x17: {  	[tilespmem:s23+$0x6020] =	vst v0  }
0x18: {  	[tilespmem:s23+$0x6030] =	vst v0  }
0x19: {  	[tilespmem:s23+$0x6040] =	vst v0  }
0x1a: {  	[tilespmem:s23+$0x6050] =	vst v0  }
0x1b: {  	[tilespmem:s23+$0x6060] =	vst v0  }
0x1c: {  	[tilespmem:s23+$0x6070] =	vst v0  }
0x1d: {  	s25 =	simm.s32 $0x100;
	s24 =	simm.s32 $0x80;
	[tilespmem:s23+$0x6400] =	vst v0  }
0x1e: {  	s26 =	sand.u32 $0xF800, s25;
	s25 =	simm.s32 $0x200;
	s28 =	sand.u32 $0x380, s24;
	[tilespmem:s23+$0x6410] =	vst v0  }
.LBB2_2:
0x1f: {  	p0 =	sne.s32 s25, $0xBF00;
	[tilespmem:s23+$0x6420] =	vst v0;
	s23 =	sor.u32 s28, s26  }
0x20: {  	[tilespmem:s23+$0x6430] =	vst v0  }
0x21: {  	[tilespmem:s23+$0x6000] =	vst v0  }
0x22: {  	[tilespmem:s23+$0x6010] =	vst v0  }
0x23: {  	[tilespmem:s23+$0x6020] =	vst v0  }
0x24: {  	[tilespmem:s23+$0x6030] =	vst v0  }
0x25: {  	[tilespmem:s23+$0x6040] =	vst v0  }
.Ltmp0:
0x26: {  	[tilespmem:s23+$0x6050] =	vst v0;
	(pc) =	sbr.rel @p0 .LBB2_2-.Ltmp0, $4  }
0x27: {  	[tilespmem:s23+$0x6060] =	vst v0  }
0x28: {  	[tilespmem:s23+$0x6070] =	vst v0  }
0x29: {  	s24 =	sadd.s32 $0x80, s24;
	[tilespmem:s23+$0x6400] =	vst v0  }
0x2a: {  	s26 =	sand.u32 $0xF800, s25;
	s25 =	sadd.s32 $0x100, s25;
	s28 =	sand.u32 $0x380, s24;
	[tilespmem:s23+$0x6410] =	vst v0  }
0x2b: {  	s24 =	sor.u32 s28, s26;
	[tilespmem:s23+$0x6420] =	vst v0  }
0x2c: {  	[tilespmem:s24+$0x6430] =	vst v0  }
0x2d: {  	[tilespmem:s24+$0x6000] =	vst v0  }
0x2e: {  	[tilespmem:s24+$0x6010] =	vst v0  }
0x2f: {  	[tilespmem:s24+$0x6020] =	vst v0  }
0x30: {  	[tilespmem:s24+$0x6030] =	vst v0  }
0x31: {  	[tilespmem:s24+$0x6040] =	vst v0  }
0x32: {  	[tilespmem:s24+$0x6050] =	vst v0  }
0x33: {  	[tilespmem:s24+$0x6060] =	vst v0  }
0x34: {  	[tilespmem:s24+$0x6070] =	vst v0  }
0x35: {  	s30 =	simm.s32 $0x0;
	[tilespmem:s24+$0x6400] =	vst v0  }
0x36: {  	[tilespmem:s24+$0x6410] =	vst v0;
	v26 =	vmov s30  }
0x37: {  	[tilespmem:s24+$0x6420] =	vst v0;
	v26 =	vshrl.u32 v26, $0x3  }
0x38: {  	_ =	swait.ge [sflag:s16], $0x3000;
	v26 =	vshll.u32 v26, v1  }
0x39: {  	[sflag:s16] =	ssyncset.done $0x0;
	v26 =	vbroadcast v26, $0x0  }
0x3a: {  	s23 =	simm.s32 $0x200;
	[sflag:s16] =	ssyncadd.s32 $0xFFFFD000  }
0x3b: {  	v27 =	vld [tilespmem:s23+$0xFFFFFE00];
	v28 =	vor.u32 v2, v26;
	_ =	sdelay $0x4  }
0x3c: {  	[tilespmem:v28+s17+$0x0] =	vst.idx.msk $0xffff, v27  }
0x3d: {  	v28 =	vor.u32 v3, v26;
	v27 =	vld [tilespmem:s23+$0xFFFFFE10];
	_ =	sdelay $0x4  }
0x3e: {  	[tilespmem:v28+s17+$0x0] =	vst.idx.msk $0xffff, v27  }
0x3f: {  	v28 =	vor.u32 v4, v26;
	v27 =	vld [tilespmem:s23+$0xFFFFFE20];
	_ =	sdelay $0x4  }
0x40: {  	[tilespmem:v28+s17+$0x0] =	vst.idx.msk $0xffff, v27  }
0x41: {  	v28 =	vor.u32 v5, v26;
	v27 =	vld [tilespmem:s23+$0xFFFFFE30];
	_ =	sdelay $0x4  }
0x42: {  	[tilespmem:v28+s17+$0x0] =	vst.idx.msk $0xffff, v27  }
0x43: {  	v28 =	vor.u32 v6, v26;
	v27 =	vld [tilespmem:s23+$0xFFFFFE40];
	_ =	sdelay $0x4  }
0x44: {  	[tilespmem:v28+s17+$0x0] =	vst.idx.msk $0xffff, v27  }
0x45: {  	s31 =	simm.s32 $0x2;
	v26 =	vor.u32 v7, v26;
	v27 =	vld [tilespmem:s23+$0xFFFFFE50]  }
0x46: {  	v28 =	vmov s31  }
0x47: {  	v28 =	vshrl.u32 v28, $0x3  }
0x48: {  	v28 =	vshll.u32 v28, v1  }
0x49: {  	v28 =	vbroadcast v28, $0x0  }
0x4a: {  	[tilespmem:v26+s17+$0x0] =	vst.idx.msk $0xffff, v27  }
0x4b: {  	v27 =	vor.u32 v8, v28;
	v26 =	vld [tilespmem:s23+$0xFFFFFE80];
	_ =	sdelay $0x4  }
0x4c: {  	[tilespmem:v27+s17+$0x0] =	vst.idx.msk $0xffff, v26  }
0x4d: {  	v27 =	vor.u32 v9, v28;
	v26 =	vld [tilespmem:s23+$0xFFFFFE90];
	_ =	sdelay $0x4  }
0x4e: {  	[tilespmem:v27+s17+$0x0] =	vst.idx.msk $0xffff, v26  }
0x4f: {  	v27 =	vor.u32 v10, v28;
	v26 =	vld [tilespmem:s23+$0xFFFFFEA0];
	_ =	sdelay $0x4  }
0x50: {  	[tilespmem:v27+s17+$0x0] =	vst.idx.msk $0xffff, v26  }
0x51: {  	v27 =	vor.u32 v11, v28;
	v26 =	vld [tilespmem:s23+$0xFFFFFEB0];
	_ =	sdelay $0x4  }
0x52: {  	[tilespmem:v27+s17+$0x0] =	vst.idx.msk $0xffff, v26  }
0x53: {  	v27 =	vor.u32 v12, v28;
	v26 =	vld [tilespmem:s23+$0xFFFFFEC0];
	_ =	sdelay $0x4  }
0x54: {  	[tilespmem:v27+s17+$0x0] =	vst.idx.msk $0xffff, v26  }
0x55: {  	s25 =	simm.s32 $0x4;
	v27 =	vor.u32 v13, v28;
	v26 =	vld [tilespmem:s23+$0xFFFFFED0]  }
0x56: {  	v28 =	vmov s25  }
0x57: {  	v28 =	vshrl.u32 v28, $0x3  }
0x58: {  	v28 =	vshll.u32 v28, v1  }
0x59: {  	v28 =	vbroadcast v28, $0x0  }
0x5a: {  	[tilespmem:v27+s17+$0x0] =	vst.idx.msk $0xffff, v26  }
0x5b: {  	v27 =	vor.u32 v14, v28;
	v26 =	vld [tilespmem:s23+$0xFFFFFF00];
	_ =	sdelay $0x4  }
0x5c: {  	[tilespmem:v27+s17+$0x0] =	vst.idx.msk $0xffff, v26  }
0x5d: {  	v27 =	vor.u32 v15, v28;
	v26 =	vld [tilespmem:s23+$0xFFFFFF10];
	_ =	sdelay $0x4  }
0x5e: {  	[tilespmem:v27+s17+$0x0] =	vst.idx.msk $0xffff, v26  }
0x5f: {  	v27 =	vor.u32 v16, v28;
	v26 =	vld [tilespmem:s23+$0xFFFFFF20];
	_ =	sdelay $0x4  }
0x60: {  	[tilespmem:v27+s17+$0x0] =	vst.idx.msk $0xffff, v26  }
0x61: {  	v27 =	vor.u32 v17, v28;
	v26 =	vld [tilespmem:s23+$0xFFFFFF30];
	_ =	sdelay $0x4  }
0x62: {  	[tilespmem:v27+s17+$0x0] =	vst.idx.msk $0xffff, v26  }
0x63: {  	v27 =	vor.u32 v18, v28;
	v26 =	vld [tilespmem:s23+$0xFFFFFF40];
	_ =	sdelay $0x4  }
0x64: {  	[tilespmem:v27+s17+$0x0] =	vst.idx.msk $0xffff, v26  }
0x65: {  	s26 =	simm.s32 $0x6;
	v27 =	vor.u32 v19, v28;
	v26 =	vld [tilespmem:s23+$0xFFFFFF50]  }
0x66: {  	v28 =	vmov s26  }
0x67: {  	v28 =	vshrl.u32 v28, $0x3  }
0x68: {  	v28 =	vshll.u32 v28, v1  }
0x69: {  	v28 =	vbroadcast v28, $0x0  }
0x6a: {  	[tilespmem:v27+s17+$0x0] =	vst.idx.msk $0xffff, v26  }
0x6b: {  	v27 =	vor.u32 v20, v28;
	v26 =	vld [tilespmem:s23+$0xFFFFFF80];
	_ =	sdelay $0x4  }
0x6c: {  	[tilespmem:v27+s17+$0x0] =	vst.idx.msk $0xffff, v26  }
0x6d: {  	v27 =	vor.u32 v21, v28;
	v26 =	vld [tilespmem:s23+$0xFFFFFF90];
	_ =	sdelay $0x4  }
0x6e: {  	[tilespmem:v27+s17+$0x0] =	vst.idx.msk $0xffff, v26  }
0x6f: {  	v27 =	vor.u32 v22, v28;
	v26 =	vld [tilespmem:s23+$0xFFFFFFA0];
	_ =	sdelay $0x4  }
0x70: {  	[tilespmem:v27+s17+$0x0] =	vst.idx.msk $0xffff, v26  }
0x71: {  	v27 =	vor.u32 v23, v28;
	v26 =	vld [tilespmem:s23+$0xFFFFFFB0];
	_ =	sdelay $0x4  }
0x72: {  	[tilespmem:v27+s17+$0x0] =	vst.idx.msk $0xffff, v26  }
0x73: {  	v27 =	vor.u32 v24, v28;
	v26 =	vld [tilespmem:s23+$0xFFFFFFC0];
	_ =	sdelay $0x4  }
0x74: {  	[tilespmem:v27+s17+$0x0] =	vst.idx.msk $0xffff, v26  }
0x75: {  	s28 =	simm.s32 $0x8;
	v27 =	vor.u32 v25, v28;
	v26 =	vld [tilespmem:s23+$0xFFFFFFD0]  }
0x76: {  	v28 =	vmov s28  }
0x77: {  	v28 =	vshrl.u32 v28, $0x3  }
0x78: {  	v28 =	vshll.u32 v28, v1  }
0x79: {  	v28 =	vbroadcast v28, $0x0  }
0x7a: {  	[tilespmem:v27+s17+$0x0] =	vst.idx.msk $0xffff, v26  }
0x7b: {  	v27 =	vor.u32 v2, v28;
	v26 =	vld [tilespmem:s23+$0x0];
	_ =	sdelay $0x4  }
0x7c: {  	[tilespmem:v27+s17+$0x0] =	vst.idx.msk $0xffff, v26  }
0x7d: {  	v27 =	vor.u32 v3, v28;
	v26 =	vld [tilespmem:s23+$0x10];
	_ =	sdelay $0x4  }
0x7e: {  	[tilespmem:v27+s17+$0x0] =	vst.idx.msk $0xffff, v26  }
0x7f: {  	v27 =	vor.u32 v4, v28;
	v26 =	vld [tilespmem:s23+$0x20];
	_ =	sdelay $0x4  }
0x80: {  	[tilespmem:v27+s17+$0x0] =	vst.idx.msk $0xffff, v26  }
0x81: {  	v27 =	vor.u32 v5, v28;
	v26 =	vld [tilespmem:s23+$0x30];
	_ =	sdelay $0x4  }
0x82: {  	[tilespmem:v27+s17+$0x0] =	vst.idx.msk $0xffff, v26  }
0x83: {  	v27 =	vor.u32 v6, v28;
	v26 =	vld [tilespmem:s23+$0x40];
	_ =	sdelay $0x4  }
0x84: {  	[tilespmem:v27+s17+$0x0] =	vst.idx.msk $0xffff, v26  }
0x85: {  	s29 =	simm.s32 $0xA;
	v27 =	vor.u32 v7, v28;
	v26 =	vld [tilespmem:s23+$0x50]  }
0x86: {  	v28 =	vmov s29  }
0x87: {  	v28 =	vshrl.u32 v28, $0x3  }
0x88: {  	v28 =	vshll.u32 v28, v1  }
0x89: {  	v28 =	vbroadcast v28, $0x0  }
0x8a: {  	[tilespmem:v27+s17+$0x0] =	vst.idx.msk $0xffff, v26  }
0x8b: {  	v27 =	vor.u32 v8, v28;
	v26 =	vld [tilespmem:s23+$0x80];
	_ =	sdelay $0x4  }
0x8c: {  	[tilespmem:v27+s17+$0x0] =	vst.idx.msk $0xffff, v26  }
0x8d: {  	v27 =	vor.u32 v9, v28;
	v26 =	vld [tilespmem:s23+$0x90];
	_ =	sdelay $0x4  }
0x8e: {  	[tilespmem:v27+s17+$0x0] =	vst.idx.msk $0xffff, v26  }
0x8f: {  	v27 =	vor.u32 v10, v28;
	v26 =	vld [tilespmem:s23+$0xA0];
	_ =	sdelay $0x4  }
0x90: {  	[tilespmem:v27+s17+$0x0] =	vst.idx.msk $0xffff, v26  }
0x91: {  	v27 =	vor.u32 v11, v28;
	v26 =	vld [tilespmem:s23+$0xB0];
	_ =	sdelay $0x4  }
0x92: {  	[tilespmem:v27+s17+$0x0] =	vst.idx.msk $0xffff, v26  }
0x93: {  	v27 =	vor.u32 v12, v28;
	v26 =	vld [tilespmem:s23+$0xC0];
	_ =	sdelay $0x4  }
0x94: {  	[tilespmem:v27+s17+$0x0] =	vst.idx.msk $0xffff, v26  }
0x95: {  	s30 =	simm.s32 $0xC;
	v27 =	vor.u32 v13, v28;
	v26 =	vld [tilespmem:s23+$0xD0]  }
0x96: {  	v28 =	vmov s30  }
0x97: {  	v28 =	vshrl.u32 v28, $0x3  }
0x98: {  	v28 =	vshll.u32 v28, v1  }
0x99: {  	v28 =	vbroadcast v28, $0x0  }
0x9a: {  	[tilespmem:v27+s17+$0x0] =	vst.idx.msk $0xffff, v26  }
0x9b: {  	v27 =	vor.u32 v14, v28;
	v26 =	vld [tilespmem:s23+$0x100];
	_ =	sdelay $0x4  }
0x9c: {  	[tilespmem:v27+s17+$0x0] =	vst.idx.msk $0xffff, v26  }
0x9d: {  	v27 =	vor.u32 v15, v28;
	v26 =	vld [tilespmem:s23+$0x110];
	_ =	sdelay $0x4  }
0x9e: {  	[tilespmem:v27+s17+$0x0] =	vst.idx.msk $0xffff, v26  }
0x9f: {  	v27 =	vor.u32 v16, v28;
	v26 =	vld [tilespmem:s23+$0x120];
	_ =	sdelay $0x4  }
0xa0: {  	[tilespmem:v27+s17+$0x0] =	vst.idx.msk $0xffff, v26  }
0xa1: {  	v27 =	vor.u32 v17, v28;
	v26 =	vld [tilespmem:s23+$0x130];
	_ =	sdelay $0x4  }
0xa2: {  	[tilespmem:v27+s17+$0x0] =	vst.idx.msk $0xffff, v26  }
0xa3: {  	v27 =	vor.u32 v18, v28;
	v26 =	vld [tilespmem:s23+$0x140];
	_ =	sdelay $0x4  }
0xa4: {  	[tilespmem:v27+s17+$0x0] =	vst.idx.msk $0xffff, v26  }
0xa5: {  	s31 =	simm.s32 $0xE;
	v27 =	vor.u32 v19, v28;
	v26 =	vld [tilespmem:s23+$0x150]  }
0xa6: {  	v28 =	vmov s31  }
0xa7: {  	v28 =	vshrl.u32 v28, $0x3  }
0xa8: {  	v28 =	vshll.u32 v28, v1  }
0xa9: {  	v28 =	vbroadcast v28, $0x0  }
0xaa: {  	[tilespmem:v27+s17+$0x0] =	vst.idx.msk $0xffff, v26  }
0xab: {  	v27 =	vor.u32 v20, v28;
	v26 =	vld [tilespmem:s23+$0x180];
	_ =	sdelay $0x4  }
0xac: {  	[tilespmem:v27+s17+$0x0] =	vst.idx.msk $0xffff, v26  }
0xad: {  	v27 =	vor.u32 v21, v28;
	v26 =	vld [tilespmem:s23+$0x190];
	_ =	sdelay $0x4  }
0xae: {  	[tilespmem:v27+s17+$0x0] =	vst.idx.msk $0xffff, v26  }
0xaf: {  	v27 =	vor.u32 v22, v28;
	v26 =	vld [tilespmem:s23+$0x1A0];
	_ =	sdelay $0x4  }
0xb0: {  	[tilespmem:v27+s17+$0x0] =	vst.idx.msk $0xffff, v26  }
0xb1: {  	v27 =	vor.u32 v23, v28;
	v26 =	vld [tilespmem:s23+$0x1B0];
	_ =	sdelay $0x4  }
0xb2: {  	[tilespmem:v27+s17+$0x0] =	vst.idx.msk $0xffff, v26  }
0xb3: {  	v27 =	vor.u32 v24, v28;
	v26 =	vld [tilespmem:s23+$0x1C0];
	_ =	sdelay $0x4  }
0xb4: {  	[tilespmem:v27+s17+$0x0] =	vst.idx.msk $0xffff, v26  }
0xb5: {  	s24 =	simm.s32 $0x10;
	v27 =	vor.u32 v25, v28;
	v26 =	vld [tilespmem:s23+$0x1D0]  }
0xb6: {  	s25 =	simm.s32 $0x20;
	v28 =	vmov s24  }
.LBB2_4:
0xb7: {  	p0 =	sne.s32 s25, $0xB0;
	v28 =	vshrl.u32 v28, $0x3  }
0xb8: {  	v28 =	vshll.u32 v28, v1  }
0xb9: {  	v28 =	vbroadcast v28, $0x0  }
0xba: {  	s23 =	sadd.s32 $0x400, s23;
	[tilespmem:v27+s17+$0x0] =	vst.idx.msk $0xffff, v26  }
0xbb: {  	v26 =	vld [tilespmem:s23+$0xFFFFFE00];
	v27 =	vor.u32 v2, v28;
	_ =	sdelay $0x4  }
0xbc: {  	[tilespmem:v27+s17+$0x0] =	vst.idx.msk $0xffff, v26  }
0xbd: {  	v27 =	vor.u32 v3, v28;
	v26 =	vld [tilespmem:s23+$0xFFFFFE10];
	_ =	sdelay $0x4  }
0xbe: {  	[tilespmem:v27+s17+$0x0] =	vst.idx.msk $0xffff, v26  }
0xbf: {  	v27 =	vor.u32 v4, v28;
	v26 =	vld [tilespmem:s23+$0xFFFFFE20];
	_ =	sdelay $0x4  }
0xc0: {  	[tilespmem:v27+s17+$0x0] =	vst.idx.msk $0xffff, v26  }
0xc1: {  	v27 =	vor.u32 v5, v28;
	v26 =	vld [tilespmem:s23+$0xFFFFFE30];
	_ =	sdelay $0x4  }
0xc2: {  	[tilespmem:v27+s17+$0x0] =	vst.idx.msk $0xffff, v26  }
0xc3: {  	v27 =	vor.u32 v6, v28;
	v26 =	vld [tilespmem:s23+$0xFFFFFE40];
	_ =	sdelay $0x4  }
0xc4: {  	[tilespmem:v27+s17+$0x0] =	vst.idx.msk $0xffff, v26  }
0xc5: {  	s26 =	sadd.s32 $0x2, s24;
	v27 =	vor.u32 v7, v28;
	v26 =	vld [tilespmem:s23+$0xFFFFFE50]  }
0xc6: {  	v28 =	vmov s26  }
0xc7: {  	v28 =	vshrl.u32 v28, $0x3  }
0xc8: {  	v28 =	vshll.u32 v28, v1  }
0xc9: {  	v28 =	vbroadcast v28, $0x0  }
0xca: {  	[tilespmem:v27+s17+$0x0] =	vst.idx.msk $0xffff, v26  }
0xcb: {  	v27 =	vor.u32 v8, v28;
	v26 =	vld [tilespmem:s23+$0xFFFFFE80];
	_ =	sdelay $0x4  }
0xcc: {  	[tilespmem:v27+s17+$0x0] =	vst.idx.msk $0xffff, v26  }
0xcd: {  	v27 =	vor.u32 v9, v28;
	v26 =	vld [tilespmem:s23+$0xFFFFFE90];
	_ =	sdelay $0x4  }
0xce: {  	[tilespmem:v27+s17+$0x0] =	vst.idx.msk $0xffff, v26  }
0xcf: {  	v27 =	vor.u32 v10, v28;
	v26 =	vld [tilespmem:s23+$0xFFFFFEA0];
	_ =	sdelay $0x4  }
0xd0: {  	[tilespmem:v27+s17+$0x0] =	vst.idx.msk $0xffff, v26  }
0xd1: {  	v27 =	vor.u32 v11, v28;
	v26 =	vld [tilespmem:s23+$0xFFFFFEB0];
	_ =	sdelay $0x4  }
0xd2: {  	[tilespmem:v27+s17+$0x0] =	vst.idx.msk $0xffff, v26  }
0xd3: {  	v27 =	vor.u32 v12, v28;
	v26 =	vld [tilespmem:s23+$0xFFFFFEC0];
	_ =	sdelay $0x4  }
0xd4: {  	[tilespmem:v27+s17+$0x0] =	vst.idx.msk $0xffff, v26  }
0xd5: {  	s26 =	sadd.s32 $0x4, s24;
	v27 =	vor.u32 v13, v28;
	v26 =	vld [tilespmem:s23+$0xFFFFFED0]  }
0xd6: {  	v28 =	vmov s26  }
0xd7: {  	v28 =	vshrl.u32 v28, $0x3  }
0xd8: {  	v28 =	vshll.u32 v28, v1  }
0xd9: {  	v28 =	vbroadcast v28, $0x0  }
0xda: {  	[tilespmem:v27+s17+$0x0] =	vst.idx.msk $0xffff, v26  }
0xdb: {  	v27 =	vor.u32 v14, v28;
	v26 =	vld [tilespmem:s23+$0xFFFFFF00];
	_ =	sdelay $0x4  }
0xdc: {  	[tilespmem:v27+s17+$0x0] =	vst.idx.msk $0xffff, v26  }
0xdd: {  	v27 =	vor.u32 v15, v28;
	v26 =	vld [tilespmem:s23+$0xFFFFFF10];
	_ =	sdelay $0x4  }
0xde: {  	[tilespmem:v27+s17+$0x0] =	vst.idx.msk $0xffff, v26  }
0xdf: {  	v27 =	vor.u32 v16, v28;
	v26 =	vld [tilespmem:s23+$0xFFFFFF20];
	_ =	sdelay $0x4  }
0xe0: {  	[tilespmem:v27+s17+$0x0] =	vst.idx.msk $0xffff, v26  }
0xe1: {  	v27 =	vor.u32 v17, v28;
	v26 =	vld [tilespmem:s23+$0xFFFFFF30];
	_ =	sdelay $0x4  }
0xe2: {  	[tilespmem:v27+s17+$0x0] =	vst.idx.msk $0xffff, v26  }
0xe3: {  	v27 =	vor.u32 v18, v28;
	v26 =	vld [tilespmem:s23+$0xFFFFFF40];
	_ =	sdelay $0x4  }
0xe4: {  	[tilespmem:v27+s17+$0x0] =	vst.idx.msk $0xffff, v26  }
0xe5: {  	s26 =	sadd.s32 $0x6, s24;
	v27 =	vor.u32 v19, v28;
	v26 =	vld [tilespmem:s23+$0xFFFFFF50]  }
0xe6: {  	v28 =	vmov s26  }
0xe7: {  	v28 =	vshrl.u32 v28, $0x3  }
0xe8: {  	v28 =	vshll.u32 v28, v1  }
0xe9: {  	v28 =	vbroadcast v28, $0x0  }
0xea: {  	[tilespmem:v27+s17+$0x0] =	vst.idx.msk $0xffff, v26  }
0xeb: {  	v27 =	vor.u32 v20, v28;
	v26 =	vld [tilespmem:s23+$0xFFFFFF80];
	_ =	sdelay $0x4  }
0xec: {  	[tilespmem:v27+s17+$0x0] =	vst.idx.msk $0xffff, v26  }
0xed: {  	v27 =	vor.u32 v21, v28;
	v26 =	vld [tilespmem:s23+$0xFFFFFF90];
	_ =	sdelay $0x4  }
0xee: {  	[tilespmem:v27+s17+$0x0] =	vst.idx.msk $0xffff, v26  }
0xef: {  	v27 =	vor.u32 v22, v28;
	v26 =	vld [tilespmem:s23+$0xFFFFFFA0];
	_ =	sdelay $0x4  }
0xf0: {  	[tilespmem:v27+s17+$0x0] =	vst.idx.msk $0xffff, v26  }
0xf1: {  	v27 =	vor.u32 v23, v28;
	v26 =	vld [tilespmem:s23+$0xFFFFFFB0];
	_ =	sdelay $0x4  }
0xf2: {  	[tilespmem:v27+s17+$0x0] =	vst.idx.msk $0xffff, v26  }
0xf3: {  	v27 =	vor.u32 v24, v28;
	v26 =	vld [tilespmem:s23+$0xFFFFFFC0];
	_ =	sdelay $0x4  }
0xf4: {  	[tilespmem:v27+s17+$0x0] =	vst.idx.msk $0xffff, v26  }
0xf5: {  	s26 =	sadd.s32 $0x8, s24;
	v27 =	vor.u32 v25, v28;
	v26 =	vld [tilespmem:s23+$0xFFFFFFD0]  }
0xf6: {  	v28 =	vmov s26  }
0xf7: {  	v28 =	vshrl.u32 v28, $0x3  }
0xf8: {  	v28 =	vshll.u32 v28, v1  }
0xf9: {  	v28 =	vbroadcast v28, $0x0  }
0xfa: {  	[tilespmem:v27+s17+$0x0] =	vst.idx.msk $0xffff, v26  }
0xfb: {  	v27 =	vor.u32 v2, v28;
	v26 =	vld [tilespmem:s23+$0x0];
	_ =	sdelay $0x4  }
0xfc: {  	[tilespmem:v27+s17+$0x0] =	vst.idx.msk $0xffff, v26  }
0xfd: {  	v27 =	vor.u32 v3, v28;
	v26 =	vld [tilespmem:s23+$0x10];
	_ =	sdelay $0x4  }
0xfe: {  	[tilespmem:v27+s17+$0x0] =	vst.idx.msk $0xffff, v26  }
0xff: {  	v27 =	vor.u32 v4, v28;
	v26 =	vld [tilespmem:s23+$0x20];
	_ =	sdelay $0x4  }
0x100: {  	[tilespmem:v27+s17+$0x0] =	vst.idx.msk $0xffff, v26  }
0x101: {  	v27 =	vor.u32 v5, v28;
	v26 =	vld [tilespmem:s23+$0x30];
	_ =	sdelay $0x4  }
0x102: {  	[tilespmem:v27+s17+$0x0] =	vst.idx.msk $0xffff, v26  }
0x103: {  	v27 =	vor.u32 v6, v28;
	v26 =	vld [tilespmem:s23+$0x40];
	_ =	sdelay $0x4  }
0x104: {  	[tilespmem:v27+s17+$0x0] =	vst.idx.msk $0xffff, v26  }
0x105: {  	s26 =	sadd.s32 $0xA, s24;
	v27 =	vor.u32 v7, v28;
	v26 =	vld [tilespmem:s23+$0x50]  }
0x106: {  	v28 =	vmov s26  }
0x107: {  	v28 =	vshrl.u32 v28, $0x3  }
0x108: {  	v28 =	vshll.u32 v28, v1  }
0x109: {  	v28 =	vbroadcast v28, $0x0  }
0x10a: {  	[tilespmem:v27+s17+$0x0] =	vst.idx.msk $0xffff, v26  }
0x10b: {  	v27 =	vor.u32 v8, v28;
	v26 =	vld [tilespmem:s23+$0x80];
	_ =	sdelay $0x4  }
0x10c: {  	[tilespmem:v27+s17+$0x0] =	vst.idx.msk $0xffff, v26  }
0x10d: {  	v27 =	vor.u32 v9, v28;
	v26 =	vld [tilespmem:s23+$0x90];
	_ =	sdelay $0x4  }
0x10e: {  	[tilespmem:v27+s17+$0x0] =	vst.idx.msk $0xffff, v26  }
0x10f: {  	v27 =	vor.u32 v10, v28;
	v26 =	vld [tilespmem:s23+$0xA0];
	_ =	sdelay $0x4  }
0x110: {  	[tilespmem:v27+s17+$0x0] =	vst.idx.msk $0xffff, v26  }
0x111: {  	v27 =	vor.u32 v11, v28;
	v26 =	vld [tilespmem:s23+$0xB0];
	_ =	sdelay $0x4  }
0x112: {  	[tilespmem:v27+s17+$0x0] =	vst.idx.msk $0xffff, v26  }
0x113: {  	v27 =	vor.u32 v12, v28;
	v26 =	vld [tilespmem:s23+$0xC0];
	_ =	sdelay $0x4  }
0x114: {  	[tilespmem:v27+s17+$0x0] =	vst.idx.msk $0xffff, v26  }
0x115: {  	s26 =	sadd.s32 $0xC, s24;
	v27 =	vor.u32 v13, v28;
	v26 =	vld [tilespmem:s23+$0xD0]  }
0x116: {  	v28 =	vmov s26  }
0x117: {  	v28 =	vshrl.u32 v28, $0x3  }
0x118: {  	v28 =	vshll.u32 v28, v1  }
0x119: {  	v28 =	vbroadcast v28, $0x0  }
0x11a: {  	[tilespmem:v27+s17+$0x0] =	vst.idx.msk $0xffff, v26  }
0x11b: {  	v27 =	vor.u32 v14, v28;
	v26 =	vld [tilespmem:s23+$0x100];
	_ =	sdelay $0x4  }
0x11c: {  	[tilespmem:v27+s17+$0x0] =	vst.idx.msk $0xffff, v26  }
0x11d: {  	v27 =	vor.u32 v15, v28;
	v26 =	vld [tilespmem:s23+$0x110];
	_ =	sdelay $0x4  }
0x11e: {  	[tilespmem:v27+s17+$0x0] =	vst.idx.msk $0xffff, v26  }
0x11f: {  	v27 =	vor.u32 v16, v28;
	v26 =	vld [tilespmem:s23+$0x120];
	_ =	sdelay $0x4  }
0x120: {  	[tilespmem:v27+s17+$0x0] =	vst.idx.msk $0xffff, v26  }
0x121: {  	v27 =	vor.u32 v17, v28;
	v26 =	vld [tilespmem:s23+$0x130];
	_ =	sdelay $0x4  }
0x122: {  	[tilespmem:v27+s17+$0x0] =	vst.idx.msk $0xffff, v26  }
0x123: {  	v27 =	vor.u32 v18, v28;
	v26 =	vld [tilespmem:s23+$0x140];
	_ =	sdelay $0x4  }
0x124: {  	[tilespmem:v27+s17+$0x0] =	vst.idx.msk $0xffff, v26  }
0x125: {  	s26 =	sadd.s32 $0xE, s24;
	s24 =	smov.u32 s25;
	v27 =	vor.u32 v19, v28;
	v26 =	vld [tilespmem:s23+$0x150]  }
0x126: {  	v28 =	vmov s26  }
0x127: {  	v28 =	vshrl.u32 v28, $0x3  }
0x128: {  	v28 =	vshll.u32 v28, v1  }
0x129: {  	v28 =	vbroadcast v28, $0x0  }
0x12a: {  	[tilespmem:v27+s17+$0x0] =	vst.idx.msk $0xffff, v26  }
0x12b: {  	v27 =	vor.u32 v20, v28;
	v26 =	vld [tilespmem:s23+$0x180];
	_ =	sdelay $0x4  }
0x12c: {  	[tilespmem:v27+s17+$0x0] =	vst.idx.msk $0xffff, v26  }
0x12d: {  	v27 =	vor.u32 v21, v28;
	v26 =	vld [tilespmem:s23+$0x190];
	_ =	sdelay $0x4  }
0x12e: {  	[tilespmem:v27+s17+$0x0] =	vst.idx.msk $0xffff, v26  }
0x12f: {  	v27 =	vor.u32 v22, v28;
	v26 =	vld [tilespmem:s23+$0x1A0];
	_ =	sdelay $0x4  }
0x130: {  	[tilespmem:v27+s17+$0x0] =	vst.idx.msk $0xffff, v26  }
0x131: {  	v27 =	vor.u32 v23, v28;
	v26 =	vld [tilespmem:s23+$0x1B0];
	_ =	sdelay $0x4  }
0x132: {  	[tilespmem:v27+s17+$0x0] =	vst.idx.msk $0xffff, v26  }
0x133: {  	v27 =	vor.u32 v24, v28;
	v26 =	vld [tilespmem:s23+$0x1C0];
	_ =	sdelay $0x2  }
.Ltmp1:
0x134: {  	(pc) =	sbr.rel @p0 .LBB2_4-.Ltmp1, $4  }
0x135: {  	_ = 	snop  }
0x136: {  	[tilespmem:v27+s17+$0x0] =	vst.idx.msk $0xffff, v26  }
0x137: {  	v27 =	vor.u32 v25, v28;
	v26 =	vld [tilespmem:s23+$0x1D0]  }
0x138: {  	s25 =	sadd.s32 $0x10, s25;
	v28 =	vmov s24  }
0x139: {  	_ = 	snop  }
0x13a: {  	v28 =	vshrl.u32 v28, $0x3  }
0x13b: {  	v28 =	vshll.u32 v28, v1  }
0x13c: {  	v28 =	vbroadcast v28, $0x0  }
0x13d: {  	s23 =	sadd.s32 $0x400, s23;
	[tilespmem:v27+s17+$0x0] =	vst.idx.msk $0xffff, v26  }
0x13e: {  	v26 =	vld [tilespmem:s23+$0xFFFFFE00];
	v27 =	vor.u32 v2, v28;
	_ =	sdelay $0x4  }
0x13f: {  	[tilespmem:v27+s17+$0x0] =	vst.idx.msk $0xffff, v26  }
0x140: {  	v27 =	vor.u32 v3, v28;
	v26 =	vld [tilespmem:s23+$0xFFFFFE10];
	_ =	sdelay $0x4  }
0x141: {  	[tilespmem:v27+s17+$0x0] =	vst.idx.msk $0xffff, v26  }
0x142: {  	v27 =	vor.u32 v4, v28;
	v26 =	vld [tilespmem:s23+$0xFFFFFE20];
	_ =	sdelay $0x4  }
0x143: {  	[tilespmem:v27+s17+$0x0] =	vst.idx.msk $0xffff, v26  }
0x144: {  	v27 =	vor.u32 v5, v28;
	v26 =	vld [tilespmem:s23+$0xFFFFFE30];
	_ =	sdelay $0x4  }
0x145: {  	[tilespmem:v27+s17+$0x0] =	vst.idx.msk $0xffff, v26  }
0x146: {  	v27 =	vor.u32 v6, v28;
	v26 =	vld [tilespmem:s23+$0xFFFFFE40];
	_ =	sdelay $0x4  }
0x147: {  	[tilespmem:v27+s17+$0x0] =	vst.idx.msk $0xffff, v26  }
0x148: {  	s25 =	sadd.s32 $0x2, s24;
	v27 =	vor.u32 v7, v28;
	v26 =	vld [tilespmem:s23+$0xFFFFFE50]  }
0x149: {  	v57 =	vmov s25  }
0x14a: {  	v28 =	vshrl.u32 v57, $0x3  }
0x14b: {  	v28 =	vshll.u32 v28, v1  }
0x14c: {  	v28 =	vbroadcast v28, $0x0  }
0x14d: {  	[tilespmem:v27+s17+$0x0] =	vst.idx.msk $0xffff, v26  }
0x14e: {  	v27 =	vor.u32 v8, v28;
	v26 =	vld [tilespmem:s23+$0xFFFFFE80];
	_ =	sdelay $0x4  }
0x14f: {  	[tilespmem:v27+s17+$0x0] =	vst.idx.msk $0xffff, v26  }
0x150: {  	v27 =	vor.u32 v9, v28;
	v26 =	vld [tilespmem:s23+$0xFFFFFE90];
	_ =	sdelay $0x4  }
0x151: {  	[tilespmem:v27+s17+$0x0] =	vst.idx.msk $0xffff, v26  }
0x152: {  	v27 =	vor.u32 v10, v28;
	v26 =	vld [tilespmem:s23+$0xFFFFFEA0];
	_ =	sdelay $0x4  }
0x153: {  	[tilespmem:v27+s17+$0x0] =	vst.idx.msk $0xffff, v26  }
0x154: {  	v27 =	vor.u32 v11, v28;
	v26 =	vld [tilespmem:s23+$0xFFFFFEB0];
	_ =	sdelay $0x4  }
0x155: {  	[tilespmem:v27+s17+$0x0] =	vst.idx.msk $0xffff, v26  }
0x156: {  	v27 =	vor.u32 v12, v28;
	v26 =	vld [tilespmem:s23+$0xFFFFFEC0];
	_ =	sdelay $0x4  }
0x157: {  	[tilespmem:v27+s17+$0x0] =	vst.idx.msk $0xffff, v26  }
0x158: {  	s31 =	sadd.s32 $0x4, s24;
	v27 =	vor.u32 v13, v28;
	v26 =	vld [tilespmem:s23+$0xFFFFFED0]  }
0x159: {  	v58 =	vmov s31  }
0x15a: {  	v28 =	vshrl.u32 v58, $0x3  }
0x15b: {  	v28 =	vshll.u32 v28, v1  }
0x15c: {  	v28 =	vbroadcast v28, $0x0  }
0x15d: {  	[tilespmem:v27+s17+$0x0] =	vst.idx.msk $0xffff, v26  }
0x15e: {  	v27 =	vor.u32 v14, v28;
	v26 =	vld [tilespmem:s23+$0xFFFFFF00];
	_ =	sdelay $0x4  }
0x15f: {  	[tilespmem:v27+s17+$0x0] =	vst.idx.msk $0xffff, v26  }
0x160: {  	v27 =	vor.u32 v15, v28;
	v26 =	vld [tilespmem:s23+$0xFFFFFF10];
	_ =	sdelay $0x4  }
0x161: {  	[tilespmem:v27+s17+$0x0] =	vst.idx.msk $0xffff, v26  }
0x162: {  	v27 =	vor.u32 v16, v28;
	v26 =	vld [tilespmem:s23+$0xFFFFFF20];
	_ =	sdelay $0x4  }
0x163: {  	[tilespmem:v27+s17+$0x0] =	vst.idx.msk $0xffff, v26  }
0x164: {  	v27 =	vor.u32 v17, v28;
	v26 =	vld [tilespmem:s23+$0xFFFFFF30];
	_ =	sdelay $0x4  }
0x165: {  	[tilespmem:v27+s17+$0x0] =	vst.idx.msk $0xffff, v26  }
0x166: {  	v27 =	vor.u32 v18, v28;
	v26 =	vld [tilespmem:s23+$0xFFFFFF40];
	_ =	sdelay $0x4  }
0x167: {  	[tilespmem:v27+s17+$0x0] =	vst.idx.msk $0xffff, v26  }
0x168: {  	s26 =	sadd.s32 $0x6, s24;
	v27 =	vor.u32 v19, v28;
	v26 =	vld [tilespmem:s23+$0xFFFFFF50]  }
0x169: {  	v59 =	vmov s26  }
0x16a: {  	v28 =	vshrl.u32 v59, $0x3  }
0x16b: {  	v28 =	vshll.u32 v28, v1  }
0x16c: {  	v28 =	vbroadcast v28, $0x0  }
0x16d: {  	[tilespmem:v27+s17+$0x0] =	vst.idx.msk $0xffff, v26  }
0x16e: {  	v27 =	vor.u32 v20, v28;
	v26 =	vld [tilespmem:s23+$0xFFFFFF80];
	_ =	sdelay $0x4  }
0x16f: {  	[tilespmem:v27+s17+$0x0] =	vst.idx.msk $0xffff, v26  }
0x170: {  	v27 =	vor.u32 v21, v28;
	v26 =	vld [tilespmem:s23+$0xFFFFFF90];
	_ =	sdelay $0x4  }
0x171: {  	[tilespmem:v27+s17+$0x0] =	vst.idx.msk $0xffff, v26  }
0x172: {  	v27 =	vor.u32 v22, v28;
	v26 =	vld [tilespmem:s23+$0xFFFFFFA0];
	_ =	sdelay $0x4  }
0x173: {  	[tilespmem:v27+s17+$0x0] =	vst.idx.msk $0xffff, v26  }
0x174: {  	v27 =	vor.u32 v23, v28;
	v26 =	vld [tilespmem:s23+$0xFFFFFFB0];
	_ =	sdelay $0x4  }
0x175: {  	[tilespmem:v27+s17+$0x0] =	vst.idx.msk $0xffff, v26  }
0x176: {  	v27 =	vor.u32 v24, v28;
	v26 =	vld [tilespmem:s23+$0xFFFFFFC0];
	_ =	sdelay $0x4  }
0x177: {  	[tilespmem:v27+s17+$0x0] =	vst.idx.msk $0xffff, v26  }
0x178: {  	s29 =	sadd.s32 $0x8, s24;
	v27 =	vor.u32 v25, v28;
	v26 =	vld [tilespmem:s23+$0xFFFFFFD0]  }
0x179: {  	v60 =	vmov s29  }
0x17a: {  	v28 =	vshrl.u32 v60, $0x3  }
0x17b: {  	v28 =	vshll.u32 v28, v1  }
0x17c: {  	v28 =	vbroadcast v28, $0x0  }
0x17d: {  	[tilespmem:v27+s17+$0x0] =	vst.idx.msk $0xffff, v26  }
0x17e: {  	v27 =	vor.u32 v2, v28;
	v26 =	vld [tilespmem:s23+$0x0];
	_ =	sdelay $0x4  }
0x17f: {  	[tilespmem:v27+s17+$0x0] =	vst.idx.msk $0xffff, v26  }
0x180: {  	v27 =	vor.u32 v3, v28;
	v26 =	vld [tilespmem:s23+$0x10];
	_ =	sdelay $0x4  }
0x181: {  	[tilespmem:v27+s17+$0x0] =	vst.idx.msk $0xffff, v26  }
0x182: {  	v27 =	vor.u32 v4, v28;
	v26 =	vld [tilespmem:s23+$0x20];
	_ =	sdelay $0x4  }
0x183: {  	[tilespmem:v27+s17+$0x0] =	vst.idx.msk $0xffff, v26  }
0x184: {  	v27 =	vor.u32 v5, v28;
	v26 =	vld [tilespmem:s23+$0x30];
	_ =	sdelay $0x4  }
0x185: {  	[tilespmem:v27+s17+$0x0] =	vst.idx.msk $0xffff, v26  }
0x186: {  	v27 =	vor.u32 v6, v28;
	v26 =	vld [tilespmem:s23+$0x40];
	_ =	sdelay $0x4  }
0x187: {  	[tilespmem:v27+s17+$0x0] =	vst.idx.msk $0xffff, v26  }
0x188: {  	s30 =	sadd.s32 $0xA, s24;
	v27 =	vor.u32 v7, v28;
	v26 =	vld [tilespmem:s23+$0x50]  }
0x189: {  	v61 =	vmov s30  }
0x18a: {  	v28 =	vshrl.u32 v61, $0x3  }
0x18b: {  	v28 =	vshll.u32 v28, v1  }
0x18c: {  	v28 =	vbroadcast v28, $0x0  }
0x18d: {  	[tilespmem:v27+s17+$0x0] =	vst.idx.msk $0xffff, v26  }
0x18e: {  	v27 =	vor.u32 v8, v28;
	v26 =	vld [tilespmem:s23+$0x80];
	_ =	sdelay $0x4  }
0x18f: {  	[tilespmem:v27+s17+$0x0] =	vst.idx.msk $0xffff, v26  }
0x190: {  	v27 =	vor.u32 v9, v28;
	v26 =	vld [tilespmem:s23+$0x90];
	_ =	sdelay $0x4  }
0x191: {  	[tilespmem:v27+s17+$0x0] =	vst.idx.msk $0xffff, v26  }
0x192: {  	v27 =	vor.u32 v10, v28;
	v26 =	vld [tilespmem:s23+$0xA0];
	_ =	sdelay $0x4  }
0x193: {  	[tilespmem:v27+s17+$0x0] =	vst.idx.msk $0xffff, v26  }
0x194: {  	v27 =	vor.u32 v11, v28;
	v26 =	vld [tilespmem:s23+$0xB0];
	_ =	sdelay $0x4  }
0x195: {  	[tilespmem:v27+s17+$0x0] =	vst.idx.msk $0xffff, v26  }
0x196: {  	v27 =	vor.u32 v12, v28;
	v26 =	vld [tilespmem:s23+$0xC0];
	_ =	sdelay $0x4  }
0x197: {  	[tilespmem:v27+s17+$0x0] =	vst.idx.msk $0xffff, v26  }
0x198: {  	s31 =	sadd.s32 $0xC, s24;
	v27 =	vor.u32 v13, v28;
	v26 =	vld [tilespmem:s23+$0xD0]  }
0x199: {  	v62 =	vmov s31  }
0x19a: {  	v28 =	vshrl.u32 v62, $0x3  }
0x19b: {  	v28 =	vshll.u32 v28, v1  }
0x19c: {  	v28 =	vbroadcast v28, $0x0  }
0x19d: {  	[tilespmem:v27+s17+$0x0] =	vst.idx.msk $0xffff, v26  }
0x19e: {  	v27 =	vor.u32 v14, v28;
	v26 =	vld [tilespmem:s23+$0x100];
	_ =	sdelay $0x4  }
0x19f: {  	[tilespmem:v27+s17+$0x0] =	vst.idx.msk $0xffff, v26  }
0x1a0: {  	v27 =	vor.u32 v15, v28;
	v26 =	vld [tilespmem:s23+$0x110];
	_ =	sdelay $0x4  }
0x1a1: {  	[tilespmem:v27+s17+$0x0] =	vst.idx.msk $0xffff, v26  }
0x1a2: {  	v27 =	vor.u32 v16, v28;
	v26 =	vld [tilespmem:s23+$0x120];
	_ =	sdelay $0x4  }
0x1a3: {  	[tilespmem:v27+s17+$0x0] =	vst.idx.msk $0xffff, v26  }
0x1a4: {  	v27 =	vor.u32 v17, v28;
	v26 =	vld [tilespmem:s23+$0x130];
	_ =	sdelay $0x4  }
0x1a5: {  	[tilespmem:v27+s17+$0x0] =	vst.idx.msk $0xffff, v26  }
0x1a6: {  	v27 =	vor.u32 v18, v28;
	v26 =	vld [tilespmem:s23+$0x140];
	_ =	sdelay $0x4  }
0x1a7: {  	[tilespmem:v27+s17+$0x0] =	vst.idx.msk $0xffff, v26  }
0x1a8: {  	s26 =	sadd.s32 $0xE, s24;
	v27 =	vor.u32 v19, v28;
	v26 =	vld [tilespmem:s23+$0x150]  }
0x1a9: {  	v63 =	vmov s26  }
0x1aa: {  	v28 =	vshrl.u32 v63, $0x3  }
0x1ab: {  	v28 =	vshll.u32 v28, v1  }
0x1ac: {  	v28 =	vbroadcast v28, $0x0  }
0x1ad: {  	[tilespmem:v27+s17+$0x0] =	vst.idx.msk $0xffff, v26  }
0x1ae: {  	v27 =	vor.u32 v20, v28;
	v26 =	vld [tilespmem:s23+$0x180];
	_ =	sdelay $0x4  }
0x1af: {  	[tilespmem:v27+s17+$0x0] =	vst.idx.msk $0xffff, v26  }
0x1b0: {  	v27 =	vor.u32 v21, v28;
	v26 =	vld [tilespmem:s23+$0x190];
	_ =	sdelay $0x4  }
0x1b1: {  	[tilespmem:v27+s17+$0x0] =	vst.idx.msk $0xffff, v26  }
0x1b2: {  	v27 =	vor.u32 v22, v28;
	v26 =	vld [tilespmem:s23+$0x1A0];
	_ =	sdelay $0x4  }
0x1b3: {  	[tilespmem:v27+s17+$0x0] =	vst.idx.msk $0xffff, v26  }
0x1b4: {  	v27 =	vor.u32 v23, v28;
	v26 =	vld [tilespmem:s23+$0x1B0];
	_ =	sdelay $0x4  }
0x1b5: {  	[tilespmem:v27+s17+$0x0] =	vst.idx.msk $0xffff, v26  }
0x1b6: {  	v27 =	vor.u32 v24, v28;
	v26 =	vld [tilespmem:s23+$0x1C0];
	_ =	sdelay $0x4  }
0x1b7: {  	[tilespmem:v27+s17+$0x0] =	vst.idx.msk $0xffff, v26  }
0x1b8: {  	v27 =	vor.u32 v25, v28;
	v26 =	vld [tilespmem:s23+$0x1D0];
	_ =	sdelay $0x3  }
0x1b9: {  	s29 =	simm.s32 $0x0  }
0x1ba: {  	s30 =	sand.u32 $0xF800, s29;
	s23 =	sand.u32 $0x380, s29;
	[tilespmem:v27+s17+$0x0] =	vst.idx.msk $0xffff, v26  }
0x1bb: {  	[hbm4b:s8+s29] =	stream.linear.scatter [tilespmem:s17], [sflag:$0x3], $0xC000, $0x38;
	[tilespmem:$0x1E000] =	vst v63  }
0x1bc: {  	s24 =	sor.u32 s23, s30  }
0x1bd: {  	[tilespmem:s29], [sflag:$0x1] =	stream.linear.gather [hbm4b:s9+s29], $0x3000, $0x38;
	[tilespmem:$0x1E000] =	vst v63  }
0x1be: {  	s23 =	sadd.s32 $0x12000, s24;
	[tilespmem:s24+$0x12000] =	vst v0  }
0x1bf: {  	[tilespmem:s23+$0x40] =	vst v0  }
0x1c0: {  	[tilespmem:s23+$0x50] =	vst v0  }
0x1c1: {  	[tilespmem:s23+$0x60] =	vst v0  }
0x1c2: {  	[tilespmem:s23+$0x70] =	vst v0  }
0x1c3: {  	[tilespmem:s23+$0x400] =	vst v0  }
0x1c4: {  	[tilespmem:s23+$0x410] =	vst v0  }
0x1c5: {  	[tilespmem:s23+$0x420] =	vst v0  }
0x1c6: {  	[tilespmem:s23+$0x10] =	vst v0  }
0x1c7: {  	s31 =	simm.s32 $0x100;
	s24 =	simm.s32 $0x80;
	[tilespmem:s23+$0x20] =	vst v0  }
0x1c8: {  	s25 =	simm.s32 $0x200;
	s26 =	sand.u32 $0xF800, s31;
	[tilespmem:s23+$0x30] =	vst v0;
	s28 =	sand.u32 $0x380, s24  }
.LBB2_6:
0x1c9: {  	p0 =	sne.s32 s25, $0xBF00;
	s26 =	sor.u32 s28, s26;
	[tilespmem:s23+$0x430] =	vst v0  }
0x1ca: {  	s23 =	sadd.s32 $0x12000, s26;
	[tilespmem:s26+$0x12000] =	vst v0  }
0x1cb: {  	[tilespmem:s23+$0x10] =	vst v0  }
0x1cc: {  	[tilespmem:s23+$0x20] =	vst v0  }
0x1cd: {  	[tilespmem:s23+$0x30] =	vst v0  }
0x1ce: {  	[tilespmem:s23+$0x40] =	vst v0  }
0x1cf: {  	[tilespmem:s23+$0x50] =	vst v0  }
.Ltmp2:
0x1d0: {  	[tilespmem:s23+$0x60] =	vst v0;
	(pc) =	sbr.rel @p0 .LBB2_6-.Ltmp2, $4  }
0x1d1: {  	[tilespmem:s23+$0x70] =	vst v0  }
0x1d2: {  	[tilespmem:s23+$0x400] =	vst v0  }
0x1d3: {  	s24 =	sadd.s32 $0x80, s24;
	[tilespmem:s23+$0x410] =	vst v0  }
0x1d4: {  	s26 =	sand.u32 $0xF800, s25;
	s28 =	sand.u32 $0x380, s24;
	s25 =	sadd.s32 $0x100, s25;
	[tilespmem:s23+$0x420] =	vst v0  }
0x1d5: {  	s24 =	sor.u32 s28, s26;
	[tilespmem:s23+$0x430] =	vst v0  }
0x1d6: {  	s29 =	sadd.s32 $0x12000, s24;
	[tilespmem:s24+$0x12000] =	vst v0  }
0x1d7: {  	[tilespmem:s29+$0x10] =	vst v0  }
0x1d8: {  	[tilespmem:s29+$0x20] =	vst v0  }
0x1d9: {  	[tilespmem:s29+$0x30] =	vst v0  }
0x1da: {  	[tilespmem:s29+$0x40] =	vst v0  }
0x1db: {  	[tilespmem:s29+$0x50] =	vst v0  }
0x1dc: {  	[tilespmem:s29+$0x60] =	vst v0  }
0x1dd: {  	[tilespmem:s29+$0x70] =	vst v0  }
0x1de: {  	[tilespmem:s29+$0x400] =	vst v0  }
0x1df: {  	s30 =	simm.s32 $0x0;
	[tilespmem:s29+$0x410] =	vst v0  }
0x1e0: {  	v26 =	vmov s30;
	[tilespmem:s29+$0x420] =	vst v0  }
0x1e1: {  	[tilespmem:s29+$0x430] =	vst v0;
	v26 =	vshrl.u32 v26, $0x3  }
0x1e2: {  	_ =	swait.ge [sflag:s18], $0x3000;
	v26 =	vshll.u32 v26, v1  }
0x1e3: {  	[sflag:s18] =	ssyncset.done $0x0;
	v26 =	vbroadcast v26, $0x0  }
0x1e4: {  	s23 =	simm.s32 $0x3200;
	[sflag:s18] =	ssyncadd.s32 $0xFFFFD000  }
0x1e5: {  	v27 =	vld [tilespmem:s23+$0xFFFFFE00];
	v28 =	vor.u32 v2, v26;
	_ =	sdelay $0x4  }
0x1e6: {  	[tilespmem:v28+s19+$0x0] =	vst.idx.msk $0xffff, v27  }
0x1e7: {  	v28 =	vor.u32 v3, v26;
	v27 =	vld [tilespmem:s23+$0xFFFFFE10];
	_ =	sdelay $0x4  }
0x1e8: {  	[tilespmem:v28+s19+$0x0] =	vst.idx.msk $0xffff, v27  }
0x1e9: {  	v28 =	vor.u32 v4, v26;
	v27 =	vld [tilespmem:s23+$0xFFFFFE20];
	_ =	sdelay $0x4  }
0x1ea: {  	[tilespmem:v28+s19+$0x0] =	vst.idx.msk $0xffff, v27  }
0x1eb: {  	v28 =	vor.u32 v5, v26;
	v27 =	vld [tilespmem:s23+$0xFFFFFE30];
	_ =	sdelay $0x4  }
0x1ec: {  	[tilespmem:v28+s19+$0x0] =	vst.idx.msk $0xffff, v27  }
0x1ed: {  	v28 =	vor.u32 v6, v26;
	v27 =	vld [tilespmem:s23+$0xFFFFFE40];
	_ =	sdelay $0x4  }
0x1ee: {  	[tilespmem:v28+s19+$0x0] =	vst.idx.msk $0xffff, v27  }
0x1ef: {  	s31 =	simm.s32 $0x2;
	v26 =	vor.u32 v7, v26;
	v27 =	vld [tilespmem:s23+$0xFFFFFE50]  }
0x1f0: {  	v28 =	vmov s31  }
0x1f1: {  	v28 =	vshrl.u32 v28, $0x3  }
0x1f2: {  	v28 =	vshll.u32 v28, v1  }
0x1f3: {  	v28 =	vbroadcast v28, $0x0  }
0x1f4: {  	[tilespmem:v26+s19+$0x0] =	vst.idx.msk $0xffff, v27  }
0x1f5: {  	v27 =	vor.u32 v8, v28;
	v26 =	vld [tilespmem:s23+$0xFFFFFE80];
	_ =	sdelay $0x4  }
0x1f6: {  	[tilespmem:v27+s19+$0x0] =	vst.idx.msk $0xffff, v26  }
0x1f7: {  	v27 =	vor.u32 v9, v28;
	v26 =	vld [tilespmem:s23+$0xFFFFFE90];
	_ =	sdelay $0x4  }
0x1f8: {  	[tilespmem:v27+s19+$0x0] =	vst.idx.msk $0xffff, v26  }
0x1f9: {  	v27 =	vor.u32 v10, v28;
	v26 =	vld [tilespmem:s23+$0xFFFFFEA0];
	_ =	sdelay $0x4  }
0x1fa: {  	[tilespmem:v27+s19+$0x0] =	vst.idx.msk $0xffff, v26  }
0x1fb: {  	v27 =	vor.u32 v11, v28;
	v26 =	vld [tilespmem:s23+$0xFFFFFEB0];
	_ =	sdelay $0x4  }
0x1fc: {  	[tilespmem:v27+s19+$0x0] =	vst.idx.msk $0xffff, v26  }
0x1fd: {  	v27 =	vor.u32 v12, v28;
	v26 =	vld [tilespmem:s23+$0xFFFFFEC0];
	_ =	sdelay $0x4  }
0x1fe: {  	[tilespmem:v27+s19+$0x0] =	vst.idx.msk $0xffff, v26  }
0x1ff: {  	s25 =	simm.s32 $0x4;
	v27 =	vor.u32 v13, v28;
	v26 =	vld [tilespmem:s23+$0xFFFFFED0]  }
0x200: {  	v28 =	vmov s25  }
0x201: {  	v28 =	vshrl.u32 v28, $0x3  }
0x202: {  	v28 =	vshll.u32 v28, v1  }
0x203: {  	v28 =	vbroadcast v28, $0x0  }
0x204: {  	[tilespmem:v27+s19+$0x0] =	vst.idx.msk $0xffff, v26  }
0x205: {  	v27 =	vor.u32 v14, v28;
	v26 =	vld [tilespmem:s23+$0xFFFFFF00];
	_ =	sdelay $0x4  }
0x206: {  	[tilespmem:v27+s19+$0x0] =	vst.idx.msk $0xffff, v26  }
0x207: {  	v27 =	vor.u32 v15, v28;
	v26 =	vld [tilespmem:s23+$0xFFFFFF10];
	_ =	sdelay $0x4  }
0x208: {  	[tilespmem:v27+s19+$0x0] =	vst.idx.msk $0xffff, v26  }
0x209: {  	v27 =	vor.u32 v16, v28;
	v26 =	vld [tilespmem:s23+$0xFFFFFF20];
	_ =	sdelay $0x4  }
0x20a: {  	[tilespmem:v27+s19+$0x0] =	vst.idx.msk $0xffff, v26  }
0x20b: {  	v27 =	vor.u32 v17, v28;
	v26 =	vld [tilespmem:s23+$0xFFFFFF30];
	_ =	sdelay $0x4  }
0x20c: {  	[tilespmem:v27+s19+$0x0] =	vst.idx.msk $0xffff, v26  }
0x20d: {  	v27 =	vor.u32 v18, v28;
	v26 =	vld [tilespmem:s23+$0xFFFFFF40];
	_ =	sdelay $0x4  }
0x20e: {  	[tilespmem:v27+s19+$0x0] =	vst.idx.msk $0xffff, v26  }
0x20f: {  	s26 =	simm.s32 $0x6;
	v27 =	vor.u32 v19, v28;
	v26 =	vld [tilespmem:s23+$0xFFFFFF50]  }
0x210: {  	v28 =	vmov s26  }
0x211: {  	v28 =	vshrl.u32 v28, $0x3  }
0x212: {  	v28 =	vshll.u32 v28, v1  }
0x213: {  	v28 =	vbroadcast v28, $0x0  }
0x214: {  	[tilespmem:v27+s19+$0x0] =	vst.idx.msk $0xffff, v26  }
0x215: {  	v27 =	vor.u32 v20, v28;
	v26 =	vld [tilespmem:s23+$0xFFFFFF80];
	_ =	sdelay $0x4  }
0x216: {  	[tilespmem:v27+s19+$0x0] =	vst.idx.msk $0xffff, v26  }
0x217: {  	v27 =	vor.u32 v21, v28;
	v26 =	vld [tilespmem:s23+$0xFFFFFF90];
	_ =	sdelay $0x4  }
0x218: {  	[tilespmem:v27+s19+$0x0] =	vst.idx.msk $0xffff, v26  }
0x219: {  	v27 =	vor.u32 v22, v28;
	v26 =	vld [tilespmem:s23+$0xFFFFFFA0];
	_ =	sdelay $0x4  }
0x21a: {  	[tilespmem:v27+s19+$0x0] =	vst.idx.msk $0xffff, v26  }
0x21b: {  	v27 =	vor.u32 v23, v28;
	v26 =	vld [tilespmem:s23+$0xFFFFFFB0];
	_ =	sdelay $0x4  }
0x21c: {  	[tilespmem:v27+s19+$0x0] =	vst.idx.msk $0xffff, v26  }
0x21d: {  	v27 =	vor.u32 v24, v28;
	v26 =	vld [tilespmem:s23+$0xFFFFFFC0];
	_ =	sdelay $0x4  }
0x21e: {  	[tilespmem:v27+s19+$0x0] =	vst.idx.msk $0xffff, v26  }
0x21f: {  	s28 =	simm.s32 $0x8;
	v27 =	vor.u32 v25, v28;
	v26 =	vld [tilespmem:s23+$0xFFFFFFD0]  }
0x220: {  	v28 =	vmov s28  }
0x221: {  	v28 =	vshrl.u32 v28, $0x3  }
0x222: {  	v28 =	vshll.u32 v28, v1  }
0x223: {  	v28 =	vbroadcast v28, $0x0  }
0x224: {  	[tilespmem:v27+s19+$0x0] =	vst.idx.msk $0xffff, v26  }
0x225: {  	v27 =	vor.u32 v2, v28;
	v26 =	vld [tilespmem:s23+$0x0];
	_ =	sdelay $0x4  }
0x226: {  	[tilespmem:v27+s19+$0x0] =	vst.idx.msk $0xffff, v26  }
0x227: {  	v27 =	vor.u32 v3, v28;
	v26 =	vld [tilespmem:s23+$0x10];
	_ =	sdelay $0x4  }
0x228: {  	[tilespmem:v27+s19+$0x0] =	vst.idx.msk $0xffff, v26  }
0x229: {  	v27 =	vor.u32 v4, v28;
	v26 =	vld [tilespmem:s23+$0x20];
	_ =	sdelay $0x4  }
0x22a: {  	[tilespmem:v27+s19+$0x0] =	vst.idx.msk $0xffff, v26  }
0x22b: {  	v27 =	vor.u32 v5, v28;
	v26 =	vld [tilespmem:s23+$0x30];
	_ =	sdelay $0x4  }
0x22c: {  	[tilespmem:v27+s19+$0x0] =	vst.idx.msk $0xffff, v26  }
0x22d: {  	v27 =	vor.u32 v6, v28;
	v26 =	vld [tilespmem:s23+$0x40];
	_ =	sdelay $0x4  }
0x22e: {  	[tilespmem:v27+s19+$0x0] =	vst.idx.msk $0xffff, v26  }
0x22f: {  	s29 =	simm.s32 $0xA;
	v27 =	vor.u32 v7, v28;
	v26 =	vld [tilespmem:s23+$0x50]  }
0x230: {  	v28 =	vmov s29  }
0x231: {  	v28 =	vshrl.u32 v28, $0x3  }
0x232: {  	v28 =	vshll.u32 v28, v1  }
0x233: {  	v28 =	vbroadcast v28, $0x0  }
0x234: {  	[tilespmem:v27+s19+$0x0] =	vst.idx.msk $0xffff, v26  }
0x235: {  	v27 =	vor.u32 v8, v28;
	v26 =	vld [tilespmem:s23+$0x80];
	_ =	sdelay $0x4  }
0x236: {  	[tilespmem:v27+s19+$0x0] =	vst.idx.msk $0xffff, v26  }
0x237: {  	v27 =	vor.u32 v9, v28;
	v26 =	vld [tilespmem:s23+$0x90];
	_ =	sdelay $0x4  }
0x238: {  	[tilespmem:v27+s19+$0x0] =	vst.idx.msk $0xffff, v26  }
0x239: {  	v27 =	vor.u32 v10, v28;
	v26 =	vld [tilespmem:s23+$0xA0];
	_ =	sdelay $0x4  }
0x23a: {  	[tilespmem:v27+s19+$0x0] =	vst.idx.msk $0xffff, v26  }
0x23b: {  	v27 =	vor.u32 v11, v28;
	v26 =	vld [tilespmem:s23+$0xB0];
	_ =	sdelay $0x4  }
0x23c: {  	[tilespmem:v27+s19+$0x0] =	vst.idx.msk $0xffff, v26  }
0x23d: {  	v27 =	vor.u32 v12, v28;
	v26 =	vld [tilespmem:s23+$0xC0];
	_ =	sdelay $0x4  }
0x23e: {  	[tilespmem:v27+s19+$0x0] =	vst.idx.msk $0xffff, v26  }
0x23f: {  	s30 =	simm.s32 $0xC;
	v27 =	vor.u32 v13, v28;
	v26 =	vld [tilespmem:s23+$0xD0]  }
0x240: {  	v28 =	vmov s30  }
0x241: {  	v28 =	vshrl.u32 v28, $0x3  }
0x242: {  	v28 =	vshll.u32 v28, v1  }
0x243: {  	v28 =	vbroadcast v28, $0x0  }
0x244: {  	[tilespmem:v27+s19+$0x0] =	vst.idx.msk $0xffff, v26  }
0x245: {  	v27 =	vor.u32 v14, v28;
	v26 =	vld [tilespmem:s23+$0x100];
	_ =	sdelay $0x4  }
0x246: {  	[tilespmem:v27+s19+$0x0] =	vst.idx.msk $0xffff, v26  }
0x247: {  	v27 =	vor.u32 v15, v28;
	v26 =	vld [tilespmem:s23+$0x110];
	_ =	sdelay $0x4  }
0x248: {  	[tilespmem:v27+s19+$0x0] =	vst.idx.msk $0xffff, v26  }
0x249: {  	v27 =	vor.u32 v16, v28;
	v26 =	vld [tilespmem:s23+$0x120];
	_ =	sdelay $0x4  }
0x24a: {  	[tilespmem:v27+s19+$0x0] =	vst.idx.msk $0xffff, v26  }
0x24b: {  	v27 =	vor.u32 v17, v28;
	v26 =	vld [tilespmem:s23+$0x130];
	_ =	sdelay $0x4  }
0x24c: {  	[tilespmem:v27+s19+$0x0] =	vst.idx.msk $0xffff, v26  }
0x24d: {  	v27 =	vor.u32 v18, v28;
	v26 =	vld [tilespmem:s23+$0x140];
	_ =	sdelay $0x4  }
0x24e: {  	[tilespmem:v27+s19+$0x0] =	vst.idx.msk $0xffff, v26  }
0x24f: {  	s31 =	simm.s32 $0xE;
	v27 =	vor.u32 v19, v28;
	v26 =	vld [tilespmem:s23+$0x150]  }
0x250: {  	v28 =	vmov s31  }
0x251: {  	v28 =	vshrl.u32 v28, $0x3  }
0x252: {  	v28 =	vshll.u32 v28, v1  }
0x253: {  	v28 =	vbroadcast v28, $0x0  }
0x254: {  	[tilespmem:v27+s19+$0x0] =	vst.idx.msk $0xffff, v26  }
0x255: {  	v27 =	vor.u32 v20, v28;
	v26 =	vld [tilespmem:s23+$0x180];
	_ =	sdelay $0x4  }
0x256: {  	[tilespmem:v27+s19+$0x0] =	vst.idx.msk $0xffff, v26  }
0x257: {  	v27 =	vor.u32 v21, v28;
	v26 =	vld [tilespmem:s23+$0x190];
	_ =	sdelay $0x4  }
0x258: {  	[tilespmem:v27+s19+$0x0] =	vst.idx.msk $0xffff, v26  }
0x259: {  	v27 =	vor.u32 v22, v28;
	v26 =	vld [tilespmem:s23+$0x1A0];
	_ =	sdelay $0x4  }
0x25a: {  	[tilespmem:v27+s19+$0x0] =	vst.idx.msk $0xffff, v26  }
0x25b: {  	v27 =	vor.u32 v23, v28;
	v26 =	vld [tilespmem:s23+$0x1B0];
	_ =	sdelay $0x4  }
0x25c: {  	[tilespmem:v27+s19+$0x0] =	vst.idx.msk $0xffff, v26  }
0x25d: {  	v27 =	vor.u32 v24, v28;
	v26 =	vld [tilespmem:s23+$0x1C0];
	_ =	sdelay $0x4  }
0x25e: {  	[tilespmem:v27+s19+$0x0] =	vst.idx.msk $0xffff, v26  }
0x25f: {  	s24 =	simm.s32 $0x10;
	v27 =	vor.u32 v25, v28;
	v26 =	vld [tilespmem:s23+$0x1D0]  }
0x260: {  	s25 =	simm.s32 $0x20;
	v28 =	vmov s24  }
.LBB2_8:
0x261: {  	p0 =	sne.s32 s25, $0xB0;
	v28 =	vshrl.u32 v28, $0x3  }
0x262: {  	v28 =	vshll.u32 v28, v1  }
0x263: {  	v28 =	vbroadcast v28, $0x0  }
0x264: {  	s23 =	sadd.s32 $0x400, s23;
	[tilespmem:v27+s19+$0x0] =	vst.idx.msk $0xffff, v26  }
0x265: {  	v26 =	vld [tilespmem:s23+$0xFFFFFE00];
	v27 =	vor.u32 v2, v28;
	_ =	sdelay $0x4  }
0x266: {  	[tilespmem:v27+s19+$0x0] =	vst.idx.msk $0xffff, v26  }
0x267: {  	v27 =	vor.u32 v3, v28;
	v26 =	vld [tilespmem:s23+$0xFFFFFE10];
	_ =	sdelay $0x4  }
0x268: {  	[tilespmem:v27+s19+$0x0] =	vst.idx.msk $0xffff, v26  }
0x269: {  	v27 =	vor.u32 v4, v28;
	v26 =	vld [tilespmem:s23+$0xFFFFFE20];
	_ =	sdelay $0x4  }
0x26a: {  	[tilespmem:v27+s19+$0x0] =	vst.idx.msk $0xffff, v26  }
0x26b: {  	v27 =	vor.u32 v5, v28;
	v26 =	vld [tilespmem:s23+$0xFFFFFE30];
	_ =	sdelay $0x4  }
0x26c: {  	[tilespmem:v27+s19+$0x0] =	vst.idx.msk $0xffff, v26  }
0x26d: {  	v27 =	vor.u32 v6, v28;
	v26 =	vld [tilespmem:s23+$0xFFFFFE40];
	_ =	sdelay $0x4  }
0x26e: {  	[tilespmem:v27+s19+$0x0] =	vst.idx.msk $0xffff, v26  }
0x26f: {  	s26 =	sadd.s32 $0x2, s24;
	v27 =	vor.u32 v7, v28;
	v26 =	vld [tilespmem:s23+$0xFFFFFE50]  }
0x270: {  	v28 =	vmov s26  }
0x271: {  	v28 =	vshrl.u32 v28, $0x3  }
0x272: {  	v28 =	vshll.u32 v28, v1  }
0x273: {  	v28 =	vbroadcast v28, $0x0  }
0x274: {  	[tilespmem:v27+s19+$0x0] =	vst.idx.msk $0xffff, v26  }
0x275: {  	v27 =	vor.u32 v8, v28;
	v26 =	vld [tilespmem:s23+$0xFFFFFE80];
	_ =	sdelay $0x4  }
0x276: {  	[tilespmem:v27+s19+$0x0] =	vst.idx.msk $0xffff, v26  }
0x277: {  	v27 =	vor.u32 v9, v28;
	v26 =	vld [tilespmem:s23+$0xFFFFFE90];
	_ =	sdelay $0x4  }
0x278: {  	[tilespmem:v27+s19+$0x0] =	vst.idx.msk $0xffff, v26  }
0x279: {  	v27 =	vor.u32 v10, v28;
	v26 =	vld [tilespmem:s23+$0xFFFFFEA0];
	_ =	sdelay $0x4  }
0x27a: {  	[tilespmem:v27+s19+$0x0] =	vst.idx.msk $0xffff, v26  }
0x27b: {  	v27 =	vor.u32 v11, v28;
	v26 =	vld [tilespmem:s23+$0xFFFFFEB0];
	_ =	sdelay $0x4  }
0x27c: {  	[tilespmem:v27+s19+$0x0] =	vst.idx.msk $0xffff, v26  }
0x27d: {  	v27 =	vor.u32 v12, v28;
	v26 =	vld [tilespmem:s23+$0xFFFFFEC0];
	_ =	sdelay $0x4  }
0x27e: {  	[tilespmem:v27+s19+$0x0] =	vst.idx.msk $0xffff, v26  }
0x27f: {  	s26 =	sadd.s32 $0x4, s24;
	v27 =	vor.u32 v13, v28;
	v26 =	vld [tilespmem:s23+$0xFFFFFED0]  }
0x280: {  	v28 =	vmov s26  }
0x281: {  	v28 =	vshrl.u32 v28, $0x3  }
0x282: {  	v28 =	vshll.u32 v28, v1  }
0x283: {  	v28 =	vbroadcast v28, $0x0  }
0x284: {  	[tilespmem:v27+s19+$0x0] =	vst.idx.msk $0xffff, v26  }
0x285: {  	v27 =	vor.u32 v14, v28;
	v26 =	vld [tilespmem:s23+$0xFFFFFF00];
	_ =	sdelay $0x4  }
0x286: {  	[tilespmem:v27+s19+$0x0] =	vst.idx.msk $0xffff, v26  }
0x287: {  	v27 =	vor.u32 v15, v28;
	v26 =	vld [tilespmem:s23+$0xFFFFFF10];
	_ =	sdelay $0x4  }
0x288: {  	[tilespmem:v27+s19+$0x0] =	vst.idx.msk $0xffff, v26  }
0x289: {  	v27 =	vor.u32 v16, v28;
	v26 =	vld [tilespmem:s23+$0xFFFFFF20];
	_ =	sdelay $0x4  }
0x28a: {  	[tilespmem:v27+s19+$0x0] =	vst.idx.msk $0xffff, v26  }
0x28b: {  	v27 =	vor.u32 v17, v28;
	v26 =	vld [tilespmem:s23+$0xFFFFFF30];
	_ =	sdelay $0x4  }
0x28c: {  	[tilespmem:v27+s19+$0x0] =	vst.idx.msk $0xffff, v26  }
0x28d: {  	v27 =	vor.u32 v18, v28;
	v26 =	vld [tilespmem:s23+$0xFFFFFF40];
	_ =	sdelay $0x4  }
0x28e: {  	[tilespmem:v27+s19+$0x0] =	vst.idx.msk $0xffff, v26  }
0x28f: {  	s26 =	sadd.s32 $0x6, s24;
	v27 =	vor.u32 v19, v28;
	v26 =	vld [tilespmem:s23+$0xFFFFFF50]  }
0x290: {  	v28 =	vmov s26  }
0x291: {  	v28 =	vshrl.u32 v28, $0x3  }
0x292: {  	v28 =	vshll.u32 v28, v1  }
0x293: {  	v28 =	vbroadcast v28, $0x0  }
0x294: {  	[tilespmem:v27+s19+$0x0] =	vst.idx.msk $0xffff, v26  }
0x295: {  	v27 =	vor.u32 v20, v28;
	v26 =	vld [tilespmem:s23+$0xFFFFFF80];
	_ =	sdelay $0x4  }
0x296: {  	[tilespmem:v27+s19+$0x0] =	vst.idx.msk $0xffff, v26  }
0x297: {  	v27 =	vor.u32 v21, v28;
	v26 =	vld [tilespmem:s23+$0xFFFFFF90];
	_ =	sdelay $0x4  }
0x298: {  	[tilespmem:v27+s19+$0x0] =	vst.idx.msk $0xffff, v26  }
0x299: {  	v27 =	vor.u32 v22, v28;
	v26 =	vld [tilespmem:s23+$0xFFFFFFA0];
	_ =	sdelay $0x4  }
0x29a: {  	[tilespmem:v27+s19+$0x0] =	vst.idx.msk $0xffff, v26  }
0x29b: {  	v27 =	vor.u32 v23, v28;
	v26 =	vld [tilespmem:s23+$0xFFFFFFB0];
	_ =	sdelay $0x4  }
0x29c: {  	[tilespmem:v27+s19+$0x0] =	vst.idx.msk $0xffff, v26  }
0x29d: {  	v27 =	vor.u32 v24, v28;
	v26 =	vld [tilespmem:s23+$0xFFFFFFC0];
	_ =	sdelay $0x4  }
0x29e: {  	[tilespmem:v27+s19+$0x0] =	vst.idx.msk $0xffff, v26  }
0x29f: {  	s26 =	sadd.s32 $0x8, s24;
	v27 =	vor.u32 v25, v28;
	v26 =	vld [tilespmem:s23+$0xFFFFFFD0]  }
0x2a0: {  	v28 =	vmov s26  }
0x2a1: {  	v28 =	vshrl.u32 v28, $0x3  }
0x2a2: {  	v28 =	vshll.u32 v28, v1  }
0x2a3: {  	v28 =	vbroadcast v28, $0x0  }
0x2a4: {  	[tilespmem:v27+s19+$0x0] =	vst.idx.msk $0xffff, v26  }
0x2a5: {  	v27 =	vor.u32 v2, v28;
	v26 =	vld [tilespmem:s23+$0x0];
	_ =	sdelay $0x4  }
0x2a6: {  	[tilespmem:v27+s19+$0x0] =	vst.idx.msk $0xffff, v26  }
0x2a7: {  	v27 =	vor.u32 v3, v28;
	v26 =	vld [tilespmem:s23+$0x10];
	_ =	sdelay $0x4  }
0x2a8: {  	[tilespmem:v27+s19+$0x0] =	vst.idx.msk $0xffff, v26  }
0x2a9: {  	v27 =	vor.u32 v4, v28;
	v26 =	vld [tilespmem:s23+$0x20];
	_ =	sdelay $0x4  }
0x2aa: {  	[tilespmem:v27+s19+$0x0] =	vst.idx.msk $0xffff, v26  }
0x2ab: {  	v27 =	vor.u32 v5, v28;
	v26 =	vld [tilespmem:s23+$0x30];
	_ =	sdelay $0x4  }
0x2ac: {  	[tilespmem:v27+s19+$0x0] =	vst.idx.msk $0xffff, v26  }
0x2ad: {  	v27 =	vor.u32 v6, v28;
	v26 =	vld [tilespmem:s23+$0x40];
	_ =	sdelay $0x4  }
0x2ae: {  	[tilespmem:v27+s19+$0x0] =	vst.idx.msk $0xffff, v26  }
0x2af: {  	s26 =	sadd.s32 $0xA, s24;
	v27 =	vor.u32 v7, v28;
	v26 =	vld [tilespmem:s23+$0x50]  }
0x2b0: {  	v28 =	vmov s26  }
0x2b1: {  	v28 =	vshrl.u32 v28, $0x3  }
0x2b2: {  	v28 =	vshll.u32 v28, v1  }
0x2b3: {  	v28 =	vbroadcast v28, $0x0  }
0x2b4: {  	[tilespmem:v27+s19+$0x0] =	vst.idx.msk $0xffff, v26  }
0x2b5: {  	v27 =	vor.u32 v8, v28;
	v26 =	vld [tilespmem:s23+$0x80];
	_ =	sdelay $0x4  }
0x2b6: {  	[tilespmem:v27+s19+$0x0] =	vst.idx.msk $0xffff, v26  }
0x2b7: {  	v27 =	vor.u32 v9, v28;
	v26 =	vld [tilespmem:s23+$0x90];
	_ =	sdelay $0x4  }
0x2b8: {  	[tilespmem:v27+s19+$0x0] =	vst.idx.msk $0xffff, v26  }
0x2b9: {  	v27 =	vor.u32 v10, v28;
	v26 =	vld [tilespmem:s23+$0xA0];
	_ =	sdelay $0x4  }
0x2ba: {  	[tilespmem:v27+s19+$0x0] =	vst.idx.msk $0xffff, v26  }
0x2bb: {  	v27 =	vor.u32 v11, v28;
	v26 =	vld [tilespmem:s23+$0xB0];
	_ =	sdelay $0x4  }
0x2bc: {  	[tilespmem:v27+s19+$0x0] =	vst.idx.msk $0xffff, v26  }
0x2bd: {  	v27 =	vor.u32 v12, v28;
	v26 =	vld [tilespmem:s23+$0xC0];
	_ =	sdelay $0x4  }
0x2be: {  	[tilespmem:v27+s19+$0x0] =	vst.idx.msk $0xffff, v26  }
0x2bf: {  	s26 =	sadd.s32 $0xC, s24;
	v27 =	vor.u32 v13, v28;
	v26 =	vld [tilespmem:s23+$0xD0]  }
0x2c0: {  	v28 =	vmov s26  }
0x2c1: {  	v28 =	vshrl.u32 v28, $0x3  }
0x2c2: {  	v28 =	vshll.u32 v28, v1  }
0x2c3: {  	v28 =	vbroadcast v28, $0x0  }
0x2c4: {  	[tilespmem:v27+s19+$0x0] =	vst.idx.msk $0xffff, v26  }
0x2c5: {  	v27 =	vor.u32 v14, v28;
	v26 =	vld [tilespmem:s23+$0x100];
	_ =	sdelay $0x4  }
0x2c6: {  	[tilespmem:v27+s19+$0x0] =	vst.idx.msk $0xffff, v26  }
0x2c7: {  	v27 =	vor.u32 v15, v28;
	v26 =	vld [tilespmem:s23+$0x110];
	_ =	sdelay $0x4  }
0x2c8: {  	[tilespmem:v27+s19+$0x0] =	vst.idx.msk $0xffff, v26  }
0x2c9: {  	v27 =	vor.u32 v16, v28;
	v26 =	vld [tilespmem:s23+$0x120];
	_ =	sdelay $0x4  }
0x2ca: {  	[tilespmem:v27+s19+$0x0] =	vst.idx.msk $0xffff, v26  }
0x2cb: {  	v27 =	vor.u32 v17, v28;
	v26 =	vld [tilespmem:s23+$0x130];
	_ =	sdelay $0x4  }
0x2cc: {  	[tilespmem:v27+s19+$0x0] =	vst.idx.msk $0xffff, v26  }
0x2cd: {  	v27 =	vor.u32 v18, v28;
	v26 =	vld [tilespmem:s23+$0x140];
	_ =	sdelay $0x4  }
0x2ce: {  	[tilespmem:v27+s19+$0x0] =	vst.idx.msk $0xffff, v26  }
0x2cf: {  	s26 =	sadd.s32 $0xE, s24;
	s24 =	smov.u32 s25;
	v27 =	vor.u32 v19, v28;
	v26 =	vld [tilespmem:s23+$0x150]  }
0x2d0: {  	v28 =	vmov s26  }
0x2d1: {  	v28 =	vshrl.u32 v28, $0x3  }
0x2d2: {  	v28 =	vshll.u32 v28, v1  }
0x2d3: {  	v28 =	vbroadcast v28, $0x0  }
0x2d4: {  	[tilespmem:v27+s19+$0x0] =	vst.idx.msk $0xffff, v26  }
0x2d5: {  	v27 =	vor.u32 v20, v28;
	v26 =	vld [tilespmem:s23+$0x180];
	_ =	sdelay $0x4  }
0x2d6: {  	[tilespmem:v27+s19+$0x0] =	vst.idx.msk $0xffff, v26  }
0x2d7: {  	v27 =	vor.u32 v21, v28;
	v26 =	vld [tilespmem:s23+$0x190];
	_ =	sdelay $0x4  }
0x2d8: {  	[tilespmem:v27+s19+$0x0] =	vst.idx.msk $0xffff, v26  }
0x2d9: {  	v27 =	vor.u32 v22, v28;
	v26 =	vld [tilespmem:s23+$0x1A0];
	_ =	sdelay $0x4  }
0x2da: {  	[tilespmem:v27+s19+$0x0] =	vst.idx.msk $0xffff, v26  }
0x2db: {  	v27 =	vor.u32 v23, v28;
	v26 =	vld [tilespmem:s23+$0x1B0];
	_ =	sdelay $0x4  }
0x2dc: {  	[tilespmem:v27+s19+$0x0] =	vst.idx.msk $0xffff, v26  }
0x2dd: {  	v27 =	vor.u32 v24, v28;
	v26 =	vld [tilespmem:s23+$0x1C0];
	_ =	sdelay $0x2  }
.Ltmp3:
0x2de: {  	(pc) =	sbr.rel @p0 .LBB2_8-.Ltmp3, $4  }
0x2df: {  	_ = 	snop  }
0x2e0: {  	[tilespmem:v27+s19+$0x0] =	vst.idx.msk $0xffff, v26  }
0x2e1: {  	v27 =	vor.u32 v25, v28;
	v26 =	vld [tilespmem:s23+$0x1D0]  }
0x2e2: {  	s25 =	sadd.s32 $0x10, s25;
	v28 =	vmov s24  }
0x2e3: {  	_ = 	snop  }
0x2e4: {  	v28 =	vshrl.u32 v28, $0x3  }
0x2e5: {  	v28 =	vshll.u32 v28, v1  }
0x2e6: {  	v28 =	vbroadcast v28, $0x0  }
0x2e7: {  	s23 =	sadd.s32 $0x400, s23;
	[tilespmem:v27+s19+$0x0] =	vst.idx.msk $0xffff, v26  }
0x2e8: {  	v26 =	vld [tilespmem:s23+$0xFFFFFE00];
	v27 =	vor.u32 v2, v28;
	_ =	sdelay $0x4  }
0x2e9: {  	[tilespmem:v27+s19+$0x0] =	vst.idx.msk $0xffff, v26  }
0x2ea: {  	v27 =	vor.u32 v3, v28;
	v26 =	vld [tilespmem:s23+$0xFFFFFE10];
	_ =	sdelay $0x4  }
0x2eb: {  	[tilespmem:v27+s19+$0x0] =	vst.idx.msk $0xffff, v26  }
0x2ec: {  	v27 =	vor.u32 v4, v28;
	v26 =	vld [tilespmem:s23+$0xFFFFFE20];
	_ =	sdelay $0x4  }
0x2ed: {  	[tilespmem:v27+s19+$0x0] =	vst.idx.msk $0xffff, v26  }
0x2ee: {  	v27 =	vor.u32 v5, v28;
	v26 =	vld [tilespmem:s23+$0xFFFFFE30];
	_ =	sdelay $0x4  }
0x2ef: {  	[tilespmem:v27+s19+$0x0] =	vst.idx.msk $0xffff, v26  }
0x2f0: {  	v27 =	vor.u32 v6, v28;
	v26 =	vld [tilespmem:s23+$0xFFFFFE40];
	_ =	sdelay $0x4  }
0x2f1: {  	[tilespmem:v27+s19+$0x0] =	vst.idx.msk $0xffff, v26  }
0x2f2: {  	s25 =	sadd.s32 $0x2, s24;
	v27 =	vor.u32 v7, v28;
	v26 =	vld [tilespmem:s23+$0xFFFFFE50]  }
0x2f3: {  	v57 =	vmov s25  }
0x2f4: {  	v28 =	vshrl.u32 v57, $0x3  }
0x2f5: {  	v28 =	vshll.u32 v28, v1  }
0x2f6: {  	v28 =	vbroadcast v28, $0x0  }
0x2f7: {  	[tilespmem:v27+s19+$0x0] =	vst.idx.msk $0xffff, v26  }
0x2f8: {  	v27 =	vor.u32 v8, v28;
	v26 =	vld [tilespmem:s23+$0xFFFFFE80];
	_ =	sdelay $0x4  }
0x2f9: {  	[tilespmem:v27+s19+$0x0] =	vst.idx.msk $0xffff, v26  }
0x2fa: {  	v27 =	vor.u32 v9, v28;
	v26 =	vld [tilespmem:s23+$0xFFFFFE90];
	_ =	sdelay $0x4  }
0x2fb: {  	[tilespmem:v27+s19+$0x0] =	vst.idx.msk $0xffff, v26  }
0x2fc: {  	v27 =	vor.u32 v10, v28;
	v26 =	vld [tilespmem:s23+$0xFFFFFEA0];
	_ =	sdelay $0x4  }
0x2fd: {  	[tilespmem:v27+s19+$0x0] =	vst.idx.msk $0xffff, v26  }
0x2fe: {  	v27 =	vor.u32 v11, v28;
	v26 =	vld [tilespmem:s23+$0xFFFFFEB0];
	_ =	sdelay $0x4  }
0x2ff: {  	[tilespmem:v27+s19+$0x0] =	vst.idx.msk $0xffff, v26  }
0x300: {  	v27 =	vor.u32 v12, v28;
	v26 =	vld [tilespmem:s23+$0xFFFFFEC0];
	_ =	sdelay $0x4  }
0x301: {  	[tilespmem:v27+s19+$0x0] =	vst.idx.msk $0xffff, v26  }
0x302: {  	s31 =	sadd.s32 $0x4, s24;
	v27 =	vor.u32 v13, v28;
	v26 =	vld [tilespmem:s23+$0xFFFFFED0]  }
0x303: {  	v58 =	vmov s31  }
0x304: {  	v28 =	vshrl.u32 v58, $0x3  }
0x305: {  	v28 =	vshll.u32 v28, v1  }
0x306: {  	v28 =	vbroadcast v28, $0x0  }
0x307: {  	[tilespmem:v27+s19+$0x0] =	vst.idx.msk $0xffff, v26  }
0x308: {  	v27 =	vor.u32 v14, v28;
	v26 =	vld [tilespmem:s23+$0xFFFFFF00];
	_ =	sdelay $0x4  }
0x309: {  	[tilespmem:v27+s19+$0x0] =	vst.idx.msk $0xffff, v26  }
0x30a: {  	v27 =	vor.u32 v15, v28;
	v26 =	vld [tilespmem:s23+$0xFFFFFF10];
	_ =	sdelay $0x4  }
0x30b: {  	[tilespmem:v27+s19+$0x0] =	vst.idx.msk $0xffff, v26  }
0x30c: {  	v27 =	vor.u32 v16, v28;
	v26 =	vld [tilespmem:s23+$0xFFFFFF20];
	_ =	sdelay $0x4  }
0x30d: {  	[tilespmem:v27+s19+$0x0] =	vst.idx.msk $0xffff, v26  }
0x30e: {  	v27 =	vor.u32 v17, v28;
	v26 =	vld [tilespmem:s23+$0xFFFFFF30];
	_ =	sdelay $0x4  }
0x30f: {  	[tilespmem:v27+s19+$0x0] =	vst.idx.msk $0xffff, v26  }
0x310: {  	v27 =	vor.u32 v18, v28;
	v26 =	vld [tilespmem:s23+$0xFFFFFF40];
	_ =	sdelay $0x4  }
0x311: {  	[tilespmem:v27+s19+$0x0] =	vst.idx.msk $0xffff, v26  }
0x312: {  	s26 =	sadd.s32 $0x6, s24;
	v27 =	vor.u32 v19, v28;
	v26 =	vld [tilespmem:s23+$0xFFFFFF50]  }
0x313: {  	v59 =	vmov s26  }
0x314: {  	v28 =	vshrl.u32 v59, $0x3  }
0x315: {  	v28 =	vshll.u32 v28, v1  }
0x316: {  	v28 =	vbroadcast v28, $0x0  }
0x317: {  	[tilespmem:v27+s19+$0x0] =	vst.idx.msk $0xffff, v26  }
0x318: {  	v27 =	vor.u32 v20, v28;
	v26 =	vld [tilespmem:s23+$0xFFFFFF80];
	_ =	sdelay $0x4  }
0x319: {  	[tilespmem:v27+s19+$0x0] =	vst.idx.msk $0xffff, v26  }
0x31a: {  	v27 =	vor.u32 v21, v28;
	v26 =	vld [tilespmem:s23+$0xFFFFFF90];
	_ =	sdelay $0x4  }
0x31b: {  	[tilespmem:v27+s19+$0x0] =	vst.idx.msk $0xffff, v26  }
0x31c: {  	v27 =	vor.u32 v22, v28;
	v26 =	vld [tilespmem:s23+$0xFFFFFFA0];
	_ =	sdelay $0x4  }
0x31d: {  	[tilespmem:v27+s19+$0x0] =	vst.idx.msk $0xffff, v26  }
0x31e: {  	v27 =	vor.u32 v23, v28;
	v26 =	vld [tilespmem:s23+$0xFFFFFFB0];
	_ =	sdelay $0x4  }
0x31f: {  	[tilespmem:v27+s19+$0x0] =	vst.idx.msk $0xffff, v26  }
0x320: {  	v27 =	vor.u32 v24, v28;
	v26 =	vld [tilespmem:s23+$0xFFFFFFC0];
	_ =	sdelay $0x4  }
0x321: {  	[tilespmem:v27+s19+$0x0] =	vst.idx.msk $0xffff, v26  }
0x322: {  	s28 =	sadd.s32 $0x8, s24;
	v27 =	vor.u32 v25, v28;
	v26 =	vld [tilespmem:s23+$0xFFFFFFD0]  }
0x323: {  	v60 =	vmov s28  }
0x324: {  	v28 =	vshrl.u32 v60, $0x3  }
0x325: {  	v28 =	vshll.u32 v28, v1  }
0x326: {  	v28 =	vbroadcast v28, $0x0  }
0x327: {  	[tilespmem:v27+s19+$0x0] =	vst.idx.msk $0xffff, v26  }
0x328: {  	v27 =	vor.u32 v2, v28;
	v26 =	vld [tilespmem:s23+$0x0];
	_ =	sdelay $0x4  }
0x329: {  	[tilespmem:v27+s19+$0x0] =	vst.idx.msk $0xffff, v26  }
0x32a: {  	v27 =	vor.u32 v3, v28;
	v26 =	vld [tilespmem:s23+$0x10];
	_ =	sdelay $0x4  }
0x32b: {  	[tilespmem:v27+s19+$0x0] =	vst.idx.msk $0xffff, v26  }
0x32c: {  	v27 =	vor.u32 v4, v28;
	v26 =	vld [tilespmem:s23+$0x20];
	_ =	sdelay $0x4  }
0x32d: {  	[tilespmem:v27+s19+$0x0] =	vst.idx.msk $0xffff, v26  }
0x32e: {  	v27 =	vor.u32 v5, v28;
	v26 =	vld [tilespmem:s23+$0x30];
	_ =	sdelay $0x4  }
0x32f: {  	[tilespmem:v27+s19+$0x0] =	vst.idx.msk $0xffff, v26  }
0x330: {  	v27 =	vor.u32 v6, v28;
	v26 =	vld [tilespmem:s23+$0x40];
	_ =	sdelay $0x4  }
0x331: {  	[tilespmem:v27+s19+$0x0] =	vst.idx.msk $0xffff, v26  }
0x332: {  	s29 =	sadd.s32 $0xA, s24;
	v27 =	vor.u32 v7, v28;
	v26 =	vld [tilespmem:s23+$0x50]  }
0x333: {  	v61 =	vmov s29  }
0x334: {  	v28 =	vshrl.u32 v61, $0x3  }
0x335: {  	v28 =	vshll.u32 v28, v1  }
0x336: {  	v28 =	vbroadcast v28, $0x0  }
0x337: {  	[tilespmem:v27+s19+$0x0] =	vst.idx.msk $0xffff, v26  }
0x338: {  	v27 =	vor.u32 v8, v28;
	v26 =	vld [tilespmem:s23+$0x80];
	_ =	sdelay $0x4  }
0x339: {  	[tilespmem:v27+s19+$0x0] =	vst.idx.msk $0xffff, v26  }
0x33a: {  	v27 =	vor.u32 v9, v28;
	v26 =	vld [tilespmem:s23+$0x90];
	_ =	sdelay $0x4  }
0x33b: {  	[tilespmem:v27+s19+$0x0] =	vst.idx.msk $0xffff, v26  }
0x33c: {  	v27 =	vor.u32 v10, v28;
	v26 =	vld [tilespmem:s23+$0xA0];
	_ =	sdelay $0x4  }
0x33d: {  	[tilespmem:v27+s19+$0x0] =	vst.idx.msk $0xffff, v26  }
0x33e: {  	v27 =	vor.u32 v11, v28;
	v26 =	vld [tilespmem:s23+$0xB0];
	_ =	sdelay $0x4  }
0x33f: {  	[tilespmem:v27+s19+$0x0] =	vst.idx.msk $0xffff, v26  }
0x340: {  	v27 =	vor.u32 v12, v28;
	v26 =	vld [tilespmem:s23+$0xC0];
	_ =	sdelay $0x4  }
0x341: {  	[tilespmem:v27+s19+$0x0] =	vst.idx.msk $0xffff, v26  }
0x342: {  	s30 =	sadd.s32 $0xC, s24;
	v27 =	vor.u32 v13, v28;
	v26 =	vld [tilespmem:s23+$0xD0]  }
0x343: {  	v62 =	vmov s30  }
0x344: {  	v28 =	vshrl.u32 v62, $0x3  }
0x345: {  	v28 =	vshll.u32 v28, v1  }
0x346: {  	v28 =	vbroadcast v28, $0x0  }
0x347: {  	[tilespmem:v27+s19+$0x0] =	vst.idx.msk $0xffff, v26  }
0x348: {  	v27 =	vor.u32 v14, v28;
	v26 =	vld [tilespmem:s23+$0x100];
	_ =	sdelay $0x4  }
0x349: {  	[tilespmem:v27+s19+$0x0] =	vst.idx.msk $0xffff, v26  }
0x34a: {  	v27 =	vor.u32 v15, v28;
	v26 =	vld [tilespmem:s23+$0x110];
	_ =	sdelay $0x4  }
0x34b: {  	[tilespmem:v27+s19+$0x0] =	vst.idx.msk $0xffff, v26  }
0x34c: {  	v27 =	vor.u32 v16, v28;
	v26 =	vld [tilespmem:s23+$0x120];
	_ =	sdelay $0x4  }
0x34d: {  	[tilespmem:v27+s19+$0x0] =	vst.idx.msk $0xffff, v26  }
0x34e: {  	v27 =	vor.u32 v17, v28;
	v26 =	vld [tilespmem:s23+$0x130];
	_ =	sdelay $0x4  }
0x34f: {  	[tilespmem:v27+s19+$0x0] =	vst.idx.msk $0xffff, v26  }
0x350: {  	v27 =	vor.u32 v18, v28;
	v26 =	vld [tilespmem:s23+$0x140];
	_ =	sdelay $0x4  }
0x351: {  	[tilespmem:v27+s19+$0x0] =	vst.idx.msk $0xffff, v26  }
0x352: {  	s31 =	sadd.s32 $0xE, s24;
	v27 =	vor.u32 v19, v28;
	v26 =	vld [tilespmem:s23+$0x150]  }
0x353: {  	v63 =	vmov s31  }
0x354: {  	v28 =	vshrl.u32 v63, $0x3  }
0x355: {  	v28 =	vshll.u32 v28, v1  }
0x356: {  	v28 =	vbroadcast v28, $0x0  }
0x357: {  	[tilespmem:v27+s19+$0x0] =	vst.idx.msk $0xffff, v26  }
0x358: {  	v27 =	vor.u32 v20, v28;
	v26 =	vld [tilespmem:s23+$0x180];
	_ =	sdelay $0x4  }
0x359: {  	[tilespmem:v27+s19+$0x0] =	vst.idx.msk $0xffff, v26  }
0x35a: {  	v27 =	vor.u32 v21, v28;
	v26 =	vld [tilespmem:s23+$0x190];
	_ =	sdelay $0x4  }
0x35b: {  	[tilespmem:v27+s19+$0x0] =	vst.idx.msk $0xffff, v26  }
0x35c: {  	v27 =	vor.u32 v22, v28;
	v26 =	vld [tilespmem:s23+$0x1A0];
	_ =	sdelay $0x4  }
0x35d: {  	[tilespmem:v27+s19+$0x0] =	vst.idx.msk $0xffff, v26  }
0x35e: {  	v27 =	vor.u32 v23, v28;
	v26 =	vld [tilespmem:s23+$0x1B0];
	_ =	sdelay $0x4  }
0x35f: {  	[tilespmem:v27+s19+$0x0] =	vst.idx.msk $0xffff, v26  }
0x360: {  	v27 =	vor.u32 v24, v28;
	v26 =	vld [tilespmem:s23+$0x1C0];
	_ =	sdelay $0x4  }
0x361: {  	[tilespmem:v27+s19+$0x0] =	vst.idx.msk $0xffff, v26  }
0x362: {  	v27 =	vor.u32 v25, v28;
	v26 =	vld [tilespmem:s23+$0x1D0];
	_ =	sdelay $0x4  }
0x363: {  	[tilespmem:v27+s19+$0x0] =	vst.idx.msk $0xffff, v26  }
0x364: {  	[hbm4b:s10+s5] =	stream.linear.scatter [tilespmem:s19], [sflag:$0x4], $0xC000, $0x38;
	[tilespmem:$0x1E000] =	vst v63  }
0x365: {  	s23 =	simm.s32 $0x1  }
0x366: {  	[tilespmem:s15], [sflag:$0x2] =	stream.linear.gather [hbm4b:s11+s5], $0x3000, $0x38;
	[tilespmem:$0x1E000] =	vst v63  }
.LBB2_10:
0x367: {  	_ =	swait.ge [sflag:s16], $0x3000;
	s24 =	simm.s32 $0x0  }
0x368: {  	[sflag:s16] =	ssyncset.done $0x0;
	v26 =	vmov s24  }
0x369: {  	[sflag:s16] =	ssyncadd.s32 $0xFFFFD000;
	v26 =	vshrl.u32 v26, $0x3  }
0x36a: {  	_ =	swait.ge [sflag:s20], $0xC000;
	v26 =	vshll.u32 v26, v1  }
0x36b: {  	[sflag:s20] =	ssyncset.done $0x0;
	v26 =	vbroadcast v26, $0x0  }
0x36c: {  	s24 =	simm.s32 $0x200;
	[sflag:s20] =	ssyncadd.s32 $0xFFFF4000  }
0x36d: {  	v27 =	vld [tilespmem:s24+$0xFFFFFE00];
	v28 =	vor.u32 v2, v26;
	_ =	sdelay $0x4  }
0x36e: {  	[tilespmem:v28+s17+$0x0] =	vst.idx.msk $0xffff, v27  }
0x36f: {  	v28 =	vor.u32 v3, v26;
	v27 =	vld [tilespmem:s24+$0xFFFFFE10];
	_ =	sdelay $0x4  }
0x370: {  	[tilespmem:v28+s17+$0x0] =	vst.idx.msk $0xffff, v27  }
0x371: {  	v28 =	vor.u32 v4, v26;
	v27 =	vld [tilespmem:s24+$0xFFFFFE20];
	_ =	sdelay $0x4  }
0x372: {  	[tilespmem:v28+s17+$0x0] =	vst.idx.msk $0xffff, v27  }
0x373: {  	v28 =	vor.u32 v5, v26;
	v27 =	vld [tilespmem:s24+$0xFFFFFE30];
	_ =	sdelay $0x4  }
0x374: {  	[tilespmem:v28+s17+$0x0] =	vst.idx.msk $0xffff, v27  }
0x375: {  	v28 =	vor.u32 v6, v26;
	v27 =	vld [tilespmem:s24+$0xFFFFFE40];
	_ =	sdelay $0x4  }
0x376: {  	[tilespmem:v28+s17+$0x0] =	vst.idx.msk $0xffff, v27  }
0x377: {  	s25 =	simm.s32 $0x2;
	v26 =	vor.u32 v7, v26;
	v27 =	vld [tilespmem:s24+$0xFFFFFE50]  }
0x378: {  	v28 =	vmov s25  }
0x379: {  	v28 =	vshrl.u32 v28, $0x3  }
0x37a: {  	v28 =	vshll.u32 v28, v1  }
0x37b: {  	v28 =	vbroadcast v28, $0x0  }
0x37c: {  	[tilespmem:v26+s17+$0x0] =	vst.idx.msk $0xffff, v27  }
0x37d: {  	v27 =	vor.u32 v8, v28;
	v26 =	vld [tilespmem:s24+$0xFFFFFE80];
	_ =	sdelay $0x4  }
0x37e: {  	[tilespmem:v27+s17+$0x0] =	vst.idx.msk $0xffff, v26  }
0x37f: {  	v27 =	vor.u32 v9, v28;
	v26 =	vld [tilespmem:s24+$0xFFFFFE90];
	_ =	sdelay $0x4  }
0x380: {  	[tilespmem:v27+s17+$0x0] =	vst.idx.msk $0xffff, v26  }
0x381: {  	v27 =	vor.u32 v10, v28;
	v26 =	vld [tilespmem:s24+$0xFFFFFEA0];
	_ =	sdelay $0x4  }
0x382: {  	[tilespmem:v27+s17+$0x0] =	vst.idx.msk $0xffff, v26  }
0x383: {  	v27 =	vor.u32 v11, v28;
	v26 =	vld [tilespmem:s24+$0xFFFFFEB0];
	_ =	sdelay $0x4  }
0x384: {  	[tilespmem:v27+s17+$0x0] =	vst.idx.msk $0xffff, v26  }
0x385: {  	v27 =	vor.u32 v12, v28;
	v26 =	vld [tilespmem:s24+$0xFFFFFEC0];
	_ =	sdelay $0x4  }
0x386: {  	[tilespmem:v27+s17+$0x0] =	vst.idx.msk $0xffff, v26  }
0x387: {  	s31 =	simm.s32 $0x4;
	v27 =	vor.u32 v13, v28;
	v26 =	vld [tilespmem:s24+$0xFFFFFED0]  }
0x388: {  	v28 =	vmov s31  }
0x389: {  	v28 =	vshrl.u32 v28, $0x3  }
0x38a: {  	v28 =	vshll.u32 v28, v1  }
0x38b: {  	v28 =	vbroadcast v28, $0x0  }
0x38c: {  	[tilespmem:v27+s17+$0x0] =	vst.idx.msk $0xffff, v26  }
0x38d: {  	v27 =	vor.u32 v14, v28;
	v26 =	vld [tilespmem:s24+$0xFFFFFF00];
	_ =	sdelay $0x4  }
0x38e: {  	[tilespmem:v27+s17+$0x0] =	vst.idx.msk $0xffff, v26  }
0x38f: {  	v27 =	vor.u32 v15, v28;
	v26 =	vld [tilespmem:s24+$0xFFFFFF10];
	_ =	sdelay $0x4  }
0x390: {  	[tilespmem:v27+s17+$0x0] =	vst.idx.msk $0xffff, v26  }
0x391: {  	v27 =	vor.u32 v16, v28;
	v26 =	vld [tilespmem:s24+$0xFFFFFF20];
	_ =	sdelay $0x4  }
0x392: {  	[tilespmem:v27+s17+$0x0] =	vst.idx.msk $0xffff, v26  }
0x393: {  	v27 =	vor.u32 v17, v28;
	v26 =	vld [tilespmem:s24+$0xFFFFFF30];
	_ =	sdelay $0x4  }
0x394: {  	[tilespmem:v27+s17+$0x0] =	vst.idx.msk $0xffff, v26  }
0x395: {  	v27 =	vor.u32 v18, v28;
	v26 =	vld [tilespmem:s24+$0xFFFFFF40];
	_ =	sdelay $0x4  }
0x396: {  	[tilespmem:v27+s17+$0x0] =	vst.idx.msk $0xffff, v26  }
0x397: {  	s26 =	simm.s32 $0x6;
	v27 =	vor.u32 v19, v28;
	v26 =	vld [tilespmem:s24+$0xFFFFFF50]  }
0x398: {  	v28 =	vmov s26  }
0x399: {  	v28 =	vshrl.u32 v28, $0x3  }
0x39a: {  	v28 =	vshll.u32 v28, v1  }
0x39b: {  	v28 =	vbroadcast v28, $0x0  }
0x39c: {  	[tilespmem:v27+s17+$0x0] =	vst.idx.msk $0xffff, v26  }
0x39d: {  	v27 =	vor.u32 v20, v28;
	v26 =	vld [tilespmem:s24+$0xFFFFFF80];
	_ =	sdelay $0x4  }
0x39e: {  	[tilespmem:v27+s17+$0x0] =	vst.idx.msk $0xffff, v26  }
0x39f: {  	v27 =	vor.u32 v21, v28;
	v26 =	vld [tilespmem:s24+$0xFFFFFF90];
	_ =	sdelay $0x4  }
0x3a0: {  	[tilespmem:v27+s17+$0x0] =	vst.idx.msk $0xffff, v26  }
0x3a1: {  	v27 =	vor.u32 v22, v28;
	v26 =	vld [tilespmem:s24+$0xFFFFFFA0];
	_ =	sdelay $0x4  }
0x3a2: {  	[tilespmem:v27+s17+$0x0] =	vst.idx.msk $0xffff, v26  }
0x3a3: {  	v27 =	vor.u32 v23, v28;
	v26 =	vld [tilespmem:s24+$0xFFFFFFB0];
	_ =	sdelay $0x4  }
0x3a4: {  	[tilespmem:v27+s17+$0x0] =	vst.idx.msk $0xffff, v26  }
0x3a5: {  	v27 =	vor.u32 v24, v28;
	v26 =	vld [tilespmem:s24+$0xFFFFFFC0];
	_ =	sdelay $0x4  }
0x3a6: {  	[tilespmem:v27+s17+$0x0] =	vst.idx.msk $0xffff, v26  }
0x3a7: {  	s28 =	simm.s32 $0x8;
	v27 =	vor.u32 v25, v28;
	v26 =	vld [tilespmem:s24+$0xFFFFFFD0]  }
0x3a8: {  	v28 =	vmov s28  }
0x3a9: {  	v28 =	vshrl.u32 v28, $0x3  }
0x3aa: {  	v28 =	vshll.u32 v28, v1  }
0x3ab: {  	v28 =	vbroadcast v28, $0x0  }
0x3ac: {  	[tilespmem:v27+s17+$0x0] =	vst.idx.msk $0xffff, v26  }
0x3ad: {  	v27 =	vor.u32 v2, v28;
	v26 =	vld [tilespmem:s24+$0x0];
	_ =	sdelay $0x4  }
0x3ae: {  	[tilespmem:v27+s17+$0x0] =	vst.idx.msk $0xffff, v26  }
0x3af: {  	v27 =	vor.u32 v3, v28;
	v26 =	vld [tilespmem:s24+$0x10];
	_ =	sdelay $0x4  }
0x3b0: {  	[tilespmem:v27+s17+$0x0] =	vst.idx.msk $0xffff, v26  }
0x3b1: {  	v27 =	vor.u32 v4, v28;
	v26 =	vld [tilespmem:s24+$0x20];
	_ =	sdelay $0x4  }
0x3b2: {  	[tilespmem:v27+s17+$0x0] =	vst.idx.msk $0xffff, v26  }
0x3b3: {  	v27 =	vor.u32 v5, v28;
	v26 =	vld [tilespmem:s24+$0x30];
	_ =	sdelay $0x4  }
0x3b4: {  	[tilespmem:v27+s17+$0x0] =	vst.idx.msk $0xffff, v26  }
0x3b5: {  	v27 =	vor.u32 v6, v28;
	v26 =	vld [tilespmem:s24+$0x40];
	_ =	sdelay $0x4  }
0x3b6: {  	[tilespmem:v27+s17+$0x0] =	vst.idx.msk $0xffff, v26  }
0x3b7: {  	s29 =	simm.s32 $0xA;
	v27 =	vor.u32 v7, v28;
	v26 =	vld [tilespmem:s24+$0x50]  }
0x3b8: {  	v28 =	vmov s29  }
0x3b9: {  	v28 =	vshrl.u32 v28, $0x3  }
0x3ba: {  	v28 =	vshll.u32 v28, v1  }
0x3bb: {  	v28 =	vbroadcast v28, $0x0  }
0x3bc: {  	[tilespmem:v27+s17+$0x0] =	vst.idx.msk $0xffff, v26  }
0x3bd: {  	v27 =	vor.u32 v8, v28;
	v26 =	vld [tilespmem:s24+$0x80];
	_ =	sdelay $0x4  }
0x3be: {  	[tilespmem:v27+s17+$0x0] =	vst.idx.msk $0xffff, v26  }
0x3bf: {  	v27 =	vor.u32 v9, v28;
	v26 =	vld [tilespmem:s24+$0x90];
	_ =	sdelay $0x4  }
0x3c0: {  	[tilespmem:v27+s17+$0x0] =	vst.idx.msk $0xffff, v26  }
0x3c1: {  	v27 =	vor.u32 v10, v28;
	v26 =	vld [tilespmem:s24+$0xA0];
	_ =	sdelay $0x4  }
0x3c2: {  	[tilespmem:v27+s17+$0x0] =	vst.idx.msk $0xffff, v26  }
0x3c3: {  	v27 =	vor.u32 v11, v28;
	v26 =	vld [tilespmem:s24+$0xB0];
	_ =	sdelay $0x4  }
0x3c4: {  	[tilespmem:v27+s17+$0x0] =	vst.idx.msk $0xffff, v26  }
0x3c5: {  	v27 =	vor.u32 v12, v28;
	v26 =	vld [tilespmem:s24+$0xC0];
	_ =	sdelay $0x4  }
0x3c6: {  	[tilespmem:v27+s17+$0x0] =	vst.idx.msk $0xffff, v26  }
0x3c7: {  	s30 =	simm.s32 $0xC;
	v27 =	vor.u32 v13, v28;
	v26 =	vld [tilespmem:s24+$0xD0]  }
0x3c8: {  	v28 =	vmov s30  }
0x3c9: {  	v28 =	vshrl.u32 v28, $0x3  }
0x3ca: {  	v28 =	vshll.u32 v28, v1  }
0x3cb: {  	v28 =	vbroadcast v28, $0x0  }
0x3cc: {  	[tilespmem:v27+s17+$0x0] =	vst.idx.msk $0xffff, v26  }
0x3cd: {  	v27 =	vor.u32 v14, v28;
	v26 =	vld [tilespmem:s24+$0x100];
	_ =	sdelay $0x4  }
0x3ce: {  	[tilespmem:v27+s17+$0x0] =	vst.idx.msk $0xffff, v26  }
0x3cf: {  	v27 =	vor.u32 v15, v28;
	v26 =	vld [tilespmem:s24+$0x110];
	_ =	sdelay $0x4  }
0x3d0: {  	[tilespmem:v27+s17+$0x0] =	vst.idx.msk $0xffff, v26  }
0x3d1: {  	v27 =	vor.u32 v16, v28;
	v26 =	vld [tilespmem:s24+$0x120];
	_ =	sdelay $0x4  }
0x3d2: {  	[tilespmem:v27+s17+$0x0] =	vst.idx.msk $0xffff, v26  }
0x3d3: {  	v27 =	vor.u32 v17, v28;
	v26 =	vld [tilespmem:s24+$0x130];
	_ =	sdelay $0x4  }
0x3d4: {  	[tilespmem:v27+s17+$0x0] =	vst.idx.msk $0xffff, v26  }
0x3d5: {  	v27 =	vor.u32 v18, v28;
	v26 =	vld [tilespmem:s24+$0x140];
	_ =	sdelay $0x4  }
0x3d6: {  	[tilespmem:v27+s17+$0x0] =	vst.idx.msk $0xffff, v26  }
0x3d7: {  	s31 =	simm.s32 $0xE;
	v27 =	vor.u32 v19, v28;
	v26 =	vld [tilespmem:s24+$0x150]  }
0x3d8: {  	v28 =	vmov s31  }
0x3d9: {  	v28 =	vshrl.u32 v28, $0x3  }
0x3da: {  	v28 =	vshll.u32 v28, v1  }
0x3db: {  	v28 =	vbroadcast v28, $0x0  }
0x3dc: {  	[tilespmem:v27+s17+$0x0] =	vst.idx.msk $0xffff, v26  }
0x3dd: {  	v27 =	vor.u32 v20, v28;
	v26 =	vld [tilespmem:s24+$0x180];
	_ =	sdelay $0x4  }
0x3de: {  	[tilespmem:v27+s17+$0x0] =	vst.idx.msk $0xffff, v26  }
0x3df: {  	v27 =	vor.u32 v21, v28;
	v26 =	vld [tilespmem:s24+$0x190];
	_ =	sdelay $0x4  }
0x3e0: {  	[tilespmem:v27+s17+$0x0] =	vst.idx.msk $0xffff, v26  }
0x3e1: {  	v27 =	vor.u32 v22, v28;
	v26 =	vld [tilespmem:s24+$0x1A0];
	_ =	sdelay $0x4  }
0x3e2: {  	[tilespmem:v27+s17+$0x0] =	vst.idx.msk $0xffff, v26  }
0x3e3: {  	v27 =	vor.u32 v23, v28;
	v26 =	vld [tilespmem:s24+$0x1B0];
	_ =	sdelay $0x4  }
0x3e4: {  	[tilespmem:v27+s17+$0x0] =	vst.idx.msk $0xffff, v26  }
0x3e5: {  	v27 =	vor.u32 v24, v28;
	v26 =	vld [tilespmem:s24+$0x1C0];
	_ =	sdelay $0x4  }
0x3e6: {  	[tilespmem:v27+s17+$0x0] =	vst.idx.msk $0xffff, v26  }
0x3e7: {  	s25 =	simm.s32 $0x10;
	v27 =	vor.u32 v25, v28;
	v26 =	vld [tilespmem:s24+$0x1D0]  }
0x3e8: {  	s26 =	simm.s32 $0x20;
	v28 =	vmov s25  }
.LBB2_11:
0x3e9: {  	p0 =	sne.s32 s26, $0xB0;
	v28 =	vshrl.u32 v28, $0x3  }
0x3ea: {  	v28 =	vshll.u32 v28, v1  }
0x3eb: {  	v28 =	vbroadcast v28, $0x0  }
0x3ec: {  	s24 =	sadd.s32 $0x400, s24;
	[tilespmem:v27+s17+$0x0] =	vst.idx.msk $0xffff, v26  }
0x3ed: {  	v26 =	vld [tilespmem:s24+$0xFFFFFE00];
	v27 =	vor.u32 v2, v28;
	_ =	sdelay $0x4  }
0x3ee: {  	[tilespmem:v27+s17+$0x0] =	vst.idx.msk $0xffff, v26  }
0x3ef: {  	v27 =	vor.u32 v3, v28;
	v26 =	vld [tilespmem:s24+$0xFFFFFE10];
	_ =	sdelay $0x4  }
0x3f0: {  	[tilespmem:v27+s17+$0x0] =	vst.idx.msk $0xffff, v26  }
0x3f1: {  	v27 =	vor.u32 v4, v28;
	v26 =	vld [tilespmem:s24+$0xFFFFFE20];
	_ =	sdelay $0x4  }
0x3f2: {  	[tilespmem:v27+s17+$0x0] =	vst.idx.msk $0xffff, v26  }
0x3f3: {  	v27 =	vor.u32 v5, v28;
	v26 =	vld [tilespmem:s24+$0xFFFFFE30];
	_ =	sdelay $0x4  }
0x3f4: {  	[tilespmem:v27+s17+$0x0] =	vst.idx.msk $0xffff, v26  }
0x3f5: {  	v27 =	vor.u32 v6, v28;
	v26 =	vld [tilespmem:s24+$0xFFFFFE40];
	_ =	sdelay $0x4  }
0x3f6: {  	[tilespmem:v27+s17+$0x0] =	vst.idx.msk $0xffff, v26  }
0x3f7: {  	s28 =	sadd.s32 $0x2, s25;
	v27 =	vor.u32 v7, v28;
	v26 =	vld [tilespmem:s24+$0xFFFFFE50]  }
0x3f8: {  	v28 =	vmov s28  }
0x3f9: {  	v28 =	vshrl.u32 v28, $0x3  }
0x3fa: {  	v28 =	vshll.u32 v28, v1  }
0x3fb: {  	v28 =	vbroadcast v28, $0x0  }
0x3fc: {  	[tilespmem:v27+s17+$0x0] =	vst.idx.msk $0xffff, v26  }
0x3fd: {  	v27 =	vor.u32 v8, v28;
	v26 =	vld [tilespmem:s24+$0xFFFFFE80];
	_ =	sdelay $0x4  }
0x3fe: {  	[tilespmem:v27+s17+$0x0] =	vst.idx.msk $0xffff, v26  }
0x3ff: {  	v27 =	vor.u32 v9, v28;
	v26 =	vld [tilespmem:s24+$0xFFFFFE90];
	_ =	sdelay $0x4  }
0x400: {  	[tilespmem:v27+s17+$0x0] =	vst.idx.msk $0xffff, v26  }
0x401: {  	v27 =	vor.u32 v10, v28;
	v26 =	vld [tilespmem:s24+$0xFFFFFEA0];
	_ =	sdelay $0x4  }
0x402: {  	[tilespmem:v27+s17+$0x0] =	vst.idx.msk $0xffff, v26  }
0x403: {  	v27 =	vor.u32 v11, v28;
	v26 =	vld [tilespmem:s24+$0xFFFFFEB0];
	_ =	sdelay $0x4  }
0x404: {  	[tilespmem:v27+s17+$0x0] =	vst.idx.msk $0xffff, v26  }
0x405: {  	v27 =	vor.u32 v12, v28;
	v26 =	vld [tilespmem:s24+$0xFFFFFEC0];
	_ =	sdelay $0x4  }
0x406: {  	[tilespmem:v27+s17+$0x0] =	vst.idx.msk $0xffff, v26  }
0x407: {  	s28 =	sadd.s32 $0x4, s25;
	v27 =	vor.u32 v13, v28;
	v26 =	vld [tilespmem:s24+$0xFFFFFED0]  }
0x408: {  	v28 =	vmov s28  }
0x409: {  	v28 =	vshrl.u32 v28, $0x3  }
0x40a: {  	v28 =	vshll.u32 v28, v1  }
0x40b: {  	v28 =	vbroadcast v28, $0x0  }
0x40c: {  	[tilespmem:v27+s17+$0x0] =	vst.idx.msk $0xffff, v26  }
0x40d: {  	v27 =	vor.u32 v14, v28;
	v26 =	vld [tilespmem:s24+$0xFFFFFF00];
	_ =	sdelay $0x4  }
0x40e: {  	[tilespmem:v27+s17+$0x0] =	vst.idx.msk $0xffff, v26  }
0x40f: {  	v27 =	vor.u32 v15, v28;
	v26 =	vld [tilespmem:s24+$0xFFFFFF10];
	_ =	sdelay $0x4  }
0x410: {  	[tilespmem:v27+s17+$0x0] =	vst.idx.msk $0xffff, v26  }
0x411: {  	v27 =	vor.u32 v16, v28;
	v26 =	vld [tilespmem:s24+$0xFFFFFF20];
	_ =	sdelay $0x4  }
0x412: {  	[tilespmem:v27+s17+$0x0] =	vst.idx.msk $0xffff, v26  }
0x413: {  	v27 =	vor.u32 v17, v28;
	v26 =	vld [tilespmem:s24+$0xFFFFFF30];
	_ =	sdelay $0x4  }
0x414: {  	[tilespmem:v27+s17+$0x0] =	vst.idx.msk $0xffff, v26  }
0x415: {  	v27 =	vor.u32 v18, v28;
	v26 =	vld [tilespmem:s24+$0xFFFFFF40];
	_ =	sdelay $0x4  }
0x416: {  	[tilespmem:v27+s17+$0x0] =	vst.idx.msk $0xffff, v26  }
0x417: {  	s28 =	sadd.s32 $0x6, s25;
	v27 =	vor.u32 v19, v28;
	v26 =	vld [tilespmem:s24+$0xFFFFFF50]  }
0x418: {  	v28 =	vmov s28  }
0x419: {  	v28 =	vshrl.u32 v28, $0x3  }
0x41a: {  	v28 =	vshll.u32 v28, v1  }
0x41b: {  	v28 =	vbroadcast v28, $0x0  }
0x41c: {  	[tilespmem:v27+s17+$0x0] =	vst.idx.msk $0xffff, v26  }
0x41d: {  	v27 =	vor.u32 v20, v28;
	v26 =	vld [tilespmem:s24+$0xFFFFFF80];
	_ =	sdelay $0x4  }
0x41e: {  	[tilespmem:v27+s17+$0x0] =	vst.idx.msk $0xffff, v26  }
0x41f: {  	v27 =	vor.u32 v21, v28;
	v26 =	vld [tilespmem:s24+$0xFFFFFF90];
	_ =	sdelay $0x4  }
0x420: {  	[tilespmem:v27+s17+$0x0] =	vst.idx.msk $0xffff, v26  }
0x421: {  	v27 =	vor.u32 v22, v28;
	v26 =	vld [tilespmem:s24+$0xFFFFFFA0];
	_ =	sdelay $0x4  }
0x422: {  	[tilespmem:v27+s17+$0x0] =	vst.idx.msk $0xffff, v26  }
0x423: {  	v27 =	vor.u32 v23, v28;
	v26 =	vld [tilespmem:s24+$0xFFFFFFB0];
	_ =	sdelay $0x4  }
0x424: {  	[tilespmem:v27+s17+$0x0] =	vst.idx.msk $0xffff, v26  }
0x425: {  	v27 =	vor.u32 v24, v28;
	v26 =	vld [tilespmem:s24+$0xFFFFFFC0];
	_ =	sdelay $0x4  }
0x426: {  	[tilespmem:v27+s17+$0x0] =	vst.idx.msk $0xffff, v26  }
0x427: {  	s28 =	sadd.s32 $0x8, s25;
	v27 =	vor.u32 v25, v28;
	v26 =	vld [tilespmem:s24+$0xFFFFFFD0]  }
0x428: {  	v28 =	vmov s28  }
0x429: {  	v28 =	vshrl.u32 v28, $0x3  }
0x42a: {  	v28 =	vshll.u32 v28, v1  }
0x42b: {  	v28 =	vbroadcast v28, $0x0  }
0x42c: {  	[tilespmem:v27+s17+$0x0] =	vst.idx.msk $0xffff, v26  }
0x42d: {  	v27 =	vor.u32 v2, v28;
	v26 =	vld [tilespmem:s24+$0x0];
	_ =	sdelay $0x4  }
0x42e: {  	[tilespmem:v27+s17+$0x0] =	vst.idx.msk $0xffff, v26  }
0x42f: {  	v27 =	vor.u32 v3, v28;
	v26 =	vld [tilespmem:s24+$0x10];
	_ =	sdelay $0x4  }
0x430: {  	[tilespmem:v27+s17+$0x0] =	vst.idx.msk $0xffff, v26  }
0x431: {  	v27 =	vor.u32 v4, v28;
	v26 =	vld [tilespmem:s24+$0x20];
	_ =	sdelay $0x4  }
0x432: {  	[tilespmem:v27+s17+$0x0] =	vst.idx.msk $0xffff, v26  }
0x433: {  	v27 =	vor.u32 v5, v28;
	v26 =	vld [tilespmem:s24+$0x30];
	_ =	sdelay $0x4  }
0x434: {  	[tilespmem:v27+s17+$0x0] =	vst.idx.msk $0xffff, v26  }
0x435: {  	v27 =	vor.u32 v6, v28;
	v26 =	vld [tilespmem:s24+$0x40];
	_ =	sdelay $0x4  }
0x436: {  	[tilespmem:v27+s17+$0x0] =	vst.idx.msk $0xffff, v26  }
0x437: {  	s28 =	sadd.s32 $0xA, s25;
	v27 =	vor.u32 v7, v28;
	v26 =	vld [tilespmem:s24+$0x50]  }
0x438: {  	v28 =	vmov s28  }
0x439: {  	v28 =	vshrl.u32 v28, $0x3  }
0x43a: {  	v28 =	vshll.u32 v28, v1  }
0x43b: {  	v28 =	vbroadcast v28, $0x0  }
0x43c: {  	[tilespmem:v27+s17+$0x0] =	vst.idx.msk $0xffff, v26  }
0x43d: {  	v27 =	vor.u32 v8, v28;
	v26 =	vld [tilespmem:s24+$0x80];
	_ =	sdelay $0x4  }
0x43e: {  	[tilespmem:v27+s17+$0x0] =	vst.idx.msk $0xffff, v26  }
0x43f: {  	v27 =	vor.u32 v9, v28;
	v26 =	vld [tilespmem:s24+$0x90];
	_ =	sdelay $0x4  }
0x440: {  	[tilespmem:v27+s17+$0x0] =	vst.idx.msk $0xffff, v26  }
0x441: {  	v27 =	vor.u32 v10, v28;
	v26 =	vld [tilespmem:s24+$0xA0];
	_ =	sdelay $0x4  }
0x442: {  	[tilespmem:v27+s17+$0x0] =	vst.idx.msk $0xffff, v26  }
0x443: {  	v27 =	vor.u32 v11, v28;
	v26 =	vld [tilespmem:s24+$0xB0];
	_ =	sdelay $0x4  }
0x444: {  	[tilespmem:v27+s17+$0x0] =	vst.idx.msk $0xffff, v26  }
0x445: {  	v27 =	vor.u32 v12, v28;
	v26 =	vld [tilespmem:s24+$0xC0];
	_ =	sdelay $0x4  }
0x446: {  	[tilespmem:v27+s17+$0x0] =	vst.idx.msk $0xffff, v26  }
0x447: {  	s28 =	sadd.s32 $0xC, s25;
	v27 =	vor.u32 v13, v28;
	v26 =	vld [tilespmem:s24+$0xD0]  }
0x448: {  	v28 =	vmov s28  }
0x449: {  	v28 =	vshrl.u32 v28, $0x3  }
0x44a: {  	v28 =	vshll.u32 v28, v1  }
0x44b: {  	v28 =	vbroadcast v28, $0x0  }
0x44c: {  	[tilespmem:v27+s17+$0x0] =	vst.idx.msk $0xffff, v26  }
0x44d: {  	v27 =	vor.u32 v14, v28;
	v26 =	vld [tilespmem:s24+$0x100];
	_ =	sdelay $0x4  }
0x44e: {  	[tilespmem:v27+s17+$0x0] =	vst.idx.msk $0xffff, v26  }
0x44f: {  	v27 =	vor.u32 v15, v28;
	v26 =	vld [tilespmem:s24+$0x110];
	_ =	sdelay $0x4  }
0x450: {  	[tilespmem:v27+s17+$0x0] =	vst.idx.msk $0xffff, v26  }
0x451: {  	v27 =	vor.u32 v16, v28;
	v26 =	vld [tilespmem:s24+$0x120];
	_ =	sdelay $0x4  }
0x452: {  	[tilespmem:v27+s17+$0x0] =	vst.idx.msk $0xffff, v26  }
0x453: {  	v27 =	vor.u32 v17, v28;
	v26 =	vld [tilespmem:s24+$0x130];
	_ =	sdelay $0x4  }
0x454: {  	[tilespmem:v27+s17+$0x0] =	vst.idx.msk $0xffff, v26  }
0x455: {  	v27 =	vor.u32 v18, v28;
	v26 =	vld [tilespmem:s24+$0x140];
	_ =	sdelay $0x4  }
0x456: {  	[tilespmem:v27+s17+$0x0] =	vst.idx.msk $0xffff, v26  }
0x457: {  	s28 =	sadd.s32 $0xE, s25;
	s25 =	smov.u32 s26;
	v27 =	vor.u32 v19, v28;
	v26 =	vld [tilespmem:s24+$0x150]  }
0x458: {  	v28 =	vmov s28  }
0x459: {  	v28 =	vshrl.u32 v28, $0x3  }
0x45a: {  	v28 =	vshll.u32 v28, v1  }
0x45b: {  	v28 =	vbroadcast v28, $0x0  }
0x45c: {  	[tilespmem:v27+s17+$0x0] =	vst.idx.msk $0xffff, v26  }
0x45d: {  	v27 =	vor.u32 v20, v28;
	v26 =	vld [tilespmem:s24+$0x180];
	_ =	sdelay $0x4  }
0x45e: {  	[tilespmem:v27+s17+$0x0] =	vst.idx.msk $0xffff, v26  }
0x45f: {  	v27 =	vor.u32 v21, v28;
	v26 =	vld [tilespmem:s24+$0x190];
	_ =	sdelay $0x4  }
0x460: {  	[tilespmem:v27+s17+$0x0] =	vst.idx.msk $0xffff, v26  }
0x461: {  	v27 =	vor.u32 v22, v28;
	v26 =	vld [tilespmem:s24+$0x1A0];
	_ =	sdelay $0x4  }
0x462: {  	[tilespmem:v27+s17+$0x0] =	vst.idx.msk $0xffff, v26  }
0x463: {  	v27 =	vor.u32 v23, v28;
	v26 =	vld [tilespmem:s24+$0x1B0];
	_ =	sdelay $0x4  }
0x464: {  	[tilespmem:v27+s17+$0x0] =	vst.idx.msk $0xffff, v26  }
0x465: {  	v27 =	vor.u32 v24, v28;
	v26 =	vld [tilespmem:s24+$0x1C0];
	_ =	sdelay $0x2  }
.Ltmp4:
0x466: {  	(pc) =	sbr.rel @p0 .LBB2_11-.Ltmp4, $4  }
0x467: {  	_ = 	snop  }
0x468: {  	[tilespmem:v27+s17+$0x0] =	vst.idx.msk $0xffff, v26  }
0x469: {  	v27 =	vor.u32 v25, v28;
	v26 =	vld [tilespmem:s24+$0x1D0]  }
0x46a: {  	s26 =	sadd.s32 $0x10, s26;
	v28 =	vmov s25  }
0x46b: {  	_ = 	snop  }
0x46c: {  	v28 =	vshrl.u32 v28, $0x3  }
0x46d: {  	v28 =	vshll.u32 v28, v1  }
0x46e: {  	v28 =	vbroadcast v28, $0x0  }
0x46f: {  	s24 =	sadd.s32 $0x400, s24;
	[tilespmem:v27+s17+$0x0] =	vst.idx.msk $0xffff, v26  }
0x470: {  	v26 =	vld [tilespmem:s24+$0xFFFFFE00];
	v27 =	vor.u32 v2, v28;
	_ =	sdelay $0x4  }
0x471: {  	[tilespmem:v27+s17+$0x0] =	vst.idx.msk $0xffff, v26  }
0x472: {  	v27 =	vor.u32 v3, v28;
	v26 =	vld [tilespmem:s24+$0xFFFFFE10];
	_ =	sdelay $0x4  }
0x473: {  	[tilespmem:v27+s17+$0x0] =	vst.idx.msk $0xffff, v26  }
0x474: {  	v27 =	vor.u32 v4, v28;
	v26 =	vld [tilespmem:s24+$0xFFFFFE20];
	_ =	sdelay $0x4  }
0x475: {  	[tilespmem:v27+s17+$0x0] =	vst.idx.msk $0xffff, v26  }
0x476: {  	v27 =	vor.u32 v5, v28;
	v26 =	vld [tilespmem:s24+$0xFFFFFE30];
	_ =	sdelay $0x4  }
0x477: {  	[tilespmem:v27+s17+$0x0] =	vst.idx.msk $0xffff, v26  }
0x478: {  	v27 =	vor.u32 v6, v28;
	v26 =	vld [tilespmem:s24+$0xFFFFFE40];
	_ =	sdelay $0x4  }
0x479: {  	[tilespmem:v27+s17+$0x0] =	vst.idx.msk $0xffff, v26  }
0x47a: {  	s26 =	sadd.s32 $0x2, s25;
	v27 =	vor.u32 v7, v28;
	v26 =	vld [tilespmem:s24+$0xFFFFFE50]  }
0x47b: {  	v28 =	vmov s26  }
0x47c: {  	v28 =	vshrl.u32 v28, $0x3  }
0x47d: {  	v28 =	vshll.u32 v28, v1  }
0x47e: {  	v28 =	vbroadcast v28, $0x0  }
0x47f: {  	[tilespmem:v27+s17+$0x0] =	vst.idx.msk $0xffff, v26  }
0x480: {  	v27 =	vor.u32 v8, v28;
	v26 =	vld [tilespmem:s24+$0xFFFFFE80];
	_ =	sdelay $0x4  }
0x481: {  	[tilespmem:v27+s17+$0x0] =	vst.idx.msk $0xffff, v26  }
0x482: {  	v27 =	vor.u32 v9, v28;
	v26 =	vld [tilespmem:s24+$0xFFFFFE90];
	_ =	sdelay $0x4  }
0x483: {  	[tilespmem:v27+s17+$0x0] =	vst.idx.msk $0xffff, v26  }
0x484: {  	v27 =	vor.u32 v10, v28;
	v26 =	vld [tilespmem:s24+$0xFFFFFEA0];
	_ =	sdelay $0x4  }
0x485: {  	[tilespmem:v27+s17+$0x0] =	vst.idx.msk $0xffff, v26  }
0x486: {  	v27 =	vor.u32 v11, v28;
	v26 =	vld [tilespmem:s24+$0xFFFFFEB0];
	_ =	sdelay $0x4  }
0x487: {  	[tilespmem:v27+s17+$0x0] =	vst.idx.msk $0xffff, v26  }
0x488: {  	v27 =	vor.u32 v12, v28;
	v26 =	vld [tilespmem:s24+$0xFFFFFEC0];
	_ =	sdelay $0x4  }
0x489: {  	[tilespmem:v27+s17+$0x0] =	vst.idx.msk $0xffff, v26  }
0x48a: {  	s30 =	sadd.s32 $0x4, s25;
	v27 =	vor.u32 v13, v28;
	v26 =	vld [tilespmem:s24+$0xFFFFFED0]  }
0x48b: {  	v28 =	vmov s30  }
0x48c: {  	v28 =	vshrl.u32 v28, $0x3  }
0x48d: {  	v28 =	vshll.u32 v28, v1  }
0x48e: {  	v28 =	vbroadcast v28, $0x0  }
0x48f: {  	[tilespmem:v27+s17+$0x0] =	vst.idx.msk $0xffff, v26  }
0x490: {  	v27 =	vor.u32 v14, v28;
	v26 =	vld [tilespmem:s24+$0xFFFFFF00];
	_ =	sdelay $0x4  }
0x491: {  	[tilespmem:v27+s17+$0x0] =	vst.idx.msk $0xffff, v26  }
0x492: {  	v27 =	vor.u32 v15, v28;
	v26 =	vld [tilespmem:s24+$0xFFFFFF10];
	_ =	sdelay $0x4  }
0x493: {  	[tilespmem:v27+s17+$0x0] =	vst.idx.msk $0xffff, v26  }
0x494: {  	v27 =	vor.u32 v16, v28;
	v26 =	vld [tilespmem:s24+$0xFFFFFF20];
	_ =	sdelay $0x4  }
0x495: {  	[tilespmem:v27+s17+$0x0] =	vst.idx.msk $0xffff, v26  }
0x496: {  	v27 =	vor.u32 v17, v28;
	v26 =	vld [tilespmem:s24+$0xFFFFFF30];
	_ =	sdelay $0x4  }
0x497: {  	[tilespmem:v27+s17+$0x0] =	vst.idx.msk $0xffff, v26  }
0x498: {  	v27 =	vor.u32 v18, v28;
	v26 =	vld [tilespmem:s24+$0xFFFFFF40];
	_ =	sdelay $0x4  }
0x499: {  	[tilespmem:v27+s17+$0x0] =	vst.idx.msk $0xffff, v26  }
0x49a: {  	s31 =	sadd.s32 $0x6, s25;
	v27 =	vor.u32 v19, v28;
	v26 =	vld [tilespmem:s24+$0xFFFFFF50]  }
0x49b: {  	v28 =	vmov s31  }
0x49c: {  	v28 =	vshrl.u32 v28, $0x3  }
0x49d: {  	v28 =	vshll.u32 v28, v1  }
0x49e: {  	v28 =	vbroadcast v28, $0x0  }
0x49f: {  	[tilespmem:v27+s17+$0x0] =	vst.idx.msk $0xffff, v26  }
0x4a0: {  	v27 =	vor.u32 v20, v28;
	v26 =	vld [tilespmem:s24+$0xFFFFFF80];
	_ =	sdelay $0x4  }
0x4a1: {  	[tilespmem:v27+s17+$0x0] =	vst.idx.msk $0xffff, v26  }
0x4a2: {  	v27 =	vor.u32 v21, v28;
	v26 =	vld [tilespmem:s24+$0xFFFFFF90];
	_ =	sdelay $0x4  }
0x4a3: {  	[tilespmem:v27+s17+$0x0] =	vst.idx.msk $0xffff, v26  }
0x4a4: {  	v27 =	vor.u32 v22, v28;
	v26 =	vld [tilespmem:s24+$0xFFFFFFA0];
	_ =	sdelay $0x4  }
0x4a5: {  	[tilespmem:v27+s17+$0x0] =	vst.idx.msk $0xffff, v26  }
0x4a6: {  	v27 =	vor.u32 v23, v28;
	v26 =	vld [tilespmem:s24+$0xFFFFFFB0];
	_ =	sdelay $0x4  }
0x4a7: {  	[tilespmem:v27+s17+$0x0] =	vst.idx.msk $0xffff, v26  }
0x4a8: {  	v27 =	vor.u32 v24, v28;
	v26 =	vld [tilespmem:s24+$0xFFFFFFC0];
	_ =	sdelay $0x4  }
0x4a9: {  	[tilespmem:v27+s17+$0x0] =	vst.idx.msk $0xffff, v26  }
0x4aa: {  	s30 =	sadd.s32 $0x8, s25;
	v27 =	vor.u32 v25, v28;
	v26 =	vld [tilespmem:s24+$0xFFFFFFD0]  }
0x4ab: {  	v28 =	vmov s30  }
0x4ac: {  	v28 =	vshrl.u32 v28, $0x3  }
0x4ad: {  	v28 =	vshll.u32 v28, v1  }
0x4ae: {  	v28 =	vbroadcast v28, $0x0  }
0x4af: {  	[tilespmem:v27+s17+$0x0] =	vst.idx.msk $0xffff, v26  }
0x4b0: {  	v27 =	vor.u32 v2, v28;
	v26 =	vld [tilespmem:s24+$0x0];
	_ =	sdelay $0x4  }
0x4b1: {  	[tilespmem:v27+s17+$0x0] =	vst.idx.msk $0xffff, v26  }
0x4b2: {  	v27 =	vor.u32 v3, v28;
	v26 =	vld [tilespmem:s24+$0x10];
	_ =	sdelay $0x4  }
0x4b3: {  	[tilespmem:v27+s17+$0x0] =	vst.idx.msk $0xffff, v26  }
0x4b4: {  	v27 =	vor.u32 v4, v28;
	v26 =	vld [tilespmem:s24+$0x20];
	_ =	sdelay $0x4  }
0x4b5: {  	[tilespmem:v27+s17+$0x0] =	vst.idx.msk $0xffff, v26  }
0x4b6: {  	v27 =	vor.u32 v5, v28;
	v26 =	vld [tilespmem:s24+$0x30];
	_ =	sdelay $0x4  }
0x4b7: {  	[tilespmem:v27+s17+$0x0] =	vst.idx.msk $0xffff, v26  }
0x4b8: {  	v27 =	vor.u32 v6, v28;
	v26 =	vld [tilespmem:s24+$0x40];
	_ =	sdelay $0x4  }
0x4b9: {  	[tilespmem:v27+s17+$0x0] =	vst.idx.msk $0xffff, v26  }
0x4ba: {  	s31 =	sadd.s32 $0xA, s25;
	v27 =	vor.u32 v7, v28;
	v26 =	vld [tilespmem:s24+$0x50]  }
0x4bb: {  	v28 =	vmov s31  }
0x4bc: {  	v28 =	vshrl.u32 v28, $0x3  }
0x4bd: {  	v28 =	vshll.u32 v28, v1  }
0x4be: {  	v28 =	vbroadcast v28, $0x0  }
0x4bf: {  	[tilespmem:v27+s17+$0x0] =	vst.idx.msk $0xffff, v26  }
0x4c0: {  	v27 =	vor.u32 v8, v28;
	v26 =	vld [tilespmem:s24+$0x80];
	_ =	sdelay $0x4  }
0x4c1: {  	[tilespmem:v27+s17+$0x0] =	vst.idx.msk $0xffff, v26  }
0x4c2: {  	v27 =	vor.u32 v9, v28;
	v26 =	vld [tilespmem:s24+$0x90];
	_ =	sdelay $0x4  }
0x4c3: {  	[tilespmem:v27+s17+$0x0] =	vst.idx.msk $0xffff, v26  }
0x4c4: {  	v27 =	vor.u32 v10, v28;
	v26 =	vld [tilespmem:s24+$0xA0];
	_ =	sdelay $0x4  }
0x4c5: {  	[tilespmem:v27+s17+$0x0] =	vst.idx.msk $0xffff, v26  }
0x4c6: {  	v27 =	vor.u32 v11, v28;
	v26 =	vld [tilespmem:s24+$0xB0];
	_ =	sdelay $0x4  }
0x4c7: {  	[tilespmem:v27+s17+$0x0] =	vst.idx.msk $0xffff, v26  }
0x4c8: {  	v27 =	vor.u32 v12, v28;
	v26 =	vld [tilespmem:s24+$0xC0];
	_ =	sdelay $0x4  }
0x4c9: {  	[tilespmem:v27+s17+$0x0] =	vst.idx.msk $0xffff, v26  }
0x4ca: {  	s30 =	sadd.s32 $0xC, s25;
	v27 =	vor.u32 v13, v28;
	v26 =	vld [tilespmem:s24+$0xD0]  }
0x4cb: {  	v28 =	vmov s30  }
0x4cc: {  	v28 =	vshrl.u32 v28, $0x3  }
0x4cd: {  	v28 =	vshll.u32 v28, v1  }
0x4ce: {  	v28 =	vbroadcast v28, $0x0  }
0x4cf: {  	[tilespmem:v27+s17+$0x0] =	vst.idx.msk $0xffff, v26  }
0x4d0: {  	v27 =	vor.u32 v14, v28;
	v26 =	vld [tilespmem:s24+$0x100];
	_ =	sdelay $0x4  }
0x4d1: {  	[tilespmem:v27+s17+$0x0] =	vst.idx.msk $0xffff, v26  }
0x4d2: {  	v27 =	vor.u32 v15, v28;
	v26 =	vld [tilespmem:s24+$0x110];
	_ =	sdelay $0x4  }
0x4d3: {  	[tilespmem:v27+s17+$0x0] =	vst.idx.msk $0xffff, v26  }
0x4d4: {  	v27 =	vor.u32 v16, v28;
	v26 =	vld [tilespmem:s24+$0x120];
	_ =	sdelay $0x4  }
0x4d5: {  	[tilespmem:v27+s17+$0x0] =	vst.idx.msk $0xffff, v26  }
0x4d6: {  	v27 =	vor.u32 v17, v28;
	v26 =	vld [tilespmem:s24+$0x130];
	_ =	sdelay $0x4  }
0x4d7: {  	[tilespmem:v27+s17+$0x0] =	vst.idx.msk $0xffff, v26  }
0x4d8: {  	v27 =	vor.u32 v18, v28;
	v26 =	vld [tilespmem:s24+$0x140];
	_ =	sdelay $0x4  }
0x4d9: {  	[tilespmem:v27+s17+$0x0] =	vst.idx.msk $0xffff, v26  }
0x4da: {  	s31 =	sadd.s32 $0xE, s25;
	v27 =	vor.u32 v19, v28;
	v26 =	vld [tilespmem:s24+$0x150]  }
0x4db: {  	v28 =	vmov s31  }
0x4dc: {  	v28 =	vshrl.u32 v28, $0x3  }
0x4dd: {  	v28 =	vshll.u32 v28, v1  }
0x4de: {  	v28 =	vbroadcast v28, $0x0  }
0x4df: {  	[tilespmem:v27+s17+$0x0] =	vst.idx.msk $0xffff, v26  }
0x4e0: {  	v27 =	vor.u32 v20, v28;
	v26 =	vld [tilespmem:s24+$0x180];
	_ =	sdelay $0x4  }
0x4e1: {  	[tilespmem:v27+s17+$0x0] =	vst.idx.msk $0xffff, v26  }
0x4e2: {  	v27 =	vor.u32 v21, v28;
	v26 =	vld [tilespmem:s24+$0x190];
	_ =	sdelay $0x4  }
0x4e3: {  	[tilespmem:v27+s17+$0x0] =	vst.idx.msk $0xffff, v26  }
0x4e4: {  	v27 =	vor.u32 v22, v28;
	v26 =	vld [tilespmem:s24+$0x1A0];
	_ =	sdelay $0x4  }
0x4e5: {  	[tilespmem:v27+s17+$0x0] =	vst.idx.msk $0xffff, v26  }
0x4e6: {  	v27 =	vor.u32 v23, v28;
	v26 =	vld [tilespmem:s24+$0x1B0];
	_ =	sdelay $0x4  }
0x4e7: {  	[tilespmem:v27+s17+$0x0] =	vst.idx.msk $0xffff, v26  }
0x4e8: {  	v27 =	vor.u32 v24, v28;
	v26 =	vld [tilespmem:s24+$0x1C0];
	_ =	sdelay $0x4  }
0x4e9: {  	[tilespmem:v27+s17+$0x0] =	vst.idx.msk $0xffff, v26  }
0x4ea: {  	s25 =	sshll.u32 s23, $0x1;
	v27 =	vor.u32 v25, v28;
	v26 =	vld [tilespmem:s24+$0x1D0]  }
0x4eb: {  	s24 =	sadd.s32 s2, s25  }
0x4ec: {  	s26 =	smul.u32 $0x1800, s24  }
0x4ed: {  	s28 =	smul.u32 $0x3000, s24;
	_ =	sdelay $0x1  }
0x4ee: {  	s30 =	simm.s32 $0x0;
	s25 =	sadd.s32 s4, s26;
	s31 =	sshrl.u32 s28, $0x3;
	[tilespmem:v27+s17+$0x0] =	vst.idx.msk $0xffff, v26  }
0x4ef: {  	[hbm4b:s25+s30] =	stream.linear.scatter [tilespmem:s17], [sflag:$0x3], $0xC000, $0x38;
	[tilespmem:$0x1E000] =	vst v63  }
0x4f0: {  	s25 =	sadd.s32 s3, s31  }
0x4f1: {  	s28 =	sadd.s32 $0xC00, s25  }
0x4f2: {  	[tilespmem:s30], [sflag:$0x1] =	stream.linear.gather [hbm4b:s28+s30], $0x3000, $0x38;
	[tilespmem:$0x1E000] =	vst v63  }
0x4f3: {  	_ =	swait.ge [sflag:s18], $0x3000  }
0x4f4: {  	v26 =	vmov s30;
	[sflag:s18] =	ssyncset.done $0x0  }
0x4f5: {  	v26 =	vshrl.u32 v26, $0x3;
	[sflag:s18] =	ssyncadd.s32 $0xFFFFD000  }
0x4f6: {  	v26 =	vshll.u32 v26, v1;
	_ =	swait.ge [sflag:s21], $0xC000  }
0x4f7: {  	v26 =	vbroadcast v26, $0x0;
	[sflag:s21] =	ssyncset.done $0x0  }
0x4f8: {  	s26 =	simm.s32 $0x3200;
	[sflag:s21] =	ssyncadd.s32 $0xFFFF4000  }
0x4f9: {  	v28 =	vor.u32 v2, v26;
	v27 =	vld [tilespmem:s26+$0xFFFFFE00];
	_ =	sdelay $0x4  }
0x4fa: {  	[tilespmem:v28+s19+$0x0] =	vst.idx.msk $0xffff, v27  }
0x4fb: {  	v28 =	vor.u32 v3, v26;
	v27 =	vld [tilespmem:s26+$0xFFFFFE10];
	_ =	sdelay $0x4  }
0x4fc: {  	[tilespmem:v28+s19+$0x0] =	vst.idx.msk $0xffff, v27  }
0x4fd: {  	v28 =	vor.u32 v4, v26;
	v27 =	vld [tilespmem:s26+$0xFFFFFE20];
	_ =	sdelay $0x4  }
0x4fe: {  	[tilespmem:v28+s19+$0x0] =	vst.idx.msk $0xffff, v27  }
0x4ff: {  	v28 =	vor.u32 v5, v26;
	v27 =	vld [tilespmem:s26+$0xFFFFFE30];
	_ =	sdelay $0x4  }
0x500: {  	[tilespmem:v28+s19+$0x0] =	vst.idx.msk $0xffff, v27  }
0x501: {  	v28 =	vor.u32 v6, v26;
	v27 =	vld [tilespmem:s26+$0xFFFFFE40];
	_ =	sdelay $0x4  }
0x502: {  	[tilespmem:v28+s19+$0x0] =	vst.idx.msk $0xffff, v27  }
0x503: {  	s28 =	simm.s32 $0x2;
	v26 =	vor.u32 v7, v26;
	v27 =	vld [tilespmem:s26+$0xFFFFFE50]  }
0x504: {  	v28 =	vmov s28  }
0x505: {  	v28 =	vshrl.u32 v28, $0x3  }
0x506: {  	v28 =	vshll.u32 v28, v1  }
0x507: {  	v28 =	vbroadcast v28, $0x0  }
0x508: {  	[tilespmem:v26+s19+$0x0] =	vst.idx.msk $0xffff, v27  }
0x509: {  	v27 =	vor.u32 v8, v28;
	v26 =	vld [tilespmem:s26+$0xFFFFFE80];
	_ =	sdelay $0x4  }
0x50a: {  	[tilespmem:v27+s19+$0x0] =	vst.idx.msk $0xffff, v26  }
0x50b: {  	v27 =	vor.u32 v9, v28;
	v26 =	vld [tilespmem:s26+$0xFFFFFE90];
	_ =	sdelay $0x4  }
0x50c: {  	[tilespmem:v27+s19+$0x0] =	vst.idx.msk $0xffff, v26  }
0x50d: {  	v27 =	vor.u32 v10, v28;
	v26 =	vld [tilespmem:s26+$0xFFFFFEA0];
	_ =	sdelay $0x4  }
0x50e: {  	[tilespmem:v27+s19+$0x0] =	vst.idx.msk $0xffff, v26  }
0x50f: {  	v27 =	vor.u32 v11, v28;
	v26 =	vld [tilespmem:s26+$0xFFFFFEB0];
	_ =	sdelay $0x4  }
0x510: {  	[tilespmem:v27+s19+$0x0] =	vst.idx.msk $0xffff, v26  }
0x511: {  	v27 =	vor.u32 v12, v28;
	v26 =	vld [tilespmem:s26+$0xFFFFFEC0];
	_ =	sdelay $0x4  }
0x512: {  	[tilespmem:v27+s19+$0x0] =	vst.idx.msk $0xffff, v26  }
0x513: {  	s28 =	simm.s32 $0x4;
	v27 =	vor.u32 v13, v28;
	v26 =	vld [tilespmem:s26+$0xFFFFFED0]  }
0x514: {  	v28 =	vmov s28  }
0x515: {  	v28 =	vshrl.u32 v28, $0x3  }
0x516: {  	v28 =	vshll.u32 v28, v1  }
0x517: {  	v28 =	vbroadcast v28, $0x0  }
0x518: {  	[tilespmem:v27+s19+$0x0] =	vst.idx.msk $0xffff, v26  }
0x519: {  	v27 =	vor.u32 v14, v28;
	v26 =	vld [tilespmem:s26+$0xFFFFFF00];
	_ =	sdelay $0x4  }
0x51a: {  	[tilespmem:v27+s19+$0x0] =	vst.idx.msk $0xffff, v26  }
0x51b: {  	v27 =	vor.u32 v15, v28;
	v26 =	vld [tilespmem:s26+$0xFFFFFF10];
	_ =	sdelay $0x4  }
0x51c: {  	[tilespmem:v27+s19+$0x0] =	vst.idx.msk $0xffff, v26  }
0x51d: {  	v27 =	vor.u32 v16, v28;
	v26 =	vld [tilespmem:s26+$0xFFFFFF20];
	_ =	sdelay $0x4  }
0x51e: {  	[tilespmem:v27+s19+$0x0] =	vst.idx.msk $0xffff, v26  }
0x51f: {  	v27 =	vor.u32 v17, v28;
	v26 =	vld [tilespmem:s26+$0xFFFFFF30];
	_ =	sdelay $0x4  }
0x520: {  	[tilespmem:v27+s19+$0x0] =	vst.idx.msk $0xffff, v26  }
0x521: {  	v27 =	vor.u32 v18, v28;
	v26 =	vld [tilespmem:s26+$0xFFFFFF40];
	_ =	sdelay $0x4  }
0x522: {  	[tilespmem:v27+s19+$0x0] =	vst.idx.msk $0xffff, v26  }
0x523: {  	s28 =	simm.s32 $0x6;
	v27 =	vor.u32 v19, v28;
	v26 =	vld [tilespmem:s26+$0xFFFFFF50]  }
0x524: {  	v28 =	vmov s28  }
0x525: {  	v28 =	vshrl.u32 v28, $0x3  }
0x526: {  	v28 =	vshll.u32 v28, v1  }
0x527: {  	v28 =	vbroadcast v28, $0x0  }
0x528: {  	[tilespmem:v27+s19+$0x0] =	vst.idx.msk $0xffff, v26  }
0x529: {  	v27 =	vor.u32 v20, v28;
	v26 =	vld [tilespmem:s26+$0xFFFFFF80];
	_ =	sdelay $0x4  }
0x52a: {  	[tilespmem:v27+s19+$0x0] =	vst.idx.msk $0xffff, v26  }
0x52b: {  	v27 =	vor.u32 v21, v28;
	v26 =	vld [tilespmem:s26+$0xFFFFFF90];
	_ =	sdelay $0x4  }
0x52c: {  	[tilespmem:v27+s19+$0x0] =	vst.idx.msk $0xffff, v26  }
0x52d: {  	v27 =	vor.u32 v22, v28;
	v26 =	vld [tilespmem:s26+$0xFFFFFFA0];
	_ =	sdelay $0x4  }
0x52e: {  	[tilespmem:v27+s19+$0x0] =	vst.idx.msk $0xffff, v26  }
0x52f: {  	v27 =	vor.u32 v23, v28;
	v26 =	vld [tilespmem:s26+$0xFFFFFFB0];
	_ =	sdelay $0x4  }
0x530: {  	[tilespmem:v27+s19+$0x0] =	vst.idx.msk $0xffff, v26  }
0x531: {  	v27 =	vor.u32 v24, v28;
	v26 =	vld [tilespmem:s26+$0xFFFFFFC0];
	_ =	sdelay $0x4  }
0x532: {  	[tilespmem:v27+s19+$0x0] =	vst.idx.msk $0xffff, v26  }
0x533: {  	s28 =	simm.s32 $0x8;
	v27 =	vor.u32 v25, v28;
	v26 =	vld [tilespmem:s26+$0xFFFFFFD0]  }
0x534: {  	v28 =	vmov s28  }
0x535: {  	v28 =	vshrl.u32 v28, $0x3  }
0x536: {  	v28 =	vshll.u32 v28, v1  }
0x537: {  	v28 =	vbroadcast v28, $0x0  }
0x538: {  	[tilespmem:v27+s19+$0x0] =	vst.idx.msk $0xffff, v26  }
0x539: {  	v27 =	vor.u32 v2, v28;
	v26 =	vld [tilespmem:s26+$0x0];
	_ =	sdelay $0x4  }
0x53a: {  	[tilespmem:v27+s19+$0x0] =	vst.idx.msk $0xffff, v26  }
0x53b: {  	v27 =	vor.u32 v3, v28;
	v26 =	vld [tilespmem:s26+$0x10];
	_ =	sdelay $0x4  }
0x53c: {  	[tilespmem:v27+s19+$0x0] =	vst.idx.msk $0xffff, v26  }
0x53d: {  	v27 =	vor.u32 v4, v28;
	v26 =	vld [tilespmem:s26+$0x20];
	_ =	sdelay $0x4  }
0x53e: {  	[tilespmem:v27+s19+$0x0] =	vst.idx.msk $0xffff, v26  }
0x53f: {  	v27 =	vor.u32 v5, v28;
	v26 =	vld [tilespmem:s26+$0x30];
	_ =	sdelay $0x4  }
0x540: {  	[tilespmem:v27+s19+$0x0] =	vst.idx.msk $0xffff, v26  }
0x541: {  	v27 =	vor.u32 v6, v28;
	v26 =	vld [tilespmem:s26+$0x40];
	_ =	sdelay $0x4  }
0x542: {  	[tilespmem:v27+s19+$0x0] =	vst.idx.msk $0xffff, v26  }
0x543: {  	s28 =	simm.s32 $0xA;
	v27 =	vor.u32 v7, v28;
	v26 =	vld [tilespmem:s26+$0x50]  }
0x544: {  	v28 =	vmov s28  }
0x545: {  	v28 =	vshrl.u32 v28, $0x3  }
0x546: {  	v28 =	vshll.u32 v28, v1  }
0x547: {  	v28 =	vbroadcast v28, $0x0  }
0x548: {  	[tilespmem:v27+s19+$0x0] =	vst.idx.msk $0xffff, v26  }
0x549: {  	v27 =	vor.u32 v8, v28;
	v26 =	vld [tilespmem:s26+$0x80];
	_ =	sdelay $0x4  }
0x54a: {  	[tilespmem:v27+s19+$0x0] =	vst.idx.msk $0xffff, v26  }
0x54b: {  	v27 =	vor.u32 v9, v28;
	v26 =	vld [tilespmem:s26+$0x90];
	_ =	sdelay $0x4  }
0x54c: {  	[tilespmem:v27+s19+$0x0] =	vst.idx.msk $0xffff, v26  }
0x54d: {  	v27 =	vor.u32 v10, v28;
	v26 =	vld [tilespmem:s26+$0xA0];
	_ =	sdelay $0x4  }
0x54e: {  	[tilespmem:v27+s19+$0x0] =	vst.idx.msk $0xffff, v26  }
0x54f: {  	v27 =	vor.u32 v11, v28;
	v26 =	vld [tilespmem:s26+$0xB0];
	_ =	sdelay $0x4  }
0x550: {  	[tilespmem:v27+s19+$0x0] =	vst.idx.msk $0xffff, v26  }
0x551: {  	v27 =	vor.u32 v12, v28;
	v26 =	vld [tilespmem:s26+$0xC0];
	_ =	sdelay $0x4  }
0x552: {  	[tilespmem:v27+s19+$0x0] =	vst.idx.msk $0xffff, v26  }
0x553: {  	s28 =	simm.s32 $0xC;
	v27 =	vor.u32 v13, v28;
	v26 =	vld [tilespmem:s26+$0xD0]  }
0x554: {  	v28 =	vmov s28  }
0x555: {  	v28 =	vshrl.u32 v28, $0x3  }
0x556: {  	v28 =	vshll.u32 v28, v1  }
0x557: {  	v28 =	vbroadcast v28, $0x0  }
0x558: {  	[tilespmem:v27+s19+$0x0] =	vst.idx.msk $0xffff, v26  }
0x559: {  	v27 =	vor.u32 v14, v28;
	v26 =	vld [tilespmem:s26+$0x100];
	_ =	sdelay $0x4  }
0x55a: {  	[tilespmem:v27+s19+$0x0] =	vst.idx.msk $0xffff, v26  }
0x55b: {  	v27 =	vor.u32 v15, v28;
	v26 =	vld [tilespmem:s26+$0x110];
	_ =	sdelay $0x4  }
0x55c: {  	[tilespmem:v27+s19+$0x0] =	vst.idx.msk $0xffff, v26  }
0x55d: {  	v27 =	vor.u32 v16, v28;
	v26 =	vld [tilespmem:s26+$0x120];
	_ =	sdelay $0x4  }
0x55e: {  	[tilespmem:v27+s19+$0x0] =	vst.idx.msk $0xffff, v26  }
0x55f: {  	v27 =	vor.u32 v17, v28;
	v26 =	vld [tilespmem:s26+$0x130];
	_ =	sdelay $0x4  }
0x560: {  	[tilespmem:v27+s19+$0x0] =	vst.idx.msk $0xffff, v26  }
0x561: {  	v27 =	vor.u32 v18, v28;
	v26 =	vld [tilespmem:s26+$0x140];
	_ =	sdelay $0x4  }
0x562: {  	[tilespmem:v27+s19+$0x0] =	vst.idx.msk $0xffff, v26  }
0x563: {  	s28 =	simm.s32 $0xE;
	v27 =	vor.u32 v19, v28;
	v26 =	vld [tilespmem:s26+$0x150]  }
0x564: {  	v28 =	vmov s28  }
0x565: {  	v28 =	vshrl.u32 v28, $0x3  }
0x566: {  	v28 =	vshll.u32 v28, v1  }
0x567: {  	v28 =	vbroadcast v28, $0x0  }
0x568: {  	[tilespmem:v27+s19+$0x0] =	vst.idx.msk $0xffff, v26  }
0x569: {  	v27 =	vor.u32 v20, v28;
	v26 =	vld [tilespmem:s26+$0x180];
	_ =	sdelay $0x4  }
0x56a: {  	[tilespmem:v27+s19+$0x0] =	vst.idx.msk $0xffff, v26  }
0x56b: {  	v27 =	vor.u32 v21, v28;
	v26 =	vld [tilespmem:s26+$0x190];
	_ =	sdelay $0x4  }
0x56c: {  	[tilespmem:v27+s19+$0x0] =	vst.idx.msk $0xffff, v26  }
0x56d: {  	v27 =	vor.u32 v22, v28;
	v26 =	vld [tilespmem:s26+$0x1A0];
	_ =	sdelay $0x4  }
0x56e: {  	[tilespmem:v27+s19+$0x0] =	vst.idx.msk $0xffff, v26  }
0x56f: {  	v27 =	vor.u32 v23, v28;
	v26 =	vld [tilespmem:s26+$0x1B0];
	_ =	sdelay $0x4  }
0x570: {  	[tilespmem:v27+s19+$0x0] =	vst.idx.msk $0xffff, v26  }
0x571: {  	v27 =	vor.u32 v24, v28;
	v26 =	vld [tilespmem:s26+$0x1C0];
	_ =	sdelay $0x4  }
0x572: {  	[tilespmem:v27+s19+$0x0] =	vst.idx.msk $0xffff, v26  }
0x573: {  	s28 =	simm.s32 $0x10;
	v27 =	vor.u32 v25, v28;
	v26 =	vld [tilespmem:s26+$0x1D0]  }
0x574: {  	s29 =	simm.s32 $0x20;
	v28 =	vmov s28  }
.LBB2_13:
0x575: {  	p0 =	sne.s32 s29, $0xB0;
	v28 =	vshrl.u32 v28, $0x3  }
0x576: {  	v28 =	vshll.u32 v28, v1  }
0x577: {  	v28 =	vbroadcast v28, $0x0  }
0x578: {  	s26 =	sadd.s32 $0x400, s26;
	[tilespmem:v27+s19+$0x0] =	vst.idx.msk $0xffff, v26  }
0x579: {  	v26 =	vld [tilespmem:s26+$0xFFFFFE00];
	v27 =	vor.u32 v2, v28;
	_ =	sdelay $0x4  }
0x57a: {  	[tilespmem:v27+s19+$0x0] =	vst.idx.msk $0xffff, v26  }
0x57b: {  	v27 =	vor.u32 v3, v28;
	v26 =	vld [tilespmem:s26+$0xFFFFFE10];
	_ =	sdelay $0x4  }
0x57c: {  	[tilespmem:v27+s19+$0x0] =	vst.idx.msk $0xffff, v26  }
0x57d: {  	v27 =	vor.u32 v4, v28;
	v26 =	vld [tilespmem:s26+$0xFFFFFE20];
	_ =	sdelay $0x4  }
0x57e: {  	[tilespmem:v27+s19+$0x0] =	vst.idx.msk $0xffff, v26  }
0x57f: {  	v27 =	vor.u32 v5, v28;
	v26 =	vld [tilespmem:s26+$0xFFFFFE30];
	_ =	sdelay $0x4  }
0x580: {  	[tilespmem:v27+s19+$0x0] =	vst.idx.msk $0xffff, v26  }
0x581: {  	v27 =	vor.u32 v6, v28;
	v26 =	vld [tilespmem:s26+$0xFFFFFE40];
	_ =	sdelay $0x4  }
0x582: {  	[tilespmem:v27+s19+$0x0] =	vst.idx.msk $0xffff, v26  }
0x583: {  	s30 =	sadd.s32 $0x2, s28;
	v27 =	vor.u32 v7, v28;
	v26 =	vld [tilespmem:s26+$0xFFFFFE50]  }
0x584: {  	v28 =	vmov s30  }
0x585: {  	v28 =	vshrl.u32 v28, $0x3  }
0x586: {  	v28 =	vshll.u32 v28, v1  }
0x587: {  	v28 =	vbroadcast v28, $0x0  }
0x588: {  	[tilespmem:v27+s19+$0x0] =	vst.idx.msk $0xffff, v26  }
0x589: {  	v27 =	vor.u32 v8, v28;
	v26 =	vld [tilespmem:s26+$0xFFFFFE80];
	_ =	sdelay $0x4  }
0x58a: {  	[tilespmem:v27+s19+$0x0] =	vst.idx.msk $0xffff, v26  }
0x58b: {  	v27 =	vor.u32 v9, v28;
	v26 =	vld [tilespmem:s26+$0xFFFFFE90];
	_ =	sdelay $0x4  }
0x58c: {  	[tilespmem:v27+s19+$0x0] =	vst.idx.msk $0xffff, v26  }
0x58d: {  	v27 =	vor.u32 v10, v28;
	v26 =	vld [tilespmem:s26+$0xFFFFFEA0];
	_ =	sdelay $0x4  }
0x58e: {  	[tilespmem:v27+s19+$0x0] =	vst.idx.msk $0xffff, v26  }
0x58f: {  	v27 =	vor.u32 v11, v28;
	v26 =	vld [tilespmem:s26+$0xFFFFFEB0];
	_ =	sdelay $0x4  }
0x590: {  	[tilespmem:v27+s19+$0x0] =	vst.idx.msk $0xffff, v26  }
0x591: {  	v27 =	vor.u32 v12, v28;
	v26 =	vld [tilespmem:s26+$0xFFFFFEC0];
	_ =	sdelay $0x4  }
0x592: {  	[tilespmem:v27+s19+$0x0] =	vst.idx.msk $0xffff, v26  }
0x593: {  	s30 =	sadd.s32 $0x4, s28;
	v27 =	vor.u32 v13, v28;
	v26 =	vld [tilespmem:s26+$0xFFFFFED0]  }
0x594: {  	v28 =	vmov s30  }
0x595: {  	v28 =	vshrl.u32 v28, $0x3  }
0x596: {  	v28 =	vshll.u32 v28, v1  }
0x597: {  	v28 =	vbroadcast v28, $0x0  }
0x598: {  	[tilespmem:v27+s19+$0x0] =	vst.idx.msk $0xffff, v26  }
0x599: {  	v27 =	vor.u32 v14, v28;
	v26 =	vld [tilespmem:s26+$0xFFFFFF00];
	_ =	sdelay $0x4  }
0x59a: {  	[tilespmem:v27+s19+$0x0] =	vst.idx.msk $0xffff, v26  }
0x59b: {  	v27 =	vor.u32 v15, v28;
	v26 =	vld [tilespmem:s26+$0xFFFFFF10];
	_ =	sdelay $0x4  }
0x59c: {  	[tilespmem:v27+s19+$0x0] =	vst.idx.msk $0xffff, v26  }
0x59d: {  	v27 =	vor.u32 v16, v28;
	v26 =	vld [tilespmem:s26+$0xFFFFFF20];
	_ =	sdelay $0x4  }
0x59e: {  	[tilespmem:v27+s19+$0x0] =	vst.idx.msk $0xffff, v26  }
0x59f: {  	v27 =	vor.u32 v17, v28;
	v26 =	vld [tilespmem:s26+$0xFFFFFF30];
	_ =	sdelay $0x4  }
0x5a0: {  	[tilespmem:v27+s19+$0x0] =	vst.idx.msk $0xffff, v26  }
0x5a1: {  	v27 =	vor.u32 v18, v28;
	v26 =	vld [tilespmem:s26+$0xFFFFFF40];
	_ =	sdelay $0x4  }
0x5a2: {  	[tilespmem:v27+s19+$0x0] =	vst.idx.msk $0xffff, v26  }
0x5a3: {  	s30 =	sadd.s32 $0x6, s28;
	v27 =	vor.u32 v19, v28;
	v26 =	vld [tilespmem:s26+$0xFFFFFF50]  }
0x5a4: {  	v28 =	vmov s30  }
0x5a5: {  	v28 =	vshrl.u32 v28, $0x3  }
0x5a6: {  	v28 =	vshll.u32 v28, v1  }
0x5a7: {  	v28 =	vbroadcast v28, $0x0  }
0x5a8: {  	[tilespmem:v27+s19+$0x0] =	vst.idx.msk $0xffff, v26  }
0x5a9: {  	v27 =	vor.u32 v20, v28;
	v26 =	vld [tilespmem:s26+$0xFFFFFF80];
	_ =	sdelay $0x4  }
0x5aa: {  	[tilespmem:v27+s19+$0x0] =	vst.idx.msk $0xffff, v26  }
0x5ab: {  	v27 =	vor.u32 v21, v28;
	v26 =	vld [tilespmem:s26+$0xFFFFFF90];
	_ =	sdelay $0x4  }
0x5ac: {  	[tilespmem:v27+s19+$0x0] =	vst.idx.msk $0xffff, v26  }
0x5ad: {  	v27 =	vor.u32 v22, v28;
	v26 =	vld [tilespmem:s26+$0xFFFFFFA0];
	_ =	sdelay $0x4  }
0x5ae: {  	[tilespmem:v27+s19+$0x0] =	vst.idx.msk $0xffff, v26  }
0x5af: {  	v27 =	vor.u32 v23, v28;
	v26 =	vld [tilespmem:s26+$0xFFFFFFB0];
	_ =	sdelay $0x4  }
0x5b0: {  	[tilespmem:v27+s19+$0x0] =	vst.idx.msk $0xffff, v26  }
0x5b1: {  	v27 =	vor.u32 v24, v28;
	v26 =	vld [tilespmem:s26+$0xFFFFFFC0];
	_ =	sdelay $0x4  }
0x5b2: {  	[tilespmem:v27+s19+$0x0] =	vst.idx.msk $0xffff, v26  }
0x5b3: {  	s30 =	sadd.s32 $0x8, s28;
	v27 =	vor.u32 v25, v28;
	v26 =	vld [tilespmem:s26+$0xFFFFFFD0]  }
0x5b4: {  	v28 =	vmov s30  }
0x5b5: {  	v28 =	vshrl.u32 v28, $0x3  }
0x5b6: {  	v28 =	vshll.u32 v28, v1  }
0x5b7: {  	v28 =	vbroadcast v28, $0x0  }
0x5b8: {  	[tilespmem:v27+s19+$0x0] =	vst.idx.msk $0xffff, v26  }
0x5b9: {  	v27 =	vor.u32 v2, v28;
	v26 =	vld [tilespmem:s26+$0x0];
	_ =	sdelay $0x4  }
0x5ba: {  	[tilespmem:v27+s19+$0x0] =	vst.idx.msk $0xffff, v26  }
0x5bb: {  	v27 =	vor.u32 v3, v28;
	v26 =	vld [tilespmem:s26+$0x10];
	_ =	sdelay $0x4  }
0x5bc: {  	[tilespmem:v27+s19+$0x0] =	vst.idx.msk $0xffff, v26  }
0x5bd: {  	v27 =	vor.u32 v4, v28;
	v26 =	vld [tilespmem:s26+$0x20];
	_ =	sdelay $0x4  }
0x5be: {  	[tilespmem:v27+s19+$0x0] =	vst.idx.msk $0xffff, v26  }
0x5bf: {  	v27 =	vor.u32 v5, v28;
	v26 =	vld [tilespmem:s26+$0x30];
	_ =	sdelay $0x4  }
0x5c0: {  	[tilespmem:v27+s19+$0x0] =	vst.idx.msk $0xffff, v26  }
0x5c1: {  	v27 =	vor.u32 v6, v28;
	v26 =	vld [tilespmem:s26+$0x40];
	_ =	sdelay $0x4  }
0x5c2: {  	[tilespmem:v27+s19+$0x0] =	vst.idx.msk $0xffff, v26  }
0x5c3: {  	s30 =	sadd.s32 $0xA, s28;
	v27 =	vor.u32 v7, v28;
	v26 =	vld [tilespmem:s26+$0x50]  }
0x5c4: {  	v28 =	vmov s30  }
0x5c5: {  	v28 =	vshrl.u32 v28, $0x3  }
0x5c6: {  	v28 =	vshll.u32 v28, v1  }
0x5c7: {  	v28 =	vbroadcast v28, $0x0  }
0x5c8: {  	[tilespmem:v27+s19+$0x0] =	vst.idx.msk $0xffff, v26  }
0x5c9: {  	v27 =	vor.u32 v8, v28;
	v26 =	vld [tilespmem:s26+$0x80];
	_ =	sdelay $0x4  }
0x5ca: {  	[tilespmem:v27+s19+$0x0] =	vst.idx.msk $0xffff, v26  }
0x5cb: {  	v27 =	vor.u32 v9, v28;
	v26 =	vld [tilespmem:s26+$0x90];
	_ =	sdelay $0x4  }
0x5cc: {  	[tilespmem:v27+s19+$0x0] =	vst.idx.msk $0xffff, v26  }
0x5cd: {  	v27 =	vor.u32 v10, v28;
	v26 =	vld [tilespmem:s26+$0xA0];
	_ =	sdelay $0x4  }
0x5ce: {  	[tilespmem:v27+s19+$0x0] =	vst.idx.msk $0xffff, v26  }
0x5cf: {  	v27 =	vor.u32 v11, v28;
	v26 =	vld [tilespmem:s26+$0xB0];
	_ =	sdelay $0x4  }
0x5d0: {  	[tilespmem:v27+s19+$0x0] =	vst.idx.msk $0xffff, v26  }
0x5d1: {  	v27 =	vor.u32 v12, v28;
	v26 =	vld [tilespmem:s26+$0xC0];
	_ =	sdelay $0x4  }
0x5d2: {  	[tilespmem:v27+s19+$0x0] =	vst.idx.msk $0xffff, v26  }
0x5d3: {  	s30 =	sadd.s32 $0xC, s28;
	v27 =	vor.u32 v13, v28;
	v26 =	vld [tilespmem:s26+$0xD0]  }
0x5d4: {  	v28 =	vmov s30  }
0x5d5: {  	v28 =	vshrl.u32 v28, $0x3  }
0x5d6: {  	v28 =	vshll.u32 v28, v1  }
0x5d7: {  	v28 =	vbroadcast v28, $0x0  }
0x5d8: {  	[tilespmem:v27+s19+$0x0] =	vst.idx.msk $0xffff, v26  }
0x5d9: {  	v27 =	vor.u32 v14, v28;
	v26 =	vld [tilespmem:s26+$0x100];
	_ =	sdelay $0x4  }
0x5da: {  	[tilespmem:v27+s19+$0x0] =	vst.idx.msk $0xffff, v26  }
0x5db: {  	v27 =	vor.u32 v15, v28;
	v26 =	vld [tilespmem:s26+$0x110];
	_ =	sdelay $0x4  }
0x5dc: {  	[tilespmem:v27+s19+$0x0] =	vst.idx.msk $0xffff, v26  }
0x5dd: {  	v27 =	vor.u32 v16, v28;
	v26 =	vld [tilespmem:s26+$0x120];
	_ =	sdelay $0x4  }
0x5de: {  	[tilespmem:v27+s19+$0x0] =	vst.idx.msk $0xffff, v26  }
0x5df: {  	v27 =	vor.u32 v17, v28;
	v26 =	vld [tilespmem:s26+$0x130];
	_ =	sdelay $0x4  }
0x5e0: {  	[tilespmem:v27+s19+$0x0] =	vst.idx.msk $0xffff, v26  }
0x5e1: {  	v27 =	vor.u32 v18, v28;
	v26 =	vld [tilespmem:s26+$0x140];
	_ =	sdelay $0x4  }
0x5e2: {  	[tilespmem:v27+s19+$0x0] =	vst.idx.msk $0xffff, v26  }
0x5e3: {  	s30 =	sadd.s32 $0xE, s28;
	s28 =	smov.u32 s29;
	v27 =	vor.u32 v19, v28;
	v26 =	vld [tilespmem:s26+$0x150]  }
0x5e4: {  	v28 =	vmov s30  }
0x5e5: {  	v28 =	vshrl.u32 v28, $0x3  }
0x5e6: {  	v28 =	vshll.u32 v28, v1  }
0x5e7: {  	v28 =	vbroadcast v28, $0x0  }
0x5e8: {  	[tilespmem:v27+s19+$0x0] =	vst.idx.msk $0xffff, v26  }
0x5e9: {  	v27 =	vor.u32 v20, v28;
	v26 =	vld [tilespmem:s26+$0x180];
	_ =	sdelay $0x4  }
0x5ea: {  	[tilespmem:v27+s19+$0x0] =	vst.idx.msk $0xffff, v26  }
0x5eb: {  	v27 =	vor.u32 v21, v28;
	v26 =	vld [tilespmem:s26+$0x190];
	_ =	sdelay $0x4  }
0x5ec: {  	[tilespmem:v27+s19+$0x0] =	vst.idx.msk $0xffff, v26  }
0x5ed: {  	v27 =	vor.u32 v22, v28;
	v26 =	vld [tilespmem:s26+$0x1A0];
	_ =	sdelay $0x4  }
0x5ee: {  	[tilespmem:v27+s19+$0x0] =	vst.idx.msk $0xffff, v26  }
0x5ef: {  	v27 =	vor.u32 v23, v28;
	v26 =	vld [tilespmem:s26+$0x1B0];
	_ =	sdelay $0x4  }
0x5f0: {  	[tilespmem:v27+s19+$0x0] =	vst.idx.msk $0xffff, v26  }
0x5f1: {  	v27 =	vor.u32 v24, v28;
	v26 =	vld [tilespmem:s26+$0x1C0];
	_ =	sdelay $0x2  }
.Ltmp5:
0x5f2: {  	(pc) =	sbr.rel @p0 .LBB2_13-.Ltmp5, $4  }
0x5f3: {  	_ = 	snop  }
0x5f4: {  	[tilespmem:v27+s19+$0x0] =	vst.idx.msk $0xffff, v26  }
0x5f5: {  	v27 =	vor.u32 v25, v28;
	v26 =	vld [tilespmem:s26+$0x1D0]  }
0x5f6: {  	s29 =	sadd.s32 $0x10, s29;
	v28 =	vmov s28  }
0x5f7: {  	_ = 	snop  }
0x5f8: {  	v28 =	vshrl.u32 v28, $0x3  }
0x5f9: {  	v28 =	vshll.u32 v28, v1  }
0x5fa: {  	v28 =	vbroadcast v28, $0x0  }
0x5fb: {  	s26 =	sadd.s32 $0x400, s26;
	[tilespmem:v27+s19+$0x0] =	vst.idx.msk $0xffff, v26  }
0x5fc: {  	v26 =	vld [tilespmem:s26+$0xFFFFFE00];
	v27 =	vor.u32 v2, v28;
	_ =	sdelay $0x4  }
0x5fd: {  	[tilespmem:v27+s19+$0x0] =	vst.idx.msk $0xffff, v26  }
0x5fe: {  	v27 =	vor.u32 v3, v28;
	v26 =	vld [tilespmem:s26+$0xFFFFFE10];
	_ =	sdelay $0x4  }
0x5ff: {  	[tilespmem:v27+s19+$0x0] =	vst.idx.msk $0xffff, v26  }
0x600: {  	v27 =	vor.u32 v4, v28;
	v26 =	vld [tilespmem:s26+$0xFFFFFE20];
	_ =	sdelay $0x4  }
0x601: {  	[tilespmem:v27+s19+$0x0] =	vst.idx.msk $0xffff, v26  }
0x602: {  	v27 =	vor.u32 v5, v28;
	v26 =	vld [tilespmem:s26+$0xFFFFFE30];
	_ =	sdelay $0x4  }
0x603: {  	[tilespmem:v27+s19+$0x0] =	vst.idx.msk $0xffff, v26  }
0x604: {  	v27 =	vor.u32 v6, v28;
	v26 =	vld [tilespmem:s26+$0xFFFFFE40];
	_ =	sdelay $0x4  }
0x605: {  	[tilespmem:v27+s19+$0x0] =	vst.idx.msk $0xffff, v26  }
0x606: {  	s29 =	sadd.s32 $0x2, s28;
	v27 =	vor.u32 v7, v28;
	v26 =	vld [tilespmem:s26+$0xFFFFFE50]  }
0x607: {  	v57 =	vmov s29  }
0x608: {  	v28 =	vshrl.u32 v57, $0x3  }
0x609: {  	v28 =	vshll.u32 v28, v1  }
0x60a: {  	v28 =	vbroadcast v28, $0x0  }
0x60b: {  	[tilespmem:v27+s19+$0x0] =	vst.idx.msk $0xffff, v26  }
0x60c: {  	v27 =	vor.u32 v8, v28;
	v26 =	vld [tilespmem:s26+$0xFFFFFE80];
	_ =	sdelay $0x4  }
0x60d: {  	[tilespmem:v27+s19+$0x0] =	vst.idx.msk $0xffff, v26  }
0x60e: {  	v27 =	vor.u32 v9, v28;
	v26 =	vld [tilespmem:s26+$0xFFFFFE90];
	_ =	sdelay $0x4  }
0x60f: {  	[tilespmem:v27+s19+$0x0] =	vst.idx.msk $0xffff, v26  }
0x610: {  	v27 =	vor.u32 v10, v28;
	v26 =	vld [tilespmem:s26+$0xFFFFFEA0];
	_ =	sdelay $0x4  }
0x611: {  	[tilespmem:v27+s19+$0x0] =	vst.idx.msk $0xffff, v26  }
0x612: {  	v27 =	vor.u32 v11, v28;
	v26 =	vld [tilespmem:s26+$0xFFFFFEB0];
	_ =	sdelay $0x4  }
0x613: {  	[tilespmem:v27+s19+$0x0] =	vst.idx.msk $0xffff, v26  }
0x614: {  	v27 =	vor.u32 v12, v28;
	v26 =	vld [tilespmem:s26+$0xFFFFFEC0];
	_ =	sdelay $0x4  }
0x615: {  	[tilespmem:v27+s19+$0x0] =	vst.idx.msk $0xffff, v26  }
0x616: {  	s31 =	sadd.s32 $0x4, s28;
	v27 =	vor.u32 v13, v28;
	v26 =	vld [tilespmem:s26+$0xFFFFFED0]  }
0x617: {  	v58 =	vmov s31  }
0x618: {  	v28 =	vshrl.u32 v58, $0x3  }
0x619: {  	v28 =	vshll.u32 v28, v1  }
0x61a: {  	v28 =	vbroadcast v28, $0x0  }
0x61b: {  	[tilespmem:v27+s19+$0x0] =	vst.idx.msk $0xffff, v26  }
0x61c: {  	v27 =	vor.u32 v14, v28;
	v26 =	vld [tilespmem:s26+$0xFFFFFF00];
	_ =	sdelay $0x4  }
0x61d: {  	[tilespmem:v27+s19+$0x0] =	vst.idx.msk $0xffff, v26  }
0x61e: {  	v27 =	vor.u32 v15, v28;
	v26 =	vld [tilespmem:s26+$0xFFFFFF10];
	_ =	sdelay $0x4  }
0x61f: {  	[tilespmem:v27+s19+$0x0] =	vst.idx.msk $0xffff, v26  }
0x620: {  	v27 =	vor.u32 v16, v28;
	v26 =	vld [tilespmem:s26+$0xFFFFFF20];
	_ =	sdelay $0x4  }
0x621: {  	[tilespmem:v27+s19+$0x0] =	vst.idx.msk $0xffff, v26  }
0x622: {  	v27 =	vor.u32 v17, v28;
	v26 =	vld [tilespmem:s26+$0xFFFFFF30];
	_ =	sdelay $0x4  }
0x623: {  	[tilespmem:v27+s19+$0x0] =	vst.idx.msk $0xffff, v26  }
0x624: {  	v27 =	vor.u32 v18, v28;
	v26 =	vld [tilespmem:s26+$0xFFFFFF40];
	_ =	sdelay $0x4  }
0x625: {  	[tilespmem:v27+s19+$0x0] =	vst.idx.msk $0xffff, v26  }
0x626: {  	s30 =	sadd.s32 $0x6, s28;
	v27 =	vor.u32 v19, v28;
	v26 =	vld [tilespmem:s26+$0xFFFFFF50]  }
0x627: {  	v59 =	vmov s30  }
0x628: {  	v28 =	vshrl.u32 v59, $0x3  }
0x629: {  	v28 =	vshll.u32 v28, v1  }
0x62a: {  	v28 =	vbroadcast v28, $0x0  }
0x62b: {  	[tilespmem:v27+s19+$0x0] =	vst.idx.msk $0xffff, v26  }
0x62c: {  	v27 =	vor.u32 v20, v28;
	v26 =	vld [tilespmem:s26+$0xFFFFFF80];
	_ =	sdelay $0x4  }
0x62d: {  	[tilespmem:v27+s19+$0x0] =	vst.idx.msk $0xffff, v26  }
0x62e: {  	v27 =	vor.u32 v21, v28;
	v26 =	vld [tilespmem:s26+$0xFFFFFF90];
	_ =	sdelay $0x4  }
0x62f: {  	[tilespmem:v27+s19+$0x0] =	vst.idx.msk $0xffff, v26  }
0x630: {  	v27 =	vor.u32 v22, v28;
	v26 =	vld [tilespmem:s26+$0xFFFFFFA0];
	_ =	sdelay $0x4  }
0x631: {  	[tilespmem:v27+s19+$0x0] =	vst.idx.msk $0xffff, v26  }
0x632: {  	v27 =	vor.u32 v23, v28;
	v26 =	vld [tilespmem:s26+$0xFFFFFFB0];
	_ =	sdelay $0x4  }
0x633: {  	[tilespmem:v27+s19+$0x0] =	vst.idx.msk $0xffff, v26  }
0x634: {  	v27 =	vor.u32 v24, v28;
	v26 =	vld [tilespmem:s26+$0xFFFFFFC0];
	_ =	sdelay $0x4  }
0x635: {  	[tilespmem:v27+s19+$0x0] =	vst.idx.msk $0xffff, v26  }
0x636: {  	s31 =	sadd.s32 $0x8, s28;
	v27 =	vor.u32 v25, v28;
	v26 =	vld [tilespmem:s26+$0xFFFFFFD0]  }
0x637: {  	v60 =	vmov s31  }
0x638: {  	v28 =	vshrl.u32 v60, $0x3  }
0x639: {  	v28 =	vshll.u32 v28, v1  }
0x63a: {  	v28 =	vbroadcast v28, $0x0  }
0x63b: {  	[tilespmem:v27+s19+$0x0] =	vst.idx.msk $0xffff, v26  }
0x63c: {  	v27 =	vor.u32 v2, v28;
	v26 =	vld [tilespmem:s26+$0x0];
	_ =	sdelay $0x4  }
0x63d: {  	[tilespmem:v27+s19+$0x0] =	vst.idx.msk $0xffff, v26  }
0x63e: {  	v27 =	vor.u32 v3, v28;
	v26 =	vld [tilespmem:s26+$0x10];
	_ =	sdelay $0x4  }
0x63f: {  	[tilespmem:v27+s19+$0x0] =	vst.idx.msk $0xffff, v26  }
0x640: {  	v27 =	vor.u32 v4, v28;
	v26 =	vld [tilespmem:s26+$0x20];
	_ =	sdelay $0x4  }
0x641: {  	[tilespmem:v27+s19+$0x0] =	vst.idx.msk $0xffff, v26  }
0x642: {  	v27 =	vor.u32 v5, v28;
	v26 =	vld [tilespmem:s26+$0x30];
	_ =	sdelay $0x4  }
0x643: {  	[tilespmem:v27+s19+$0x0] =	vst.idx.msk $0xffff, v26  }
0x644: {  	v27 =	vor.u32 v6, v28;
	v26 =	vld [tilespmem:s26+$0x40];
	_ =	sdelay $0x4  }
0x645: {  	[tilespmem:v27+s19+$0x0] =	vst.idx.msk $0xffff, v26  }
0x646: {  	s30 =	sadd.s32 $0xA, s28;
	v27 =	vor.u32 v7, v28;
	v26 =	vld [tilespmem:s26+$0x50]  }
0x647: {  	v61 =	vmov s30  }
0x648: {  	v28 =	vshrl.u32 v61, $0x3  }
0x649: {  	v28 =	vshll.u32 v28, v1  }
0x64a: {  	v28 =	vbroadcast v28, $0x0  }
0x64b: {  	[tilespmem:v27+s19+$0x0] =	vst.idx.msk $0xffff, v26  }
0x64c: {  	v27 =	vor.u32 v8, v28;
	v26 =	vld [tilespmem:s26+$0x80];
	_ =	sdelay $0x4  }
0x64d: {  	[tilespmem:v27+s19+$0x0] =	vst.idx.msk $0xffff, v26  }
0x64e: {  	v27 =	vor.u32 v9, v28;
	v26 =	vld [tilespmem:s26+$0x90];
	_ =	sdelay $0x4  }
0x64f: {  	[tilespmem:v27+s19+$0x0] =	vst.idx.msk $0xffff, v26  }
0x650: {  	v27 =	vor.u32 v10, v28;
	v26 =	vld [tilespmem:s26+$0xA0];
	_ =	sdelay $0x4  }
0x651: {  	[tilespmem:v27+s19+$0x0] =	vst.idx.msk $0xffff, v26  }
0x652: {  	v27 =	vor.u32 v11, v28;
	v26 =	vld [tilespmem:s26+$0xB0];
	_ =	sdelay $0x4  }
0x653: {  	[tilespmem:v27+s19+$0x0] =	vst.idx.msk $0xffff, v26  }
0x654: {  	v27 =	vor.u32 v12, v28;
	v26 =	vld [tilespmem:s26+$0xC0];
	_ =	sdelay $0x4  }
0x655: {  	[tilespmem:v27+s19+$0x0] =	vst.idx.msk $0xffff, v26  }
0x656: {  	s31 =	sadd.s32 $0xC, s28;
	v27 =	vor.u32 v13, v28;
	v26 =	vld [tilespmem:s26+$0xD0]  }
0x657: {  	v62 =	vmov s31  }
0x658: {  	v28 =	vshrl.u32 v62, $0x3  }
0x659: {  	v28 =	vshll.u32 v28, v1  }
0x65a: {  	v28 =	vbroadcast v28, $0x0  }
0x65b: {  	[tilespmem:v27+s19+$0x0] =	vst.idx.msk $0xffff, v26  }
0x65c: {  	v27 =	vor.u32 v14, v28;
	v26 =	vld [tilespmem:s26+$0x100];
	_ =	sdelay $0x4  }
0x65d: {  	[tilespmem:v27+s19+$0x0] =	vst.idx.msk $0xffff, v26  }
0x65e: {  	v27 =	vor.u32 v15, v28;
	v26 =	vld [tilespmem:s26+$0x110];
	_ =	sdelay $0x4  }
0x65f: {  	[tilespmem:v27+s19+$0x0] =	vst.idx.msk $0xffff, v26  }
0x660: {  	v27 =	vor.u32 v16, v28;
	v26 =	vld [tilespmem:s26+$0x120];
	_ =	sdelay $0x4  }
0x661: {  	[tilespmem:v27+s19+$0x0] =	vst.idx.msk $0xffff, v26  }
0x662: {  	v27 =	vor.u32 v17, v28;
	v26 =	vld [tilespmem:s26+$0x130];
	_ =	sdelay $0x4  }
0x663: {  	[tilespmem:v27+s19+$0x0] =	vst.idx.msk $0xffff, v26  }
0x664: {  	v27 =	vor.u32 v18, v28;
	v26 =	vld [tilespmem:s26+$0x140];
	_ =	sdelay $0x4  }
0x665: {  	[tilespmem:v27+s19+$0x0] =	vst.idx.msk $0xffff, v26  }
0x666: {  	s30 =	sadd.s32 $0xE, s28;
	v27 =	vor.u32 v19, v28;
	v26 =	vld [tilespmem:s26+$0x150]  }
0x667: {  	v63 =	vmov s30  }
0x668: {  	v28 =	vshrl.u32 v63, $0x3  }
0x669: {  	v28 =	vshll.u32 v28, v1  }
0x66a: {  	v28 =	vbroadcast v28, $0x0  }
0x66b: {  	[tilespmem:v27+s19+$0x0] =	vst.idx.msk $0xffff, v26  }
0x66c: {  	v27 =	vor.u32 v20, v28;
	v26 =	vld [tilespmem:s26+$0x180];
	_ =	sdelay $0x4  }
0x66d: {  	[tilespmem:v27+s19+$0x0] =	vst.idx.msk $0xffff, v26  }
0x66e: {  	v27 =	vor.u32 v21, v28;
	v26 =	vld [tilespmem:s26+$0x190];
	_ =	sdelay $0x4  }
0x66f: {  	[tilespmem:v27+s19+$0x0] =	vst.idx.msk $0xffff, v26  }
0x670: {  	v27 =	vor.u32 v22, v28;
	v26 =	vld [tilespmem:s26+$0x1A0];
	_ =	sdelay $0x4  }
0x671: {  	[tilespmem:v27+s19+$0x0] =	vst.idx.msk $0xffff, v26  }
0x672: {  	v27 =	vor.u32 v23, v28;
	v26 =	vld [tilespmem:s26+$0x1B0];
	_ =	sdelay $0x4  }
0x673: {  	[tilespmem:v27+s19+$0x0] =	vst.idx.msk $0xffff, v26  }
0x674: {  	v27 =	vor.u32 v24, v28;
	v26 =	vld [tilespmem:s26+$0x1C0];
	_ =	sdelay $0x4  }
0x675: {  	[tilespmem:v27+s19+$0x0] =	vst.idx.msk $0xffff, v26  }
0x676: {  	v27 =	vor.u32 v25, v28;
	v26 =	vld [tilespmem:s26+$0x1D0]  }
0x677: {  	s24 =	smul.u32 $0xC000, s24  }
0x678: {  	s23 =	sadd.s32 $0x1, s23  }
0x679: {  	p0 =	sne.s32 s23, $0xD;
	s24 =	sshrl.u32 s24, $0x3  }
.Ltmp6:
0x67a: {  	s24 =	sadd.s32 s4, s24;
	(pc) =	sbr.rel @p0 .LBB2_10-.Ltmp6, $4  }
0x67b: {  	s24 =	sadd.s32 $0x1800, s24;
	[tilespmem:v27+s19+$0x0] =	vst.idx.msk $0xffff, v26  }
0x67c: {  	[hbm4b:s24+s5] =	stream.linear.scatter [tilespmem:s19], [sflag:$0x4], $0xC000, $0x38;
	[tilespmem:$0x1E000] =	vst v63  }
0x67d: {  	s31 =	sadd.s32 $0x1200, s25  }
0x67e: {  	[tilespmem:s15], [sflag:$0x2] =	stream.linear.gather [hbm4b:s31+s5], $0x3000, $0x38;
	[tilespmem:$0x1E000] =	vst v63  }
0x67f: {  	_ =	swait.ge [sflag:s16], $0x3000;
	s23 =	simm.s32 $0x0  }
0x680: {  	[sflag:s16] =	ssyncset.done $0x0;
	v26 =	vmov s23  }
0x681: {  	[sflag:s16] =	ssyncadd.s32 $0xFFFFD000;
	v26 =	vshrl.u32 v26, $0x3  }
0x682: {  	_ =	swait.ge [sflag:s20], $0xC000;
	v26 =	vshll.u32 v26, v1  }
0x683: {  	[sflag:s20] =	ssyncset.done $0x0;
	v26 =	vbroadcast v26, $0x0  }
0x684: {  	s23 =	simm.s32 $0x200;
	[sflag:s20] =	ssyncadd.s32 $0xFFFF4000  }
0x685: {  	v27 =	vld [tilespmem:s23+$0xFFFFFE00];
	v28 =	vor.u32 v2, v26;
	_ =	sdelay $0x4  }
0x686: {  	[tilespmem:v28+s17+$0x0] =	vst.idx.msk $0xffff, v27  }
0x687: {  	v28 =	vor.u32 v3, v26;
	v27 =	vld [tilespmem:s23+$0xFFFFFE10];
	_ =	sdelay $0x4  }
0x688: {  	[tilespmem:v28+s17+$0x0] =	vst.idx.msk $0xffff, v27  }
0x689: {  	v28 =	vor.u32 v4, v26;
	v27 =	vld [tilespmem:s23+$0xFFFFFE20];
	_ =	sdelay $0x4  }
0x68a: {  	[tilespmem:v28+s17+$0x0] =	vst.idx.msk $0xffff, v27  }
0x68b: {  	v28 =	vor.u32 v5, v26;
	v27 =	vld [tilespmem:s23+$0xFFFFFE30];
	_ =	sdelay $0x4  }
0x68c: {  	[tilespmem:v28+s17+$0x0] =	vst.idx.msk $0xffff, v27  }
0x68d: {  	v28 =	vor.u32 v6, v26;
	v27 =	vld [tilespmem:s23+$0xFFFFFE40];
	_ =	sdelay $0x4  }
0x68e: {  	[tilespmem:v28+s17+$0x0] =	vst.idx.msk $0xffff, v27  }
0x68f: {  	s24 =	simm.s32 $0x2;
	v26 =	vor.u32 v7, v26;
	v27 =	vld [tilespmem:s23+$0xFFFFFE50]  }
0x690: {  	v28 =	vmov s24  }
0x691: {  	v28 =	vshrl.u32 v28, $0x3  }
0x692: {  	v28 =	vshll.u32 v28, v1  }
0x693: {  	v28 =	vbroadcast v28, $0x0  }
0x694: {  	[tilespmem:v26+s17+$0x0] =	vst.idx.msk $0xffff, v27  }
0x695: {  	v27 =	vor.u32 v8, v28;
	v26 =	vld [tilespmem:s23+$0xFFFFFE80];
	_ =	sdelay $0x4  }
0x696: {  	[tilespmem:v27+s17+$0x0] =	vst.idx.msk $0xffff, v26  }
0x697: {  	v27 =	vor.u32 v9, v28;
	v26 =	vld [tilespmem:s23+$0xFFFFFE90];
	_ =	sdelay $0x4  }
0x698: {  	[tilespmem:v27+s17+$0x0] =	vst.idx.msk $0xffff, v26  }
0x699: {  	v27 =	vor.u32 v10, v28;
	v26 =	vld [tilespmem:s23+$0xFFFFFEA0];
	_ =	sdelay $0x4  }
0x69a: {  	[tilespmem:v27+s17+$0x0] =	vst.idx.msk $0xffff, v26  }
0x69b: {  	v27 =	vor.u32 v11, v28;
	v26 =	vld [tilespmem:s23+$0xFFFFFEB0];
	_ =	sdelay $0x4  }
0x69c: {  	[tilespmem:v27+s17+$0x0] =	vst.idx.msk $0xffff, v26  }
0x69d: {  	v27 =	vor.u32 v12, v28;
	v26 =	vld [tilespmem:s23+$0xFFFFFEC0];
	_ =	sdelay $0x4  }
0x69e: {  	[tilespmem:v27+s17+$0x0] =	vst.idx.msk $0xffff, v26  }
0x69f: {  	s25 =	simm.s32 $0x4;
	v27 =	vor.u32 v13, v28;
	v26 =	vld [tilespmem:s23+$0xFFFFFED0]  }
0x6a0: {  	v28 =	vmov s25  }
0x6a1: {  	v28 =	vshrl.u32 v28, $0x3  }
0x6a2: {  	v28 =	vshll.u32 v28, v1  }
0x6a3: {  	v28 =	vbroadcast v28, $0x0  }
0x6a4: {  	[tilespmem:v27+s17+$0x0] =	vst.idx.msk $0xffff, v26  }
0x6a5: {  	v27 =	vor.u32 v14, v28;
	v26 =	vld [tilespmem:s23+$0xFFFFFF00];
	_ =	sdelay $0x4  }
0x6a6: {  	[tilespmem:v27+s17+$0x0] =	vst.idx.msk $0xffff, v26  }
0x6a7: {  	v27 =	vor.u32 v15, v28;
	v26 =	vld [tilespmem:s23+$0xFFFFFF10];
	_ =	sdelay $0x4  }
0x6a8: {  	[tilespmem:v27+s17+$0x0] =	vst.idx.msk $0xffff, v26  }
0x6a9: {  	v27 =	vor.u32 v16, v28;
	v26 =	vld [tilespmem:s23+$0xFFFFFF20];
	_ =	sdelay $0x4  }
0x6aa: {  	[tilespmem:v27+s17+$0x0] =	vst.idx.msk $0xffff, v26  }
0x6ab: {  	v27 =	vor.u32 v17, v28;
	v26 =	vld [tilespmem:s23+$0xFFFFFF30];
	_ =	sdelay $0x4  }
0x6ac: {  	[tilespmem:v27+s17+$0x0] =	vst.idx.msk $0xffff, v26  }
0x6ad: {  	v27 =	vor.u32 v18, v28;
	v26 =	vld [tilespmem:s23+$0xFFFFFF40];
	_ =	sdelay $0x4  }
0x6ae: {  	[tilespmem:v27+s17+$0x0] =	vst.idx.msk $0xffff, v26  }
0x6af: {  	s26 =	simm.s32 $0x6;
	v27 =	vor.u32 v19, v28;
	v26 =	vld [tilespmem:s23+$0xFFFFFF50]  }
0x6b0: {  	v28 =	vmov s26  }
0x6b1: {  	v28 =	vshrl.u32 v28, $0x3  }
0x6b2: {  	v28 =	vshll.u32 v28, v1  }
0x6b3: {  	v28 =	vbroadcast v28, $0x0  }
0x6b4: {  	[tilespmem:v27+s17+$0x0] =	vst.idx.msk $0xffff, v26  }
0x6b5: {  	v27 =	vor.u32 v20, v28;
	v26 =	vld [tilespmem:s23+$0xFFFFFF80];
	_ =	sdelay $0x4  }
0x6b6: {  	[tilespmem:v27+s17+$0x0] =	vst.idx.msk $0xffff, v26  }
0x6b7: {  	v27 =	vor.u32 v21, v28;
	v26 =	vld [tilespmem:s23+$0xFFFFFF90];
	_ =	sdelay $0x4  }
0x6b8: {  	[tilespmem:v27+s17+$0x0] =	vst.idx.msk $0xffff, v26  }
0x6b9: {  	v27 =	vor.u32 v22, v28;
	v26 =	vld [tilespmem:s23+$0xFFFFFFA0];
	_ =	sdelay $0x4  }
0x6ba: {  	[tilespmem:v27+s17+$0x0] =	vst.idx.msk $0xffff, v26  }
0x6bb: {  	v27 =	vor.u32 v23, v28;
	v26 =	vld [tilespmem:s23+$0xFFFFFFB0];
	_ =	sdelay $0x4  }
0x6bc: {  	[tilespmem:v27+s17+$0x0] =	vst.idx.msk $0xffff, v26  }
0x6bd: {  	v27 =	vor.u32 v24, v28;
	v26 =	vld [tilespmem:s23+$0xFFFFFFC0];
	_ =	sdelay $0x4  }
0x6be: {  	[tilespmem:v27+s17+$0x0] =	vst.idx.msk $0xffff, v26  }
0x6bf: {  	s28 =	simm.s32 $0x8;
	v27 =	vor.u32 v25, v28;
	v26 =	vld [tilespmem:s23+$0xFFFFFFD0]  }
0x6c0: {  	v28 =	vmov s28  }
0x6c1: {  	v28 =	vshrl.u32 v28, $0x3  }
0x6c2: {  	v28 =	vshll.u32 v28, v1  }
0x6c3: {  	v28 =	vbroadcast v28, $0x0  }
0x6c4: {  	[tilespmem:v27+s17+$0x0] =	vst.idx.msk $0xffff, v26  }
0x6c5: {  	v27 =	vor.u32 v2, v28;
	v26 =	vld [tilespmem:s23+$0x0];
	_ =	sdelay $0x4  }
0x6c6: {  	[tilespmem:v27+s17+$0x0] =	vst.idx.msk $0xffff, v26  }
0x6c7: {  	v27 =	vor.u32 v3, v28;
	v26 =	vld [tilespmem:s23+$0x10];
	_ =	sdelay $0x4  }
0x6c8: {  	[tilespmem:v27+s17+$0x0] =	vst.idx.msk $0xffff, v26  }
0x6c9: {  	v27 =	vor.u32 v4, v28;
	v26 =	vld [tilespmem:s23+$0x20];
	_ =	sdelay $0x4  }
0x6ca: {  	[tilespmem:v27+s17+$0x0] =	vst.idx.msk $0xffff, v26  }
0x6cb: {  	v27 =	vor.u32 v5, v28;
	v26 =	vld [tilespmem:s23+$0x30];
	_ =	sdelay $0x4  }
0x6cc: {  	[tilespmem:v27+s17+$0x0] =	vst.idx.msk $0xffff, v26  }
0x6cd: {  	v27 =	vor.u32 v6, v28;
	v26 =	vld [tilespmem:s23+$0x40];
	_ =	sdelay $0x4  }
0x6ce: {  	[tilespmem:v27+s17+$0x0] =	vst.idx.msk $0xffff, v26  }
0x6cf: {  	s29 =	simm.s32 $0xA;
	v27 =	vor.u32 v7, v28;
	v26 =	vld [tilespmem:s23+$0x50]  }
0x6d0: {  	v28 =	vmov s29  }
0x6d1: {  	v28 =	vshrl.u32 v28, $0x3  }
0x6d2: {  	v28 =	vshll.u32 v28, v1  }
0x6d3: {  	v28 =	vbroadcast v28, $0x0  }
0x6d4: {  	[tilespmem:v27+s17+$0x0] =	vst.idx.msk $0xffff, v26  }
0x6d5: {  	v27 =	vor.u32 v8, v28;
	v26 =	vld [tilespmem:s23+$0x80];
	_ =	sdelay $0x4  }
0x6d6: {  	[tilespmem:v27+s17+$0x0] =	vst.idx.msk $0xffff, v26  }
0x6d7: {  	v27 =	vor.u32 v9, v28;
	v26 =	vld [tilespmem:s23+$0x90];
	_ =	sdelay $0x4  }
0x6d8: {  	[tilespmem:v27+s17+$0x0] =	vst.idx.msk $0xffff, v26  }
0x6d9: {  	v27 =	vor.u32 v10, v28;
	v26 =	vld [tilespmem:s23+$0xA0];
	_ =	sdelay $0x4  }
0x6da: {  	[tilespmem:v27+s17+$0x0] =	vst.idx.msk $0xffff, v26  }
0x6db: {  	v27 =	vor.u32 v11, v28;
	v26 =	vld [tilespmem:s23+$0xB0];
	_ =	sdelay $0x4  }
0x6dc: {  	[tilespmem:v27+s17+$0x0] =	vst.idx.msk $0xffff, v26  }
0x6dd: {  	v27 =	vor.u32 v12, v28;
	v26 =	vld [tilespmem:s23+$0xC0];
	_ =	sdelay $0x4  }
0x6de: {  	[tilespmem:v27+s17+$0x0] =	vst.idx.msk $0xffff, v26  }
0x6df: {  	s30 =	simm.s32 $0xC;
	v27 =	vor.u32 v13, v28;
	v26 =	vld [tilespmem:s23+$0xD0]  }
0x6e0: {  	v28 =	vmov s30  }
0x6e1: {  	v28 =	vshrl.u32 v28, $0x3  }
0x6e2: {  	v28 =	vshll.u32 v28, v1  }
0x6e3: {  	v28 =	vbroadcast v28, $0x0  }
0x6e4: {  	[tilespmem:v27+s17+$0x0] =	vst.idx.msk $0xffff, v26  }
0x6e5: {  	v27 =	vor.u32 v14, v28;
	v26 =	vld [tilespmem:s23+$0x100];
	_ =	sdelay $0x4  }
0x6e6: {  	[tilespmem:v27+s17+$0x0] =	vst.idx.msk $0xffff, v26  }
0x6e7: {  	v27 =	vor.u32 v15, v28;
	v26 =	vld [tilespmem:s23+$0x110];
	_ =	sdelay $0x4  }
0x6e8: {  	[tilespmem:v27+s17+$0x0] =	vst.idx.msk $0xffff, v26  }
0x6e9: {  	v27 =	vor.u32 v16, v28;
	v26 =	vld [tilespmem:s23+$0x120];
	_ =	sdelay $0x4  }
0x6ea: {  	[tilespmem:v27+s17+$0x0] =	vst.idx.msk $0xffff, v26  }
0x6eb: {  	v27 =	vor.u32 v17, v28;
	v26 =	vld [tilespmem:s23+$0x130];
	_ =	sdelay $0x4  }
0x6ec: {  	[tilespmem:v27+s17+$0x0] =	vst.idx.msk $0xffff, v26  }
0x6ed: {  	v27 =	vor.u32 v18, v28;
	v26 =	vld [tilespmem:s23+$0x140];
	_ =	sdelay $0x4  }
0x6ee: {  	[tilespmem:v27+s17+$0x0] =	vst.idx.msk $0xffff, v26  }
0x6ef: {  	s31 =	simm.s32 $0xE;
	v27 =	vor.u32 v19, v28;
	v26 =	vld [tilespmem:s23+$0x150]  }
0x6f0: {  	v28 =	vmov s31  }
0x6f1: {  	v28 =	vshrl.u32 v28, $0x3  }
0x6f2: {  	v28 =	vshll.u32 v28, v1  }
0x6f3: {  	v28 =	vbroadcast v28, $0x0  }
0x6f4: {  	[tilespmem:v27+s17+$0x0] =	vst.idx.msk $0xffff, v26  }
0x6f5: {  	v27 =	vor.u32 v20, v28;
	v26 =	vld [tilespmem:s23+$0x180];
	_ =	sdelay $0x4  }
0x6f6: {  	[tilespmem:v27+s17+$0x0] =	vst.idx.msk $0xffff, v26  }
0x6f7: {  	v27 =	vor.u32 v21, v28;
	v26 =	vld [tilespmem:s23+$0x190];
	_ =	sdelay $0x4  }
0x6f8: {  	[tilespmem:v27+s17+$0x0] =	vst.idx.msk $0xffff, v26  }
0x6f9: {  	v27 =	vor.u32 v22, v28;
	v26 =	vld [tilespmem:s23+$0x1A0];
	_ =	sdelay $0x4  }
0x6fa: {  	[tilespmem:v27+s17+$0x0] =	vst.idx.msk $0xffff, v26  }
0x6fb: {  	v27 =	vor.u32 v23, v28;
	v26 =	vld [tilespmem:s23+$0x1B0];
	_ =	sdelay $0x4  }
0x6fc: {  	[tilespmem:v27+s17+$0x0] =	vst.idx.msk $0xffff, v26  }
0x6fd: {  	v27 =	vor.u32 v24, v28;
	v26 =	vld [tilespmem:s23+$0x1C0];
	_ =	sdelay $0x4  }
0x6fe: {  	[tilespmem:v27+s17+$0x0] =	vst.idx.msk $0xffff, v26  }
0x6ff: {  	s24 =	simm.s32 $0x10;
	v27 =	vor.u32 v25, v28;
	v26 =	vld [tilespmem:s23+$0x1D0]  }
0x700: {  	s25 =	simm.s32 $0x20;
	v28 =	vmov s24  }
.LBB2_16:
0x701: {  	p0 =	sne.s32 s25, $0xB0;
	v28 =	vshrl.u32 v28, $0x3  }
0x702: {  	v28 =	vshll.u32 v28, v1  }
0x703: {  	v28 =	vbroadcast v28, $0x0  }
0x704: {  	s23 =	sadd.s32 $0x400, s23;
	[tilespmem:v27+s17+$0x0] =	vst.idx.msk $0xffff, v26  }
0x705: {  	v26 =	vld [tilespmem:s23+$0xFFFFFE00];
	v27 =	vor.u32 v2, v28;
	_ =	sdelay $0x4  }
0x706: {  	[tilespmem:v27+s17+$0x0] =	vst.idx.msk $0xffff, v26  }
0x707: {  	v27 =	vor.u32 v3, v28;
	v26 =	vld [tilespmem:s23+$0xFFFFFE10];
	_ =	sdelay $0x4  }
0x708: {  	[tilespmem:v27+s17+$0x0] =	vst.idx.msk $0xffff, v26  }
0x709: {  	v27 =	vor.u32 v4, v28;
	v26 =	vld [tilespmem:s23+$0xFFFFFE20];
	_ =	sdelay $0x4  }
0x70a: {  	[tilespmem:v27+s17+$0x0] =	vst.idx.msk $0xffff, v26  }
0x70b: {  	v27 =	vor.u32 v5, v28;
	v26 =	vld [tilespmem:s23+$0xFFFFFE30];
	_ =	sdelay $0x4  }
0x70c: {  	[tilespmem:v27+s17+$0x0] =	vst.idx.msk $0xffff, v26  }
0x70d: {  	v27 =	vor.u32 v6, v28;
	v26 =	vld [tilespmem:s23+$0xFFFFFE40];
	_ =	sdelay $0x4  }
0x70e: {  	[tilespmem:v27+s17+$0x0] =	vst.idx.msk $0xffff, v26  }
0x70f: {  	s26 =	sadd.s32 $0x2, s24;
	v27 =	vor.u32 v7, v28;
	v26 =	vld [tilespmem:s23+$0xFFFFFE50]  }
0x710: {  	v28 =	vmov s26  }
0x711: {  	v28 =	vshrl.u32 v28, $0x3  }
0x712: {  	v28 =	vshll.u32 v28, v1  }
0x713: {  	v28 =	vbroadcast v28, $0x0  }
0x714: {  	[tilespmem:v27+s17+$0x0] =	vst.idx.msk $0xffff, v26  }
0x715: {  	v27 =	vor.u32 v8, v28;
	v26 =	vld [tilespmem:s23+$0xFFFFFE80];
	_ =	sdelay $0x4  }
0x716: {  	[tilespmem:v27+s17+$0x0] =	vst.idx.msk $0xffff, v26  }
0x717: {  	v27 =	vor.u32 v9, v28;
	v26 =	vld [tilespmem:s23+$0xFFFFFE90];
	_ =	sdelay $0x4  }
0x718: {  	[tilespmem:v27+s17+$0x0] =	vst.idx.msk $0xffff, v26  }
0x719: {  	v27 =	vor.u32 v10, v28;
	v26 =	vld [tilespmem:s23+$0xFFFFFEA0];
	_ =	sdelay $0x4  }
0x71a: {  	[tilespmem:v27+s17+$0x0] =	vst.idx.msk $0xffff, v26  }
0x71b: {  	v27 =	vor.u32 v11, v28;
	v26 =	vld [tilespmem:s23+$0xFFFFFEB0];
	_ =	sdelay $0x4  }
0x71c: {  	[tilespmem:v27+s17+$0x0] =	vst.idx.msk $0xffff, v26  }
0x71d: {  	v27 =	vor.u32 v12, v28;
	v26 =	vld [tilespmem:s23+$0xFFFFFEC0];
	_ =	sdelay $0x4  }
0x71e: {  	[tilespmem:v27+s17+$0x0] =	vst.idx.msk $0xffff, v26  }
0x71f: {  	s26 =	sadd.s32 $0x4, s24;
	v27 =	vor.u32 v13, v28;
	v26 =	vld [tilespmem:s23+$0xFFFFFED0]  }
0x720: {  	v28 =	vmov s26  }
0x721: {  	v28 =	vshrl.u32 v28, $0x3  }
0x722: {  	v28 =	vshll.u32 v28, v1  }
0x723: {  	v28 =	vbroadcast v28, $0x0  }
0x724: {  	[tilespmem:v27+s17+$0x0] =	vst.idx.msk $0xffff, v26  }
0x725: {  	v27 =	vor.u32 v14, v28;
	v26 =	vld [tilespmem:s23+$0xFFFFFF00];
	_ =	sdelay $0x4  }
0x726: {  	[tilespmem:v27+s17+$0x0] =	vst.idx.msk $0xffff, v26  }
0x727: {  	v27 =	vor.u32 v15, v28;
	v26 =	vld [tilespmem:s23+$0xFFFFFF10];
	_ =	sdelay $0x4  }
0x728: {  	[tilespmem:v27+s17+$0x0] =	vst.idx.msk $0xffff, v26  }
0x729: {  	v27 =	vor.u32 v16, v28;
	v26 =	vld [tilespmem:s23+$0xFFFFFF20];
	_ =	sdelay $0x4  }
0x72a: {  	[tilespmem:v27+s17+$0x0] =	vst.idx.msk $0xffff, v26  }
0x72b: {  	v27 =	vor.u32 v17, v28;
	v26 =	vld [tilespmem:s23+$0xFFFFFF30];
	_ =	sdelay $0x4  }
0x72c: {  	[tilespmem:v27+s17+$0x0] =	vst.idx.msk $0xffff, v26  }
0x72d: {  	v27 =	vor.u32 v18, v28;
	v26 =	vld [tilespmem:s23+$0xFFFFFF40];
	_ =	sdelay $0x4  }
0x72e: {  	[tilespmem:v27+s17+$0x0] =	vst.idx.msk $0xffff, v26  }
0x72f: {  	s26 =	sadd.s32 $0x6, s24;
	v27 =	vor.u32 v19, v28;
	v26 =	vld [tilespmem:s23+$0xFFFFFF50]  }
0x730: {  	v28 =	vmov s26  }
0x731: {  	v28 =	vshrl.u32 v28, $0x3  }
0x732: {  	v28 =	vshll.u32 v28, v1  }
0x733: {  	v28 =	vbroadcast v28, $0x0  }
0x734: {  	[tilespmem:v27+s17+$0x0] =	vst.idx.msk $0xffff, v26  }
0x735: {  	v27 =	vor.u32 v20, v28;
	v26 =	vld [tilespmem:s23+$0xFFFFFF80];
	_ =	sdelay $0x4  }
0x736: {  	[tilespmem:v27+s17+$0x0] =	vst.idx.msk $0xffff, v26  }
0x737: {  	v27 =	vor.u32 v21, v28;
	v26 =	vld [tilespmem:s23+$0xFFFFFF90];
	_ =	sdelay $0x4  }
0x738: {  	[tilespmem:v27+s17+$0x0] =	vst.idx.msk $0xffff, v26  }
0x739: {  	v27 =	vor.u32 v22, v28;
	v26 =	vld [tilespmem:s23+$0xFFFFFFA0];
	_ =	sdelay $0x4  }
0x73a: {  	[tilespmem:v27+s17+$0x0] =	vst.idx.msk $0xffff, v26  }
0x73b: {  	v27 =	vor.u32 v23, v28;
	v26 =	vld [tilespmem:s23+$0xFFFFFFB0];
	_ =	sdelay $0x4  }
0x73c: {  	[tilespmem:v27+s17+$0x0] =	vst.idx.msk $0xffff, v26  }
0x73d: {  	v27 =	vor.u32 v24, v28;
	v26 =	vld [tilespmem:s23+$0xFFFFFFC0];
	_ =	sdelay $0x4  }
0x73e: {  	[tilespmem:v27+s17+$0x0] =	vst.idx.msk $0xffff, v26  }
0x73f: {  	s26 =	sadd.s32 $0x8, s24;
	v27 =	vor.u32 v25, v28;
	v26 =	vld [tilespmem:s23+$0xFFFFFFD0]  }
0x740: {  	v28 =	vmov s26  }
0x741: {  	v28 =	vshrl.u32 v28, $0x3  }
0x742: {  	v28 =	vshll.u32 v28, v1  }
0x743: {  	v28 =	vbroadcast v28, $0x0  }
0x744: {  	[tilespmem:v27+s17+$0x0] =	vst.idx.msk $0xffff, v26  }
0x745: {  	v27 =	vor.u32 v2, v28;
	v26 =	vld [tilespmem:s23+$0x0];
	_ =	sdelay $0x4  }
0x746: {  	[tilespmem:v27+s17+$0x0] =	vst.idx.msk $0xffff, v26  }
0x747: {  	v27 =	vor.u32 v3, v28;
	v26 =	vld [tilespmem:s23+$0x10];
	_ =	sdelay $0x4  }
0x748: {  	[tilespmem:v27+s17+$0x0] =	vst.idx.msk $0xffff, v26  }
0x749: {  	v27 =	vor.u32 v4, v28;
	v26 =	vld [tilespmem:s23+$0x20];
	_ =	sdelay $0x4  }
0x74a: {  	[tilespmem:v27+s17+$0x0] =	vst.idx.msk $0xffff, v26  }
0x74b: {  	v27 =	vor.u32 v5, v28;
	v26 =	vld [tilespmem:s23+$0x30];
	_ =	sdelay $0x4  }
0x74c: {  	[tilespmem:v27+s17+$0x0] =	vst.idx.msk $0xffff, v26  }
0x74d: {  	v27 =	vor.u32 v6, v28;
	v26 =	vld [tilespmem:s23+$0x40];
	_ =	sdelay $0x4  }
0x74e: {  	[tilespmem:v27+s17+$0x0] =	vst.idx.msk $0xffff, v26  }
0x74f: {  	s26 =	sadd.s32 $0xA, s24;
	v27 =	vor.u32 v7, v28;
	v26 =	vld [tilespmem:s23+$0x50]  }
0x750: {  	v28 =	vmov s26  }
0x751: {  	v28 =	vshrl.u32 v28, $0x3  }
0x752: {  	v28 =	vshll.u32 v28, v1  }
0x753: {  	v28 =	vbroadcast v28, $0x0  }
0x754: {  	[tilespmem:v27+s17+$0x0] =	vst.idx.msk $0xffff, v26  }
0x755: {  	v27 =	vor.u32 v8, v28;
	v26 =	vld [tilespmem:s23+$0x80];
	_ =	sdelay $0x4  }
0x756: {  	[tilespmem:v27+s17+$0x0] =	vst.idx.msk $0xffff, v26  }
0x757: {  	v27 =	vor.u32 v9, v28;
	v26 =	vld [tilespmem:s23+$0x90];
	_ =	sdelay $0x4  }
0x758: {  	[tilespmem:v27+s17+$0x0] =	vst.idx.msk $0xffff, v26  }
0x759: {  	v27 =	vor.u32 v10, v28;
	v26 =	vld [tilespmem:s23+$0xA0];
	_ =	sdelay $0x4  }
0x75a: {  	[tilespmem:v27+s17+$0x0] =	vst.idx.msk $0xffff, v26  }
0x75b: {  	v27 =	vor.u32 v11, v28;
	v26 =	vld [tilespmem:s23+$0xB0];
	_ =	sdelay $0x4  }
0x75c: {  	[tilespmem:v27+s17+$0x0] =	vst.idx.msk $0xffff, v26  }
0x75d: {  	v27 =	vor.u32 v12, v28;
	v26 =	vld [tilespmem:s23+$0xC0];
	_ =	sdelay $0x4  }
0x75e: {  	[tilespmem:v27+s17+$0x0] =	vst.idx.msk $0xffff, v26  }
0x75f: {  	s26 =	sadd.s32 $0xC, s24;
	v27 =	vor.u32 v13, v28;
	v26 =	vld [tilespmem:s23+$0xD0]  }
0x760: {  	v28 =	vmov s26  }
0x761: {  	v28 =	vshrl.u32 v28, $0x3  }
0x762: {  	v28 =	vshll.u32 v28, v1  }
0x763: {  	v28 =	vbroadcast v28, $0x0  }
0x764: {  	[tilespmem:v27+s17+$0x0] =	vst.idx.msk $0xffff, v26  }
0x765: {  	v27 =	vor.u32 v14, v28;
	v26 =	vld [tilespmem:s23+$0x100];
	_ =	sdelay $0x4  }
0x766: {  	[tilespmem:v27+s17+$0x0] =	vst.idx.msk $0xffff, v26  }
0x767: {  	v27 =	vor.u32 v15, v28;
	v26 =	vld [tilespmem:s23+$0x110];
	_ =	sdelay $0x4  }
0x768: {  	[tilespmem:v27+s17+$0x0] =	vst.idx.msk $0xffff, v26  }
0x769: {  	v27 =	vor.u32 v16, v28;
	v26 =	vld [tilespmem:s23+$0x120];
	_ =	sdelay $0x4  }
0x76a: {  	[tilespmem:v27+s17+$0x0] =	vst.idx.msk $0xffff, v26  }
0x76b: {  	v27 =	vor.u32 v17, v28;
	v26 =	vld [tilespmem:s23+$0x130];
	_ =	sdelay $0x4  }
0x76c: {  	[tilespmem:v27+s17+$0x0] =	vst.idx.msk $0xffff, v26  }
0x76d: {  	v27 =	vor.u32 v18, v28;
	v26 =	vld [tilespmem:s23+$0x140];
	_ =	sdelay $0x4  }
0x76e: {  	[tilespmem:v27+s17+$0x0] =	vst.idx.msk $0xffff, v26  }
0x76f: {  	s26 =	sadd.s32 $0xE, s24;
	s24 =	smov.u32 s25;
	v27 =	vor.u32 v19, v28;
	v26 =	vld [tilespmem:s23+$0x150]  }
0x770: {  	v28 =	vmov s26  }
0x771: {  	v28 =	vshrl.u32 v28, $0x3  }
0x772: {  	v28 =	vshll.u32 v28, v1  }
0x773: {  	v28 =	vbroadcast v28, $0x0  }
0x774: {  	[tilespmem:v27+s17+$0x0] =	vst.idx.msk $0xffff, v26  }
0x775: {  	v27 =	vor.u32 v20, v28;
	v26 =	vld [tilespmem:s23+$0x180];
	_ =	sdelay $0x4  }
0x776: {  	[tilespmem:v27+s17+$0x0] =	vst.idx.msk $0xffff, v26  }
0x777: {  	v27 =	vor.u32 v21, v28;
	v26 =	vld [tilespmem:s23+$0x190];
	_ =	sdelay $0x4  }
0x778: {  	[tilespmem:v27+s17+$0x0] =	vst.idx.msk $0xffff, v26  }
0x779: {  	v27 =	vor.u32 v22, v28;
	v26 =	vld [tilespmem:s23+$0x1A0];
	_ =	sdelay $0x4  }
0x77a: {  	[tilespmem:v27+s17+$0x0] =	vst.idx.msk $0xffff, v26  }
0x77b: {  	v27 =	vor.u32 v23, v28;
	v26 =	vld [tilespmem:s23+$0x1B0];
	_ =	sdelay $0x4  }
0x77c: {  	[tilespmem:v27+s17+$0x0] =	vst.idx.msk $0xffff, v26  }
0x77d: {  	v27 =	vor.u32 v24, v28;
	v26 =	vld [tilespmem:s23+$0x1C0];
	_ =	sdelay $0x2  }
.Ltmp7:
0x77e: {  	(pc) =	sbr.rel @p0 .LBB2_16-.Ltmp7, $4  }
0x77f: {  	_ = 	snop  }
0x780: {  	[tilespmem:v27+s17+$0x0] =	vst.idx.msk $0xffff, v26  }
0x781: {  	v27 =	vor.u32 v25, v28;
	v26 =	vld [tilespmem:s23+$0x1D0]  }
0x782: {  	s25 =	sadd.s32 $0x10, s25;
	v28 =	vmov s24  }
0x783: {  	_ = 	snop  }
0x784: {  	v28 =	vshrl.u32 v28, $0x3  }
0x785: {  	v28 =	vshll.u32 v28, v1  }
0x786: {  	v28 =	vbroadcast v28, $0x0  }
0x787: {  	s23 =	sadd.s32 $0x400, s23;
	[tilespmem:v27+s17+$0x0] =	vst.idx.msk $0xffff, v26  }
0x788: {  	v26 =	vld [tilespmem:s23+$0xFFFFFE00];
	v27 =	vor.u32 v2, v28;
	_ =	sdelay $0x4  }
0x789: {  	[tilespmem:v27+s17+$0x0] =	vst.idx.msk $0xffff, v26  }
0x78a: {  	v27 =	vor.u32 v3, v28;
	v26 =	vld [tilespmem:s23+$0xFFFFFE10];
	_ =	sdelay $0x4  }
0x78b: {  	[tilespmem:v27+s17+$0x0] =	vst.idx.msk $0xffff, v26  }
0x78c: {  	v27 =	vor.u32 v4, v28;
	v26 =	vld [tilespmem:s23+$0xFFFFFE20];
	_ =	sdelay $0x4  }
0x78d: {  	[tilespmem:v27+s17+$0x0] =	vst.idx.msk $0xffff, v26  }
0x78e: {  	v27 =	vor.u32 v5, v28;
	v26 =	vld [tilespmem:s23+$0xFFFFFE30];
	_ =	sdelay $0x4  }
0x78f: {  	[tilespmem:v27+s17+$0x0] =	vst.idx.msk $0xffff, v26  }
0x790: {  	v27 =	vor.u32 v6, v28;
	v26 =	vld [tilespmem:s23+$0xFFFFFE40];
	_ =	sdelay $0x4  }
0x791: {  	[tilespmem:v27+s17+$0x0] =	vst.idx.msk $0xffff, v26  }
0x792: {  	s25 =	sadd.s32 $0x2, s24;
	v27 =	vor.u32 v7, v28;
	v26 =	vld [tilespmem:s23+$0xFFFFFE50]  }
0x793: {  	v28 =	vmov s25  }
0x794: {  	v28 =	vshrl.u32 v28, $0x3  }
0x795: {  	v28 =	vshll.u32 v28, v1  }
0x796: {  	v28 =	vbroadcast v28, $0x0  }
0x797: {  	[tilespmem:v27+s17+$0x0] =	vst.idx.msk $0xffff, v26  }
0x798: {  	v27 =	vor.u32 v8, v28;
	v26 =	vld [tilespmem:s23+$0xFFFFFE80];
	_ =	sdelay $0x4  }
0x799: {  	[tilespmem:v27+s17+$0x0] =	vst.idx.msk $0xffff, v26  }
0x79a: {  	v27 =	vor.u32 v9, v28;
	v26 =	vld [tilespmem:s23+$0xFFFFFE90];
	_ =	sdelay $0x4  }
0x79b: {  	[tilespmem:v27+s17+$0x0] =	vst.idx.msk $0xffff, v26  }
0x79c: {  	v27 =	vor.u32 v10, v28;
	v26 =	vld [tilespmem:s23+$0xFFFFFEA0];
	_ =	sdelay $0x4  }
0x79d: {  	[tilespmem:v27+s17+$0x0] =	vst.idx.msk $0xffff, v26  }
0x79e: {  	v27 =	vor.u32 v11, v28;
	v26 =	vld [tilespmem:s23+$0xFFFFFEB0];
	_ =	sdelay $0x4  }
0x79f: {  	[tilespmem:v27+s17+$0x0] =	vst.idx.msk $0xffff, v26  }
0x7a0: {  	v27 =	vor.u32 v12, v28;
	v26 =	vld [tilespmem:s23+$0xFFFFFEC0];
	_ =	sdelay $0x4  }
0x7a1: {  	[tilespmem:v27+s17+$0x0] =	vst.idx.msk $0xffff, v26  }
0x7a2: {  	s29 =	sadd.s32 $0x4, s24;
	v27 =	vor.u32 v13, v28;
	v26 =	vld [tilespmem:s23+$0xFFFFFED0]  }
0x7a3: {  	v28 =	vmov s29  }
0x7a4: {  	v28 =	vshrl.u32 v28, $0x3  }
0x7a5: {  	v28 =	vshll.u32 v28, v1  }
0x7a6: {  	v28 =	vbroadcast v28, $0x0  }
0x7a7: {  	[tilespmem:v27+s17+$0x0] =	vst.idx.msk $0xffff, v26  }
0x7a8: {  	v27 =	vor.u32 v14, v28;
	v26 =	vld [tilespmem:s23+$0xFFFFFF00];
	_ =	sdelay $0x4  }
0x7a9: {  	[tilespmem:v27+s17+$0x0] =	vst.idx.msk $0xffff, v26  }
0x7aa: {  	v27 =	vor.u32 v15, v28;
	v26 =	vld [tilespmem:s23+$0xFFFFFF10];
	_ =	sdelay $0x4  }
0x7ab: {  	[tilespmem:v27+s17+$0x0] =	vst.idx.msk $0xffff, v26  }
0x7ac: {  	v27 =	vor.u32 v16, v28;
	v26 =	vld [tilespmem:s23+$0xFFFFFF20];
	_ =	sdelay $0x4  }
0x7ad: {  	[tilespmem:v27+s17+$0x0] =	vst.idx.msk $0xffff, v26  }
0x7ae: {  	v27 =	vor.u32 v17, v28;
	v26 =	vld [tilespmem:s23+$0xFFFFFF30];
	_ =	sdelay $0x4  }
0x7af: {  	[tilespmem:v27+s17+$0x0] =	vst.idx.msk $0xffff, v26  }
0x7b0: {  	v27 =	vor.u32 v18, v28;
	v26 =	vld [tilespmem:s23+$0xFFFFFF40];
	_ =	sdelay $0x4  }
0x7b1: {  	[tilespmem:v27+s17+$0x0] =	vst.idx.msk $0xffff, v26  }
0x7b2: {  	s30 =	sadd.s32 $0x6, s24;
	v27 =	vor.u32 v19, v28;
	v26 =	vld [tilespmem:s23+$0xFFFFFF50]  }
0x7b3: {  	v28 =	vmov s30  }
0x7b4: {  	v28 =	vshrl.u32 v28, $0x3  }
0x7b5: {  	v28 =	vshll.u32 v28, v1  }
0x7b6: {  	v28 =	vbroadcast v28, $0x0  }
0x7b7: {  	[tilespmem:v27+s17+$0x0] =	vst.idx.msk $0xffff, v26  }
0x7b8: {  	v27 =	vor.u32 v20, v28;
	v26 =	vld [tilespmem:s23+$0xFFFFFF80];
	_ =	sdelay $0x4  }
0x7b9: {  	[tilespmem:v27+s17+$0x0] =	vst.idx.msk $0xffff, v26  }
0x7ba: {  	v27 =	vor.u32 v21, v28;
	v26 =	vld [tilespmem:s23+$0xFFFFFF90];
	_ =	sdelay $0x4  }
0x7bb: {  	[tilespmem:v27+s17+$0x0] =	vst.idx.msk $0xffff, v26  }
0x7bc: {  	v27 =	vor.u32 v22, v28;
	v26 =	vld [tilespmem:s23+$0xFFFFFFA0];
	_ =	sdelay $0x4  }
0x7bd: {  	[tilespmem:v27+s17+$0x0] =	vst.idx.msk $0xffff, v26  }
0x7be: {  	v27 =	vor.u32 v23, v28;
	v26 =	vld [tilespmem:s23+$0xFFFFFFB0];
	_ =	sdelay $0x4  }
0x7bf: {  	[tilespmem:v27+s17+$0x0] =	vst.idx.msk $0xffff, v26  }
0x7c0: {  	v27 =	vor.u32 v24, v28;
	v26 =	vld [tilespmem:s23+$0xFFFFFFC0];
	_ =	sdelay $0x4  }
0x7c1: {  	[tilespmem:v27+s17+$0x0] =	vst.idx.msk $0xffff, v26  }
0x7c2: {  	s31 =	sadd.s32 $0x8, s24;
	v27 =	vor.u32 v25, v28;
	v26 =	vld [tilespmem:s23+$0xFFFFFFD0]  }
0x7c3: {  	v28 =	vmov s31  }
0x7c4: {  	v28 =	vshrl.u32 v28, $0x3  }
0x7c5: {  	v28 =	vshll.u32 v28, v1  }
0x7c6: {  	v28 =	vbroadcast v28, $0x0  }
0x7c7: {  	[tilespmem:v27+s17+$0x0] =	vst.idx.msk $0xffff, v26  }
0x7c8: {  	v27 =	vor.u32 v2, v28;
	v26 =	vld [tilespmem:s23+$0x0];
	_ =	sdelay $0x4  }
0x7c9: {  	[tilespmem:v27+s17+$0x0] =	vst.idx.msk $0xffff, v26  }
0x7ca: {  	v27 =	vor.u32 v3, v28;
	v26 =	vld [tilespmem:s23+$0x10];
	_ =	sdelay $0x4  }
0x7cb: {  	[tilespmem:v27+s17+$0x0] =	vst.idx.msk $0xffff, v26  }
0x7cc: {  	v27 =	vor.u32 v4, v28;
	v26 =	vld [tilespmem:s23+$0x20];
	_ =	sdelay $0x4  }
0x7cd: {  	[tilespmem:v27+s17+$0x0] =	vst.idx.msk $0xffff, v26  }
0x7ce: {  	v27 =	vor.u32 v5, v28;
	v26 =	vld [tilespmem:s23+$0x30];
	_ =	sdelay $0x4  }
0x7cf: {  	[tilespmem:v27+s17+$0x0] =	vst.idx.msk $0xffff, v26  }
0x7d0: {  	v27 =	vor.u32 v6, v28;
	v26 =	vld [tilespmem:s23+$0x40];
	_ =	sdelay $0x4  }
0x7d1: {  	[tilespmem:v27+s17+$0x0] =	vst.idx.msk $0xffff, v26  }
0x7d2: {  	s26 =	sadd.s32 $0xA, s24;
	v27 =	vor.u32 v7, v28;
	v26 =	vld [tilespmem:s23+$0x50]  }
0x7d3: {  	v28 =	vmov s26  }
0x7d4: {  	v28 =	vshrl.u32 v28, $0x3  }
0x7d5: {  	v28 =	vshll.u32 v28, v1  }
0x7d6: {  	v28 =	vbroadcast v28, $0x0  }
0x7d7: {  	[tilespmem:v27+s17+$0x0] =	vst.idx.msk $0xffff, v26  }
0x7d8: {  	v27 =	vor.u32 v8, v28;
	v26 =	vld [tilespmem:s23+$0x80];
	_ =	sdelay $0x4  }
0x7d9: {  	[tilespmem:v27+s17+$0x0] =	vst.idx.msk $0xffff, v26  }
0x7da: {  	v27 =	vor.u32 v9, v28;
	v26 =	vld [tilespmem:s23+$0x90];
	_ =	sdelay $0x4  }
0x7db: {  	[tilespmem:v27+s17+$0x0] =	vst.idx.msk $0xffff, v26  }
0x7dc: {  	v27 =	vor.u32 v10, v28;
	v26 =	vld [tilespmem:s23+$0xA0];
	_ =	sdelay $0x4  }
0x7dd: {  	[tilespmem:v27+s17+$0x0] =	vst.idx.msk $0xffff, v26  }
0x7de: {  	v27 =	vor.u32 v11, v28;
	v26 =	vld [tilespmem:s23+$0xB0];
	_ =	sdelay $0x4  }
0x7df: {  	[tilespmem:v27+s17+$0x0] =	vst.idx.msk $0xffff, v26  }
0x7e0: {  	v27 =	vor.u32 v12, v28;
	v26 =	vld [tilespmem:s23+$0xC0];
	_ =	sdelay $0x4  }
0x7e1: {  	[tilespmem:v27+s17+$0x0] =	vst.idx.msk $0xffff, v26  }
0x7e2: {  	s28 =	sadd.s32 $0xC, s24;
	v27 =	vor.u32 v13, v28;
	v26 =	vld [tilespmem:s23+$0xD0]  }
0x7e3: {  	v28 =	vmov s28  }
0x7e4: {  	v28 =	vshrl.u32 v28, $0x3  }
0x7e5: {  	v28 =	vshll.u32 v28, v1  }
0x7e6: {  	v28 =	vbroadcast v28, $0x0  }
0x7e7: {  	[tilespmem:v27+s17+$0x0] =	vst.idx.msk $0xffff, v26  }
0x7e8: {  	v27 =	vor.u32 v14, v28;
	v26 =	vld [tilespmem:s23+$0x100];
	_ =	sdelay $0x4  }
0x7e9: {  	[tilespmem:v27+s17+$0x0] =	vst.idx.msk $0xffff, v26  }
0x7ea: {  	v27 =	vor.u32 v15, v28;
	v26 =	vld [tilespmem:s23+$0x110];
	_ =	sdelay $0x4  }
0x7eb: {  	[tilespmem:v27+s17+$0x0] =	vst.idx.msk $0xffff, v26  }
0x7ec: {  	v27 =	vor.u32 v16, v28;
	v26 =	vld [tilespmem:s23+$0x120];
	_ =	sdelay $0x4  }
0x7ed: {  	[tilespmem:v27+s17+$0x0] =	vst.idx.msk $0xffff, v26  }
0x7ee: {  	v27 =	vor.u32 v17, v28;
	v26 =	vld [tilespmem:s23+$0x130];
	_ =	sdelay $0x4  }
0x7ef: {  	[tilespmem:v27+s17+$0x0] =	vst.idx.msk $0xffff, v26  }
0x7f0: {  	v27 =	vor.u32 v18, v28;
	v26 =	vld [tilespmem:s23+$0x140];
	_ =	sdelay $0x4  }
0x7f1: {  	[tilespmem:v27+s17+$0x0] =	vst.idx.msk $0xffff, v26  }
0x7f2: {  	s29 =	sadd.s32 $0xE, s24;
	v27 =	vor.u32 v19, v28;
	v26 =	vld [tilespmem:s23+$0x150]  }
0x7f3: {  	v28 =	vmov s29  }
0x7f4: {  	v28 =	vshrl.u32 v28, $0x3  }
0x7f5: {  	v28 =	vshll.u32 v28, v1  }
0x7f6: {  	v28 =	vbroadcast v28, $0x0  }
0x7f7: {  	[tilespmem:v27+s17+$0x0] =	vst.idx.msk $0xffff, v26  }
0x7f8: {  	v27 =	vor.u32 v20, v28;
	v26 =	vld [tilespmem:s23+$0x180];
	_ =	sdelay $0x4  }
0x7f9: {  	[tilespmem:v27+s17+$0x0] =	vst.idx.msk $0xffff, v26  }
0x7fa: {  	v27 =	vor.u32 v21, v28;
	v26 =	vld [tilespmem:s23+$0x190];
	_ =	sdelay $0x4  }
0x7fb: {  	[tilespmem:v27+s17+$0x0] =	vst.idx.msk $0xffff, v26  }
0x7fc: {  	v27 =	vor.u32 v22, v28;
	v26 =	vld [tilespmem:s23+$0x1A0];
	_ =	sdelay $0x4  }
0x7fd: {  	[tilespmem:v27+s17+$0x0] =	vst.idx.msk $0xffff, v26  }
0x7fe: {  	v27 =	vor.u32 v23, v28;
	v26 =	vld [tilespmem:s23+$0x1B0];
	_ =	sdelay $0x4  }
0x7ff: {  	[tilespmem:v27+s17+$0x0] =	vst.idx.msk $0xffff, v26  }
0x800: {  	v27 =	vor.u32 v24, v28;
	v26 =	vld [tilespmem:s23+$0x1C0];
	_ =	sdelay $0x4  }
0x801: {  	[tilespmem:v27+s17+$0x0] =	vst.idx.msk $0xffff, v26  }
0x802: {  	v27 =	vor.u32 v25, v28;
	v26 =	vld [tilespmem:s23+$0x1D0];
	_ =	sdelay $0x4  }
0x803: {  	s30 =	simm.s32 $0x0;
	[tilespmem:v27+s17+$0x0] =	vst.idx.msk $0xffff, v26  }
0x804: {  	[hbm4b:s12+s30] =	stream.linear.scatter [tilespmem:s17], [sflag:$0x3], $0xC000, $0x38;
	[tilespmem:$0x1E000] =	vst v63  }
0x805: {  	_ =	swait.ge [sflag:s18], $0x3000  }
0x806: {  	v26 =	vmov s30;
	[sflag:s18] =	ssyncset.done $0x0  }
0x807: {  	v26 =	vshrl.u32 v26, $0x3;
	[sflag:s18] =	ssyncadd.s32 $0xFFFFD000  }
0x808: {  	v26 =	vshll.u32 v26, v1;
	_ =	swait.ge [sflag:s21], $0xC000  }
0x809: {  	v26 =	vbroadcast v26, $0x0;
	[sflag:s21] =	ssyncset.done $0x0  }
0x80a: {  	s23 =	simm.s32 $0x3200;
	[sflag:s21] =	ssyncadd.s32 $0xFFFF4000  }
0x80b: {  	v28 =	vor.u32 v2, v26;
	v27 =	vld [tilespmem:s23+$0xFFFFFE00];
	_ =	sdelay $0x4  }
0x80c: {  	[tilespmem:v28+s19+$0x0] =	vst.idx.msk $0xffff, v27  }
0x80d: {  	v28 =	vor.u32 v3, v26;
	v27 =	vld [tilespmem:s23+$0xFFFFFE10];
	_ =	sdelay $0x4  }
0x80e: {  	[tilespmem:v28+s19+$0x0] =	vst.idx.msk $0xffff, v27  }
0x80f: {  	v28 =	vor.u32 v4, v26;
	v27 =	vld [tilespmem:s23+$0xFFFFFE20];
	_ =	sdelay $0x4  }
0x810: {  	[tilespmem:v28+s19+$0x0] =	vst.idx.msk $0xffff, v27  }
0x811: {  	v28 =	vor.u32 v5, v26;
	v27 =	vld [tilespmem:s23+$0xFFFFFE30];
	_ =	sdelay $0x4  }
0x812: {  	[tilespmem:v28+s19+$0x0] =	vst.idx.msk $0xffff, v27  }
0x813: {  	v28 =	vor.u32 v6, v26;
	v27 =	vld [tilespmem:s23+$0xFFFFFE40];
	_ =	sdelay $0x4  }
0x814: {  	[tilespmem:v28+s19+$0x0] =	vst.idx.msk $0xffff, v27  }
0x815: {  	s31 =	simm.s32 $0x2;
	v26 =	vor.u32 v7, v26;
	v27 =	vld [tilespmem:s23+$0xFFFFFE50]  }
0x816: {  	v28 =	vmov s31  }
0x817: {  	v28 =	vshrl.u32 v28, $0x3  }
0x818: {  	v28 =	vshll.u32 v28, v1  }
0x819: {  	v28 =	vbroadcast v28, $0x0  }
0x81a: {  	[tilespmem:v26+s19+$0x0] =	vst.idx.msk $0xffff, v27  }
0x81b: {  	v27 =	vor.u32 v8, v28;
	v26 =	vld [tilespmem:s23+$0xFFFFFE80];
	_ =	sdelay $0x4  }
0x81c: {  	[tilespmem:v27+s19+$0x0] =	vst.idx.msk $0xffff, v26  }
0x81d: {  	v27 =	vor.u32 v9, v28;
	v26 =	vld [tilespmem:s23+$0xFFFFFE90];
	_ =	sdelay $0x4  }
0x81e: {  	[tilespmem:v27+s19+$0x0] =	vst.idx.msk $0xffff, v26  }
0x81f: {  	v27 =	vor.u32 v10, v28;
	v26 =	vld [tilespmem:s23+$0xFFFFFEA0];
	_ =	sdelay $0x4  }
0x820: {  	[tilespmem:v27+s19+$0x0] =	vst.idx.msk $0xffff, v26  }
0x821: {  	v27 =	vor.u32 v11, v28;
	v26 =	vld [tilespmem:s23+$0xFFFFFEB0];
	_ =	sdelay $0x4  }
0x822: {  	[tilespmem:v27+s19+$0x0] =	vst.idx.msk $0xffff, v26  }
0x823: {  	v27 =	vor.u32 v12, v28;
	v26 =	vld [tilespmem:s23+$0xFFFFFEC0];
	_ =	sdelay $0x4  }
0x824: {  	[tilespmem:v27+s19+$0x0] =	vst.idx.msk $0xffff, v26  }
0x825: {  	s25 =	simm.s32 $0x4;
	v27 =	vor.u32 v13, v28;
	v26 =	vld [tilespmem:s23+$0xFFFFFED0]  }
0x826: {  	v28 =	vmov s25  }
0x827: {  	v28 =	vshrl.u32 v28, $0x3  }
0x828: {  	v28 =	vshll.u32 v28, v1  }
0x829: {  	v28 =	vbroadcast v28, $0x0  }
0x82a: {  	[tilespmem:v27+s19+$0x0] =	vst.idx.msk $0xffff, v26  }
0x82b: {  	v27 =	vor.u32 v14, v28;
	v26 =	vld [tilespmem:s23+$0xFFFFFF00];
	_ =	sdelay $0x4  }
0x82c: {  	[tilespmem:v27+s19+$0x0] =	vst.idx.msk $0xffff, v26  }
0x82d: {  	v27 =	vor.u32 v15, v28;
	v26 =	vld [tilespmem:s23+$0xFFFFFF10];
	_ =	sdelay $0x4  }
0x82e: {  	[tilespmem:v27+s19+$0x0] =	vst.idx.msk $0xffff, v26  }
0x82f: {  	v27 =	vor.u32 v16, v28;
	v26 =	vld [tilespmem:s23+$0xFFFFFF20];
	_ =	sdelay $0x4  }
0x830: {  	[tilespmem:v27+s19+$0x0] =	vst.idx.msk $0xffff, v26  }
0x831: {  	v27 =	vor.u32 v17, v28;
	v26 =	vld [tilespmem:s23+$0xFFFFFF30];
	_ =	sdelay $0x4  }
0x832: {  	[tilespmem:v27+s19+$0x0] =	vst.idx.msk $0xffff, v26  }
0x833: {  	v27 =	vor.u32 v18, v28;
	v26 =	vld [tilespmem:s23+$0xFFFFFF40];
	_ =	sdelay $0x4  }
0x834: {  	[tilespmem:v27+s19+$0x0] =	vst.idx.msk $0xffff, v26  }
0x835: {  	s26 =	simm.s32 $0x6;
	v27 =	vor.u32 v19, v28;
	v26 =	vld [tilespmem:s23+$0xFFFFFF50]  }
0x836: {  	v28 =	vmov s26  }
0x837: {  	v28 =	vshrl.u32 v28, $0x3  }
0x838: {  	v28 =	vshll.u32 v28, v1  }
0x839: {  	v28 =	vbroadcast v28, $0x0  }
0x83a: {  	[tilespmem:v27+s19+$0x0] =	vst.idx.msk $0xffff, v26  }
0x83b: {  	v27 =	vor.u32 v20, v28;
	v26 =	vld [tilespmem:s23+$0xFFFFFF80];
	_ =	sdelay $0x4  }
0x83c: {  	[tilespmem:v27+s19+$0x0] =	vst.idx.msk $0xffff, v26  }
0x83d: {  	v27 =	vor.u32 v21, v28;
	v26 =	vld [tilespmem:s23+$0xFFFFFF90];
	_ =	sdelay $0x4  }
0x83e: {  	[tilespmem:v27+s19+$0x0] =	vst.idx.msk $0xffff, v26  }
0x83f: {  	v27 =	vor.u32 v22, v28;
	v26 =	vld [tilespmem:s23+$0xFFFFFFA0];
	_ =	sdelay $0x4  }
0x840: {  	[tilespmem:v27+s19+$0x0] =	vst.idx.msk $0xffff, v26  }
0x841: {  	v27 =	vor.u32 v23, v28;
	v26 =	vld [tilespmem:s23+$0xFFFFFFB0];
	_ =	sdelay $0x4  }
0x842: {  	[tilespmem:v27+s19+$0x0] =	vst.idx.msk $0xffff, v26  }
0x843: {  	v27 =	vor.u32 v24, v28;
	v26 =	vld [tilespmem:s23+$0xFFFFFFC0];
	_ =	sdelay $0x4  }
0x844: {  	[tilespmem:v27+s19+$0x0] =	vst.idx.msk $0xffff, v26  }
0x845: {  	s28 =	simm.s32 $0x8;
	v27 =	vor.u32 v25, v28;
	v26 =	vld [tilespmem:s23+$0xFFFFFFD0]  }
0x846: {  	v28 =	vmov s28  }
0x847: {  	v28 =	vshrl.u32 v28, $0x3  }
0x848: {  	v28 =	vshll.u32 v28, v1  }
0x849: {  	v28 =	vbroadcast v28, $0x0  }
0x84a: {  	[tilespmem:v27+s19+$0x0] =	vst.idx.msk $0xffff, v26  }
0x84b: {  	v27 =	vor.u32 v2, v28;
	v26 =	vld [tilespmem:s23+$0x0];
	_ =	sdelay $0x4  }
0x84c: {  	[tilespmem:v27+s19+$0x0] =	vst.idx.msk $0xffff, v26  }
0x84d: {  	v27 =	vor.u32 v3, v28;
	v26 =	vld [tilespmem:s23+$0x10];
	_ =	sdelay $0x4  }
0x84e: {  	[tilespmem:v27+s19+$0x0] =	vst.idx.msk $0xffff, v26  }
0x84f: {  	v27 =	vor.u32 v4, v28;
	v26 =	vld [tilespmem:s23+$0x20];
	_ =	sdelay $0x4  }
0x850: {  	[tilespmem:v27+s19+$0x0] =	vst.idx.msk $0xffff, v26  }
0x851: {  	v27 =	vor.u32 v5, v28;
	v26 =	vld [tilespmem:s23+$0x30];
	_ =	sdelay $0x4  }
0x852: {  	[tilespmem:v27+s19+$0x0] =	vst.idx.msk $0xffff, v26  }
0x853: {  	v27 =	vor.u32 v6, v28;
	v26 =	vld [tilespmem:s23+$0x40];
	_ =	sdelay $0x4  }
0x854: {  	[tilespmem:v27+s19+$0x0] =	vst.idx.msk $0xffff, v26  }
0x855: {  	s29 =	simm.s32 $0xA;
	v27 =	vor.u32 v7, v28;
	v26 =	vld [tilespmem:s23+$0x50]  }
0x856: {  	v28 =	vmov s29  }
0x857: {  	v28 =	vshrl.u32 v28, $0x3  }
0x858: {  	v28 =	vshll.u32 v28, v1  }
0x859: {  	v28 =	vbroadcast v28, $0x0  }
0x85a: {  	[tilespmem:v27+s19+$0x0] =	vst.idx.msk $0xffff, v26  }
0x85b: {  	v27 =	vor.u32 v8, v28;
	v26 =	vld [tilespmem:s23+$0x80];
	_ =	sdelay $0x4  }
0x85c: {  	[tilespmem:v27+s19+$0x0] =	vst.idx.msk $0xffff, v26  }
0x85d: {  	v27 =	vor.u32 v9, v28;
	v26 =	vld [tilespmem:s23+$0x90];
	_ =	sdelay $0x4  }
0x85e: {  	[tilespmem:v27+s19+$0x0] =	vst.idx.msk $0xffff, v26  }
0x85f: {  	v27 =	vor.u32 v10, v28;
	v26 =	vld [tilespmem:s23+$0xA0];
	_ =	sdelay $0x4  }
0x860: {  	[tilespmem:v27+s19+$0x0] =	vst.idx.msk $0xffff, v26  }
0x861: {  	v27 =	vor.u32 v11, v28;
	v26 =	vld [tilespmem:s23+$0xB0];
	_ =	sdelay $0x4  }
0x862: {  	[tilespmem:v27+s19+$0x0] =	vst.idx.msk $0xffff, v26  }
0x863: {  	v27 =	vor.u32 v12, v28;
	v26 =	vld [tilespmem:s23+$0xC0];
	_ =	sdelay $0x4  }
0x864: {  	[tilespmem:v27+s19+$0x0] =	vst.idx.msk $0xffff, v26  }
0x865: {  	s30 =	simm.s32 $0xC;
	v27 =	vor.u32 v13, v28;
	v26 =	vld [tilespmem:s23+$0xD0]  }
0x866: {  	v28 =	vmov s30  }
0x867: {  	v28 =	vshrl.u32 v28, $0x3  }
0x868: {  	v28 =	vshll.u32 v28, v1  }
0x869: {  	v28 =	vbroadcast v28, $0x0  }
0x86a: {  	[tilespmem:v27+s19+$0x0] =	vst.idx.msk $0xffff, v26  }
0x86b: {  	v27 =	vor.u32 v14, v28;
	v26 =	vld [tilespmem:s23+$0x100];
	_ =	sdelay $0x4  }
0x86c: {  	[tilespmem:v27+s19+$0x0] =	vst.idx.msk $0xffff, v26  }
0x86d: {  	v27 =	vor.u32 v15, v28;
	v26 =	vld [tilespmem:s23+$0x110];
	_ =	sdelay $0x4  }
0x86e: {  	[tilespmem:v27+s19+$0x0] =	vst.idx.msk $0xffff, v26  }
0x86f: {  	v27 =	vor.u32 v16, v28;
	v26 =	vld [tilespmem:s23+$0x120];
	_ =	sdelay $0x4  }
0x870: {  	[tilespmem:v27+s19+$0x0] =	vst.idx.msk $0xffff, v26  }
0x871: {  	v27 =	vor.u32 v17, v28;
	v26 =	vld [tilespmem:s23+$0x130];
	_ =	sdelay $0x4  }
0x872: {  	[tilespmem:v27+s19+$0x0] =	vst.idx.msk $0xffff, v26  }
0x873: {  	v27 =	vor.u32 v18, v28;
	v26 =	vld [tilespmem:s23+$0x140];
	_ =	sdelay $0x4  }
0x874: {  	[tilespmem:v27+s19+$0x0] =	vst.idx.msk $0xffff, v26  }
0x875: {  	s31 =	simm.s32 $0xE;
	v27 =	vor.u32 v19, v28;
	v26 =	vld [tilespmem:s23+$0x150]  }
0x876: {  	v28 =	vmov s31  }
0x877: {  	v28 =	vshrl.u32 v28, $0x3  }
0x878: {  	v28 =	vshll.u32 v28, v1  }
0x879: {  	v28 =	vbroadcast v28, $0x0  }
0x87a: {  	[tilespmem:v27+s19+$0x0] =	vst.idx.msk $0xffff, v26  }
0x87b: {  	v27 =	vor.u32 v20, v28;
	v26 =	vld [tilespmem:s23+$0x180];
	_ =	sdelay $0x4  }
0x87c: {  	[tilespmem:v27+s19+$0x0] =	vst.idx.msk $0xffff, v26  }
0x87d: {  	v27 =	vor.u32 v21, v28;
	v26 =	vld [tilespmem:s23+$0x190];
	_ =	sdelay $0x4  }
0x87e: {  	[tilespmem:v27+s19+$0x0] =	vst.idx.msk $0xffff, v26  }
0x87f: {  	v27 =	vor.u32 v22, v28;
	v26 =	vld [tilespmem:s23+$0x1A0];
	_ =	sdelay $0x4  }
0x880: {  	[tilespmem:v27+s19+$0x0] =	vst.idx.msk $0xffff, v26  }
0x881: {  	v27 =	vor.u32 v23, v28;
	v26 =	vld [tilespmem:s23+$0x1B0];
	_ =	sdelay $0x4  }
0x882: {  	[tilespmem:v27+s19+$0x0] =	vst.idx.msk $0xffff, v26  }
0x883: {  	v27 =	vor.u32 v24, v28;
	v26 =	vld [tilespmem:s23+$0x1C0];
	_ =	sdelay $0x4  }
0x884: {  	[tilespmem:v27+s19+$0x0] =	vst.idx.msk $0xffff, v26  }
0x885: {  	s24 =	simm.s32 $0x10;
	v27 =	vor.u32 v25, v28;
	v26 =	vld [tilespmem:s23+$0x1D0]  }
0x886: {  	s25 =	simm.s32 $0x20;
	v28 =	vmov s24  }
.LBB2_18:
0x887: {  	p0 =	sne.s32 s25, $0xB0;
	v28 =	vshrl.u32 v28, $0x3  }
0x888: {  	v28 =	vshll.u32 v28, v1  }
0x889: {  	v28 =	vbroadcast v28, $0x0  }
0x88a: {  	s23 =	sadd.s32 $0x400, s23;
	[tilespmem:v27+s19+$0x0] =	vst.idx.msk $0xffff, v26  }
0x88b: {  	v26 =	vld [tilespmem:s23+$0xFFFFFE00];
	v27 =	vor.u32 v2, v28;
	_ =	sdelay $0x4  }
0x88c: {  	[tilespmem:v27+s19+$0x0] =	vst.idx.msk $0xffff, v26  }
0x88d: {  	v27 =	vor.u32 v3, v28;
	v26 =	vld [tilespmem:s23+$0xFFFFFE10];
	_ =	sdelay $0x4  }
0x88e: {  	[tilespmem:v27+s19+$0x0] =	vst.idx.msk $0xffff, v26  }
0x88f: {  	v27 =	vor.u32 v4, v28;
	v26 =	vld [tilespmem:s23+$0xFFFFFE20];
	_ =	sdelay $0x4  }
0x890: {  	[tilespmem:v27+s19+$0x0] =	vst.idx.msk $0xffff, v26  }
0x891: {  	v27 =	vor.u32 v5, v28;
	v26 =	vld [tilespmem:s23+$0xFFFFFE30];
	_ =	sdelay $0x4  }
0x892: {  	[tilespmem:v27+s19+$0x0] =	vst.idx.msk $0xffff, v26  }
0x893: {  	v27 =	vor.u32 v6, v28;
	v26 =	vld [tilespmem:s23+$0xFFFFFE40];
	_ =	sdelay $0x4  }
0x894: {  	[tilespmem:v27+s19+$0x0] =	vst.idx.msk $0xffff, v26  }
0x895: {  	s26 =	sadd.s32 $0x2, s24;
	v27 =	vor.u32 v7, v28;
	v26 =	vld [tilespmem:s23+$0xFFFFFE50]  }
0x896: {  	v28 =	vmov s26  }
0x897: {  	v28 =	vshrl.u32 v28, $0x3  }
0x898: {  	v28 =	vshll.u32 v28, v1  }
0x899: {  	v28 =	vbroadcast v28, $0x0  }
0x89a: {  	[tilespmem:v27+s19+$0x0] =	vst.idx.msk $0xffff, v26  }
0x89b: {  	v27 =	vor.u32 v8, v28;
	v26 =	vld [tilespmem:s23+$0xFFFFFE80];
	_ =	sdelay $0x4  }
0x89c: {  	[tilespmem:v27+s19+$0x0] =	vst.idx.msk $0xffff, v26  }
0x89d: {  	v27 =	vor.u32 v9, v28;
	v26 =	vld [tilespmem:s23+$0xFFFFFE90];
	_ =	sdelay $0x4  }
0x89e: {  	[tilespmem:v27+s19+$0x0] =	vst.idx.msk $0xffff, v26  }
0x89f: {  	v27 =	vor.u32 v10, v28;
	v26 =	vld [tilespmem:s23+$0xFFFFFEA0];
	_ =	sdelay $0x4  }
0x8a0: {  	[tilespmem:v27+s19+$0x0] =	vst.idx.msk $0xffff, v26  }
0x8a1: {  	v27 =	vor.u32 v11, v28;
	v26 =	vld [tilespmem:s23+$0xFFFFFEB0];
	_ =	sdelay $0x4  }
0x8a2: {  	[tilespmem:v27+s19+$0x0] =	vst.idx.msk $0xffff, v26  }
0x8a3: {  	v27 =	vor.u32 v12, v28;
	v26 =	vld [tilespmem:s23+$0xFFFFFEC0];
	_ =	sdelay $0x4  }
0x8a4: {  	[tilespmem:v27+s19+$0x0] =	vst.idx.msk $0xffff, v26  }
0x8a5: {  	s26 =	sadd.s32 $0x4, s24;
	v27 =	vor.u32 v13, v28;
	v26 =	vld [tilespmem:s23+$0xFFFFFED0]  }
0x8a6: {  	v28 =	vmov s26  }
0x8a7: {  	v28 =	vshrl.u32 v28, $0x3  }
0x8a8: {  	v28 =	vshll.u32 v28, v1  }
0x8a9: {  	v28 =	vbroadcast v28, $0x0  }
0x8aa: {  	[tilespmem:v27+s19+$0x0] =	vst.idx.msk $0xffff, v26  }
0x8ab: {  	v27 =	vor.u32 v14, v28;
	v26 =	vld [tilespmem:s23+$0xFFFFFF00];
	_ =	sdelay $0x4  }
0x8ac: {  	[tilespmem:v27+s19+$0x0] =	vst.idx.msk $0xffff, v26  }
0x8ad: {  	v27 =	vor.u32 v15, v28;
	v26 =	vld [tilespmem:s23+$0xFFFFFF10];
	_ =	sdelay $0x4  }
0x8ae: {  	[tilespmem:v27+s19+$0x0] =	vst.idx.msk $0xffff, v26  }
0x8af: {  	v27 =	vor.u32 v16, v28;
	v26 =	vld [tilespmem:s23+$0xFFFFFF20];
	_ =	sdelay $0x4  }
0x8b0: {  	[tilespmem:v27+s19+$0x0] =	vst.idx.msk $0xffff, v26  }
0x8b1: {  	v27 =	vor.u32 v17, v28;
	v26 =	vld [tilespmem:s23+$0xFFFFFF30];
	_ =	sdelay $0x4  }
0x8b2: {  	[tilespmem:v27+s19+$0x0] =	vst.idx.msk $0xffff, v26  }
0x8b3: {  	v27 =	vor.u32 v18, v28;
	v26 =	vld [tilespmem:s23+$0xFFFFFF40];
	_ =	sdelay $0x4  }
0x8b4: {  	[tilespmem:v27+s19+$0x0] =	vst.idx.msk $0xffff, v26  }
0x8b5: {  	s26 =	sadd.s32 $0x6, s24;
	v27 =	vor.u32 v19, v28;
	v26 =	vld [tilespmem:s23+$0xFFFFFF50]  }
0x8b6: {  	v28 =	vmov s26  }
0x8b7: {  	v28 =	vshrl.u32 v28, $0x3  }
0x8b8: {  	v28 =	vshll.u32 v28, v1  }
0x8b9: {  	v28 =	vbroadcast v28, $0x0  }
0x8ba: {  	[tilespmem:v27+s19+$0x0] =	vst.idx.msk $0xffff, v26  }
0x8bb: {  	v27 =	vor.u32 v20, v28;
	v26 =	vld [tilespmem:s23+$0xFFFFFF80];
	_ =	sdelay $0x4  }
0x8bc: {  	[tilespmem:v27+s19+$0x0] =	vst.idx.msk $0xffff, v26  }
0x8bd: {  	v27 =	vor.u32 v21, v28;
	v26 =	vld [tilespmem:s23+$0xFFFFFF90];
	_ =	sdelay $0x4  }
0x8be: {  	[tilespmem:v27+s19+$0x0] =	vst.idx.msk $0xffff, v26  }
0x8bf: {  	v27 =	vor.u32 v22, v28;
	v26 =	vld [tilespmem:s23+$0xFFFFFFA0];
	_ =	sdelay $0x4  }
0x8c0: {  	[tilespmem:v27+s19+$0x0] =	vst.idx.msk $0xffff, v26  }
0x8c1: {  	v27 =	vor.u32 v23, v28;
	v26 =	vld [tilespmem:s23+$0xFFFFFFB0];
	_ =	sdelay $0x4  }
0x8c2: {  	[tilespmem:v27+s19+$0x0] =	vst.idx.msk $0xffff, v26  }
0x8c3: {  	v27 =	vor.u32 v24, v28;
	v26 =	vld [tilespmem:s23+$0xFFFFFFC0];
	_ =	sdelay $0x4  }
0x8c4: {  	[tilespmem:v27+s19+$0x0] =	vst.idx.msk $0xffff, v26  }
0x8c5: {  	s26 =	sadd.s32 $0x8, s24;
	v27 =	vor.u32 v25, v28;
	v26 =	vld [tilespmem:s23+$0xFFFFFFD0]  }
0x8c6: {  	v28 =	vmov s26  }
0x8c7: {  	v28 =	vshrl.u32 v28, $0x3  }
0x8c8: {  	v28 =	vshll.u32 v28, v1  }
0x8c9: {  	v28 =	vbroadcast v28, $0x0  }
0x8ca: {  	[tilespmem:v27+s19+$0x0] =	vst.idx.msk $0xffff, v26  }
0x8cb: {  	v27 =	vor.u32 v2, v28;
	v26 =	vld [tilespmem:s23+$0x0];
	_ =	sdelay $0x4  }
0x8cc: {  	[tilespmem:v27+s19+$0x0] =	vst.idx.msk $0xffff, v26  }
0x8cd: {  	v27 =	vor.u32 v3, v28;
	v26 =	vld [tilespmem:s23+$0x10];
	_ =	sdelay $0x4  }
0x8ce: {  	[tilespmem:v27+s19+$0x0] =	vst.idx.msk $0xffff, v26  }
0x8cf: {  	v27 =	vor.u32 v4, v28;
	v26 =	vld [tilespmem:s23+$0x20];
	_ =	sdelay $0x4  }
0x8d0: {  	[tilespmem:v27+s19+$0x0] =	vst.idx.msk $0xffff, v26  }
0x8d1: {  	v27 =	vor.u32 v5, v28;
	v26 =	vld [tilespmem:s23+$0x30];
	_ =	sdelay $0x4  }
0x8d2: {  	[tilespmem:v27+s19+$0x0] =	vst.idx.msk $0xffff, v26  }
0x8d3: {  	v27 =	vor.u32 v6, v28;
	v26 =	vld [tilespmem:s23+$0x40];
	_ =	sdelay $0x4  }
0x8d4: {  	[tilespmem:v27+s19+$0x0] =	vst.idx.msk $0xffff, v26  }
0x8d5: {  	s26 =	sadd.s32 $0xA, s24;
	v27 =	vor.u32 v7, v28;
	v26 =	vld [tilespmem:s23+$0x50]  }
0x8d6: {  	v28 =	vmov s26  }
0x8d7: {  	v28 =	vshrl.u32 v28, $0x3  }
0x8d8: {  	v28 =	vshll.u32 v28, v1  }
0x8d9: {  	v28 =	vbroadcast v28, $0x0  }
0x8da: {  	[tilespmem:v27+s19+$0x0] =	vst.idx.msk $0xffff, v26  }
0x8db: {  	v27 =	vor.u32 v8, v28;
	v26 =	vld [tilespmem:s23+$0x80];
	_ =	sdelay $0x4  }
0x8dc: {  	[tilespmem:v27+s19+$0x0] =	vst.idx.msk $0xffff, v26  }
0x8dd: {  	v27 =	vor.u32 v9, v28;
	v26 =	vld [tilespmem:s23+$0x90];
	_ =	sdelay $0x4  }
0x8de: {  	[tilespmem:v27+s19+$0x0] =	vst.idx.msk $0xffff, v26  }
0x8df: {  	v27 =	vor.u32 v10, v28;
	v26 =	vld [tilespmem:s23+$0xA0];
	_ =	sdelay $0x4  }
0x8e0: {  	[tilespmem:v27+s19+$0x0] =	vst.idx.msk $0xffff, v26  }
0x8e1: {  	v27 =	vor.u32 v11, v28;
	v26 =	vld [tilespmem:s23+$0xB0];
	_ =	sdelay $0x4  }
0x8e2: {  	[tilespmem:v27+s19+$0x0] =	vst.idx.msk $0xffff, v26  }
0x8e3: {  	v27 =	vor.u32 v12, v28;
	v26 =	vld [tilespmem:s23+$0xC0];
	_ =	sdelay $0x4  }
0x8e4: {  	[tilespmem:v27+s19+$0x0] =	vst.idx.msk $0xffff, v26  }
0x8e5: {  	s26 =	sadd.s32 $0xC, s24;
	v27 =	vor.u32 v13, v28;
	v26 =	vld [tilespmem:s23+$0xD0]  }
0x8e6: {  	v28 =	vmov s26  }
0x8e7: {  	v28 =	vshrl.u32 v28, $0x3  }
0x8e8: {  	v28 =	vshll.u32 v28, v1  }
0x8e9: {  	v28 =	vbroadcast v28, $0x0  }
0x8ea: {  	[tilespmem:v27+s19+$0x0] =	vst.idx.msk $0xffff, v26  }
0x8eb: {  	v27 =	vor.u32 v14, v28;
	v26 =	vld [tilespmem:s23+$0x100];
	_ =	sdelay $0x4  }
0x8ec: {  	[tilespmem:v27+s19+$0x0] =	vst.idx.msk $0xffff, v26  }
0x8ed: {  	v27 =	vor.u32 v15, v28;
	v26 =	vld [tilespmem:s23+$0x110];
	_ =	sdelay $0x4  }
0x8ee: {  	[tilespmem:v27+s19+$0x0] =	vst.idx.msk $0xffff, v26  }
0x8ef: {  	v27 =	vor.u32 v16, v28;
	v26 =	vld [tilespmem:s23+$0x120];
	_ =	sdelay $0x4  }
0x8f0: {  	[tilespmem:v27+s19+$0x0] =	vst.idx.msk $0xffff, v26  }
0x8f1: {  	v27 =	vor.u32 v17, v28;
	v26 =	vld [tilespmem:s23+$0x130];
	_ =	sdelay $0x4  }
0x8f2: {  	[tilespmem:v27+s19+$0x0] =	vst.idx.msk $0xffff, v26  }
0x8f3: {  	v27 =	vor.u32 v18, v28;
	v26 =	vld [tilespmem:s23+$0x140];
	_ =	sdelay $0x4  }
0x8f4: {  	[tilespmem:v27+s19+$0x0] =	vst.idx.msk $0xffff, v26  }
0x8f5: {  	s26 =	sadd.s32 $0xE, s24;
	s24 =	smov.u32 s25;
	v27 =	vor.u32 v19, v28;
	v26 =	vld [tilespmem:s23+$0x150]  }
0x8f6: {  	v28 =	vmov s26  }
0x8f7: {  	v28 =	vshrl.u32 v28, $0x3  }
0x8f8: {  	v28 =	vshll.u32 v28, v1  }
0x8f9: {  	v28 =	vbroadcast v28, $0x0  }
0x8fa: {  	[tilespmem:v27+s19+$0x0] =	vst.idx.msk $0xffff, v26  }
0x8fb: {  	v27 =	vor.u32 v20, v28;
	v26 =	vld [tilespmem:s23+$0x180];
	_ =	sdelay $0x4  }
0x8fc: {  	[tilespmem:v27+s19+$0x0] =	vst.idx.msk $0xffff, v26  }
0x8fd: {  	v27 =	vor.u32 v21, v28;
	v26 =	vld [tilespmem:s23+$0x190];
	_ =	sdelay $0x4  }
0x8fe: {  	[tilespmem:v27+s19+$0x0] =	vst.idx.msk $0xffff, v26  }
0x8ff: {  	v27 =	vor.u32 v22, v28;
	v26 =	vld [tilespmem:s23+$0x1A0];
	_ =	sdelay $0x4  }
0x900: {  	[tilespmem:v27+s19+$0x0] =	vst.idx.msk $0xffff, v26  }
0x901: {  	v27 =	vor.u32 v23, v28;
	v26 =	vld [tilespmem:s23+$0x1B0];
	_ =	sdelay $0x4  }
0x902: {  	[tilespmem:v27+s19+$0x0] =	vst.idx.msk $0xffff, v26  }
0x903: {  	v27 =	vor.u32 v24, v28;
	v26 =	vld [tilespmem:s23+$0x1C0];
	_ =	sdelay $0x2  }
.Ltmp8:
0x904: {  	(pc) =	sbr.rel @p0 .LBB2_18-.Ltmp8, $4  }
0x905: {  	_ = 	snop  }
0x906: {  	[tilespmem:v27+s19+$0x0] =	vst.idx.msk $0xffff, v26  }
0x907: {  	v27 =	vor.u32 v25, v28;
	v26 =	vld [tilespmem:s23+$0x1D0]  }
0x908: {  	s25 =	sadd.s32 $0x10, s25;
	v28 =	vmov s24  }
0x909: {  	_ = 	snop  }
0x90a: {  	v28 =	vshrl.u32 v28, $0x3  }
0x90b: {  	v28 =	vshll.u32 v28, v1  }
0x90c: {  	v28 =	vbroadcast v28, $0x0  }
0x90d: {  	s23 =	sadd.s32 $0x400, s23;
	[tilespmem:v27+s19+$0x0] =	vst.idx.msk $0xffff, v26  }
0x90e: {  	v26 =	vld [tilespmem:s23+$0xFFFFFE00];
	v27 =	vor.u32 v2, v28;
	_ =	sdelay $0x4  }
0x90f: {  	[tilespmem:v27+s19+$0x0] =	vst.idx.msk $0xffff, v26  }
0x910: {  	v27 =	vor.u32 v3, v28;
	v26 =	vld [tilespmem:s23+$0xFFFFFE10];
	_ =	sdelay $0x4  }
0x911: {  	[tilespmem:v27+s19+$0x0] =	vst.idx.msk $0xffff, v26  }
0x912: {  	v27 =	vor.u32 v4, v28;
	v26 =	vld [tilespmem:s23+$0xFFFFFE20];
	_ =	sdelay $0x4  }
0x913: {  	[tilespmem:v27+s19+$0x0] =	vst.idx.msk $0xffff, v26  }
0x914: {  	v27 =	vor.u32 v5, v28;
	v26 =	vld [tilespmem:s23+$0xFFFFFE30];
	_ =	sdelay $0x4  }
0x915: {  	[tilespmem:v27+s19+$0x0] =	vst.idx.msk $0xffff, v26  }
0x916: {  	v27 =	vor.u32 v6, v28;
	v26 =	vld [tilespmem:s23+$0xFFFFFE40];
	_ =	sdelay $0x4  }
0x917: {  	[tilespmem:v27+s19+$0x0] =	vst.idx.msk $0xffff, v26  }
0x918: {  	s25 =	sadd.s32 $0x2, s24;
	v27 =	vor.u32 v7, v28;
	v26 =	vld [tilespmem:s23+$0xFFFFFE50]  }
0x919: {  	v57 =	vmov s25  }
0x91a: {  	v28 =	vshrl.u32 v57, $0x3  }
0x91b: {  	v28 =	vshll.u32 v28, v1  }
0x91c: {  	v28 =	vbroadcast v28, $0x0  }
0x91d: {  	[tilespmem:v27+s19+$0x0] =	vst.idx.msk $0xffff, v26  }
0x91e: {  	v27 =	vor.u32 v8, v28;
	v26 =	vld [tilespmem:s23+$0xFFFFFE80];
	_ =	sdelay $0x4  }
0x91f: {  	[tilespmem:v27+s19+$0x0] =	vst.idx.msk $0xffff, v26  }
0x920: {  	v27 =	vor.u32 v9, v28;
	v26 =	vld [tilespmem:s23+$0xFFFFFE90];
	_ =	sdelay $0x4  }
0x921: {  	[tilespmem:v27+s19+$0x0] =	vst.idx.msk $0xffff, v26  }
0x922: {  	v27 =	vor.u32 v10, v28;
	v26 =	vld [tilespmem:s23+$0xFFFFFEA0];
	_ =	sdelay $0x4  }
0x923: {  	[tilespmem:v27+s19+$0x0] =	vst.idx.msk $0xffff, v26  }
0x924: {  	v27 =	vor.u32 v11, v28;
	v26 =	vld [tilespmem:s23+$0xFFFFFEB0];
	_ =	sdelay $0x4  }
0x925: {  	[tilespmem:v27+s19+$0x0] =	vst.idx.msk $0xffff, v26  }
0x926: {  	v27 =	vor.u32 v12, v28;
	v26 =	vld [tilespmem:s23+$0xFFFFFEC0];
	_ =	sdelay $0x4  }
0x927: {  	[tilespmem:v27+s19+$0x0] =	vst.idx.msk $0xffff, v26  }
0x928: {  	s31 =	sadd.s32 $0x4, s24;
	v27 =	vor.u32 v13, v28;
	v26 =	vld [tilespmem:s23+$0xFFFFFED0]  }
0x929: {  	v58 =	vmov s31  }
0x92a: {  	v28 =	vshrl.u32 v58, $0x3  }
0x92b: {  	v28 =	vshll.u32 v28, v1  }
0x92c: {  	v28 =	vbroadcast v28, $0x0  }
0x92d: {  	[tilespmem:v27+s19+$0x0] =	vst.idx.msk $0xffff, v26  }
0x92e: {  	v27 =	vor.u32 v14, v28;
	v26 =	vld [tilespmem:s23+$0xFFFFFF00];
	_ =	sdelay $0x4  }
0x92f: {  	[tilespmem:v27+s19+$0x0] =	vst.idx.msk $0xffff, v26  }
0x930: {  	v27 =	vor.u32 v15, v28;
	v26 =	vld [tilespmem:s23+$0xFFFFFF10];
	_ =	sdelay $0x4  }
0x931: {  	[tilespmem:v27+s19+$0x0] =	vst.idx.msk $0xffff, v26  }
0x932: {  	v27 =	vor.u32 v16, v28;
	v26 =	vld [tilespmem:s23+$0xFFFFFF20];
	_ =	sdelay $0x4  }
0x933: {  	[tilespmem:v27+s19+$0x0] =	vst.idx.msk $0xffff, v26  }
0x934: {  	v27 =	vor.u32 v17, v28;
	v26 =	vld [tilespmem:s23+$0xFFFFFF30];
	_ =	sdelay $0x4  }
0x935: {  	[tilespmem:v27+s19+$0x0] =	vst.idx.msk $0xffff, v26  }
0x936: {  	v27 =	vor.u32 v18, v28;
	v26 =	vld [tilespmem:s23+$0xFFFFFF40];
	_ =	sdelay $0x4  }
0x937: {  	[tilespmem:v27+s19+$0x0] =	vst.idx.msk $0xffff, v26  }
0x938: {  	s26 =	sadd.s32 $0x6, s24;
	v27 =	vor.u32 v19, v28;
	v26 =	vld [tilespmem:s23+$0xFFFFFF50]  }
0x939: {  	v59 =	vmov s26  }
0x93a: {  	v28 =	vshrl.u32 v59, $0x3  }
0x93b: {  	v28 =	vshll.u32 v28, v1  }
0x93c: {  	v28 =	vbroadcast v28, $0x0  }
0x93d: {  	[tilespmem:v27+s19+$0x0] =	vst.idx.msk $0xffff, v26  }
0x93e: {  	v27 =	vor.u32 v20, v28;
	v26 =	vld [tilespmem:s23+$0xFFFFFF80];
	_ =	sdelay $0x4  }
0x93f: {  	[tilespmem:v27+s19+$0x0] =	vst.idx.msk $0xffff, v26  }
0x940: {  	v27 =	vor.u32 v21, v28;
	v26 =	vld [tilespmem:s23+$0xFFFFFF90];
	_ =	sdelay $0x4  }
0x941: {  	[tilespmem:v27+s19+$0x0] =	vst.idx.msk $0xffff, v26  }
0x942: {  	v27 =	vor.u32 v22, v28;
	v26 =	vld [tilespmem:s23+$0xFFFFFFA0];
	_ =	sdelay $0x4  }
0x943: {  	[tilespmem:v27+s19+$0x0] =	vst.idx.msk $0xffff, v26  }
0x944: {  	v27 =	vor.u32 v23, v28;
	v26 =	vld [tilespmem:s23+$0xFFFFFFB0];
	_ =	sdelay $0x4  }
0x945: {  	[tilespmem:v27+s19+$0x0] =	vst.idx.msk $0xffff, v26  }
0x946: {  	v27 =	vor.u32 v24, v28;
	v26 =	vld [tilespmem:s23+$0xFFFFFFC0];
	_ =	sdelay $0x4  }
0x947: {  	[tilespmem:v27+s19+$0x0] =	vst.idx.msk $0xffff, v26  }
0x948: {  	s28 =	sadd.s32 $0x8, s24;
	v27 =	vor.u32 v25, v28;
	v26 =	vld [tilespmem:s23+$0xFFFFFFD0]  }
0x949: {  	v60 =	vmov s28  }
0x94a: {  	v28 =	vshrl.u32 v60, $0x3  }
0x94b: {  	v28 =	vshll.u32 v28, v1  }
0x94c: {  	v28 =	vbroadcast v28, $0x0  }
0x94d: {  	[tilespmem:v27+s19+$0x0] =	vst.idx.msk $0xffff, v26  }
0x94e: {  	v27 =	vor.u32 v2, v28;
	v26 =	vld [tilespmem:s23+$0x0];
	_ =	sdelay $0x4  }
0x94f: {  	[tilespmem:v27+s19+$0x0] =	vst.idx.msk $0xffff, v26  }
0x950: {  	v27 =	vor.u32 v3, v28;
	v26 =	vld [tilespmem:s23+$0x10];
	_ =	sdelay $0x4  }
0x951: {  	[tilespmem:v27+s19+$0x0] =	vst.idx.msk $0xffff, v26  }
0x952: {  	v27 =	vor.u32 v4, v28;
	v26 =	vld [tilespmem:s23+$0x20];
	_ =	sdelay $0x4  }
0x953: {  	[tilespmem:v27+s19+$0x0] =	vst.idx.msk $0xffff, v26  }
0x954: {  	v27 =	vor.u32 v5, v28;
	v26 =	vld [tilespmem:s23+$0x30];
	_ =	sdelay $0x4  }
0x955: {  	[tilespmem:v27+s19+$0x0] =	vst.idx.msk $0xffff, v26  }
0x956: {  	v27 =	vor.u32 v6, v28;
	v26 =	vld [tilespmem:s23+$0x40];
	_ =	sdelay $0x4  }
0x957: {  	[tilespmem:v27+s19+$0x0] =	vst.idx.msk $0xffff, v26  }
0x958: {  	s29 =	sadd.s32 $0xA, s24;
	v27 =	vor.u32 v7, v28;
	v26 =	vld [tilespmem:s23+$0x50]  }
0x959: {  	v61 =	vmov s29  }
0x95a: {  	v28 =	vshrl.u32 v61, $0x3  }
0x95b: {  	v28 =	vshll.u32 v28, v1  }
0x95c: {  	v28 =	vbroadcast v28, $0x0  }
0x95d: {  	[tilespmem:v27+s19+$0x0] =	vst.idx.msk $0xffff, v26  }
0x95e: {  	v27 =	vor.u32 v8, v28;
	v26 =	vld [tilespmem:s23+$0x80];
	_ =	sdelay $0x4  }
0x95f: {  	[tilespmem:v27+s19+$0x0] =	vst.idx.msk $0xffff, v26  }
0x960: {  	v27 =	vor.u32 v9, v28;
	v26 =	vld [tilespmem:s23+$0x90];
	_ =	sdelay $0x4  }
0x961: {  	[tilespmem:v27+s19+$0x0] =	vst.idx.msk $0xffff, v26  }
0x962: {  	v27 =	vor.u32 v10, v28;
	v26 =	vld [tilespmem:s23+$0xA0];
	_ =	sdelay $0x4  }
0x963: {  	[tilespmem:v27+s19+$0x0] =	vst.idx.msk $0xffff, v26  }
0x964: {  	v27 =	vor.u32 v11, v28;
	v26 =	vld [tilespmem:s23+$0xB0];
	_ =	sdelay $0x4  }
0x965: {  	[tilespmem:v27+s19+$0x0] =	vst.idx.msk $0xffff, v26  }
0x966: {  	v27 =	vor.u32 v12, v28;
	v26 =	vld [tilespmem:s23+$0xC0];
	_ =	sdelay $0x4  }
0x967: {  	[tilespmem:v27+s19+$0x0] =	vst.idx.msk $0xffff, v26  }
0x968: {  	s30 =	sadd.s32 $0xC, s24;
	v27 =	vor.u32 v13, v28;
	v26 =	vld [tilespmem:s23+$0xD0]  }
0x969: {  	v62 =	vmov s30  }
0x96a: {  	v28 =	vshrl.u32 v62, $0x3  }
0x96b: {  	v28 =	vshll.u32 v28, v1  }
0x96c: {  	v28 =	vbroadcast v28, $0x0  }
0x96d: {  	[tilespmem:v27+s19+$0x0] =	vst.idx.msk $0xffff, v26  }
0x96e: {  	v27 =	vor.u32 v14, v28;
	v26 =	vld [tilespmem:s23+$0x100];
	_ =	sdelay $0x4  }
0x96f: {  	[tilespmem:v27+s19+$0x0] =	vst.idx.msk $0xffff, v26  }
0x970: {  	v27 =	vor.u32 v15, v28;
	v26 =	vld [tilespmem:s23+$0x110];
	_ =	sdelay $0x4  }
0x971: {  	[tilespmem:v27+s19+$0x0] =	vst.idx.msk $0xffff, v26  }
0x972: {  	v27 =	vor.u32 v16, v28;
	v26 =	vld [tilespmem:s23+$0x120];
	_ =	sdelay $0x4  }
0x973: {  	[tilespmem:v27+s19+$0x0] =	vst.idx.msk $0xffff, v26  }
0x974: {  	v27 =	vor.u32 v17, v28;
	v26 =	vld [tilespmem:s23+$0x130];
	_ =	sdelay $0x4  }
0x975: {  	[tilespmem:v27+s19+$0x0] =	vst.idx.msk $0xffff, v26  }
0x976: {  	v27 =	vor.u32 v18, v28;
	v26 =	vld [tilespmem:s23+$0x140];
	_ =	sdelay $0x4  }
0x977: {  	[tilespmem:v27+s19+$0x0] =	vst.idx.msk $0xffff, v26  }
0x978: {  	s31 =	sadd.s32 $0xE, s24;
	v27 =	vor.u32 v19, v28;
	v26 =	vld [tilespmem:s23+$0x150]  }
0x979: {  	v63 =	vmov s31  }
0x97a: {  	v28 =	vshrl.u32 v63, $0x3  }
0x97b: {  	v28 =	vshll.u32 v28, v1  }
0x97c: {  	v28 =	vbroadcast v28, $0x0  }
0x97d: {  	[tilespmem:v27+s19+$0x0] =	vst.idx.msk $0xffff, v26  }
0x97e: {  	v27 =	vor.u32 v20, v28;
	v26 =	vld [tilespmem:s23+$0x180];
	_ =	sdelay $0x4  }
0x97f: {  	[tilespmem:v27+s19+$0x0] =	vst.idx.msk $0xffff, v26  }
0x980: {  	v27 =	vor.u32 v21, v28;
	v26 =	vld [tilespmem:s23+$0x190];
	_ =	sdelay $0x4  }
0x981: {  	[tilespmem:v27+s19+$0x0] =	vst.idx.msk $0xffff, v26  }
0x982: {  	v27 =	vor.u32 v22, v28;
	v26 =	vld [tilespmem:s23+$0x1A0];
	_ =	sdelay $0x4  }
0x983: {  	[tilespmem:v27+s19+$0x0] =	vst.idx.msk $0xffff, v26  }
0x984: {  	v27 =	vor.u32 v23, v28;
	v26 =	vld [tilespmem:s23+$0x1B0];
	_ =	sdelay $0x4  }
0x985: {  	[tilespmem:v27+s19+$0x0] =	vst.idx.msk $0xffff, v26  }
0x986: {  	v27 =	vor.u32 v24, v28;
	v26 =	vld [tilespmem:s23+$0x1C0];
	_ =	sdelay $0x4  }
0x987: {  	[tilespmem:v27+s19+$0x0] =	vst.idx.msk $0xffff, v26  }
0x988: {  	v27 =	vor.u32 v25, v28;
	v26 =	vld [tilespmem:s23+$0x1D0];
	_ =	sdelay $0x4  }
0x989: {  	s22 =	sadd.s32 $0x1, s22;
	[tilespmem:v27+s19+$0x0] =	vst.idx.msk $0xffff, v26  }
0x98a: {  	[hbm4b:s13+s5] =	stream.linear.scatter [tilespmem:s19], [sflag:$0x4], $0xC000, $0x38;
	[tilespmem:$0x1E000] =	vst v63  }
0x98b: {  	p0 =	sne.s32 s22, s14;
	_ =	swait.ge [sflag:s20], $0xC000  }
.Ltmp9:
0x98c: {  	[sflag:s20] =	ssyncset.done $0x0;
	(pc) =	sbr.rel @p0 .LBB2_1-.Ltmp9, $4  }
0x98d: {  	[sflag:s20] =	ssyncadd.s32 $0xFFFF4000  }
0x98e: {  	_ =	swait.ge [sflag:s21], $0xC000  }
0x98f: {  	[sflag:s21] =	ssyncset.done $0x0  }
0x990: {  	[sflag:s21] =	ssyncadd.s32 $0xFFFF4000  }
0x991: {  	_ =	sfence.sel $0x180000  }
0x992: {  	[bflag:$0x0] =	sbarrier.arrive $0xFFFF  }
0x993: {  	p0 =	sne.s32 s0, $0x0;
	_ =	strace $0x90000047  }
0x994: {  	s0 =	sadd.s32 @!p0 $0x100000, s1;
	[bflag:$0x2] =	sbarrier.arrive $0xFFFF  }
0x995: {  	[sflag:s0] =	ssyncadd.tile.s32 @!p0 $0x1;
	_ =	shalt  }
.Lfunc_end2:
_tile_overlayer_lowered:
.L_overlay_start_2:
0x996: {  	(tag) =	ssettag $0x2  }
0x997: {  	s0 =	rddreg [dreg:$0x0];
	s2 =	stileid.u32  }
0x998: {  	s1 =	rddreg [dreg:$0x1];
	p0 =	sne.s32 s2, $0x0  }
0x999: {  	s3 =	rddreg [dreg:$0x2];
	[bflag:$0x3] =	sbarrier.arrive $0xFFFF;
	s2 =	simm.s32 @!p0 $0x1C05  }
0x99a: {  	[timem:s3], [sflag:s2] =	dma.local @!p0 [hbm:s0], s1  }
0x99b: {  	s0 =	simm.s32 @!p0 $0x5  }
0x99c: {  	_ =	swait.ge @!p0 [sflag:s0], s1  }
0x99d: {  	s1 =	ssub.s32 @!p0 $0x0, s1;
	[sflag:s0] =	ssyncset.done @!p0 $0x0  }
0x99e: {  	[sflag:s0] =	ssyncadd.s32 @!p0 s1  }
0x99f: {  	[bflag:$0x3] =	sbarrier.arrive $0xFFFF  }
0x9a0: {  	_ =	shalt  }

</sc_bundles>
